<compile_context>
chip_gen: v7x
topology: tpu7x:2x2x1
jax: 0.10.2.dev20260603
libtpu: 0.0.44.dev20260713+nightly
codegen_flags: <defaults>
</compile_context>

<pallas_src>
import functools

import jax
import jax.numpy as jnp
from jax import lax
from jax.experimental import pallas as pl
from jax.experimental.pallas import tpu as pltpu
from jax.experimental.pallas import tpu_sc as plsc

_B, _T, _NCODE, _DC = 1024, 50, 26, 16
_V, _D = 1000000, 64
_BT = _B * _T
_DOUT = _D + _DC

_CB = 16384
_TGRID = (_V + 2 * _CB - 1) // (2 * _CB)
_VPAD = _TGRID * 2 * _CB

_NCORES = 2
_NSUB = 16
_NWORK = _NCORES * _NSUB
_TOKW = _BT // _NWORK
_CHUNK = 32
_NCHUNK = _TOKW // _CHUNK
_IDXC = _CHUNK * _NCODE
_GS = 104
_NG = _IDXC // _GS
_LANE = 16
_NV = _D // _LANE


def _relayout_body(a_ref, b_ref, y_ref):
    eye = (jax.lax.broadcasted_iota(jnp.int32, (_D, _D), 0) ==
           jax.lax.broadcasted_iota(jnp.int32, (_D, _D), 1)
           ).astype(jnp.float32)
    dn = (((0,), (0,)), ((), ()))
    y_ref[:, 0:_D] = jax.lax.dot_general(
        a_ref[...], eye, dn, preferred_element_type=jnp.float32)
    y_ref[:, _D:2 * _D] = jax.lax.dot_general(
        b_ref[...], eye, dn, preferred_element_type=jnp.float32)


_RELAYOUT = pl.pallas_call(
    _relayout_body,
    grid=(_TGRID,),
    in_specs=[
        pl.BlockSpec((_D, _CB), lambda k: (0, 2 * k)),
        pl.BlockSpec((_D, _CB), lambda k: (0, 2 * k + 1)),
    ],
    out_specs=pl.BlockSpec((_CB, 128), lambda k: (k, 0)),
    out_shape=jax.ShapeDtypeStruct((_VPAD // 2, 128), jnp.float32),
    compiler_params=pltpu.CompilerParams(vmem_limit_bytes=56 * 1024 * 1024),
)


def _permute_idx(t):
    return (t & ~(2 * _CB - 1)) | ((t & (_CB - 1)) << 1) | ((t >> 14) & 1)


def _build():
    mesh = plsc.VectorSubcoreMesh(core_axis_name="c", subcore_axis_name="s")

    @functools.partial(
        pl.kernel,
        out_type=jax.ShapeDtypeStruct((_BT, _DOUT), jnp.float32),
        mesh=mesh,
        compiler_params=pltpu.CompilerParams(use_tc_tiling_on_sc=False),
        scratch_types=[
            pltpu.VMEM((2, _NG, _GS), jnp.int32),
            pltpu.VMEM((2, _IDXC, _D), jnp.float32),
            pltpu.VMEM((_CHUNK, _DC), jnp.float32),
            pltpu.VMEM((_CHUNK, _DOUT), jnp.float32),
            pltpu.SemaphoreType.DMA,
            pltpu.SemaphoreType.DMA,
        ],
    )
    def ker(cat_hbm, cont_hbm, table_hbm, out_hbm,
            idx_v, rows_v, cont_v, out_v, sem0, sem1):
        wid = lax.axis_index("s") * _NCORES + lax.axis_index("c")
        tok0 = wid * _TOKW
        row0 = wid * (_TOKW * _NCODE // _GS)
        sems = (sem0, sem1)

        def fire(g, slot):
            pltpu.sync_copy(cat_hbm.at[pl.ds(row0 + g * _NG, _NG)],
                            idx_v.at[slot])
            for j in range(_NG):
                pltpu.async_copy(
                    table_hbm.at[idx_v.at[slot, j]],
                    rows_v.at[slot, pl.ds(j * _GS, _GS)],
                    sems[slot])

        def wait(slot):
            for j in range(_NG):
                pltpu.make_async_copy(
                    table_hbm.at[idx_v.at[slot, j]],
                    rows_v.at[slot, pl.ds(j * _GS, _GS)],
                    sems[slot]).wait()

        def compute_store(g, slot):
            base = tok0 + g * _CHUNK
            pltpu.sync_copy(cont_hbm.at[pl.ds(base, _CHUNK)], cont_v)

            def body(i, carry):
                rb = i * _NCODE
                accs = [rows_v[slot, rb, pl.ds(c * _LANE, _LANE)]
                        for c in range(_NV)]
                for r in range(1, _NCODE):
                    for c in range(_NV):
                        accs[c] = accs[c] + rows_v[slot, rb + r,
                                                   pl.ds(c * _LANE, _LANE)]
                for c in range(_NV):
                    out_v[i, pl.ds(c * _LANE, _LANE)] = accs[c]
                out_v[i, pl.ds(_D, _DC)] = cont_v[i, :]
                return carry

            lax.fori_loop(0, _CHUNK, body, 0)
            pltpu.sync_copy(out_v, out_hbm.at[pl.ds(base, _CHUNK)])

        fire(0, 0)

        def outer(g2, carry):
            g = g2 * 2
            fire(g + 1, 1)
            wait(0)
            compute_store(g, 0)
            fire(g + 2, 0)
            wait(1)
            compute_store(g + 1, 1)
            return carry

        lax.fori_loop(0, _NCHUNK // 2 - 1, outer, 0)

        g_last = _NCHUNK - 2
        fire(g_last + 1, 1)
        wait(0)
        compute_store(g_last, 0)
        wait(1)
        compute_store(g_last + 1, 1)

    return ker


_EMBED_SUM = _build()


def kernel(ContTensor, CatTensor, LabelTensor, DoseTensor, TimeDiffTensor,
           VTensor, VancoElTensor, PtList, LengList, embed_weight):
    cat2d = _permute_idx(CatTensor.astype(jnp.int32)).reshape(
        _BT * _NCODE // _GS, _GS)
    cont2d = ContTensor.reshape(_BT, _DC)
    t_t = embed_weight.T
    t_lin = _RELAYOUT(t_t, t_t)
    out = _EMBED_SUM(cat2d, cont2d, t_lin.reshape(_VPAD, _D))
    outEmb = out.reshape(_B, _T, _DOUT)
    return (outEmb, LabelTensor, LengList, DoseTensor, TimeDiffTensor,
            VTensor, VancoElTensor, PtList)

# --- scband reference (transcript-rebuilt; emitter-appended) ---
"""Pipeline reference for scband-ehrembeddings-11287174053958 (READ-ONLY COPY).

The authoritative reference and input builder live on the scoring server;
editing this copy changes nothing except your own understanding.
"""

import jax, jax.numpy as jnp
import numpy as np

B, T, NC, DC = 1024, 50, 26, 16
V, D = 1000000, 64

def setup_inputs(seed: int = 0) -> dict:
    key = jax.random.key(seed)
    ks = jax.random.split(key, 10)
    return {
        "ContTensor": jax.random.normal(ks[0], (B, T, DC), dtype=jnp.float32),
        "CatTensor": jax.random.randint(ks[1], (B, T, NC), 0, V),
        "LabelTensor": jax.random.normal(ks[2], (B, T), dtype=jnp.float32),
        "DoseTensor": jax.random.uniform(ks[3], (B, T), dtype=jnp.float32),
        "TimeDiffTensor": jax.random.uniform(ks[4], (B, T), dtype=jnp.float32),
        "VTensor": jax.random.normal(ks[5], (B, T), dtype=jnp.float32),
        "VancoElTensor": jax.random.uniform(ks[6], (B, T), dtype=jnp.float32),
        "PtList": jax.random.randint(ks[7], (B,), 0, 100000),
        "LengList": jax.random.randint(ks[8], (B,), 1, T + 1),
        "embed_weight": jax.random.normal(ks[9], (V, D), dtype=jnp.float32) * 0.02,
    }

def reference(ContTensor, CatTensor, LabelTensor, DoseTensor, TimeDiffTensor, VTensor, VancoElTensor, PtList, LengList, embed_weight):
    # catEmb = self.embed(CatTensor): [B, T, NC, D]
    catEmb = jnp.take(embed_weight, CatTensor, axis=0)
    # sum over code dimension (dim=2): [B, T, D]
    outEmb = jnp.sum(catEmb, axis=2)
    # concat continuous features along feature axis: [B, T, D + DC]
    outEmb = jnp.concatenate((outEmb, ContTensor), axis=2)
    return (outEmb, LabelTensor, LengList, DoseTensor, TimeDiffTensor, VTensor, VancoElTensor, PtList)

if __name__ == "__main__":
    import jax
    _d = setup_inputs()
    print(jax.jit(kernel)(*tuple(_d.values())))

</pallas_src>

<mosaic_0001>
#map = affine_map<(d0, d1) -> (0, 0)>
module attributes {stable_mosaic.version = 14 : i64} {
  func.func @ker(%arg0: i32, %arg1: i32, %arg2: memref<12800x104xi32, #tpu.memory_space<hbm>>, %arg3: memref<51200x16xf32, #tpu.memory_space<hbm>>, %arg4: memref<1015808x64xf32, #tpu.memory_space<hbm>>, %arg5: memref<51200x80xf32, #tpu.memory_space<hbm>>, %arg6: memref<2x8x104xi32, #tpu.memory_space<vmem>>, %arg7: memref<2x832x64xf32, #tpu.memory_space<vmem>>, %arg8: memref<32x16xf32, #tpu.memory_space<vmem>>, %arg9: memref<32x80xf32, #tpu.memory_space<vmem>>, %arg10: memref<!tpu.dma_semaphore, #tpu.memory_space<semaphore_mem>>, %arg11: memref<!tpu.dma_semaphore, #tpu.memory_space<semaphore_mem>>) attributes {dimension_semantics = [#tpu.dimension_semantics<core_parallel>, #tpu.dimension_semantics<subcore_parallel>], iteration_bounds = array<i64: 2, 16>, scalar_prefetch = 0 : i64, scratch_operands = 6 : i64, tpu.core_type = #tpu.core_type<sc_vector_subcore>, window_params = [{transform_indices = #map}, {transform_indices = #map}, {transform_indices = #map}, {transform_indices = #map}]} {
    %mul3A = arith.constant 2 : i32
    %mul3A_0 = arith.muli %arg1, %mul3A : i32
    %add3A = arith.addi %mul3A_0, %arg0 : i32
    %mul3A_1 = arith.constant 1600 : i32
    %mul3A_2 = arith.muli %add3A, %mul3A_1 : i32
    %mul3A_3 = arith.constant 400 : i32
    %mul3A_4 = arith.muli %add3A, %mul3A_3 : i32
    %add3A_5 = arith.constant 0 : i32
    %add3A_6 = arith.addi %mul3A_4, %add3A_5 : i32
    %run_scoped3A = arith.constant 0 : i32
    "tpu.region"() ({
      %run_scoped3A_445 = tpu.sem_alloc : memref<!tpu.dma_semaphore, #tpu.memory_space<semaphore_mem>>
      %dma_start3A_446 = arith.constant 0 : i32
      %dma_start3A_447 = arith.constant 0 : i32
      %dma_start3A_448 = tpu.memref_slice %arg6[%run_scoped3A, %dma_start3A_446, %dma_start3A_447] : memref<2x8x104xi32, #tpu.memory_space<vmem>> -> memref<1x8x104xi32, #tpu.memory_space<vmem>>
      %dma_start3A_449 = tpu.memref_squeeze %dma_start3A_448 : memref<1x8x104xi32, #tpu.memory_space<vmem>> -> memref<8x104xi32, #tpu.memory_space<vmem>>
      %dma_start3A_450 = arith.constant 0 : i32
      %dma_start3A_451 = tpu.memref_slice %arg2[%add3A_6, %dma_start3A_450] : memref<12800x104xi32, #tpu.memory_space<hbm>> -> memref<8x104xi32, #tpu.memory_space<hbm>>
      %dma_start3A_452 = arith.constant 0 : i32
      %dma_start3A_453 = arith.constant 0 : i32
      %dma_start3A_454 = tpu.memref_slice %arg6[%run_scoped3A, %dma_start3A_452, %dma_start3A_453] : memref<2x8x104xi32, #tpu.memory_space<vmem>> -> memref<1x8x104xi32, #tpu.memory_space<vmem>>
      %dma_start3A_455 = tpu.memref_squeeze %dma_start3A_454 : memref<1x8x104xi32, #tpu.memory_space<vmem>> -> memref<8x104xi32, #tpu.memory_space<vmem>>
      %dma_start3A_456 = arith.constant 0 : i32
      %dma_start3A_457 = tpu.memref_slice %arg2[%add3A_6, %dma_start3A_456] : memref<12800x104xi32, #tpu.memory_space<hbm>> -> memref<8x104xi32, #tpu.memory_space<hbm>>
      tpu.enqueue_dma source(%dma_start3A_457 : memref<8x104xi32, #tpu.memory_space<hbm>>) target(%dma_start3A_455 : memref<8x104xi32, #tpu.memory_space<vmem>>) target_semaphore(%run_scoped3A_445 : memref<!tpu.dma_semaphore, #tpu.memory_space<semaphore_mem>>)
      %dma_wait3A_458 = arith.constant 0 : i32
      %dma_wait3A_459 = arith.constant 0 : i32
      %dma_wait3A_460 = tpu.memref_slice %arg6[%run_scoped3A, %dma_wait3A_458, %dma_wait3A_459] : memref<2x8x104xi32, #tpu.memory_space<vmem>> -> memref<1x8x104xi32, #tpu.memory_space<vmem>>
      %dma_wait3A_461 = tpu.memref_squeeze %dma_wait3A_460 : memref<1x8x104xi32, #tpu.memory_space<vmem>> -> memref<8x104xi32, #tpu.memory_space<vmem>>
      %dma_wait3A_462 = arith.constant 0 : i32
      %dma_wait3A_463 = tpu.memref_slice %arg2[%add3A_6, %dma_wait3A_462] : memref<12800x104xi32, #tpu.memory_space<hbm>> -> memref<8x104xi32, #tpu.memory_space<hbm>>
      %dma_wait3A_464 = arith.constant 0 : i32
      %dma_wait3A_465 = arith.constant 0 : i32
      %dma_wait3A_466 = tpu.memref_slice %arg6[%run_scoped3A, %dma_wait3A_464, %dma_wait3A_465] : memref<2x8x104xi32, #tpu.memory_space<vmem>> -> memref<1x8x104xi32, #tpu.memory_space<vmem>>
      %dma_wait3A_467 = tpu.memref_squeeze %dma_wait3A_466 : memref<1x8x104xi32, #tpu.memory_space<vmem>> -> memref<8x104xi32, #tpu.memory_space<vmem>>
      %dma_wait3A_468 = arith.constant 0 : i32
      %dma_wait3A_469 = tpu.memref_slice %arg2[%add3A_6, %dma_wait3A_468] : memref<12800x104xi32, #tpu.memory_space<hbm>> -> memref<8x104xi32, #tpu.memory_space<hbm>>
      tpu.wait_dma2 semaphore(%run_scoped3A_445 : memref<!tpu.dma_semaphore, #tpu.memory_space<semaphore_mem>>) src(%dma_wait3A_469 : memref<8x104xi32, #tpu.memory_space<hbm>>) dst(%dma_wait3A_467 : memref<8x104xi32, #tpu.memory_space<vmem>>)
      tpu.yield
    }) : () -> ()
    %dma_start3A = arith.constant 0 : i32
    %dma_start3A_7 = arith.constant 0 : i32
    %dma_start3A_8 = arith.constant 0 : i32
    %dma_start3A_9 = arith.constant 0 : i32
    %dma_start3A_10 = arith.constant 0 : i32
    %dma_start3A_11 = tpu.memref_slice %arg7[%dma_start3A_8, %dma_start3A_9, %dma_start3A_10] : memref<2x832x64xf32, #tpu.memory_space<vmem>> -> memref<1x104x64xf32, #tpu.memory_space<vmem>>
    %dma_start3A_12 = tpu.memref_squeeze %dma_start3A_11 : memref<1x104x64xf32, #tpu.memory_space<vmem>> -> memref<104x64xf32, #tpu.memory_space<vmem>>
    %dma_start3A_13 = arith.constant 0 : i32
    %dma_start3A_14 = tpu.memref_slice %arg6[%dma_start3A, %dma_start3A_7, %dma_start3A_13] : memref<2x8x104xi32, #tpu.memory_space<vmem>> -> memref<1x1x104xi32, #tpu.memory_space<vmem>>
    %dma_start3A_15 = tpu.memref_squeeze %dma_start3A_14 : memref<1x1x104xi32, #tpu.memory_space<vmem>> -> memref<104xi32, #tpu.memory_space<vmem>>
    %dma_start3A_16 = arith.constant 0 : i32
    %dma_start3A_17 = arith.constant 0 : i32
    %dma_start3A_18 = tpu.memref_slice %arg4[%dma_start3A_16, %dma_start3A_17] : memref<1015808x64xf32, #tpu.memory_space<hbm>> -> memref<1015808x64xf32, #tpu.memory_space<hbm>>
    tpu.enqueue_indirect_dma source(%dma_start3A_18 : memref<1015808x64xf32, #tpu.memory_space<hbm>>) target(%dma_start3A_12 : memref<104x64xf32, #tpu.memory_space<vmem>>) offsets(%dma_start3A_15 : memref<104xi32, #tpu.memory_space<vmem>>) semaphore(%arg10 : memref<!tpu.dma_semaphore, #tpu.memory_space<semaphore_mem>>)
    %dma_start3A_19 = arith.constant 0 : i32
    %dma_start3A_20 = arith.constant 1 : i32
    %dma_start3A_21 = arith.constant 0 : i32
    %dma_start3A_22 = arith.constant 104 : i32
    %dma_start3A_23 = arith.constant 0 : i32
    %dma_start3A_24 = tpu.memref_slice %arg7[%dma_start3A_21, %dma_start3A_22, %dma_start3A_23] : memref<2x832x64xf32, #tpu.memory_space<vmem>> -> memref<1x104x64xf32, #tpu.memory_space<vmem>>
    %dma_start3A_25 = tpu.memref_squeeze %dma_start3A_24 : memref<1x104x64xf32, #tpu.memory_space<vmem>> -> memref<104x64xf32, #tpu.memory_space<vmem>>
    %dma_start3A_26 = arith.constant 0 : i32
    %dma_start3A_27 = tpu.memref_slice %arg6[%dma_start3A_19, %dma_start3A_20, %dma_start3A_26] : memref<2x8x104xi32, #tpu.memory_space<vmem>> -> memref<1x1x104xi32, #tpu.memory_space<vmem>>
    %dma_start3A_28 = tpu.memref_squeeze %dma_start3A_27 : memref<1x1x104xi32, #tpu.memory_space<vmem>> -> memref<104xi32, #tpu.memory_space<vmem>>
    %dma_start3A_29 = arith.constant 0 : i32
    %dma_start3A_30 = arith.constant 0 : i32
    %dma_start3A_31 = tpu.memref_slice %arg4[%dma_start3A_29, %dma_start3A_30] : memref<1015808x64xf32, #tpu.memory_space<hbm>> -> memref<1015808x64xf32, #tpu.memory_space<hbm>>
    tpu.enqueue_indirect_dma source(%dma_start3A_31 : memref<1015808x64xf32, #tpu.memory_space<hbm>>) target(%dma_start3A_25 : memref<104x64xf32, #tpu.memory_space<vmem>>) offsets(%dma_start3A_28 : memref<104xi32, #tpu.memory_space<vmem>>) semaphore(%arg10 : memref<!tpu.dma_semaphore, #tpu.memory_space<semaphore_mem>>)
    %dma_start3A_32 = arith.constant 0 : i32
    %dma_start3A_33 = arith.constant 2 : i32
    %dma_start3A_34 = arith.constant 0 : i32
    %dma_start3A_35 = arith.constant 208 : i32
    %dma_start3A_36 = arith.constant 0 : i32
    %dma_start3A_37 = tpu.memref_slice %arg7[%dma_start3A_34, %dma_start3A_35, %dma_start3A_36] : memref<2x832x64xf32, #tpu.memory_space<vmem>> -> memref<1x104x64xf32, #tpu.memory_space<vmem>>
    %dma_start3A_38 = tpu.memref_squeeze %dma_start3A_37 : memref<1x104x64xf32, #tpu.memory_space<vmem>> -> memref<104x64xf32, #tpu.memory_space<vmem>>
    %dma_start3A_39 = arith.constant 0 : i32
    %dma_start3A_40 = tpu.memref_slice %arg6[%dma_start3A_32, %dma_start3A_33, %dma_start3A_39] : memref<2x8x104xi32, #tpu.memory_space<vmem>> -> memref<1x1x104xi32, #tpu.memory_space<vmem>>
    %dma_start3A_41 = tpu.memref_squeeze %dma_start3A_40 : memref<1x1x104xi32, #tpu.memory_space<vmem>> -> memref<104xi32, #tpu.memory_space<vmem>>
    %dma_start3A_42 = arith.constant 0 : i32
    %dma_start3A_43 = arith.constant 0 : i32
    %dma_start3A_44 = tpu.memref_slice %arg4[%dma_start3A_42, %dma_start3A_43] : memref<1015808x64xf32, #tpu.memory_space<hbm>> -> memref<1015808x64xf32, #tpu.memory_space<hbm>>
    tpu.enqueue_indirect_dma source(%dma_start3A_44 : memref<1015808x64xf32, #tpu.memory_space<hbm>>) target(%dma_start3A_38 : memref<104x64xf32, #tpu.memory_space<vmem>>) offsets(%dma_start3A_41 : memref<104xi32, #tpu.memory_space<vmem>>) semaphore(%arg10 : memref<!tpu.dma_semaphore, #tpu.memory_space<semaphore_mem>>)
    %dma_start3A_45 = arith.constant 0 : i32
    %dma_start3A_46 = arith.constant 3 : i32
    %dma_start3A_47 = arith.constant 0 : i32
    %dma_start3A_48 = arith.constant 312 : i32
    %dma_start3A_49 = arith.constant 0 : i32
    %dma_start3A_50 = tpu.memref_slice %arg7[%dma_start3A_47, %dma_start3A_48, %dma_start3A_49] : memref<2x832x64xf32, #tpu.memory_space<vmem>> -> memref<1x104x64xf32, #tpu.memory_space<vmem>>
    %dma_start3A_51 = tpu.memref_squeeze %dma_start3A_50 : memref<1x104x64xf32, #tpu.memory_space<vmem>> -> memref<104x64xf32, #tpu.memory_space<vmem>>
    %dma_start3A_52 = arith.constant 0 : i32
    %dma_start3A_53 = tpu.memref_slice %arg6[%dma_start3A_45, %dma_start3A_46, %dma_start3A_52] : memref<2x8x104xi32, #tpu.memory_space<vmem>> -> memref<1x1x104xi32, #tpu.memory_space<vmem>>
    %dma_start3A_54 = tpu.memref_squeeze %dma_start3A_53 : memref<1x1x104xi32, #tpu.memory_space<vmem>> -> memref<104xi32, #tpu.memory_space<vmem>>
    %dma_start3A_55 = arith.constant 0 : i32
    %dma_start3A_56 = arith.constant 0 : i32
    %dma_start3A_57 = tpu.memref_slice %arg4[%dma_start3A_55, %dma_start3A_56] : memref<1015808x64xf32, #tpu.memory_space<hbm>> -> memref<1015808x64xf32, #tpu.memory_space<hbm>>
    tpu.enqueue_indirect_dma source(%dma_start3A_57 : memref<1015808x64xf32, #tpu.memory_space<hbm>>) target(%dma_start3A_51 : memref<104x64xf32, #tpu.memory_space<vmem>>) offsets(%dma_start3A_54 : memref<104xi32, #tpu.memory_space<vmem>>) semaphore(%arg10 : memref<!tpu.dma_semaphore, #tpu.memory_space<semaphore_mem>>)
    %dma_start3A_58 = arith.constant 0 : i32
    %dma_start3A_59 = arith.constant 4 : i32
    %dma_start3A_60 = arith.constant 0 : i32
    %dma_start3A_61 = arith.constant 416 : i32
    %dma_start3A_62 = arith.constant 0 : i32
    %dma_start3A_63 = tpu.memref_slice %arg7[%dma_start3A_60, %dma_start3A_61, %dma_start3A_62] : memref<2x832x64xf32, #tpu.memory_space<vmem>> -> memref<1x104x64xf32, #tpu.memory_space<vmem>>
    %dma_start3A_64 = tpu.memref_squeeze %dma_start3A_63 : memref<1x104x64xf32, #tpu.memory_space<vmem>> -> memref<104x64xf32, #tpu.memory_space<vmem>>
    %dma_start3A_65 = arith.constant 0 : i32
    %dma_start3A_66 = tpu.memref_slice %arg6[%dma_start3A_58, %dma_start3A_59, %dma_start3A_65] : memref<2x8x104xi32, #tpu.memory_space<vmem>> -> memref<1x1x104xi32, #tpu.memory_space<vmem>>
    %dma_start3A_67 = tpu.memref_squeeze %dma_start3A_66 : memref<1x1x104xi32, #tpu.memory_space<vmem>> -> memref<104xi32, #tpu.memory_space<vmem>>
    %dma_start3A_68 = arith.constant 0 : i32
    %dma_start3A_69 = arith.constant 0 : i32
    %dma_start3A_70 = tpu.memref_slice %arg4[%dma_start3A_68, %dma_start3A_69] : memref<1015808x64xf32, #tpu.memory_space<hbm>> -> memref<1015808x64xf32, #tpu.memory_space<hbm>>
    tpu.enqueue_indirect_dma source(%dma_start3A_70 : memref<1015808x64xf32, #tpu.memory_space<hbm>>) target(%dma_start3A_64 : memref<104x64xf32, #tpu.memory_space<vmem>>) offsets(%dma_start3A_67 : memref<104xi32, #tpu.memory_space<vmem>>) semaphore(%arg10 : memref<!tpu.dma_semaphore, #tpu.memory_space<semaphore_mem>>)
    %dma_start3A_71 = arith.constant 0 : i32
    %dma_start3A_72 = arith.constant 5 : i32
    %dma_start3A_73 = arith.constant 0 : i32
    %dma_start3A_74 = arith.constant 520 : i32
    %dma_start3A_75 = arith.constant 0 : i32
    %dma_start3A_76 = tpu.memref_slice %arg7[%dma_start3A_73, %dma_start3A_74, %dma_start3A_75] : memref<2x832x64xf32, #tpu.memory_space<vmem>> -> memref<1x104x64xf32, #tpu.memory_space<vmem>>
    %dma_start3A_77 = tpu.memref_squeeze %dma_start3A_76 : memref<1x104x64xf32, #tpu.memory_space<vmem>> -> memref<104x64xf32, #tpu.memory_space<vmem>>
    %dma_start3A_78 = arith.constant 0 : i32
    %dma_start3A_79 = tpu.memref_slice %arg6[%dma_start3A_71, %dma_start3A_72, %dma_start3A_78] : memref<2x8x104xi32, #tpu.memory_space<vmem>> -> memref<1x1x104xi32, #tpu.memory_space<vmem>>
    %dma_start3A_80 = tpu.memref_squeeze %dma_start3A_79 : memref<1x1x104xi32, #tpu.memory_space<vmem>> -> memref<104xi32, #tpu.memory_space<vmem>>
    %dma_start3A_81 = arith.constant 0 : i32
    %dma_start3A_82 = arith.constant 0 : i32
    %dma_start3A_83 = tpu.memref_slice %arg4[%dma_start3A_81, %dma_start3A_82] : memref<1015808x64xf32, #tpu.memory_space<hbm>> -> memref<1015808x64xf32, #tpu.memory_space<hbm>>
    tpu.enqueue_indirect_dma source(%dma_start3A_83 : memref<1015808x64xf32, #tpu.memory_space<hbm>>) target(%dma_start3A_77 : memref<104x64xf32, #tpu.memory_space<vmem>>) offsets(%dma_start3A_80 : memref<104xi32, #tpu.memory_space<vmem>>) semaphore(%arg10 : memref<!tpu.dma_semaphore, #tpu.memory_space<semaphore_mem>>)
    %dma_start3A_84 = arith.constant 0 : i32
    %dma_start3A_85 = arith.constant 6 : i32
    %dma_start3A_86 = arith.constant 0 : i32
    %dma_start3A_87 = arith.constant 624 : i32
    %dma_start3A_88 = arith.constant 0 : i32
    %dma_start3A_89 = tpu.memref_slice %arg7[%dma_start3A_86, %dma_start3A_87, %dma_start3A_88] : memref<2x832x64xf32, #tpu.memory_space<vmem>> -> memref<1x104x64xf32, #tpu.memory_space<vmem>>
    %dma_start3A_90 = tpu.memref_squeeze %dma_start3A_89 : memref<1x104x64xf32, #tpu.memory_space<vmem>> -> memref<104x64xf32, #tpu.memory_space<vmem>>
    %dma_start3A_91 = arith.constant 0 : i32
    %dma_start3A_92 = tpu.memref_slice %arg6[%dma_start3A_84, %dma_start3A_85, %dma_start3A_91] : memref<2x8x104xi32, #tpu.memory_space<vmem>> -> memref<1x1x104xi32, #tpu.memory_space<vmem>>
    %dma_start3A_93 = tpu.memref_squeeze %dma_start3A_92 : memref<1x1x104xi32, #tpu.memory_space<vmem>> -> memref<104xi32, #tpu.memory_space<vmem>>
    %dma_start3A_94 = arith.constant 0 : i32
    %dma_start3A_95 = arith.constant 0 : i32
    %dma_start3A_96 = tpu.memref_slice %arg4[%dma_start3A_94, %dma_start3A_95] : memref<1015808x64xf32, #tpu.memory_space<hbm>> -> memref<1015808x64xf32, #tpu.memory_space<hbm>>
    tpu.enqueue_indirect_dma source(%dma_start3A_96 : memref<1015808x64xf32, #tpu.memory_space<hbm>>) target(%dma_start3A_90 : memref<104x64xf32, #tpu.memory_space<vmem>>) offsets(%dma_start3A_93 : memref<104xi32, #tpu.memory_space<vmem>>) semaphore(%arg10 : memref<!tpu.dma_semaphore, #tpu.memory_space<semaphore_mem>>)
    %dma_start3A_97 = arith.constant 0 : i32
    %dma_start3A_98 = arith.constant 7 : i32
    %dma_start3A_99 = arith.constant 0 : i32
    %dma_start3A_100 = arith.constant 728 : i32
    %dma_start3A_101 = arith.constant 0 : i32
    %dma_start3A_102 = tpu.memref_slice %arg7[%dma_start3A_99, %dma_start3A_100, %dma_start3A_101] : memref<2x832x64xf32, #tpu.memory_space<vmem>> -> memref<1x104x64xf32, #tpu.memory_space<vmem>>
    %dma_start3A_103 = tpu.memref_squeeze %dma_start3A_102 : memref<1x104x64xf32, #tpu.memory_space<vmem>> -> memref<104x64xf32, #tpu.memory_space<vmem>>
    %dma_start3A_104 = arith.constant 0 : i32
    %dma_start3A_105 = tpu.memref_slice %arg6[%dma_start3A_97, %dma_start3A_98, %dma_start3A_104] : memref<2x8x104xi32, #tpu.memory_space<vmem>> -> memref<1x1x104xi32, #tpu.memory_space<vmem>>
    %dma_start3A_106 = tpu.memref_squeeze %dma_start3A_105 : memref<1x1x104xi32, #tpu.memory_space<vmem>> -> memref<104xi32, #tpu.memory_space<vmem>>
    %dma_start3A_107 = arith.constant 0 : i32
    %dma_start3A_108 = arith.constant 0 : i32
    %dma_start3A_109 = tpu.memref_slice %arg4[%dma_start3A_107, %dma_start3A_108] : memref<1015808x64xf32, #tpu.memory_space<hbm>> -> memref<1015808x64xf32, #tpu.memory_space<hbm>>
    tpu.enqueue_indirect_dma source(%dma_start3A_109 : memref<1015808x64xf32, #tpu.memory_space<hbm>>) target(%dma_start3A_103 : memref<104x64xf32, #tpu.memory_space<vmem>>) offsets(%dma_start3A_106 : memref<104xi32, #tpu.memory_space<vmem>>) semaphore(%arg10 : memref<!tpu.dma_semaphore, #tpu.memory_space<semaphore_mem>>)
    %scan3A = arith.constant 0 : i32
    %scan3A_110 = arith.constant 0 : i32
    %scan3A_111 = arith.constant 24 : i32
    %scan3A_112 = arith.addi %scan3A_110, %scan3A_111 : i32
    %scan3A_113 = arith.constant 1 : i32
    scf.for %scan3A_445 = %scan3A_110 to %scan3A_112 step %scan3A_113  : i32 {
      %mul3A_446 = arith.constant 2 : i32
      %mul3A_447 = arith.muli %scan3A_445, %mul3A_446 : i32
      %add3A_448 = arith.constant 1 : i32
      %add3A_449 = arith.addi %mul3A_447, %add3A_448 : i32
      %mul3A_450 = arith.constant 8 : i32
      %mul3A_451 = arith.muli %add3A_449, %mul3A_450 : i32
      %add3A_452 = arith.addi %mul3A_4, %mul3A_451 : i32
      %run_scoped3A_453 = arith.constant 1 : i32
      "tpu.region"() ({
        %run_scoped3A_896 = tpu.sem_alloc : memref<!tpu.dma_semaphore, #tpu.memory_space<semaphore_mem>>
        %dma_start3A_897 = arith.constant 0 : i32
        %dma_start3A_898 = arith.constant 0 : i32
        %dma_start3A_899 = tpu.memref_slice %arg6[%run_scoped3A_453, %dma_start3A_897, %dma_start3A_898] : memref<2x8x104xi32, #tpu.memory_space<vmem>> -> memref<1x8x104xi32, #tpu.memory_space<vmem>>
        %dma_start3A_900 = tpu.memref_squeeze %dma_start3A_899 : memref<1x8x104xi32, #tpu.memory_space<vmem>> -> memref<8x104xi32, #tpu.memory_space<vmem>>
        %dma_start3A_901 = arith.constant 0 : i32
        %dma_start3A_902 = tpu.memref_slice %arg2[%add3A_452, %dma_start3A_901] : memref<12800x104xi32, #tpu.memory_space<hbm>> -> memref<8x104xi32, #tpu.memory_space<hbm>>
        %dma_start3A_903 = arith.constant 0 : i32
        %dma_start3A_904 = arith.constant 0 : i32
        %dma_start3A_905 = tpu.memref_slice %arg6[%run_scoped3A_453, %dma_start3A_903, %dma_start3A_904] : memref<2x8x104xi32, #tpu.memory_space<vmem>> -> memref<1x8x104xi32, #tpu.memory_space<vmem>>
        %dma_start3A_906 = tpu.memref_squeeze %dma_start3A_905 : memref<1x8x104xi32, #tpu.memory_space<vmem>> -> memref<8x104xi32, #tpu.memory_space<vmem>>
        %dma_start3A_907 = arith.constant 0 : i32
        %dma_start3A_908 = tpu.memref_slice %arg2[%add3A_452, %dma_start3A_907] : memref<12800x104xi32, #tpu.memory_space<hbm>> -> memref<8x104xi32, #tpu.memory_space<hbm>>
        tpu.enqueue_dma source(%dma_start3A_908 : memref<8x104xi32, #tpu.memory_space<hbm>>) target(%dma_start3A_906 : memref<8x104xi32, #tpu.memory_space<vmem>>) target_semaphore(%run_scoped3A_896 : memref<!tpu.dma_semaphore, #tpu.memory_space<semaphore_mem>>)
        %dma_wait3A_909 = arith.constant 0 : i32
        %dma_wait3A_910 = arith.constant 0 : i32
        %dma_wait3A_911 = tpu.memref_slice %arg6[%run_scoped3A_453, %dma_wait3A_909, %dma_wait3A_910] : memref<2x8x104xi32, #tpu.memory_space<vmem>> -> memref<1x8x104xi32, #tpu.memory_space<vmem>>
        %dma_wait3A_912 = tpu.memref_squeeze %dma_wait3A_911 : memref<1x8x104xi32, #tpu.memory_space<vmem>> -> memref<8x104xi32, #tpu.memory_space<vmem>>
        %dma_wait3A_913 = arith.constant 0 : i32
        %dma_wait3A_914 = tpu.memref_slice %arg2[%add3A_452, %dma_wait3A_913] : memref<12800x104xi32, #tpu.memory_space<hbm>> -> memref<8x104xi32, #tpu.memory_space<hbm>>
        %dma_wait3A_915 = arith.constant 0 : i32
        %dma_wait3A_916 = arith.constant 0 : i32
        %dma_wait3A_917 = tpu.memref_slice %arg6[%run_scoped3A_453, %dma_wait3A_915, %dma_wait3A_916] : memref<2x8x104xi32, #tpu.memory_space<vmem>> -> memref<1x8x104xi32, #tpu.memory_space<vmem>>
        %dma_wait3A_918 = tpu.memref_squeeze %dma_wait3A_917 : memref<1x8x104xi32, #tpu.memory_space<vmem>> -> memref<8x104xi32, #tpu.memory_space<vmem>>
        %dma_wait3A_919 = arith.constant 0 : i32
        %dma_wait3A_920 = tpu.memref_slice %arg2[%add3A_452, %dma_wait3A_919] : memref<12800x104xi32, #tpu.memory_space<hbm>> -> memref<8x104xi32, #tpu.memory_space<hbm>>
        tpu.wait_dma2 semaphore(%run_scoped3A_896 : memref<!tpu.dma_semaphore, #tpu.memory_space<semaphore_mem>>) src(%dma_wait3A_920 : memref<8x104xi32, #tpu.memory_space<hbm>>) dst(%dma_wait3A_918 : memref<8x104xi32, #tpu.memory_space<vmem>>)
        tpu.yield
      }) : () -> ()
      %dma_start3A_454 = arith.constant 1 : i32
      %dma_start3A_455 = arith.constant 0 : i32
      %dma_start3A_456 = arith.constant 1 : i32
      %dma_start3A_457 = arith.constant 0 : i32
      %dma_start3A_458 = arith.constant 0 : i32
      %dma_start3A_459 = tpu.memref_slice %arg7[%dma_start3A_456, %dma_start3A_457, %dma_start3A_458] : memref<2x832x64xf32, #tpu.memory_space<vmem>> -> memref<1x104x64xf32, #tpu.memory_space<vmem>>
      %dma_start3A_460 = tpu.memref_squeeze %dma_start3A_459 : memref<1x104x64xf32, #tpu.memory_space<vmem>> -> memref<104x64xf32, #tpu.memory_space<vmem>>
      %dma_start3A_461 = arith.constant 0 : i32
      %dma_start3A_462 = tpu.memref_slice %arg6[%dma_start3A_454, %dma_start3A_455, %dma_start3A_461] : memref<2x8x104xi32, #tpu.memory_space<vmem>> -> memref<1x1x104xi32, #tpu.memory_space<vmem>>
      %dma_start3A_463 = tpu.memref_squeeze %dma_start3A_462 : memref<1x1x104xi32, #tpu.memory_space<vmem>> -> memref<104xi32, #tpu.memory_space<vmem>>
      %dma_start3A_464 = arith.constant 0 : i32
      %dma_start3A_465 = arith.constant 0 : i32
      %dma_start3A_466 = tpu.memref_slice %arg4[%dma_start3A_464, %dma_start3A_465] : memref<1015808x64xf32, #tpu.memory_space<hbm>> -> memref<1015808x64xf32, #tpu.memory_space<hbm>>
      tpu.enqueue_indirect_dma source(%dma_start3A_466 : memref<1015808x64xf32, #tpu.memory_space<hbm>>) target(%dma_start3A_460 : memref<104x64xf32, #tpu.memory_space<vmem>>) offsets(%dma_start3A_463 : memref<104xi32, #tpu.memory_space<vmem>>) semaphore(%arg11 : memref<!tpu.dma_semaphore, #tpu.memory_space<semaphore_mem>>)
      %dma_start3A_467 = arith.constant 1 : i32
      %dma_start3A_468 = arith.constant 1 : i32
      %dma_start3A_469 = arith.constant 1 : i32
      %dma_start3A_470 = arith.constant 104 : i32
      %dma_start3A_471 = arith.constant 0 : i32
      %dma_start3A_472 = tpu.memref_slice %arg7[%dma_start3A_469, %dma_start3A_470, %dma_start3A_471] : memref<2x832x64xf32, #tpu.memory_space<vmem>> -> memref<1x104x64xf32, #tpu.memory_space<vmem>>
      %dma_start3A_473 = tpu.memref_squeeze %dma_start3A_472 : memref<1x104x64xf32, #tpu.memory_space<vmem>> -> memref<104x64xf32, #tpu.memory_space<vmem>>
      %dma_start3A_474 = arith.constant 0 : i32
      %dma_start3A_475 = tpu.memref_slice %arg6[%dma_start3A_467, %dma_start3A_468, %dma_start3A_474] : memref<2x8x104xi32, #tpu.memory_space<vmem>> -> memref<1x1x104xi32, #tpu.memory_space<vmem>>
      %dma_start3A_476 = tpu.memref_squeeze %dma_start3A_475 : memref<1x1x104xi32, #tpu.memory_space<vmem>> -> memref<104xi32, #tpu.memory_space<vmem>>
      %dma_start3A_477 = arith.constant 0 : i32
      %dma_start3A_478 = arith.constant 0 : i32
      %dma_start3A_479 = tpu.memref_slice %arg4[%dma_start3A_477, %dma_start3A_478] : memref<1015808x64xf32, #tpu.memory_space<hbm>> -> memref<1015808x64xf32, #tpu.memory_space<hbm>>
      tpu.enqueue_indirect_dma source(%dma_start3A_479 : memref<1015808x64xf32, #tpu.memory_space<hbm>>) target(%dma_start3A_473 : memref<104x64xf32, #tpu.memory_space<vmem>>) offsets(%dma_start3A_476 : memref<104xi32, #tpu.memory_space<vmem>>) semaphore(%arg11 : memref<!tpu.dma_semaphore, #tpu.memory_space<semaphore_mem>>)
      %dma_start3A_480 = arith.constant 1 : i32
      %dma_start3A_481 = arith.constant 2 : i32
      %dma_start3A_482 = arith.constant 1 : i32
      %dma_start3A_483 = arith.constant 208 : i32
      %dma_start3A_484 = arith.constant 0 : i32
      %dma_start3A_485 = tpu.memref_slice %arg7[%dma_start3A_482, %dma_start3A_483, %dma_start3A_484] : memref<2x832x64xf32, #tpu.memory_space<vmem>> -> memref<1x104x64xf32, #tpu.memory_space<vmem>>
      %dma_start3A_486 = tpu.memref_squeeze %dma_start3A_485 : memref<1x104x64xf32, #tpu.memory_space<vmem>> -> memref<104x64xf32, #tpu.memory_space<vmem>>
      %dma_start3A_487 = arith.constant 0 : i32
      %dma_start3A_488 = tpu.memref_slice %arg6[%dma_start3A_480, %dma_start3A_481, %dma_start3A_487] : memref<2x8x104xi32, #tpu.memory_space<vmem>> -> memref<1x1x104xi32, #tpu.memory_space<vmem>>
      %dma_start3A_489 = tpu.memref_squeeze %dma_start3A_488 : memref<1x1x104xi32, #tpu.memory_space<vmem>> -> memref<104xi32, #tpu.memory_space<vmem>>
      %dma_start3A_490 = arith.constant 0 : i32
      %dma_start3A_491 = arith.constant 0 : i32
      %dma_start3A_492 = tpu.memref_slice %arg4[%dma_start3A_490, %dma_start3A_491] : memref<1015808x64xf32, #tpu.memory_space<hbm>> -> memref<1015808x64xf32, #tpu.memory_space<hbm>>
      tpu.enqueue_indirect_dma source(%dma_start3A_492 : memref<1015808x64xf32, #tpu.memory_space<hbm>>) target(%dma_start3A_486 : memref<104x64xf32, #tpu.memory_space<vmem>>) offsets(%dma_start3A_489 : memref<104xi32, #tpu.memory_space<vmem>>) semaphore(%arg11 : memref<!tpu.dma_semaphore, #tpu.memory_space<semaphore_mem>>)
      %dma_start3A_493 = arith.constant 1 : i32
      %dma_start3A_494 = arith.constant 3 : i32
      %dma_start3A_495 = arith.constant 1 : i32
      %dma_start3A_496 = arith.constant 312 : i32
      %dma_start3A_497 = arith.constant 0 : i32
      %dma_start3A_498 = tpu.memref_slice %arg7[%dma_start3A_495, %dma_start3A_496, %dma_start3A_497] : memref<2x832x64xf32, #tpu.memory_space<vmem>> -> memref<1x104x64xf32, #tpu.memory_space<vmem>>
      %dma_start3A_499 = tpu.memref_squeeze %dma_start3A_498 : memref<1x104x64xf32, #tpu.memory_space<vmem>> -> memref<104x64xf32, #tpu.memory_space<vmem>>
      %dma_start3A_500 = arith.constant 0 : i32
      %dma_start3A_501 = tpu.memref_slice %arg6[%dma_start3A_493, %dma_start3A_494, %dma_start3A_500] : memref<2x8x104xi32, #tpu.memory_space<vmem>> -> memref<1x1x104xi32, #tpu.memory_space<vmem>>
      %dma_start3A_502 = tpu.memref_squeeze %dma_start3A_501 : memref<1x1x104xi32, #tpu.memory_space<vmem>> -> memref<104xi32, #tpu.memory_space<vmem>>
      %dma_start3A_503 = arith.constant 0 : i32
      %dma_start3A_504 = arith.constant 0 : i32
      %dma_start3A_505 = tpu.memref_slice %arg4[%dma_start3A_503, %dma_start3A_504] : memref<1015808x64xf32, #tpu.memory_space<hbm>> -> memref<1015808x64xf32, #tpu.memory_space<hbm>>
      tpu.enqueue_indirect_dma source(%dma_start3A_505 : memref<1015808x64xf32, #tpu.memory_space<hbm>>) target(%dma_start3A_499 : memref<104x64xf32, #tpu.memory_space<vmem>>) offsets(%dma_start3A_502 : memref<104xi32, #tpu.memory_space<vmem>>) semaphore(%arg11 : memref<!tpu.dma_semaphore, #tpu.memory_space<semaphore_mem>>)
      %dma_start3A_506 = arith.constant 1 : i32
      %dma_start3A_507 = arith.constant 4 : i32
      %dma_start3A_508 = arith.constant 1 : i32
      %dma_start3A_509 = arith.constant 416 : i32
      %dma_start3A_510 = arith.constant 0 : i32
      %dma_start3A_511 = tpu.memref_slice %arg7[%dma_start3A_508, %dma_start3A_509, %dma_start3A_510] : memref<2x832x64xf32, #tpu.memory_space<vmem>> -> memref<1x104x64xf32, #tpu.memory_space<vmem>>
      %dma_start3A_512 = tpu.memref_squeeze %dma_start3A_511 : memref<1x104x64xf32, #tpu.memory_space<vmem>> -> memref<104x64xf32, #tpu.memory_space<vmem>>
      %dma_start3A_513 = arith.constant 0 : i32
      %dma_start3A_514 = tpu.memref_slice %arg6[%dma_start3A_506, %dma_start3A_507, %dma_start3A_513] : memref<2x8x104xi32, #tpu.memory_space<vmem>> -> memref<1x1x104xi32, #tpu.memory_space<vmem>>
      %dma_start3A_515 = tpu.memref_squeeze %dma_start3A_514 : memref<1x1x104xi32, #tpu.memory_space<vmem>> -> memref<104xi32, #tpu.memory_space<vmem>>
      %dma_start3A_516 = arith.constant 0 : i32
      %dma_start3A_517 = arith.constant 0 : i32
      %dma_start3A_518 = tpu.memref_slice %arg4[%dma_start3A_516, %dma_start3A_517] : memref<1015808x64xf32, #tpu.memory_space<hbm>> -> memref<1015808x64xf32, #tpu.memory_space<hbm>>
      tpu.enqueue_indirect_dma source(%dma_start3A_518 : memref<1015808x64xf32, #tpu.memory_space<hbm>>) target(%dma_start3A_512 : memref<104x64xf32, #tpu.memory_space<vmem>>) offsets(%dma_start3A_515 : memref<104xi32, #tpu.memory_space<vmem>>) semaphore(%arg11 : memref<!tpu.dma_semaphore, #tpu.memory_space<semaphore_mem>>)
      %dma_start3A_519 = arith.constant 1 : i32
      %dma_start3A_520 = arith.constant 5 : i32
      %dma_start3A_521 = arith.constant 1 : i32
      %dma_start3A_522 = arith.constant 520 : i32
      %dma_start3A_523 = arith.constant 0 : i32
      %dma_start3A_524 = tpu.memref_slice %arg7[%dma_start3A_521, %dma_start3A_522, %dma_start3A_523] : memref<2x832x64xf32, #tpu.memory_space<vmem>> -> memref<1x104x64xf32, #tpu.memory_space<vmem>>
      %dma_start3A_525 = tpu.memref_squeeze %dma_start3A_524 : memref<1x104x64xf32, #tpu.memory_space<vmem>> -> memref<104x64xf32, #tpu.memory_space<vmem>>
      %dma_start3A_526 = arith.constant 0 : i32
      %dma_start3A_527 = tpu.memref_slice %arg6[%dma_start3A_519, %dma_start3A_520, %dma_start3A_526] : memref<2x8x104xi32, #tpu.memory_space<vmem>> -> memref<1x1x104xi32, #tpu.memory_space<vmem>>
      %dma_start3A_528 = tpu.memref_squeeze %dma_start3A_527 : memref<1x1x104xi32, #tpu.memory_space<vmem>> -> memref<104xi32, #tpu.memory_space<vmem>>
      %dma_start3A_529 = arith.constant 0 : i32
      %dma_start3A_530 = arith.constant 0 : i32
      %dma_start3A_531 = tpu.memref_slice %arg4[%dma_start3A_529, %dma_start3A_530] : memref<1015808x64xf32, #tpu.memory_space<hbm>> -> memref<1015808x64xf32, #tpu.memory_space<hbm>>
      tpu.enqueue_indirect_dma source(%dma_start3A_531 : memref<1015808x64xf32, #tpu.memory_space<hbm>>) target(%dma_start3A_525 : memref<104x64xf32, #tpu.memory_space<vmem>>) offsets(%dma_start3A_528 : memref<104xi32, #tpu.memory_space<vmem>>) semaphore(%arg11 : memref<!tpu.dma_semaphore, #tpu.memory_space<semaphore_mem>>)
      %dma_start3A_532 = arith.constant 1 : i32
      %dma_start3A_533 = arith.constant 6 : i32
      %dma_start3A_534 = arith.constant 1 : i32
      %dma_start3A_535 = arith.constant 624 : i32
      %dma_start3A_536 = arith.constant 0 : i32
      %dma_start3A_537 = tpu.memref_slice %arg7[%dma_start3A_534, %dma_start3A_535, %dma_start3A_536] : memref<2x832x64xf32, #tpu.memory_space<vmem>> -> memref<1x104x64xf32, #tpu.memory_space<vmem>>
      %dma_start3A_538 = tpu.memref_squeeze %dma_start3A_537 : memref<1x104x64xf32, #tpu.memory_space<vmem>> -> memref<104x64xf32, #tpu.memory_space<vmem>>
      %dma_start3A_539 = arith.constant 0 : i32
      %dma_start3A_540 = tpu.memref_slice %arg6[%dma_start3A_532, %dma_start3A_533, %dma_start3A_539] : memref<2x8x104xi32, #tpu.memory_space<vmem>> -> memref<1x1x104xi32, #tpu.memory_space<vmem>>
      %dma_start3A_541 = tpu.memref_squeeze %dma_start3A_540 : memref<1x1x104xi32, #tpu.memory_space<vmem>> -> memref<104xi32, #tpu.memory_space<vmem>>
      %dma_start3A_542 = arith.constant 0 : i32
      %dma_start3A_543 = arith.constant 0 : i32
      %dma_start3A_544 = tpu.memref_slice %arg4[%dma_start3A_542, %dma_start3A_543] : memref<1015808x64xf32, #tpu.memory_space<hbm>> -> memref<1015808x64xf32, #tpu.memory_space<hbm>>
      tpu.enqueue_indirect_dma source(%dma_start3A_544 : memref<1015808x64xf32, #tpu.memory_space<hbm>>) target(%dma_start3A_538 : memref<104x64xf32, #tpu.memory_space<vmem>>) offsets(%dma_start3A_541 : memref<104xi32, #tpu.memory_space<vmem>>) semaphore(%arg11 : memref<!tpu.dma_semaphore, #tpu.memory_space<semaphore_mem>>)
      %dma_start3A_545 = arith.constant 1 : i32
      %dma_start3A_546 = arith.constant 7 : i32
      %dma_start3A_547 = arith.constant 1 : i32
      %dma_start3A_548 = arith.constant 728 : i32
      %dma_start3A_549 = arith.constant 0 : i32
      %dma_start3A_550 = tpu.memref_slice %arg7[%dma_start3A_547, %dma_start3A_548, %dma_start3A_549] : memref<2x832x64xf32, #tpu.memory_space<vmem>> -> memref<1x104x64xf32, #tpu.memory_space<vmem>>
      %dma_start3A_551 = tpu.memref_squeeze %dma_start3A_550 : memref<1x104x64xf32, #tpu.memory_space<vmem>> -> memref<104x64xf32, #tpu.memory_space<vmem>>
      %dma_start3A_552 = arith.constant 0 : i32
      %dma_start3A_553 = tpu.memref_slice %arg6[%dma_start3A_545, %dma_start3A_546, %dma_start3A_552] : memref<2x8x104xi32, #tpu.memory_space<vmem>> -> memref<1x1x104xi32, #tpu.memory_space<vmem>>
      %dma_start3A_554 = tpu.memref_squeeze %dma_start3A_553 : memref<1x1x104xi32, #tpu.memory_space<vmem>> -> memref<104xi32, #tpu.memory_space<vmem>>
      %dma_start3A_555 = arith.constant 0 : i32
      %dma_start3A_556 = arith.constant 0 : i32
      %dma_start3A_557 = tpu.memref_slice %arg4[%dma_start3A_555, %dma_start3A_556] : memref<1015808x64xf32, #tpu.memory_space<hbm>> -> memref<1015808x64xf32, #tpu.memory_space<hbm>>
      tpu.enqueue_indirect_dma source(%dma_start3A_557 : memref<1015808x64xf32, #tpu.memory_space<hbm>>) target(%dma_start3A_551 : memref<104x64xf32, #tpu.memory_space<vmem>>) offsets(%dma_start3A_554 : memref<104xi32, #tpu.memory_space<vmem>>) semaphore(%arg11 : memref<!tpu.dma_semaphore, #tpu.memory_space<semaphore_mem>>)
      %dma_wait3A_558 = arith.constant 0 : i32
      %dma_wait3A_559 = arith.constant 0 : i32
      %dma_wait3A_560 = arith.constant 0 : i32
      %dma_wait3A_561 = arith.constant 0 : i32
      %dma_wait3A_562 = arith.constant 0 : i32
      %dma_wait3A_563 = tpu.memref_slice %arg7[%dma_wait3A_560, %dma_wait3A_561, %dma_wait3A_562] : memref<2x832x64xf32, #tpu.memory_space<vmem>> -> memref<1x104x64xf32, #tpu.memory_space<vmem>>
      %dma_wait3A_564 = tpu.memref_squeeze %dma_wait3A_563 : memref<1x104x64xf32, #tpu.memory_space<vmem>> -> memref<104x64xf32, #tpu.memory_space<vmem>>
      %dma_wait3A_565 = arith.constant 0 : i32
      %dma_wait3A_566 = tpu.memref_slice %arg6[%dma_wait3A_558, %dma_wait3A_559, %dma_wait3A_565] : memref<2x8x104xi32, #tpu.memory_space<vmem>> -> memref<1x1x104xi32, #tpu.memory_space<vmem>>
      %dma_wait3A_567 = tpu.memref_squeeze %dma_wait3A_566 : memref<1x1x104xi32, #tpu.memory_space<vmem>> -> memref<104xi32, #tpu.memory_space<vmem>>
      %dma_wait3A_568 = arith.constant 0 : i32
      %dma_wait3A_569 = arith.constant 0 : i32
      %dma_wait3A_570 = tpu.memref_slice %arg4[%dma_wait3A_568, %dma_wait3A_569] : memref<1015808x64xf32, #tpu.memory_space<hbm>> -> memref<1015808x64xf32, #tpu.memory_space<hbm>>
      tpu.wait_indirect_dma semaphore(%arg10 : memref<!tpu.dma_semaphore, #tpu.memory_space<semaphore_mem>>) src(%dma_wait3A_570 : memref<1015808x64xf32, #tpu.memory_space<hbm>>) dst(%dma_wait3A_564 : memref<104x64xf32, #tpu.memory_space<vmem>>)
      %dma_wait3A_571 = arith.constant 0 : i32
      %dma_wait3A_572 = arith.constant 1 : i32
      %dma_wait3A_573 = arith.constant 0 : i32
      %dma_wait3A_574 = arith.constant 104 : i32
      %dma_wait3A_575 = arith.constant 0 : i32
      %dma_wait3A_576 = tpu.memref_slice %arg7[%dma_wait3A_573, %dma_wait3A_574, %dma_wait3A_575] : memref<2x832x64xf32, #tpu.memory_space<vmem>> -> memref<1x104x64xf32, #tpu.memory_space<vmem>>
      %dma_wait3A_577 = tpu.memref_squeeze %dma_wait3A_576 : memref<1x104x64xf32, #tpu.memory_space<vmem>> -> memref<104x64xf32, #tpu.memory_space<vmem>>
      %dma_wait3A_578 = arith.constant 0 : i32
      %dma_wait3A_579 = tpu.memref_slice %arg6[%dma_wait3A_571, %dma_wait3A_572, %dma_wait3A_578] : memref<2x8x104xi32, #tpu.memory_space<vmem>> -> memref<1x1x104xi32, #tpu.memory_space<vmem>>
      %dma_wait3A_580 = tpu.memref_squeeze %dma_wait3A_579 : memref<1x1x104xi32, #tpu.memory_space<vmem>> -> memref<104xi32, #tpu.memory_space<vmem>>
      %dma_wait3A_581 = arith.constant 0 : i32
      %dma_wait3A_582 = arith.constant 0 : i32
      %dma_wait3A_583 = tpu.memref_slice %arg4[%dma_wait3A_581, %dma_wait3A_582] : memref<1015808x64xf32, #tpu.memory_space<hbm>> -> memref<1015808x64xf32, #tpu.memory_space<hbm>>
      tpu.wait_indirect_dma semaphore(%arg10 : memref<!tpu.dma_semaphore, #tpu.memory_space<semaphore_mem>>) src(%dma_wait3A_583 : memref<1015808x64xf32, #tpu.memory_space<hbm>>) dst(%dma_wait3A_577 : memref<104x64xf32, #tpu.memory_space<vmem>>)
      %dma_wait3A_584 = arith.constant 0 : i32
      %dma_wait3A_585 = arith.constant 2 : i32
      %dma_wait3A_586 = arith.constant 0 : i32
      %dma_wait3A_587 = arith.constant 208 : i32
      %dma_wait3A_588 = arith.constant 0 : i32
      %dma_wait3A_589 = tpu.memref_slice %arg7[%dma_wait3A_586, %dma_wait3A_587, %dma_wait3A_588] : memref<2x832x64xf32, #tpu.memory_space<vmem>> -> memref<1x104x64xf32, #tpu.memory_space<vmem>>
      %dma_wait3A_590 = tpu.memref_squeeze %dma_wait3A_589 : memref<1x104x64xf32, #tpu.memory_space<vmem>> -> memref<104x64xf32, #tpu.memory_space<vmem>>
      %dma_wait3A_591 = arith.constant 0 : i32
      %dma_wait3A_592 = tpu.memref_slice %arg6[%dma_wait3A_584, %dma_wait3A_585, %dma_wait3A_591] : memref<2x8x104xi32, #tpu.memory_space<vmem>> -> memref<1x1x104xi32, #tpu.memory_space<vmem>>
      %dma_wait3A_593 = tpu.memref_squeeze %dma_wait3A_592 : memref<1x1x104xi32, #tpu.memory_space<vmem>> -> memref<104xi32, #tpu.memory_space<vmem>>
      %dma_wait3A_594 = arith.constant 0 : i32
      %dma_wait3A_595 = arith.constant 0 : i32
      %dma_wait3A_596 = tpu.memref_slice %arg4[%dma_wait3A_594, %dma_wait3A_595] : memref<1015808x64xf32, #tpu.memory_space<hbm>> -> memref<1015808x64xf32, #tpu.memory_space<hbm>>
      tpu.wait_indirect_dma semaphore(%arg10 : memref<!tpu.dma_semaphore, #tpu.memory_space<semaphore_mem>>) src(%dma_wait3A_596 : memref<1015808x64xf32, #tpu.memory_space<hbm>>) dst(%dma_wait3A_590 : memref<104x64xf32, #tpu.memory_space<vmem>>)
      %dma_wait3A_597 = arith.constant 0 : i32
      %dma_wait3A_598 = arith.constant 3 : i32
      %dma_wait3A_599 = arith.constant 0 : i32
      %dma_wait3A_600 = arith.constant 312 : i32
      %dma_wait3A_601 = arith.constant 0 : i32
      %dma_wait3A_602 = tpu.memref_slice %arg7[%dma_wait3A_599, %dma_wait3A_600, %dma_wait3A_601] : memref<2x832x64xf32, #tpu.memory_space<vmem>> -> memref<1x104x64xf32, #tpu.memory_space<vmem>>
      %dma_wait3A_603 = tpu.memref_squeeze %dma_wait3A_602 : memref<1x104x64xf32, #tpu.memory_space<vmem>> -> memref<104x64xf32, #tpu.memory_space<vmem>>
      %dma_wait3A_604 = arith.constant 0 : i32
      %dma_wait3A_605 = tpu.memref_slice %arg6[%dma_wait3A_597, %dma_wait3A_598, %dma_wait3A_604] : memref<2x8x104xi32, #tpu.memory_space<vmem>> -> memref<1x1x104xi32, #tpu.memory_space<vmem>>
      %dma_wait3A_606 = tpu.memref_squeeze %dma_wait3A_605 : memref<1x1x104xi32, #tpu.memory_space<vmem>> -> memref<104xi32, #tpu.memory_space<vmem>>
      %dma_wait3A_607 = arith.constant 0 : i32
      %dma_wait3A_608 = arith.constant 0 : i32
      %dma_wait3A_609 = tpu.memref_slice %arg4[%dma_wait3A_607, %dma_wait3A_608] : memref<1015808x64xf32, #tpu.memory_space<hbm>> -> memref<1015808x64xf32, #tpu.memory_space<hbm>>
      tpu.wait_indirect_dma semaphore(%arg10 : memref<!tpu.dma_semaphore, #tpu.memory_space<semaphore_mem>>) src(%dma_wait3A_609 : memref<1015808x64xf32, #tpu.memory_space<hbm>>) dst(%dma_wait3A_603 : memref<104x64xf32, #tpu.memory_space<vmem>>)
      %dma_wait3A_610 = arith.constant 0 : i32
      %dma_wait3A_611 = arith.constant 4 : i32
      %dma_wait3A_612 = arith.constant 0 : i32
      %dma_wait3A_613 = arith.constant 416 : i32
      %dma_wait3A_614 = arith.constant 0 : i32
      %dma_wait3A_615 = tpu.memref_slice %arg7[%dma_wait3A_612, %dma_wait3A_613, %dma_wait3A_614] : memref<2x832x64xf32, #tpu.memory_space<vmem>> -> memref<1x104x64xf32, #tpu.memory_space<vmem>>
      %dma_wait3A_616 = tpu.memref_squeeze %dma_wait3A_615 : memref<1x104x64xf32, #tpu.memory_space<vmem>> -> memref<104x64xf32, #tpu.memory_space<vmem>>
      %dma_wait3A_617 = arith.constant 0 : i32
      %dma_wait3A_618 = tpu.memref_slice %arg6[%dma_wait3A_610, %dma_wait3A_611, %dma_wait3A_617] : memref<2x8x104xi32, #tpu.memory_space<vmem>> -> memref<1x1x104xi32, #tpu.memory_space<vmem>>
      %dma_wait3A_619 = tpu.memref_squeeze %dma_wait3A_618 : memref<1x1x104xi32, #tpu.memory_space<vmem>> -> memref<104xi32, #tpu.memory_space<vmem>>
      %dma_wait3A_620 = arith.constant 0 : i32
      %dma_wait3A_621 = arith.constant 0 : i32
      %dma_wait3A_622 = tpu.memref_slice %arg4[%dma_wait3A_620, %dma_wait3A_621] : memref<1015808x64xf32, #tpu.memory_space<hbm>> -> memref<1015808x64xf32, #tpu.memory_space<hbm>>
      tpu.wait_indirect_dma semaphore(%arg10 : memref<!tpu.dma_semaphore, #tpu.memory_space<semaphore_mem>>) src(%dma_wait3A_622 : memref<1015808x64xf32, #tpu.memory_space<hbm>>) dst(%dma_wait3A_616 : memref<104x64xf32, #tpu.memory_space<vmem>>)
      %dma_wait3A_623 = arith.constant 0 : i32
      %dma_wait3A_624 = arith.constant 5 : i32
      %dma_wait3A_625 = arith.constant 0 : i32
      %dma_wait3A_626 = arith.constant 520 : i32
      %dma_wait3A_627 = arith.constant 0 : i32
      %dma_wait3A_628 = tpu.memref_slice %arg7[%dma_wait3A_625, %dma_wait3A_626, %dma_wait3A_627] : memref<2x832x64xf32, #tpu.memory_space<vmem>> -> memref<1x104x64xf32, #tpu.memory_space<vmem>>
      %dma_wait3A_629 = tpu.memref_squeeze %dma_wait3A_628 : memref<1x104x64xf32, #tpu.memory_space<vmem>> -> memref<104x64xf32, #tpu.memory_space<vmem>>
      %dma_wait3A_630 = arith.constant 0 : i32
      %dma_wait3A_631 = tpu.memref_slice %arg6[%dma_wait3A_623, %dma_wait3A_624, %dma_wait3A_630] : memref<2x8x104xi32, #tpu.memory_space<vmem>> -> memref<1x1x104xi32, #tpu.memory_space<vmem>>
      %dma_wait3A_632 = tpu.memref_squeeze %dma_wait3A_631 : memref<1x1x104xi32, #tpu.memory_space<vmem>> -> memref<104xi32, #tpu.memory_space<vmem>>
      %dma_wait3A_633 = arith.constant 0 : i32
      %dma_wait3A_634 = arith.constant 0 : i32
      %dma_wait3A_635 = tpu.memref_slice %arg4[%dma_wait3A_633, %dma_wait3A_634] : memref<1015808x64xf32, #tpu.memory_space<hbm>> -> memref<1015808x64xf32, #tpu.memory_space<hbm>>
      tpu.wait_indirect_dma semaphore(%arg10 : memref<!tpu.dma_semaphore, #tpu.memory_space<semaphore_mem>>) src(%dma_wait3A_635 : memref<1015808x64xf32, #tpu.memory_space<hbm>>) dst(%dma_wait3A_629 : memref<104x64xf32, #tpu.memory_space<vmem>>)
      %dma_wait3A_636 = arith.constant 0 : i32
      %dma_wait3A_637 = arith.constant 6 : i32
      %dma_wait3A_638 = arith.constant 0 : i32
      %dma_wait3A_639 = arith.constant 624 : i32
      %dma_wait3A_640 = arith.constant 0 : i32
      %dma_wait3A_641 = tpu.memref_slice %arg7[%dma_wait3A_638, %dma_wait3A_639, %dma_wait3A_640] : memref<2x832x64xf32, #tpu.memory_space<vmem>> -> memref<1x104x64xf32, #tpu.memory_space<vmem>>
      %dma_wait3A_642 = tpu.memref_squeeze %dma_wait3A_641 : memref<1x104x64xf32, #tpu.memory_space<vmem>> -> memref<104x64xf32, #tpu.memory_space<vmem>>
      %dma_wait3A_643 = arith.constant 0 : i32
      %dma_wait3A_644 = tpu.memref_slice %arg6[%dma_wait3A_636, %dma_wait3A_637, %dma_wait3A_643] : memref<2x8x104xi32, #tpu.memory_space<vmem>> -> memref<1x1x104xi32, #tpu.memory_space<vmem>>
      %dma_wait3A_645 = tpu.memref_squeeze %dma_wait3A_644 : memref<1x1x104xi32, #tpu.memory_space<vmem>> -> memref<104xi32, #tpu.memory_space<vmem>>
      %dma_wait3A_646 = arith.constant 0 : i32
      %dma_wait3A_647 = arith.constant 0 : i32
      %dma_wait3A_648 = tpu.memref_slice %arg4[%dma_wait3A_646, %dma_wait3A_647] : memref<1015808x64xf32, #tpu.memory_space<hbm>> -> memref<1015808x64xf32, #tpu.memory_space<hbm>>
      tpu.wait_indirect_dma semaphore(%arg10 : memref<!tpu.dma_semaphore, #tpu.memory_space<semaphore_mem>>) src(%dma_wait3A_648 : memref<1015808x64xf32, #tpu.memory_space<hbm>>) dst(%dma_wait3A_642 : memref<104x64xf32, #tpu.memory_space<vmem>>)
      %dma_wait3A_649 = arith.constant 0 : i32
      %dma_wait3A_650 = arith.constant 7 : i32
      %dma_wait3A_651 = arith.constant 0 : i32
      %dma_wait3A_652 = arith.constant 728 : i32
      %dma_wait3A_653 = arith.constant 0 : i32
      %dma_wait3A_654 = tpu.memref_slice %arg7[%dma_wait3A_651, %dma_wait3A_652, %dma_wait3A_653] : memref<2x832x64xf32, #tpu.memory_space<vmem>> -> memref<1x104x64xf32, #tpu.memory_space<vmem>>
      %dma_wait3A_655 = tpu.memref_squeeze %dma_wait3A_654 : memref<1x104x64xf32, #tpu.memory_space<vmem>> -> memref<104x64xf32, #tpu.memory_space<vmem>>
      %dma_wait3A_656 = arith.constant 0 : i32
      %dma_wait3A_657 = tpu.memref_slice %arg6[%dma_wait3A_649, %dma_wait3A_650, %dma_wait3A_656] : memref<2x8x104xi32, #tpu.memory_space<vmem>> -> memref<1x1x104xi32, #tpu.memory_space<vmem>>
      %dma_wait3A_658 = tpu.memref_squeeze %dma_wait3A_657 : memref<1x1x104xi32, #tpu.memory_space<vmem>> -> memref<104xi32, #tpu.memory_space<vmem>>
      %dma_wait3A_659 = arith.constant 0 : i32
      %dma_wait3A_660 = arith.constant 0 : i32
      %dma_wait3A_661 = tpu.memref_slice %arg4[%dma_wait3A_659, %dma_wait3A_660] : memref<1015808x64xf32, #tpu.memory_space<hbm>> -> memref<1015808x64xf32, #tpu.memory_space<hbm>>
      tpu.wait_indirect_dma semaphore(%arg10 : memref<!tpu.dma_semaphore, #tpu.memory_space<semaphore_mem>>) src(%dma_wait3A_661 : memref<1015808x64xf32, #tpu.memory_space<hbm>>) dst(%dma_wait3A_655 : memref<104x64xf32, #tpu.memory_space<vmem>>)
      %mul3A_662 = arith.constant 32 : i32
      %mul3A_663 = arith.muli %mul3A_447, %mul3A_662 : i32
      %add3A_664 = arith.addi %mul3A_2, %mul3A_663 : i32
      "tpu.region"() ({
        %run_scoped3A_896 = tpu.sem_alloc : memref<!tpu.dma_semaphore, #tpu.memory_space<semaphore_mem>>
        %dma_start3A_897 = arith.constant 0 : i32
        %dma_start3A_898 = tpu.memref_slice %arg3[%add3A_664, %dma_start3A_897] : memref<51200x16xf32, #tpu.memory_space<hbm>> -> memref<32x16xf32, #tpu.memory_space<hbm>>
        %dma_start3A_899 = arith.constant 0 : i32
        %dma_start3A_900 = tpu.memref_slice %arg3[%add3A_664, %dma_start3A_899] : memref<51200x16xf32, #tpu.memory_space<hbm>> -> memref<32x16xf32, #tpu.memory_space<hbm>>
        tpu.enqueue_dma source(%dma_start3A_900 : memref<32x16xf32, #tpu.memory_space<hbm>>) target(%arg8 : memref<32x16xf32, #tpu.memory_space<vmem>>) target_semaphore(%run_scoped3A_896 : memref<!tpu.dma_semaphore, #tpu.memory_space<semaphore_mem>>)
        %dma_wait3A_901 = arith.constant 0 : i32
        %dma_wait3A_902 = tpu.memref_slice %arg3[%add3A_664, %dma_wait3A_901] : memref<51200x16xf32, #tpu.memory_space<hbm>> -> memref<32x16xf32, #tpu.memory_space<hbm>>
        %dma_wait3A_903 = arith.constant 0 : i32
        %dma_wait3A_904 = tpu.memref_slice %arg3[%add3A_664, %dma_wait3A_903] : memref<51200x16xf32, #tpu.memory_space<hbm>> -> memref<32x16xf32, #tpu.memory_space<hbm>>
        tpu.wait_dma2 semaphore(%run_scoped3A_896 : memref<!tpu.dma_semaphore, #tpu.memory_space<semaphore_mem>>) src(%dma_wait3A_904 : memref<32x16xf32, #tpu.memory_space<hbm>>) dst(%arg8 : memref<32x16xf32, #tpu.memory_space<vmem>>)
        tpu.yield
      }) : () -> ()
      %scan3A_665 = arith.constant 0 : i32
      %scan3A_666 = arith.constant 0 : i32
      %scan3A_667 = arith.constant 32 : i32
      %scan3A_668 = arith.addi %scan3A_666, %scan3A_667 : i32
      %scan3A_669 = arith.constant 1 : i32
      scf.for %scan3A_896 = %scan3A_666 to %scan3A_668 step %scan3A_669  : i32 {
        %mul3A_897 = arith.constant 26 : i32
        %mul3A_898 = arith.muli %scan3A_896, %mul3A_897 : i32
        %get3A = arith.constant 0 : i32
        %get3A_899 = arith.index_cast %get3A : i32 to index
        %get3A_900 = arith.index_cast %mul3A_898 : i32 to index
        %get3A_901 = arith.constant 0 : index
        %get3A_902 = tpu.vector_load %arg7[%get3A_899, %get3A_900, %get3A_901] {strides = array<i32>} : memref<2x832x64xf32, #tpu.memory_space<vmem>>, vector<1x1x16xf32>,
        %get3A_903 = vector.shape_cast %get3A_902 : vector<1x1x16xf32> to vector<16xf32>
        %get3A_904 = arith.constant 0 : i32
        %get3A_905 = arith.index_cast %get3A_904 : i32 to index
        %get3A_906 = arith.index_cast %mul3A_898 : i32 to index
        %get3A_907 = arith.constant 16 : index
        %get3A_908 = tpu.vector_load %arg7[%get3A_905, %get3A_906, %get3A_907] {strides = array<i32>} : memref<2x832x64xf32, #tpu.memory_space<vmem>>, vector<1x1x16xf32>,
        %get3A_909 = vector.shape_cast %get3A_908 : vector<1x1x16xf32> to vector<16xf32>
        %get3A_910 = arith.constant 0 : i32
        %get3A_911 = arith.index_cast %get3A_910 : i32 to index
        %get3A_912 = arith.index_cast %mul3A_898 : i32 to index
        %get3A_913 = arith.constant 32 : index
        %get3A_914 = tpu.vector_load %arg7[%get3A_911, %get3A_912, %get3A_913] {strides = array<i32>} : memref<2x832x64xf32, #tpu.memory_space<vmem>>, vector<1x1x16xf32>,
        %get3A_915 = vector.shape_cast %get3A_914 : vector<1x1x16xf32> to vector<16xf32>
        %get3A_916 = arith.constant 0 : i32
        %get3A_917 = arith.index_cast %get3A_916 : i32 to index
        %get3A_918 = arith.index_cast %mul3A_898 : i32 to index
        %get3A_919 = arith.constant 48 : index
        %get3A_920 = tpu.vector_load %arg7[%get3A_917, %get3A_918, %get3A_919] {strides = array<i32>} : memref<2x832x64xf32, #tpu.memory_space<vmem>>, vector<1x1x16xf32>,
        %get3A_921 = vector.shape_cast %get3A_920 : vector<1x1x16xf32> to vector<16xf32>
        %add3A_922 = arith.constant 1 : i32
        %add3A_923 = arith.addi %mul3A_898, %add3A_922 : i32
        %get3A_924 = arith.constant 0 : i32
        %get3A_925 = arith.index_cast %get3A_924 : i32 to index
        %get3A_926 = arith.index_cast %add3A_923 : i32 to index
        %get3A_927 = arith.constant 0 : index
        %get3A_928 = tpu.vector_load %arg7[%get3A_925, %get3A_926, %get3A_927] {strides = array<i32>} : memref<2x832x64xf32, #tpu.memory_space<vmem>>, vector<1x1x16xf32>,
        %get3A_929 = vector.shape_cast %get3A_928 : vector<1x1x16xf32> to vector<16xf32>
        %add3A_930 = arith.addf %get3A_903, %get3A_929 : vector<16xf32>
        %add3A_931 = arith.constant 1 : i32
        %add3A_932 = arith.addi %mul3A_898, %add3A_931 : i32
        %get3A_933 = arith.constant 0 : i32
        %get3A_934 = arith.index_cast %get3A_933 : i32 to index
        %get3A_935 = arith.index_cast %add3A_932 : i32 to index
        %get3A_936 = arith.constant 16 : index
        %get3A_937 = tpu.vector_load %arg7[%get3A_934, %get3A_935, %get3A_936] {strides = array<i32>} : memref<2x832x64xf32, #tpu.memory_space<vmem>>, vector<1x1x16xf32>,
        %get3A_938 = vector.shape_cast %get3A_937 : vector<1x1x16xf32> to vector<16xf32>
        %add3A_939 = arith.addf %get3A_909, %get3A_938 : vector<16xf32>
        %add3A_940 = arith.constant 1 : i32
        %add3A_941 = arith.addi %mul3A_898, %add3A_940 : i32
        %get3A_942 = arith.constant 0 : i32
        %get3A_943 = arith.index_cast %get3A_942 : i32 to index
        %get3A_944 = arith.index_cast %add3A_941 : i32 to index
        %get3A_945 = arith.constant 32 : index
        %get3A_946 = tpu.vector_load %arg7[%get3A_943, %get3A_944, %get3A_945] {strides = array<i32>} : memref<2x832x64xf32, #tpu.memory_space<vmem>>, vector<1x1x16xf32>,
        %get3A_947 = vector.shape_cast %get3A_946 : vector<1x1x16xf32> to vector<16xf32>
        %add3A_948 = arith.addf %get3A_915, %get3A_947 : vector<16xf32>
        %add3A_949 = arith.constant 1 : i32
        %add3A_950 = arith.addi %mul3A_898, %add3A_949 : i32
        %get3A_951 = arith.constant 0 : i32
        %get3A_952 = arith.index_cast %get3A_951 : i32 to index
        %get3A_953 = arith.index_cast %add3A_950 : i32 to index
        %get3A_954 = arith.constant 48 : index
        %get3A_955 = tpu.vector_load %arg7[%get3A_952, %get3A_953, %get3A_954] {strides = array<i32>} : memref<2x832x64xf32, #tpu.memory_space<vmem>>, vector<1x1x16xf32>,
        %get3A_956 = vector.shape_cast %get3A_955 : vector<1x1x16xf32> to vector<16xf32>
        %add3A_957 = arith.addf %get3A_921, %get3A_956 : vector<16xf32>
        %add3A_958 = arith.constant 2 : i32
        %add3A_959 = arith.addi %mul3A_898, %add3A_958 : i32
        %get3A_960 = arith.constant 0 : i32
        %get3A_961 = arith.index_cast %get3A_960 : i32 to index
        %get3A_962 = arith.index_cast %add3A_959 : i32 to index
        %get3A_963 = arith.constant 0 : index
        %get3A_964 = tpu.vector_load %arg7[%get3A_961, %get3A_962, %get3A_963] {strides = array<i32>} : memref<2x832x64xf32, #tpu.memory_space<vmem>>, vector<1x1x16xf32>,
        %get3A_965 = vector.shape_cast %get3A_964 : vector<1x1x16xf32> to vector<16xf32>
        %add3A_966 = arith.addf %add3A_930, %get3A_965 : vector<16xf32>
        %add3A_967 = arith.constant 2 : i32
        %add3A_968 = arith.addi %mul3A_898, %add3A_967 : i32
        %get3A_969 = arith.constant 0 : i32
        %get3A_970 = arith.index_cast %get3A_969 : i32 to index
        %get3A_971 = arith.index_cast %add3A_968 : i32 to index
        %get3A_972 = arith.constant 16 : index
        %get3A_973 = tpu.vector_load %arg7[%get3A_970, %get3A_971, %get3A_972] {strides = array<i32>} : memref<2x832x64xf32, #tpu.memory_space<vmem>>, vector<1x1x16xf32>,
        %get3A_974 = vector.shape_cast %get3A_973 : vector<1x1x16xf32> to vector<16xf32>
        %add3A_975 = arith.addf %add3A_939, %get3A_974 : vector<16xf32>
        %add3A_976 = arith.constant 2 : i32
        %add3A_977 = arith.addi %mul3A_898, %add3A_976 : i32
        %get3A_978 = arith.constant 0 : i32
        %get3A_979 = arith.index_cast %get3A_978 : i32 to index
        %get3A_980 = arith.index_cast %add3A_977 : i32 to index
        %get3A_981 = arith.constant 32 : index
        %get3A_982 = tpu.vector_load %arg7[%get3A_979, %get3A_980, %get3A_981] {strides = array<i32>} : memref<2x832x64xf32, #tpu.memory_space<vmem>>, vector<1x1x16xf32>,
        %get3A_983 = vector.shape_cast %get3A_982 : vector<1x1x16xf32> to vector<16xf32>
        %add3A_984 = arith.addf %add3A_948, %get3A_983 : vector<16xf32>
        %add3A_985 = arith.constant 2 : i32
        %add3A_986 = arith.addi %mul3A_898, %add3A_985 : i32
        %get3A_987 = arith.constant 0 : i32
        %get3A_988 = arith.index_cast %get3A_987 : i32 to index
        %get3A_989 = arith.index_cast %add3A_986 : i32 to index
        %get3A_990 = arith.constant 48 : index
        %get3A_991 = tpu.vector_load %arg7[%get3A_988, %get3A_989, %get3A_990] {strides = array<i32>} : memref<2x832x64xf32, #tpu.memory_space<vmem>>, vector<1x1x16xf32>,
        %get3A_992 = vector.shape_cast %get3A_991 : vector<1x1x16xf32> to vector<16xf32>
        %add3A_993 = arith.addf %add3A_957, %get3A_992 : vector<16xf32>
        %add3A_994 = arith.constant 3 : i32
        %add3A_995 = arith.addi %mul3A_898, %add3A_994 : i32
        %get3A_996 = arith.constant 0 : i32
        %get3A_997 = arith.index_cast %get3A_996 : i32 to index
        %get3A_998 = arith.index_cast %add3A_995 : i32 to index
        %get3A_999 = arith.constant 0 : index
        %get3A_1000 = tpu.vector_load %arg7[%get3A_997, %get3A_998, %get3A_999] {strides = array<i32>} : memref<2x832x64xf32, #tpu.memory_space<vmem>>, vector<1x1x16xf32>,
        %get3A_1001 = vector.shape_cast %get3A_1000 : vector<1x1x16xf32> to vector<16xf32>
        %add3A_1002 = arith.addf %add3A_966, %get3A_1001 : vector<16xf32>
        %add3A_1003 = arith.constant 3 : i32
        %add3A_1004 = arith.addi %mul3A_898, %add3A_1003 : i32
        %get3A_1005 = arith.constant 0 : i32
        %get3A_1006 = arith.index_cast %get3A_1005 : i32 to index
        %get3A_1007 = arith.index_cast %add3A_1004 : i32 to index
        %get3A_1008 = arith.constant 16 : index
        %get3A_1009 = tpu.vector_load %arg7[%get3A_1006, %get3A_1007, %get3A_1008] {strides = array<i32>} : memref<2x832x64xf32, #tpu.memory_space<vmem>>, vector<1x1x16xf32>,
        %get3A_1010 = vector.shape_cast %get3A_1009 : vector<1x1x16xf32> to vector<16xf32>
        %add3A_1011 = arith.addf %add3A_975, %get3A_1010 : vector<16xf32>
        %add3A_1012 = arith.constant 3 : i32
        %add3A_1013 = arith.addi %mul3A_898, %add3A_1012 : i32
        %get3A_1014 = arith.constant 0 : i32
        %get3A_1015 = arith.index_cast %get3A_1014 : i32 to index
        %get3A_1016 = arith.index_cast %add3A_1013 : i32 to index
        %get3A_1017 = arith.constant 32 : index
        %get3A_1018 = tpu.vector_load %arg7[%get3A_1015, %get3A_1016, %get3A_1017] {strides = array<i32>} : memref<2x832x64xf32, #tpu.memory_space<vmem>>, vector<1x1x16xf32>,
        %get3A_1019 = vector.shape_cast %get3A_1018 : vector<1x1x16xf32> to vector<16xf32>
        %add3A_1020 = arith.addf %add3A_984, %get3A_1019 : vector<16xf32>
        %add3A_1021 = arith.constant 3 : i32
        %add3A_1022 = arith.addi %mul3A_898, %add3A_1021 : i32
        %get3A_1023 = arith.constant 0 : i32
        %get3A_1024 = arith.index_cast %get3A_1023 : i32 to index
        %get3A_1025 = arith.index_cast %add3A_1022 : i32 to index
        %get3A_1026 = arith.constant 48 : index
        %get3A_1027 = tpu.vector_load %arg7[%get3A_1024, %get3A_1025, %get3A_1026] {strides = array<i32>} : memref<2x832x64xf32, #tpu.memory_space<vmem>>, vector<1x1x16xf32>,
        %get3A_1028 = vector.shape_cast %get3A_1027 : vector<1x1x16xf32> to vector<16xf32>
        %add3A_1029 = arith.addf %add3A_993, %get3A_1028 : vector<16xf32>
        %add3A_1030 = arith.constant 4 : i32
        %add3A_1031 = arith.addi %mul3A_898, %add3A_1030 : i32
        %get3A_1032 = arith.constant 0 : i32
        %get3A_1033 = arith.index_cast %get3A_1032 : i32 to index
        %get3A_1034 = arith.index_cast %add3A_1031 : i32 to index
        %get3A_1035 = arith.constant 0 : index
        %get3A_1036 = tpu.vector_load %arg7[%get3A_1033, %get3A_1034, %get3A_1035] {strides = array<i32>} : memref<2x832x64xf32, #tpu.memory_space<vmem>>, vector<1x1x16xf32>,
        %get3A_1037 = vector.shape_cast %get3A_1036 : vector<1x1x16xf32> to vector<16xf32>
        %add3A_1038 = arith.addf %add3A_1002, %get3A_1037 : vector<16xf32>
        %add3A_1039 = arith.constant 4 : i32
        %add3A_1040 = arith.addi %mul3A_898, %add3A_1039 : i32
        %get3A_1041 = arith.constant 0 : i32
        %get3A_1042 = arith.index_cast %get3A_1041 : i32 to index
        %get3A_1043 = arith.index_cast %add3A_1040 : i32 to index
        %get3A_1044 = arith.constant 16 : index
        %get3A_1045 = tpu.vector_load %arg7[%get3A_1042, %get3A_1043, %get3A_1044] {strides = array<i32>} : memref<2x832x64xf32, #tpu.memory_space<vmem>>, vector<1x1x16xf32>,
        %get3A_1046 = vector.shape_cast %get3A_1045 : vector<1x1x16xf32> to vector<16xf32>
        %add3A_1047 = arith.addf %add3A_1011, %get3A_1046 : vector<16xf32>
        %add3A_1048 = arith.constant 4 : i32
        %add3A_1049 = arith.addi %mul3A_898, %add3A_1048 : i32
        %get3A_1050 = arith.constant 0 : i32
        %get3A_1051 = arith.index_cast %get3A_1050 : i32 to index
        %get3A_1052 = arith.index_cast %add3A_1049 : i32 to index
        %get3A_1053 = arith.constant 32 : index
        %get3A_1054 = tpu.vector_load %arg7[%get3A_1051, %get3A_1052, %get3A_1053] {strides = array<i32>} : memref<2x832x64xf32, #tpu.memory_space<vmem>>, vector<1x1x16xf32>,
        %get3A_1055 = vector.shape_cast %get3A_1054 : vector<1x1x16xf32> to vector<16xf32>
        %add3A_1056 = arith.addf %add3A_1020, %get3A_1055 : vector<16xf32>
        %add3A_1057 = arith.constant 4 : i32
        %add3A_1058 = arith.addi %mul3A_898, %add3A_1057 : i32
        %get3A_1059 = arith.constant 0 : i32
        %get3A_1060 = arith.index_cast %get3A_1059 : i32 to index
        %get3A_1061 = arith.index_cast %add3A_1058 : i32 to index
        %get3A_1062 = arith.constant 48 : index
        %get3A_1063 = tpu.vector_load %arg7[%get3A_1060, %get3A_1061, %get3A_1062] {strides = array<i32>} : memref<2x832x64xf32, #tpu.memory_space<vmem>>, vector<1x1x16xf32>,
        %get3A_1064 = vector.shape_cast %get3A_1063 : vector<1x1x16xf32> to vector<16xf32>
        %add3A_1065 = arith.addf %add3A_1029, %get3A_1064 : vector<16xf32>
        %add3A_1066 = arith.constant 5 : i32
        %add3A_1067 = arith.addi %mul3A_898, %add3A_1066 : i32
        %get3A_1068 = arith.constant 0 : i32
        %get3A_1069 = arith.index_cast %get3A_1068 : i32 to index
        %get3A_1070 = arith.index_cast %add3A_1067 : i32 to index
        %get3A_1071 = arith.constant 0 : index
        %get3A_1072 = tpu.vector_load %arg7[%get3A_1069, %get3A_1070, %get3A_1071] {strides = array<i32>} : memref<2x832x64xf32, #tpu.memory_space<vmem>>, vector<1x1x16xf32>,
        %get3A_1073 = vector.shape_cast %get3A_1072 : vector<1x1x16xf32> to vector<16xf32>
        %add3A_1074 = arith.addf %add3A_1038, %get3A_1073 : vector<16xf32>
        %add3A_1075 = arith.constant 5 : i32
        %add3A_1076 = arith.addi %mul3A_898, %add3A_1075 : i32
        %get3A_1077 = arith.constant 0 : i32
        %get3A_1078 = arith.index_cast %get3A_1077 : i32 to index
        %get3A_1079 = arith.index_cast %add3A_1076 : i32 to index
        %get3A_1080 = arith.constant 16 : index
        %get3A_1081 = tpu.vector_load %arg7[%get3A_1078, %get3A_1079, %get3A_1080] {strides = array<i32>} : memref<2x832x64xf32, #tpu.memory_space<vmem>>, vector<1x1x16xf32>,
        %get3A_1082 = vector.shape_cast %get3A_1081 : vector<1x1x16xf32> to vector<16xf32>
        %add3A_1083 = arith.addf %add3A_1047, %get3A_1082 : vector<16xf32>
        %add3A_1084 = arith.constant 5 : i32
        %add3A_1085 = arith.addi %mul3A_898, %add3A_1084 : i32
        %get3A_1086 = arith.constant 0 : i32
        %get3A_1087 = arith.index_cast %get3A_1086 : i32 to index
        %get3A_1088 = arith.index_cast %add3A_1085 : i32 to index
        %get3A_1089 = arith.constant 32 : index
        %get3A_1090 = tpu.vector_load %arg7[%get3A_1087, %get3A_1088, %get3A_1089] {strides = array<i32>} : memref<2x832x64xf32, #tpu.memory_space<vmem>>, vector<1x1x16xf32>,
        %get3A_1091 = vector.shape_cast %get3A_1090 : vector<1x1x16xf32> to vector<16xf32>
        %add3A_1092 = arith.addf %add3A_1056, %get3A_1091 : vector<16xf32>
        %add3A_1093 = arith.constant 5 : i32
        %add3A_1094 = arith.addi %mul3A_898, %add3A_1093 : i32
        %get3A_1095 = arith.constant 0 : i32
        %get3A_1096 = arith.index_cast %get3A_1095 : i32 to index
        %get3A_1097 = arith.index_cast %add3A_1094 : i32 to index
        %get3A_1098 = arith.constant 48 : index
        %get3A_1099 = tpu.vector_load %arg7[%get3A_1096, %get3A_1097, %get3A_1098] {strides = array<i32>} : memref<2x832x64xf32, #tpu.memory_space<vmem>>, vector<1x1x16xf32>,
        %get3A_1100 = vector.shape_cast %get3A_1099 : vector<1x1x16xf32> to vector<16xf32>
        %add3A_1101 = arith.addf %add3A_1065, %get3A_1100 : vector<16xf32>
        %add3A_1102 = arith.constant 6 : i32
        %add3A_1103 = arith.addi %mul3A_898, %add3A_1102 : i32
        %get3A_1104 = arith.constant 0 : i32
        %get3A_1105 = arith.index_cast %get3A_1104 : i32 to index
        %get3A_1106 = arith.index_cast %add3A_1103 : i32 to index
        %get3A_1107 = arith.constant 0 : index
        %get3A_1108 = tpu.vector_load %arg7[%get3A_1105, %get3A_1106, %get3A_1107] {strides = array<i32>} : memref<2x832x64xf32, #tpu.memory_space<vmem>>, vector<1x1x16xf32>,
        %get3A_1109 = vector.shape_cast %get3A_1108 : vector<1x1x16xf32> to vector<16xf32>
        %add3A_1110 = arith.addf %add3A_1074, %get3A_1109 : vector<16xf32>
        %add3A_1111 = arith.constant 6 : i32
        %add3A_1112 = arith.addi %mul3A_898, %add3A_1111 : i32
        %get3A_1113 = arith.constant 0 : i32
        %get3A_1114 = arith.index_cast %get3A_1113 : i32 to index
        %get3A_1115 = arith.index_cast %add3A_1112 : i32 to index
        %get3A_1116 = arith.constant 16 : index
        %get3A_1117 = tpu.vector_load %arg7[%get3A_1114, %get3A_1115, %get3A_1116] {strides = array<i32>} : memref<2x832x64xf32, #tpu.memory_space<vmem>>, vector<1x1x16xf32>,
        %get3A_1118 = vector.shape_cast %get3A_1117 : vector<1x1x16xf32> to vector<16xf32>
        %add3A_1119 = arith.addf %add3A_1083, %get3A_1118 : vector<16xf32>
        %add3A_1120 = arith.constant 6 : i32
        %add3A_1121 = arith.addi %mul3A_898, %add3A_1120 : i32
        %get3A_1122 = arith.constant 0 : i32
        %get3A_1123 = arith.index_cast %get3A_1122 : i32 to index
        %get3A_1124 = arith.index_cast %add3A_1121 : i32 to index
        %get3A_1125 = arith.constant 32 : index
        %get3A_1126 = tpu.vector_load %arg7[%get3A_1123, %get3A_1124, %get3A_1125] {strides = array<i32>} : memref<2x832x64xf32, #tpu.memory_space<vmem>>, vector<1x1x16xf32>,
        %get3A_1127 = vector.shape_cast %get3A_1126 : vector<1x1x16xf32> to vector<16xf32>
        %add3A_1128 = arith.addf %add3A_1092, %get3A_1127 : vector<16xf32>
        %add3A_1129 = arith.constant 6 : i32
        %add3A_1130 = arith.addi %mul3A_898, %add3A_1129 : i32
        %get3A_1131 = arith.constant 0 : i32
        %get3A_1132 = arith.index_cast %get3A_1131 : i32 to index
        %get3A_1133 = arith.index_cast %add3A_1130 : i32 to index
        %get3A_1134 = arith.constant 48 : index
        %get3A_1135 = tpu.vector_load %arg7[%get3A_1132, %get3A_1133, %get3A_1134] {strides = array<i32>} : memref<2x832x64xf32, #tpu.memory_space<vmem>>, vector<1x1x16xf32>,
        %get3A_1136 = vector.shape_cast %get3A_1135 : vector<1x1x16xf32> to vector<16xf32>
        %add3A_1137 = arith.addf %add3A_1101, %get3A_1136 : vector<16xf32>
        %add3A_1138 = arith.constant 7 : i32
        %add3A_1139 = arith.addi %mul3A_898, %add3A_1138 : i32
        %get3A_1140 = arith.constant 0 : i32
        %get3A_1141 = arith.index_cast %get3A_1140 : i32 to index
        %get3A_1142 = arith.index_cast %add3A_1139 : i32 to index
        %get3A_1143 = arith.constant 0 : index
        %get3A_1144 = tpu.vector_load %arg7[%get3A_1141, %get3A_1142, %get3A_1143] {strides = array<i32>} : memref<2x832x64xf32, #tpu.memory_space<vmem>>, vector<1x1x16xf32>,
        %get3A_1145 = vector.shape_cast %get3A_1144 : vector<1x1x16xf32> to vector<16xf32>
        %add3A_1146 = arith.addf %add3A_1110, %get3A_1145 : vector<16xf32>
        %add3A_1147 = arith.constant 7 : i32
        %add3A_1148 = arith.addi %mul3A_898, %add3A_1147 : i32
        %get3A_1149 = arith.constant 0 : i32
        %get3A_1150 = arith.index_cast %get3A_1149 : i32 to index
        %get3A_1151 = arith.index_cast %add3A_1148 : i32 to index
        %get3A_1152 = arith.constant 16 : index
        %get3A_1153 = tpu.vector_load %arg7[%get3A_1150, %get3A_1151, %get3A_1152] {strides = array<i32>} : memref<2x832x64xf32, #tpu.memory_space<vmem>>, vector<1x1x16xf32>,
        %get3A_1154 = vector.shape_cast %get3A_1153 : vector<1x1x16xf32> to vector<16xf32>
        %add3A_1155 = arith.addf %add3A_1119, %get3A_1154 : vector<16xf32>
        %add3A_1156 = arith.constant 7 : i32
        %add3A_1157 = arith.addi %mul3A_898, %add3A_1156 : i32
        %get3A_1158 = arith.constant 0 : i32
        %get3A_1159 = arith.index_cast %get3A_1158 : i32 to index
        %get3A_1160 = arith.index_cast %add3A_1157 : i32 to index
        %get3A_1161 = arith.constant 32 : index
        %get3A_1162 = tpu.vector_load %arg7[%get3A_1159, %get3A_1160, %get3A_1161] {strides = array<i32>} : memref<2x832x64xf32, #tpu.memory_space<vmem>>, vector<1x1x16xf32>,
        %get3A_1163 = vector.shape_cast %get3A_1162 : vector<1x1x16xf32> to vector<16xf32>
        %add3A_1164 = arith.addf %add3A_1128, %get3A_1163 : vector<16xf32>
        %add3A_1165 = arith.constant 7 : i32
        %add3A_1166 = arith.addi %mul3A_898, %add3A_1165 : i32
        %get3A_1167 = arith.constant 0 : i32
        %get3A_1168 = arith.index_cast %get3A_1167 : i32 to index
        %get3A_1169 = arith.index_cast %add3A_1166 : i32 to index
        %get3A_1170 = arith.constant 48 : index
        %get3A_1171 = tpu.vector_load %arg7[%get3A_1168, %get3A_1169, %get3A_1170] {strides = array<i32>} : memref<2x832x64xf32, #tpu.memory_space<vmem>>, vector<1x1x16xf32>,
        %get3A_1172 = vector.shape_cast %get3A_1171 : vector<1x1x16xf32> to vector<16xf32>
        %add3A_1173 = arith.addf %add3A_1137, %get3A_1172 : vector<16xf32>
        %add3A_1174 = arith.constant 8 : i32
        %add3A_1175 = arith.addi %mul3A_898, %add3A_1174 : i32
        %get3A_1176 = arith.constant 0 : i32
        %get3A_1177 = arith.index_cast %get3A_1176 : i32 to index
        %get3A_1178 = arith.index_cast %add3A_1175 : i32 to index
        %get3A_1179 = arith.constant 0 : index
        %get3A_1180 = tpu.vector_load %arg7[%get3A_1177, %get3A_1178, %get3A_1179] {strides = array<i32>} : memref<2x832x64xf32, #tpu.memory_space<vmem>>, vector<1x1x16xf32>,
        %get3A_1181 = vector.shape_cast %get3A_1180 : vector<1x1x16xf32> to vector<16xf32>
        %add3A_1182 = arith.addf %add3A_1146, %get3A_1181 : vector<16xf32>
        %add3A_1183 = arith.constant 8 : i32
        %add3A_1184 = arith.addi %mul3A_898, %add3A_1183 : i32
        %get3A_1185 = arith.constant 0 : i32
        %get3A_1186 = arith.index_cast %get3A_1185 : i32 to index
        %get3A_1187 = arith.index_cast %add3A_1184 : i32 to index
        %get3A_1188 = arith.constant 16 : index
        %get3A_1189 = tpu.vector_load %arg7[%get3A_1186, %get3A_1187, %get3A_1188] {strides = array<i32>} : memref<2x832x64xf32, #tpu.memory_space<vmem>>, vector<1x1x16xf32>,
        %get3A_1190 = vector.shape_cast %get3A_1189 : vector<1x1x16xf32> to vector<16xf32>
        %add3A_1191 = arith.addf %add3A_1155, %get3A_1190 : vector<16xf32>
        %add3A_1192 = arith.constant 8 : i32
        %add3A_1193 = arith.addi %mul3A_898, %add3A_1192 : i32
        %get3A_1194 = arith.constant 0 : i32
        %get3A_1195 = arith.index_cast %get3A_1194 : i32 to index
        %get3A_1196 = arith.index_cast %add3A_1193 : i32 to index
        %get3A_1197 = arith.constant 32 : index
        %get3A_1198 = tpu.vector_load %arg7[%get3A_1195, %get3A_1196, %get3A_1197] {strides = array<i32>} : memref<2x832x64xf32, #tpu.memory_space<vmem>>, vector<1x1x16xf32>,
        %get3A_1199 = vector.shape_cast %get3A_1198 : vector<1x1x16xf32> to vector<16xf32>
        %add3A_1200 = arith.addf %add3A_1164, %get3A_1199 : vector<16xf32>
        %add3A_1201 = arith.constant 8 : i32
        %add3A_1202 = arith.addi %mul3A_898, %add3A_1201 : i32
        %get3A_1203 = arith.constant 0 : i32
        %get3A_1204 = arith.index_cast %get3A_1203 : i32 to index
        %get3A_1205 = arith.index_cast %add3A_1202 : i32 to index
        %get3A_1206 = arith.constant 48 : index
        %get3A_1207 = tpu.vector_load %arg7[%get3A_1204, %get3A_1205, %get3A_1206] {strides = array<i32>} : memref<2x832x64xf32, #tpu.memory_space<vmem>>, vector<1x1x16xf32>,
        %get3A_1208 = vector.shape_cast %get3A_1207 : vector<1x1x16xf32> to vector<16xf32>
        %add3A_1209 = arith.addf %add3A_1173, %get3A_1208 : vector<16xf32>
        %add3A_1210 = arith.constant 9 : i32
        %add3A_1211 = arith.addi %mul3A_898, %add3A_1210 : i32
        %get3A_1212 = arith.constant 0 : i32
        %get3A_1213 = arith.index_cast %get3A_1212 : i32 to index
        %get3A_1214 = arith.index_cast %add3A_1211 : i32 to index
        %get3A_1215 = arith.constant 0 : index
        %get3A_1216 = tpu.vector_load %arg7[%get3A_1213, %get3A_1214, %get3A_1215] {strides = array<i32>} : memref<2x832x64xf32, #tpu.memory_space<vmem>>, vector<1x1x16xf32>,
        %get3A_1217 = vector.shape_cast %get3A_1216 : vector<1x1x16xf32> to vector<16xf32>
        %add3A_1218 = arith.addf %add3A_1182, %get3A_1217 : vector<16xf32>
        %add3A_1219 = arith.constant 9 : i32
        %add3A_1220 = arith.addi %mul3A_898, %add3A_1219 : i32
        %get3A_1221 = arith.constant 0 : i32
        %get3A_1222 = arith.index_cast %get3A_1221 : i32 to index
        %get3A_1223 = arith.index_cast %add3A_1220 : i32 to index
        %get3A_1224 = arith.constant 16 : index
        %get3A_1225 = tpu.vector_load %arg7[%get3A_1222, %get3A_1223, %get3A_1224] {strides = array<i32>} : memref<2x832x64xf32, #tpu.memory_space<vmem>>, vector<1x1x16xf32>,
        %get3A_1226 = vector.shape_cast %get3A_1225 : vector<1x1x16xf32> to vector<16xf32>
        %add3A_1227 = arith.addf %add3A_1191, %get3A_1226 : vector<16xf32>
        %add3A_1228 = arith.constant 9 : i32
        %add3A_1229 = arith.addi %mul3A_898, %add3A_1228 : i32
        %get3A_1230 = arith.constant 0 : i32
        %get3A_1231 = arith.index_cast %get3A_1230 : i32 to index
        %get3A_1232 = arith.index_cast %add3A_1229 : i32 to index
        %get3A_1233 = arith.constant 32 : index
        %get3A_1234 = tpu.vector_load %arg7[%get3A_1231, %get3A_1232, %get3A_1233] {strides = array<i32>} : memref<2x832x64xf32, #tpu.memory_space<vmem>>, vector<1x1x16xf32>,
        %get3A_1235 = vector.shape_cast %get3A_1234 : vector<1x1x16xf32> to vector<16xf32>
        %add3A_1236 = arith.addf %add3A_1200, %get3A_1235 : vector<16xf32>
        %add3A_1237 = arith.constant 9 : i32
        %add3A_1238 = arith.addi %mul3A_898, %add3A_1237 : i32
        %get3A_1239 = arith.constant 0 : i32
        %get3A_1240 = arith.index_cast %get3A_1239 : i32 to index
        %get3A_1241 = arith.index_cast %add3A_1238 : i32 to index
        %get3A_1242 = arith.constant 48 : index
        %get3A_1243 = tpu.vector_load %arg7[%get3A_1240, %get3A_1241, %get3A_1242] {strides = array<i32>} : memref<2x832x64xf32, #tpu.memory_space<vmem>>, vector<1x1x16xf32>,
        %get3A_1244 = vector.shape_cast %get3A_1243 : vector<1x1x16xf32> to vector<16xf32>
        %add3A_1245 = arith.addf %add3A_1209, %get3A_1244 : vector<16xf32>
        %add3A_1246 = arith.constant 10 : i32
        %add3A_1247 = arith.addi %mul3A_898, %add3A_1246 : i32
        %get3A_1248 = arith.constant 0 : i32
        %get3A_1249 = arith.index_cast %get3A_1248 : i32 to index
        %get3A_1250 = arith.index_cast %add3A_1247 : i32 to index
        %get3A_1251 = arith.constant 0 : index
        %get3A_1252 = tpu.vector_load %arg7[%get3A_1249, %get3A_1250, %get3A_1251] {strides = array<i32>} : memref<2x832x64xf32, #tpu.memory_space<vmem>>, vector<1x1x16xf32>,
        %get3A_1253 = vector.shape_cast %get3A_1252 : vector<1x1x16xf32> to vector<16xf32>
        %add3A_1254 = arith.addf %add3A_1218, %get3A_1253 : vector<16xf32>
        %add3A_1255 = arith.constant 10 : i32
        %add3A_1256 = arith.addi %mul3A_898, %add3A_1255 : i32
        %get3A_1257 = arith.constant 0 : i32
        %get3A_1258 = arith.index_cast %get3A_1257 : i32 to index
        %get3A_1259 = arith.index_cast %add3A_1256 : i32 to index
        %get3A_1260 = arith.constant 16 : index
        %get3A_1261 = tpu.vector_load %arg7[%get3A_1258, %get3A_1259, %get3A_1260] {strides = array<i32>} : memref<2x832x64xf32, #tpu.memory_space<vmem>>, vector<1x1x16xf32>,
        %get3A_1262 = vector.shape_cast %get3A_1261 : vector<1x1x16xf32> to vector<16xf32>
        %add3A_1263 = arith.addf %add3A_1227, %get3A_1262 : vector<16xf32>
        %add3A_1264 = arith.constant 10 : i32
        %add3A_1265 = arith.addi %mul3A_898, %add3A_1264 : i32
        %get3A_1266 = arith.constant 0 : i32
        %get3A_1267 = arith.index_cast %get3A_1266 : i32 to index
        %get3A_1268 = arith.index_cast %add3A_1265 : i32 to index
        %get3A_1269 = arith.constant 32 : index
        %get3A_1270 = tpu.vector_load %arg7[%get3A_1267, %get3A_1268, %get3A_1269] {strides = array<i32>} : memref<2x832x64xf32, #tpu.memory_space<vmem>>, vector<1x1x16xf32>,
        %get3A_1271 = vector.shape_cast %get3A_1270 : vector<1x1x16xf32> to vector<16xf32>
        %add3A_1272 = arith.addf %add3A_1236, %get3A_1271 : vector<16xf32>
        %add3A_1273 = arith.constant 10 : i32
        %add3A_1274 = arith.addi %mul3A_898, %add3A_1273 : i32
        %get3A_1275 = arith.constant 0 : i32
        %get3A_1276 = arith.index_cast %get3A_1275 : i32 to index
        %get3A_1277 = arith.index_cast %add3A_1274 : i32 to index
        %get3A_1278 = arith.constant 48 : index
        %get3A_1279 = tpu.vector_load %arg7[%get3A_1276, %get3A_1277, %get3A_1278] {strides = array<i32>} : memref<2x832x64xf32, #tpu.memory_space<vmem>>, vector<1x1x16xf32>,
        %get3A_1280 = vector.shape_cast %get3A_1279 : vector<1x1x16xf32> to vector<16xf32>
        %add3A_1281 = arith.addf %add3A_1245, %get3A_1280 : vector<16xf32>
        %add3A_1282 = arith.constant 11 : i32
        %add3A_1283 = arith.addi %mul3A_898, %add3A_1282 : i32
        %get3A_1284 = arith.constant 0 : i32
        %get3A_1285 = arith.index_cast %get3A_1284 : i32 to index
        %get3A_1286 = arith.index_cast %add3A_1283 : i32 to index
        %get3A_1287 = arith.constant 0 : index
        %get3A_1288 = tpu.vector_load %arg7[%get3A_1285, %get3A_1286, %get3A_1287] {strides = array<i32>} : memref<2x832x64xf32, #tpu.memory_space<vmem>>, vector<1x1x16xf32>,
        %get3A_1289 = vector.shape_cast %get3A_1288 : vector<1x1x16xf32> to vector<16xf32>
        %add3A_1290 = arith.addf %add3A_1254, %get3A_1289 : vector<16xf32>
        %add3A_1291 = arith.constant 11 : i32
        %add3A_1292 = arith.addi %mul3A_898, %add3A_1291 : i32
        %get3A_1293 = arith.constant 0 : i32
        %get3A_1294 = arith.index_cast %get3A_1293 : i32 to index
        %get3A_1295 = arith.index_cast %add3A_1292 : i32 to index
        %get3A_1296 = arith.constant 16 : index
        %get3A_1297 = tpu.vector_load %arg7[%get3A_1294, %get3A_1295, %get3A_1296] {strides = array<i32>} : memref<2x832x64xf32, #tpu.memory_space<vmem>>, vector<1x1x16xf32>,
        %get3A_1298 = vector.shape_cast %get3A_1297 : vector<1x1x16xf32> to vector<16xf32>
        %add3A_1299 = arith.addf %add3A_1263, %get3A_1298 : vector<16xf32>
        %add3A_1300 = arith.constant 11 : i32
        %add3A_1301 = arith.addi %mul3A_898, %add3A_1300 : i32
        %get3A_1302 = arith.constant 0 : i32
        %get3A_1303 = arith.index_cast %get3A_1302 : i32 to index
        %get3A_1304 = arith.index_cast %add3A_1301 : i32 to index
        %get3A_1305 = arith.constant 32 : index
        %get3A_1306 = tpu.vector_load %arg7[%get3A_1303, %get3A_1304, %get3A_1305] {strides = array<i32>} : memref<2x832x64xf32, #tpu.memory_space<vmem>>, vector<1x1x16xf32>,
        %get3A_1307 = vector.shape_cast %get3A_1306 : vector<1x1x16xf32> to vector<16xf32>
        %add3A_1308 = arith.addf %add3A_1272, %get3A_1307 : vector<16xf32>
        %add3A_1309 = arith.constant 11 : i32
        %add3A_1310 = arith.addi %mul3A_898, %add3A_1309 : i32
        %get3A_1311 = arith.constant 0 : i32
        %get3A_1312 = arith.index_cast %get3A_1311 : i32 to index
        %get3A_1313 = arith.index_cast %add3A_1310 : i32 to index
        %get3A_1314 = arith.constant 48 : index
        %get3A_1315 = tpu.vector_load %arg7[%get3A_1312, %get3A_1313, %get3A_1314] {strides = array<i32>} : memref<2x832x64xf32, #tpu.memory_space<vmem>>, vector<1x1x16xf32>,
        %get3A_1316 = vector.shape_cast %get3A_1315 : vector<1x1x16xf32> to vector<16xf32>
        %add3A_1317 = arith.addf %add3A_1281, %get3A_1316 : vector<16xf32>
        %add3A_1318 = arith.constant 12 : i32
        %add3A_1319 = arith.addi %mul3A_898, %add3A_1318 : i32
        %get3A_1320 = arith.constant 0 : i32
        %get3A_1321 = arith.index_cast %get3A_1320 : i32 to index
        %get3A_1322 = arith.index_cast %add3A_1319 : i32 to index
        %get3A_1323 = arith.constant 0 : index
        %get3A_1324 = tpu.vector_load %arg7[%get3A_1321, %get3A_1322, %get3A_1323] {strides = array<i32>} : memref<2x832x64xf32, #tpu.memory_space<vmem>>, vector<1x1x16xf32>,
        %get3A_1325 = vector.shape_cast %get3A_1324 : vector<1x1x16xf32> to vector<16xf32>
        %add3A_1326 = arith.addf %add3A_1290, %get3A_1325 : vector<16xf32>
        %add3A_1327 = arith.constant 12 : i32
        %add3A_1328 = arith.addi %mul3A_898, %add3A_1327 : i32
        %get3A_1329 = arith.constant 0 : i32
        %get3A_1330 = arith.index_cast %get3A_1329 : i32 to index
        %get3A_1331 = arith.index_cast %add3A_1328 : i32 to index
        %get3A_1332 = arith.constant 16 : index
        %get3A_1333 = tpu.vector_load %arg7[%get3A_1330, %get3A_1331, %get3A_1332] {strides = array<i32>} : memref<2x832x64xf32, #tpu.memory_space<vmem>>, vector<1x1x16xf32>,
        %get3A_1334 = vector.shape_cast %get3A_1333 : vector<1x1x16xf32> to vector<16xf32>
        %add3A_1335 = arith.addf %add3A_1299, %get3A_1334 : vector<16xf32>
        %add3A_1336 = arith.constant 12 : i32
        %add3A_1337 = arith.addi %mul3A_898, %add3A_1336 : i32
        %get3A_1338 = arith.constant 0 : i32
        %get3A_1339 = arith.index_cast %get3A_1338 : i32 to index
        %get3A_1340 = arith.index_cast %add3A_1337 : i32 to index
        %get3A_1341 = arith.constant 32 : index
        %get3A_1342 = tpu.vector_load %arg7[%get3A_1339, %get3A_1340, %get3A_1341] {strides = array<i32>} : memref<2x832x64xf32, #tpu.memory_space<vmem>>, vector<1x1x16xf32>,
        %get3A_1343 = vector.shape_cast %get3A_1342 : vector<1x1x16xf32> to vector<16xf32>
        %add3A_1344 = arith.addf %add3A_1308, %get3A_1343 : vector<16xf32>
        %add3A_1345 = arith.constant 12 : i32
        %add3A_1346 = arith.addi %mul3A_898, %add3A_1345 : i32
        %get3A_1347 = arith.constant 0 : i32
        %get3A_1348 = arith.index_cast %get3A_1347 : i32 to index
        %get3A_1349 = arith.index_cast %add3A_1346 : i32 to index
        %get3A_1350 = arith.constant 48 : index
        %get3A_1351 = tpu.vector_load %arg7[%get3A_1348, %get3A_1349, %get3A_1350] {strides = array<i32>} : memref<2x832x64xf32, #tpu.memory_space<vmem>>, vector<1x1x16xf32>,
        %get3A_1352 = vector.shape_cast %get3A_1351 : vector<1x1x16xf32> to vector<16xf32>
        %add3A_1353 = arith.addf %add3A_1317, %get3A_1352 : vector<16xf32>
        %add3A_1354 = arith.constant 13 : i32
        %add3A_1355 = arith.addi %mul3A_898, %add3A_1354 : i32
        %get3A_1356 = arith.constant 0 : i32
        %get3A_1357 = arith.index_cast %get3A_1356 : i32 to index
        %get3A_1358 = arith.index_cast %add3A_1355 : i32 to index
        %get3A_1359 = arith.constant 0 : index
        %get3A_1360 = tpu.vector_load %arg7[%get3A_1357, %get3A_1358, %get3A_1359] {strides = array<i32>} : memref<2x832x64xf32, #tpu.memory_space<vmem>>, vector<1x1x16xf32>,
        %get3A_1361 = vector.shape_cast %get3A_1360 : vector<1x1x16xf32> to vector<16xf32>
        %add3A_1362 = arith.addf %add3A_1326, %get3A_1361 : vector<16xf32>
        %add3A_1363 = arith.constant 13 : i32
        %add3A_1364 = arith.addi %mul3A_898, %add3A_1363 : i32
        %get3A_1365 = arith.constant 0 : i32
        %get3A_1366 = arith.index_cast %get3A_1365 : i32 to index
        %get3A_1367 = arith.index_cast %add3A_1364 : i32 to index
        %get3A_1368 = arith.constant 16 : index
        %get3A_1369 = tpu.vector_load %arg7[%get3A_1366, %get3A_1367, %get3A_1368] {strides = array<i32>} : memref<2x832x64xf32, #tpu.memory_space<vmem>>, vector<1x1x16xf32>,
        %get3A_1370 = vector.shape_cast %get3A_1369 : vector<1x1x16xf32> to vector<16xf32>
        %add3A_1371 = arith.addf %add3A_1335, %get3A_1370 : vector<16xf32>
        %add3A_1372 = arith.constant 13 : i32
        %add3A_1373 = arith.addi %mul3A_898, %add3A_1372 : i32
        %get3A_1374 = arith.constant 0 : i32
        %get3A_1375 = arith.index_cast %get3A_1374 : i32 to index
        %get3A_1376 = arith.index_cast %add3A_1373 : i32 to index
        %get3A_1377 = arith.constant 32 : index
        %get3A_1378 = tpu.vector_load %arg7[%get3A_1375, %get3A_1376, %get3A_1377] {strides = array<i32>} : memref<2x832x64xf32, #tpu.memory_space<vmem>>, vector<1x1x16xf32>,
        %get3A_1379 = vector.shape_cast %get3A_1378 : vector<1x1x16xf32> to vector<16xf32>
        %add3A_1380 = arith.addf %add3A_1344, %get3A_1379 : vector<16xf32>
        %add3A_1381 = arith.constant 13 : i32
        %add3A_1382 = arith.addi %mul3A_898, %add3A_1381 : i32
        %get3A_1383 = arith.constant 0 : i32
        %get3A_1384 = arith.index_cast %get3A_1383 : i32 to index
        %get3A_1385 = arith.index_cast %add3A_1382 : i32 to index
        %get3A_1386 = arith.constant 48 : index
        %get3A_1387 = tpu.vector_load %arg7[%get3A_1384, %get3A_1385, %get3A_1386] {strides = array<i32>} : memref<2x832x64xf32, #tpu.memory_space<vmem>>, vector<1x1x16xf32>,
        %get3A_1388 = vector.shape_cast %get3A_1387 : vector<1x1x16xf32> to vector<16xf32>
        %add3A_1389 = arith.addf %add3A_1353, %get3A_1388 : vector<16xf32>
        %add3A_1390 = arith.constant 14 : i32
        %add3A_1391 = arith.addi %mul3A_898, %add3A_1390 : i32
        %get3A_1392 = arith.constant 0 : i32
        %get3A_1393 = arith.index_cast %get3A_1392 : i32 to index
        %get3A_1394 = arith.index_cast %add3A_1391 : i32 to index
        %get3A_1395 = arith.constant 0 : index
        %get3A_1396 = tpu.vector_load %arg7[%get3A_1393, %get3A_1394, %get3A_1395] {strides = array<i32>} : memref<2x832x64xf32, #tpu.memory_space<vmem>>, vector<1x1x16xf32>,
        %get3A_1397 = vector.shape_cast %get3A_1396 : vector<1x1x16xf32> to vector<16xf32>
        %add3A_1398 = arith.addf %add3A_1362, %get3A_1397 : vector<16xf32>
        %add3A_1399 = arith.constant 14 : i32
        %add3A_1400 = arith.addi %mul3A_898, %add3A_1399 : i32
        %get3A_1401 = arith.constant 0 : i32
        %get3A_1402 = arith.index_cast %get3A_1401 : i32 to index
        %get3A_1403 = arith.index_cast %add3A_1400 : i32 to index
        %get3A_1404 = arith.constant 16 : index
        %get3A_1405 = tpu.vector_load %arg7[%get3A_1402, %get3A_1403, %get3A_1404] {strides = array<i32>} : memref<2x832x64xf32, #tpu.memory_space<vmem>>, vector<1x1x16xf32>,
        %get3A_1406 = vector.shape_cast %get3A_1405 : vector<1x1x16xf32> to vector<16xf32>
        %add3A_1407 = arith.addf %add3A_1371, %get3A_1406 : vector<16xf32>
        %add3A_1408 = arith.constant 14 : i32
        %add3A_1409 = arith.addi %mul3A_898, %add3A_1408 : i32
        %get3A_1410 = arith.constant 0 : i32
        %get3A_1411 = arith.index_cast %get3A_1410 : i32 to index
        %get3A_1412 = arith.index_cast %add3A_1409 : i32 to index
        %get3A_1413 = arith.constant 32 : index
        %get3A_1414 = tpu.vector_load %arg7[%get3A_1411, %get3A_1412, %get3A_1413] {strides = array<i32>} : memref<2x832x64xf32, #tpu.memory_space<vmem>>, vector<1x1x16xf32>,
        %get3A_1415 = vector.shape_cast %get3A_1414 : vector<1x1x16xf32> to vector<16xf32>
        %add3A_1416 = arith.addf %add3A_1380, %get3A_1415 : vector<16xf32>
        %add3A_1417 = arith.constant 14 : i32
        %add3A_1418 = arith.addi %mul3A_898, %add3A_1417 : i32
        %get3A_1419 = arith.constant 0 : i32
        %get3A_1420 = arith.index_cast %get3A_1419 : i32 to index
        %get3A_1421 = arith.index_cast %add3A_1418 : i32 to index
        %get3A_1422 = arith.constant 48 : index
        %get3A_1423 = tpu.vector_load %arg7[%get3A_1420, %get3A_1421, %get3A_1422] {strides = array<i32>} : memref<2x832x64xf32, #tpu.memory_space<vmem>>, vector<1x1x16xf32>,
        %get3A_1424 = vector.shape_cast %get3A_1423 : vector<1x1x16xf32> to vector<16xf32>
        %add3A_1425 = arith.addf %add3A_1389, %get3A_1424 : vector<16xf32>
        %add3A_1426 = arith.constant 15 : i32
        %add3A_1427 = arith.addi %mul3A_898, %add3A_1426 : i32
        %get3A_1428 = arith.constant 0 : i32
        %get3A_1429 = arith.index_cast %get3A_1428 : i32 to index
        %get3A_1430 = arith.index_cast %add3A_1427 : i32 to index
        %get3A_1431 = arith.constant 0 : index
        %get3A_1432 = tpu.vector_load %arg7[%get3A_1429, %get3A_1430, %get3A_1431] {strides = array<i32>} : memref<2x832x64xf32, #tpu.memory_space<vmem>>, vector<1x1x16xf32>,
        %get3A_1433 = vector.shape_cast %get3A_1432 : vector<1x1x16xf32> to vector<16xf32>
        %add3A_1434 = arith.addf %add3A_1398, %get3A_1433 : vector<16xf32>
        %add3A_1435 = arith.constant 15 : i32
        %add3A_1436 = arith.addi %mul3A_898, %add3A_1435 : i32
        %get3A_1437 = arith.constant 0 : i32
        %get3A_1438 = arith.index_cast %get3A_1437 : i32 to index
        %get3A_1439 = arith.index_cast %add3A_1436 : i32 to index
        %get3A_1440 = arith.constant 16 : index
        %get3A_1441 = tpu.vector_load %arg7[%get3A_1438, %get3A_1439, %get3A_1440] {strides = array<i32>} : memref<2x832x64xf32, #tpu.memory_space<vmem>>, vector<1x1x16xf32>,
        %get3A_1442 = vector.shape_cast %get3A_1441 : vector<1x1x16xf32> to vector<16xf32>
        %add3A_1443 = arith.addf %add3A_1407, %get3A_1442 : vector<16xf32>
        %add3A_1444 = arith.constant 15 : i32
        %add3A_1445 = arith.addi %mul3A_898, %add3A_1444 : i32
        %get3A_1446 = arith.constant 0 : i32
        %get3A_1447 = arith.index_cast %get3A_1446 : i32 to index
        %get3A_1448 = arith.index_cast %add3A_1445 : i32 to index
        %get3A_1449 = arith.constant 32 : index
        %get3A_1450 = tpu.vector_load %arg7[%get3A_1447, %get3A_1448, %get3A_1449] {strides = array<i32>} : memref<2x832x64xf32, #tpu.memory_space<vmem>>, vector<1x1x16xf32>,
        %get3A_1451 = vector.shape_cast %get3A_1450 : vector<1x1x16xf32> to vector<16xf32>
        %add3A_1452 = arith.addf %add3A_1416, %get3A_1451 : vector<16xf32>
        %add3A_1453 = arith.constant 15 : i32
        %add3A_1454 = arith.addi %mul3A_898, %add3A_1453 : i32
        %get3A_1455 = arith.constant 0 : i32
        %get3A_1456 = arith.index_cast %get3A_1455 : i32 to index
        %get3A_1457 = arith.index_cast %add3A_1454 : i32 to index
        %get3A_1458 = arith.constant 48 : index
        %get3A_1459 = tpu.vector_load %arg7[%get3A_1456, %get3A_1457, %get3A_1458] {strides = array<i32>} : memref<2x832x64xf32, #tpu.memory_space<vmem>>, vector<1x1x16xf32>,
        %get3A_1460 = vector.shape_cast %get3A_1459 : vector<1x1x16xf32> to vector<16xf32>
        %add3A_1461 = arith.addf %add3A_1425, %get3A_1460 : vector<16xf32>
        %add3A_1462 = arith.constant 16 : i32
        %add3A_1463 = arith.addi %mul3A_898, %add3A_1462 : i32
        %get3A_1464 = arith.constant 0 : i32
        %get3A_1465 = arith.index_cast %get3A_1464 : i32 to index
        %get3A_1466 = arith.index_cast %add3A_1463 : i32 to index
        %get3A_1467 = arith.constant 0 : index
        %get3A_1468 = tpu.vector_load %arg7[%get3A_1465, %get3A_1466, %get3A_1467] {strides = array<i32>} : memref<2x832x64xf32, #tpu.memory_space<vmem>>, vector<1x1x16xf32>,
        %get3A_1469 = vector.shape_cast %get3A_1468 : vector<1x1x16xf32> to vector<16xf32>
        %add3A_1470 = arith.addf %add3A_1434, %get3A_1469 : vector<16xf32>
        %add3A_1471 = arith.constant 16 : i32
        %add3A_1472 = arith.addi %mul3A_898, %add3A_1471 : i32
        %get3A_1473 = arith.constant 0 : i32
        %get3A_1474 = arith.index_cast %get3A_1473 : i32 to index
        %get3A_1475 = arith.index_cast %add3A_1472 : i32 to index
        %get3A_1476 = arith.constant 16 : index
        %get3A_1477 = tpu.vector_load %arg7[%get3A_1474, %get3A_1475, %get3A_1476] {strides = array<i32>} : memref<2x832x64xf32, #tpu.memory_space<vmem>>, vector<1x1x16xf32>,
        %get3A_1478 = vector.shape_cast %get3A_1477 : vector<1x1x16xf32> to vector<16xf32>
        %add3A_1479 = arith.addf %add3A_1443, %get3A_1478 : vector<16xf32>
        %add3A_1480 = arith.constant 16 : i32
        %add3A_1481 = arith.addi %mul3A_898, %add3A_1480 : i32
        %get3A_1482 = arith.constant 0 : i32
        %get3A_1483 = arith.index_cast %get3A_1482 : i32 to index
        %get3A_1484 = arith.index_cast %add3A_1481 : i32 to index
        %get3A_1485 = arith.constant 32 : index
        %get3A_1486 = tpu.vector_load %arg7[%get3A_1483, %get3A_1484, %get3A_1485] {strides = array<i32>} : memref<2x832x64xf32, #tpu.memory_space<vmem>>, vector<1x1x16xf32>,
        %get3A_1487 = vector.shape_cast %get3A_1486 : vector<1x1x16xf32> to vector<16xf32>
        %add3A_1488 = arith.addf %add3A_1452, %get3A_1487 : vector<16xf32>
        %add3A_1489 = arith.constant 16 : i32
        %add3A_1490 = arith.addi %mul3A_898, %add3A_1489 : i32
        %get3A_1491 = arith.constant 0 : i32
        %get3A_1492 = arith.index_cast %get3A_1491 : i32 to index
        %get3A_1493 = arith.index_cast %add3A_1490 : i32 to index
        %get3A_1494 = arith.constant 48 : index
        %get3A_1495 = tpu.vector_load %arg7[%get3A_1492, %get3A_1493, %get3A_1494] {strides = array<i32>} : memref<2x832x64xf32, #tpu.memory_space<vmem>>, vector<1x1x16xf32>,
        %get3A_1496 = vector.shape_cast %get3A_1495 : vector<1x1x16xf32> to vector<16xf32>
        %add3A_1497 = arith.addf %add3A_1461, %get3A_1496 : vector<16xf32>
        %add3A_1498 = arith.constant 17 : i32
        %add3A_1499 = arith.addi %mul3A_898, %add3A_1498 : i32
        %get3A_1500 = arith.constant 0 : i32
        %get3A_1501 = arith.index_cast %get3A_1500 : i32 to index
        %get3A_1502 = arith.index_cast %add3A_1499 : i32 to index
        %get3A_1503 = arith.constant 0 : index
        %get3A_1504 = tpu.vector_load %arg7[%get3A_1501, %get3A_1502, %get3A_1503] {strides = array<i32>} : memref<2x832x64xf32, #tpu.memory_space<vmem>>, vector<1x1x16xf32>,
        %get3A_1505 = vector.shape_cast %get3A_1504 : vector<1x1x16xf32> to vector<16xf32>
        %add3A_1506 = arith.addf %add3A_1470, %get3A_1505 : vector<16xf32>
        %add3A_1507 = arith.constant 17 : i32
        %add3A_1508 = arith.addi %mul3A_898, %add3A_1507 : i32
        %get3A_1509 = arith.constant 0 : i32
        %get3A_1510 = arith.index_cast %get3A_1509 : i32 to index
        %get3A_1511 = arith.index_cast %add3A_1508 : i32 to index
        %get3A_1512 = arith.constant 16 : index
        %get3A_1513 = tpu.vector_load %arg7[%get3A_1510, %get3A_1511, %get3A_1512] {strides = array<i32>} : memref<2x832x64xf32, #tpu.memory_space<vmem>>, vector<1x1x16xf32>,
        %get3A_1514 = vector.shape_cast %get3A_1513 : vector<1x1x16xf32> to vector<16xf32>
        %add3A_1515 = arith.addf %add3A_1479, %get3A_1514 : vector<16xf32>
        %add3A_1516 = arith.constant 17 : i32
        %add3A_1517 = arith.addi %mul3A_898, %add3A_1516 : i32
        %get3A_1518 = arith.constant 0 : i32
        %get3A_1519 = arith.index_cast %get3A_1518 : i32 to index
        %get3A_1520 = arith.index_cast %add3A_1517 : i32 to index
        %get3A_1521 = arith.constant 32 : index
        %get3A_1522 = tpu.vector_load %arg7[%get3A_1519, %get3A_1520, %get3A_1521] {strides = array<i32>} : memref<2x832x64xf32, #tpu.memory_space<vmem>>, vector<1x1x16xf32>,
        %get3A_1523 = vector.shape_cast %get3A_1522 : vector<1x1x16xf32> to vector<16xf32>
        %add3A_1524 = arith.addf %add3A_1488, %get3A_1523 : vector<16xf32>
        %add3A_1525 = arith.constant 17 : i32
        %add3A_1526 = arith.addi %mul3A_898, %add3A_1525 : i32
        %get3A_1527 = arith.constant 0 : i32
        %get3A_1528 = arith.index_cast %get3A_1527 : i32 to index
        %get3A_1529 = arith.index_cast %add3A_1526 : i32 to index
        %get3A_1530 = arith.constant 48 : index
        %get3A_1531 = tpu.vector_load %arg7[%get3A_1528, %get3A_1529, %get3A_1530] {strides = array<i32>} : memref<2x832x64xf32, #tpu.memory_space<vmem>>, vector<1x1x16xf32>,
        %get3A_1532 = vector.shape_cast %get3A_1531 : vector<1x1x16xf32> to vector<16xf32>
        %add3A_1533 = arith.addf %add3A_1497, %get3A_1532 : vector<16xf32>
        %add3A_1534 = arith.constant 18 : i32
        %add3A_1535 = arith.addi %mul3A_898, %add3A_1534 : i32
        %get3A_1536 = arith.constant 0 : i32
        %get3A_1537 = arith.index_cast %get3A_1536 : i32 to index
        %get3A_1538 = arith.index_cast %add3A_1535 : i32 to index
        %get3A_1539 = arith.constant 0 : index
        %get3A_1540 = tpu.vector_load %arg7[%get3A_1537, %get3A_1538, %get3A_1539] {strides = array<i32>} : memref<2x832x64xf32, #tpu.memory_space<vmem>>, vector<1x1x16xf32>,
        %get3A_1541 = vector.shape_cast %get3A_1540 : vector<1x1x16xf32> to vector<16xf32>
        %add3A_1542 = arith.addf %add3A_1506, %get3A_1541 : vector<16xf32>
        %add3A_1543 = arith.constant 18 : i32
        %add3A_1544 = arith.addi %mul3A_898, %add3A_1543 : i32
        %get3A_1545 = arith.constant 0 : i32
        %get3A_1546 = arith.index_cast %get3A_1545 : i32 to index
        %get3A_1547 = arith.index_cast %add3A_1544 : i32 to index
        %get3A_1548 = arith.constant 16 : index
        %get3A_1549 = tpu.vector_load %arg7[%get3A_1546, %get3A_1547, %get3A_1548] {strides = array<i32>} : memref<2x832x64xf32, #tpu.memory_space<vmem>>, vector<1x1x16xf32>,
        %get3A_1550 = vector.shape_cast %get3A_1549 : vector<1x1x16xf32> to vector<16xf32>
        %add3A_1551 = arith.addf %add3A_1515, %get3A_1550 : vector<16xf32>
        %add3A_1552 = arith.constant 18 : i32
        %add3A_1553 = arith.addi %mul3A_898, %add3A_1552 : i32
        %get3A_1554 = arith.constant 0 : i32
        %get3A_1555 = arith.index_cast %get3A_1554 : i32 to index
        %get3A_1556 = arith.index_cast %add3A_1553 : i32 to index
        %get3A_1557 = arith.constant 32 : index
        %get3A_1558 = tpu.vector_load %arg7[%get3A_1555, %get3A_1556, %get3A_1557] {strides = array<i32>} : memref<2x832x64xf32, #tpu.memory_space<vmem>>, vector<1x1x16xf32>,
        %get3A_1559 = vector.shape_cast %get3A_1558 : vector<1x1x16xf32> to vector<16xf32>
        %add3A_1560 = arith.addf %add3A_1524, %get3A_1559 : vector<16xf32>
        %add3A_1561 = arith.constant 18 : i32
        %add3A_1562 = arith.addi %mul3A_898, %add3A_1561 : i32
        %get3A_1563 = arith.constant 0 : i32
        %get3A_1564 = arith.index_cast %get3A_1563 : i32 to index
        %get3A_1565 = arith.index_cast %add3A_1562 : i32 to index
        %get3A_1566 = arith.constant 48 : index
        %get3A_1567 = tpu.vector_load %arg7[%get3A_1564, %get3A_1565, %get3A_1566] {strides = array<i32>} : memref<2x832x64xf32, #tpu.memory_space<vmem>>, vector<1x1x16xf32>,
        %get3A_1568 = vector.shape_cast %get3A_1567 : vector<1x1x16xf32> to vector<16xf32>
        %add3A_1569 = arith.addf %add3A_1533, %get3A_1568 : vector<16xf32>
        %add3A_1570 = arith.constant 19 : i32
        %add3A_1571 = arith.addi %mul3A_898, %add3A_1570 : i32
        %get3A_1572 = arith.constant 0 : i32
        %get3A_1573 = arith.index_cast %get3A_1572 : i32 to index
        %get3A_1574 = arith.index_cast %add3A_1571 : i32 to index
        %get3A_1575 = arith.constant 0 : index
        %get3A_1576 = tpu.vector_load %arg7[%get3A_1573, %get3A_1574, %get3A_1575] {strides = array<i32>} : memref<2x832x64xf32, #tpu.memory_space<vmem>>, vector<1x1x16xf32>,
        %get3A_1577 = vector.shape_cast %get3A_1576 : vector<1x1x16xf32> to vector<16xf32>
        %add3A_1578 = arith.addf %add3A_1542, %get3A_1577 : vector<16xf32>
        %add3A_1579 = arith.constant 19 : i32
        %add3A_1580 = arith.addi %mul3A_898, %add3A_1579 : i32
        %get3A_1581 = arith.constant 0 : i32
        %get3A_1582 = arith.index_cast %get3A_1581 : i32 to index
        %get3A_1583 = arith.index_cast %add3A_1580 : i32 to index
        %get3A_1584 = arith.constant 16 : index
        %get3A_1585 = tpu.vector_load %arg7[%get3A_1582, %get3A_1583, %get3A_1584] {strides = array<i32>} : memref<2x832x64xf32, #tpu.memory_space<vmem>>, vector<1x1x16xf32>,
        %get3A_1586 = vector.shape_cast %get3A_1585 : vector<1x1x16xf32> to vector<16xf32>
        %add3A_1587 = arith.addf %add3A_1551, %get3A_1586 : vector<16xf32>
        %add3A_1588 = arith.constant 19 : i32
        %add3A_1589 = arith.addi %mul3A_898, %add3A_1588 : i32
        %get3A_1590 = arith.constant 0 : i32
        %get3A_1591 = arith.index_cast %get3A_1590 : i32 to index
        %get3A_1592 = arith.index_cast %add3A_1589 : i32 to index
        %get3A_1593 = arith.constant 32 : index
        %get3A_1594 = tpu.vector_load %arg7[%get3A_1591, %get3A_1592, %get3A_1593] {strides = array<i32>} : memref<2x832x64xf32, #tpu.memory_space<vmem>>, vector<1x1x16xf32>,
        %get3A_1595 = vector.shape_cast %get3A_1594 : vector<1x1x16xf32> to vector<16xf32>
        %add3A_1596 = arith.addf %add3A_1560, %get3A_1595 : vector<16xf32>
        %add3A_1597 = arith.constant 19 : i32
        %add3A_1598 = arith.addi %mul3A_898, %add3A_1597 : i32
        %get3A_1599 = arith.constant 0 : i32
        %get3A_1600 = arith.index_cast %get3A_1599 : i32 to index
        %get3A_1601 = arith.index_cast %add3A_1598 : i32 to index
        %get3A_1602 = arith.constant 48 : index
        %get3A_1603 = tpu.vector_load %arg7[%get3A_1600, %get3A_1601, %get3A_1602] {strides = array<i32>} : memref<2x832x64xf32, #tpu.memory_space<vmem>>, vector<1x1x16xf32>,
        %get3A_1604 = vector.shape_cast %get3A_1603 : vector<1x1x16xf32> to vector<16xf32>
        %add3A_1605 = arith.addf %add3A_1569, %get3A_1604 : vector<16xf32>
        %add3A_1606 = arith.constant 20 : i32
        %add3A_1607 = arith.addi %mul3A_898, %add3A_1606 : i32
        %get3A_1608 = arith.constant 0 : i32
        %get3A_1609 = arith.index_cast %get3A_1608 : i32 to index
        %get3A_1610 = arith.index_cast %add3A_1607 : i32 to index
        %get3A_1611 = arith.constant 0 : index
        %get3A_1612 = tpu.vector_load %arg7[%get3A_1609, %get3A_1610, %get3A_1611] {strides = array<i32>} : memref<2x832x64xf32, #tpu.memory_space<vmem>>, vector<1x1x16xf32>,
        %get3A_1613 = vector.shape_cast %get3A_1612 : vector<1x1x16xf32> to vector<16xf32>
        %add3A_1614 = arith.addf %add3A_1578, %get3A_1613 : vector<16xf32>
        %add3A_1615 = arith.constant 20 : i32
        %add3A_1616 = arith.addi %mul3A_898, %add3A_1615 : i32
        %get3A_1617 = arith.constant 0 : i32
        %get3A_1618 = arith.index_cast %get3A_1617 : i32 to index
        %get3A_1619 = arith.index_cast %add3A_1616 : i32 to index
        %get3A_1620 = arith.constant 16 : index
        %get3A_1621 = tpu.vector_load %arg7[%get3A_1618, %get3A_1619, %get3A_1620] {strides = array<i32>} : memref<2x832x64xf32, #tpu.memory_space<vmem>>, vector<1x1x16xf32>,
        %get3A_1622 = vector.shape_cast %get3A_1621 : vector<1x1x16xf32> to vector<16xf32>
        %add3A_1623 = arith.addf %add3A_1587, %get3A_1622 : vector<16xf32>
        %add3A_1624 = arith.constant 20 : i32
        %add3A_1625 = arith.addi %mul3A_898, %add3A_1624 : i32
        %get3A_1626 = arith.constant 0 : i32
        %get3A_1627 = arith.index_cast %get3A_1626 : i32 to index
        %get3A_1628 = arith.index_cast %add3A_1625 : i32 to index
        %get3A_1629 = arith.constant 32 : index
        %get3A_1630 = tpu.vector_load %arg7[%get3A_1627, %get3A_1628, %get3A_1629] {strides = array<i32>} : memref<2x832x64xf32, #tpu.memory_space<vmem>>, vector<1x1x16xf32>,
        %get3A_1631 = vector.shape_cast %get3A_1630 : vector<1x1x16xf32> to vector<16xf32>
        %add3A_1632 = arith.addf %add3A_1596, %get3A_1631 : vector<16xf32>
        %add3A_1633 = arith.constant 20 : i32
        %add3A_1634 = arith.addi %mul3A_898, %add3A_1633 : i32
        %get3A_1635 = arith.constant 0 : i32
        %get3A_1636 = arith.index_cast %get3A_1635 : i32 to index
        %get3A_1637 = arith.index_cast %add3A_1634 : i32 to index
        %get3A_1638 = arith.constant 48 : index
        %get3A_1639 = tpu.vector_load %arg7[%get3A_1636, %get3A_1637, %get3A_1638] {strides = array<i32>} : memref<2x832x64xf32, #tpu.memory_space<vmem>>, vector<1x1x16xf32>,
        %get3A_1640 = vector.shape_cast %get3A_1639 : vector<1x1x16xf32> to vector<16xf32>
        %add3A_1641 = arith.addf %add3A_1605, %get3A_1640 : vector<16xf32>
        %add3A_1642 = arith.constant 21 : i32
        %add3A_1643 = arith.addi %mul3A_898, %add3A_1642 : i32
        %get3A_1644 = arith.constant 0 : i32
        %get3A_1645 = arith.index_cast %get3A_1644 : i32 to index
        %get3A_1646 = arith.index_cast %add3A_1643 : i32 to index
        %get3A_1647 = arith.constant 0 : index
        %get3A_1648 = tpu.vector_load %arg7[%get3A_1645, %get3A_1646, %get3A_1647] {strides = array<i32>} : memref<2x832x64xf32, #tpu.memory_space<vmem>>, vector<1x1x16xf32>,
        %get3A_1649 = vector.shape_cast %get3A_1648 : vector<1x1x16xf32> to vector<16xf32>
        %add3A_1650 = arith.addf %add3A_1614, %get3A_1649 : vector<16xf32>
        %add3A_1651 = arith.constant 21 : i32
        %add3A_1652 = arith.addi %mul3A_898, %add3A_1651 : i32
        %get3A_1653 = arith.constant 0 : i32
        %get3A_1654 = arith.index_cast %get3A_1653 : i32 to index
        %get3A_1655 = arith.index_cast %add3A_1652 : i32 to index
        %get3A_1656 = arith.constant 16 : index
        %get3A_1657 = tpu.vector_load %arg7[%get3A_1654, %get3A_1655, %get3A_1656] {strides = array<i32>} : memref<2x832x64xf32, #tpu.memory_space<vmem>>, vector<1x1x16xf32>,
        %get3A_1658 = vector.shape_cast %get3A_1657 : vector<1x1x16xf32> to vector<16xf32>
        %add3A_1659 = arith.addf %add3A_1623, %get3A_1658 : vector<16xf32>
        %add3A_1660 = arith.constant 21 : i32
        %add3A_1661 = arith.addi %mul3A_898, %add3A_1660 : i32
        %get3A_1662 = arith.constant 0 : i32
        %get3A_1663 = arith.index_cast %get3A_1662 : i32 to index
        %get3A_1664 = arith.index_cast %add3A_1661 : i32 to index
        %get3A_1665 = arith.constant 32 : index
        %get3A_1666 = tpu.vector_load %arg7[%get3A_1663, %get3A_1664, %get3A_1665] {strides = array<i32>} : memref<2x832x64xf32, #tpu.memory_space<vmem>>, vector<1x1x16xf32>,
        %get3A_1667 = vector.shape_cast %get3A_1666 : vector<1x1x16xf32> to vector<16xf32>
        %add3A_1668 = arith.addf %add3A_1632, %get3A_1667 : vector<16xf32>
        %add3A_1669 = arith.constant 21 : i32
        %add3A_1670 = arith.addi %mul3A_898, %add3A_1669 : i32
        %get3A_1671 = arith.constant 0 : i32
        %get3A_1672 = arith.index_cast %get3A_1671 : i32 to index
        %get3A_1673 = arith.index_cast %add3A_1670 : i32 to index
        %get3A_1674 = arith.constant 48 : index
        %get3A_1675 = tpu.vector_load %arg7[%get3A_1672, %get3A_1673, %get3A_1674] {strides = array<i32>} : memref<2x832x64xf32, #tpu.memory_space<vmem>>, vector<1x1x16xf32>,
        %get3A_1676 = vector.shape_cast %get3A_1675 : vector<1x1x16xf32> to vector<16xf32>
        %add3A_1677 = arith.addf %add3A_1641, %get3A_1676 : vector<16xf32>
        %add3A_1678 = arith.constant 22 : i32
        %add3A_1679 = arith.addi %mul3A_898, %add3A_1678 : i32
        %get3A_1680 = arith.constant 0 : i32
        %get3A_1681 = arith.index_cast %get3A_1680 : i32 to index
        %get3A_1682 = arith.index_cast %add3A_1679 : i32 to index
        %get3A_1683 = arith.constant 0 : index
        %get3A_1684 = tpu.vector_load %arg7[%get3A_1681, %get3A_1682, %get3A_1683] {strides = array<i32>} : memref<2x832x64xf32, #tpu.memory_space<vmem>>, vector<1x1x16xf32>,
        %get3A_1685 = vector.shape_cast %get3A_1684 : vector<1x1x16xf32> to vector<16xf32>
        %add3A_1686 = arith.addf %add3A_1650, %get3A_1685 : vector<16xf32>
        %add3A_1687 = arith.constant 22 : i32
        %add3A_1688 = arith.addi %mul3A_898, %add3A_1687 : i32
        %get3A_1689 = arith.constant 0 : i32
        %get3A_1690 = arith.index_cast %get3A_1689 : i32 to index
        %get3A_1691 = arith.index_cast %add3A_1688 : i32 to index
        %get3A_1692 = arith.constant 16 : index
        %get3A_1693 = tpu.vector_load %arg7[%get3A_1690, %get3A_1691, %get3A_1692] {strides = array<i32>} : memref<2x832x64xf32, #tpu.memory_space<vmem>>, vector<1x1x16xf32>,
        %get3A_1694 = vector.shape_cast %get3A_1693 : vector<1x1x16xf32> to vector<16xf32>
        %add3A_1695 = arith.addf %add3A_1659, %get3A_1694 : vector<16xf32>
        %add3A_1696 = arith.constant 22 : i32
        %add3A_1697 = arith.addi %mul3A_898, %add3A_1696 : i32
        %get3A_1698 = arith.constant 0 : i32
        %get3A_1699 = arith.index_cast %get3A_1698 : i32 to index
        %get3A_1700 = arith.index_cast %add3A_1697 : i32 to index
        %get3A_1701 = arith.constant 32 : index
        %get3A_1702 = tpu.vector_load %arg7[%get3A_1699, %get3A_1700, %get3A_1701] {strides = array<i32>} : memref<2x832x64xf32, #tpu.memory_space<vmem>>, vector<1x1x16xf32>,
        %get3A_1703 = vector.shape_cast %get3A_1702 : vector<1x1x16xf32> to vector<16xf32>
        %add3A_1704 = arith.addf %add3A_1668, %get3A_1703 : vector<16xf32>
        %add3A_1705 = arith.constant 22 : i32
        %add3A_1706 = arith.addi %mul3A_898, %add3A_1705 : i32
        %get3A_1707 = arith.constant 0 : i32
        %get3A_1708 = arith.index_cast %get3A_1707 : i32 to index
        %get3A_1709 = arith.index_cast %add3A_1706 : i32 to index
        %get3A_1710 = arith.constant 48 : index
        %get3A_1711 = tpu.vector_load %arg7[%get3A_1708, %get3A_1709, %get3A_1710] {strides = array<i32>} : memref<2x832x64xf32, #tpu.memory_space<vmem>>, vector<1x1x16xf32>,
        %get3A_1712 = vector.shape_cast %get3A_1711 : vector<1x1x16xf32> to vector<16xf32>
        %add3A_1713 = arith.addf %add3A_1677, %get3A_1712 : vector<16xf32>
        %add3A_1714 = arith.constant 23 : i32
        %add3A_1715 = arith.addi %mul3A_898, %add3A_1714 : i32
        %get3A_1716 = arith.constant 0 : i32
        %get3A_1717 = arith.index_cast %get3A_1716 : i32 to index
        %get3A_1718 = arith.index_cast %add3A_1715 : i32 to index
        %get3A_1719 = arith.constant 0 : index
        %get3A_1720 = tpu.vector_load %arg7[%get3A_1717, %get3A_1718, %get3A_1719] {strides = array<i32>} : memref<2x832x64xf32, #tpu.memory_space<vmem>>, vector<1x1x16xf32>,
        %get3A_1721 = vector.shape_cast %get3A_1720 : vector<1x1x16xf32> to vector<16xf32>
        %add3A_1722 = arith.addf %add3A_1686, %get3A_1721 : vector<16xf32>
        %add3A_1723 = arith.constant 23 : i32
        %add3A_1724 = arith.addi %mul3A_898, %add3A_1723 : i32
        %get3A_1725 = arith.constant 0 : i32
        %get3A_1726 = arith.index_cast %get3A_1725 : i32 to index
        %get3A_1727 = arith.index_cast %add3A_1724 : i32 to index
        %get3A_1728 = arith.constant 16 : index
        %get3A_1729 = tpu.vector_load %arg7[%get3A_1726, %get3A_1727, %get3A_1728] {strides = array<i32>} : memref<2x832x64xf32, #tpu.memory_space<vmem>>, vector<1x1x16xf32>,
        %get3A_1730 = vector.shape_cast %get3A_1729 : vector<1x1x16xf32> to vector<16xf32>
        %add3A_1731 = arith.addf %add3A_1695, %get3A_1730 : vector<16xf32>
        %add3A_1732 = arith.constant 23 : i32
        %add3A_1733 = arith.addi %mul3A_898, %add3A_1732 : i32
        %get3A_1734 = arith.constant 0 : i32
        %get3A_1735 = arith.index_cast %get3A_1734 : i32 to index
        %get3A_1736 = arith.index_cast %add3A_1733 : i32 to index
        %get3A_1737 = arith.constant 32 : index
        %get3A_1738 = tpu.vector_load %arg7[%get3A_1735, %get3A_1736, %get3A_1737] {strides = array<i32>} : memref<2x832x64xf32, #tpu.memory_space<vmem>>, vector<1x1x16xf32>,
        %get3A_1739 = vector.shape_cast %get3A_1738 : vector<1x1x16xf32> to vector<16xf32>
        %add3A_1740 = arith.addf %add3A_1704, %get3A_1739 : vector<16xf32>
        %add3A_1741 = arith.constant 23 : i32
        %add3A_1742 = arith.addi %mul3A_898, %add3A_1741 : i32
        %get3A_1743 = arith.constant 0 : i32
        %get3A_1744 = arith.index_cast %get3A_1743 : i32 to index
        %get3A_1745 = arith.index_cast %add3A_1742 : i32 to index
        %get3A_1746 = arith.constant 48 : index
        %get3A_1747 = tpu.vector_load %arg7[%get3A_1744, %get3A_1745, %get3A_1746] {strides = array<i32>} : memref<2x832x64xf32, #tpu.memory_space<vmem>>, vector<1x1x16xf32>,
        %get3A_1748 = vector.shape_cast %get3A_1747 : vector<1x1x16xf32> to vector<16xf32>
        %add3A_1749 = arith.addf %add3A_1713, %get3A_1748 : vector<16xf32>
        %add3A_1750 = arith.constant 24 : i32
        %add3A_1751 = arith.addi %mul3A_898, %add3A_1750 : i32
        %get3A_1752 = arith.constant 0 : i32
        %get3A_1753 = arith.index_cast %get3A_1752 : i32 to index
        %get3A_1754 = arith.index_cast %add3A_1751 : i32 to index
        %get3A_1755 = arith.constant 0 : index
        %get3A_1756 = tpu.vector_load %arg7[%get3A_1753, %get3A_1754, %get3A_1755] {strides = array<i32>} : memref<2x832x64xf32, #tpu.memory_space<vmem>>, vector<1x1x16xf32>,
        %get3A_1757 = vector.shape_cast %get3A_1756 : vector<1x1x16xf32> to vector<16xf32>
        %add3A_1758 = arith.addf %add3A_1722, %get3A_1757 : vector<16xf32>
        %add3A_1759 = arith.constant 24 : i32
        %add3A_1760 = arith.addi %mul3A_898, %add3A_1759 : i32
        %get3A_1761 = arith.constant 0 : i32
        %get3A_1762 = arith.index_cast %get3A_1761 : i32 to index
        %get3A_1763 = arith.index_cast %add3A_1760 : i32 to index
        %get3A_1764 = arith.constant 16 : index
        %get3A_1765 = tpu.vector_load %arg7[%get3A_1762, %get3A_1763, %get3A_1764] {strides = array<i32>} : memref<2x832x64xf32, #tpu.memory_space<vmem>>, vector<1x1x16xf32>,
        %get3A_1766 = vector.shape_cast %get3A_1765 : vector<1x1x16xf32> to vector<16xf32>
        %add3A_1767 = arith.addf %add3A_1731, %get3A_1766 : vector<16xf32>
        %add3A_1768 = arith.constant 24 : i32
        %add3A_1769 = arith.addi %mul3A_898, %add3A_1768 : i32
        %get3A_1770 = arith.constant 0 : i32
        %get3A_1771 = arith.index_cast %get3A_1770 : i32 to index
        %get3A_1772 = arith.index_cast %add3A_1769 : i32 to index
        %get3A_1773 = arith.constant 32 : index
        %get3A_1774 = tpu.vector_load %arg7[%get3A_1771, %get3A_1772, %get3A_1773] {strides = array<i32>} : memref<2x832x64xf32, #tpu.memory_space<vmem>>, vector<1x1x16xf32>,
        %get3A_1775 = vector.shape_cast %get3A_1774 : vector<1x1x16xf32> to vector<16xf32>
        %add3A_1776 = arith.addf %add3A_1740, %get3A_1775 : vector<16xf32>
        %add3A_1777 = arith.constant 24 : i32
        %add3A_1778 = arith.addi %mul3A_898, %add3A_1777 : i32
        %get3A_1779 = arith.constant 0 : i32
        %get3A_1780 = arith.index_cast %get3A_1779 : i32 to index
        %get3A_1781 = arith.index_cast %add3A_1778 : i32 to index
        %get3A_1782 = arith.constant 48 : index
        %get3A_1783 = tpu.vector_load %arg7[%get3A_1780, %get3A_1781, %get3A_1782] {strides = array<i32>} : memref<2x832x64xf32, #tpu.memory_space<vmem>>, vector<1x1x16xf32>,
        %get3A_1784 = vector.shape_cast %get3A_1783 : vector<1x1x16xf32> to vector<16xf32>
        %add3A_1785 = arith.addf %add3A_1749, %get3A_1784 : vector<16xf32>
        %add3A_1786 = arith.constant 25 : i32
        %add3A_1787 = arith.addi %mul3A_898, %add3A_1786 : i32
        %get3A_1788 = arith.constant 0 : i32
        %get3A_1789 = arith.index_cast %get3A_1788 : i32 to index
        %get3A_1790 = arith.index_cast %add3A_1787 : i32 to index
        %get3A_1791 = arith.constant 0 : index
        %get3A_1792 = tpu.vector_load %arg7[%get3A_1789, %get3A_1790, %get3A_1791] {strides = array<i32>} : memref<2x832x64xf32, #tpu.memory_space<vmem>>, vector<1x1x16xf32>,
        %get3A_1793 = vector.shape_cast %get3A_1792 : vector<1x1x16xf32> to vector<16xf32>
        %add3A_1794 = arith.addf %add3A_1758, %get3A_1793 : vector<16xf32>
        %add3A_1795 = arith.constant 25 : i32
        %add3A_1796 = arith.addi %mul3A_898, %add3A_1795 : i32
        %get3A_1797 = arith.constant 0 : i32
        %get3A_1798 = arith.index_cast %get3A_1797 : i32 to index
        %get3A_1799 = arith.index_cast %add3A_1796 : i32 to index
        %get3A_1800 = arith.constant 16 : index
        %get3A_1801 = tpu.vector_load %arg7[%get3A_1798, %get3A_1799, %get3A_1800] {strides = array<i32>} : memref<2x832x64xf32, #tpu.memory_space<vmem>>, vector<1x1x16xf32>,
        %get3A_1802 = vector.shape_cast %get3A_1801 : vector<1x1x16xf32> to vector<16xf32>
        %add3A_1803 = arith.addf %add3A_1767, %get3A_1802 : vector<16xf32>
        %add3A_1804 = arith.constant 25 : i32
        %add3A_1805 = arith.addi %mul3A_898, %add3A_1804 : i32
        %get3A_1806 = arith.constant 0 : i32
        %get3A_1807 = arith.index_cast %get3A_1806 : i32 to index
        %get3A_1808 = arith.index_cast %add3A_1805 : i32 to index
        %get3A_1809 = arith.constant 32 : index
        %get3A_1810 = tpu.vector_load %arg7[%get3A_1807, %get3A_1808, %get3A_1809] {strides = array<i32>} : memref<2x832x64xf32, #tpu.memory_space<vmem>>, vector<1x1x16xf32>,
        %get3A_1811 = vector.shape_cast %get3A_1810 : vector<1x1x16xf32> to vector<16xf32>
        %add3A_1812 = arith.addf %add3A_1776, %get3A_1811 : vector<16xf32>
        %add3A_1813 = arith.constant 25 : i32
        %add3A_1814 = arith.addi %mul3A_898, %add3A_1813 : i32
        %get3A_1815 = arith.constant 0 : i32
        %get3A_1816 = arith.index_cast %get3A_1815 : i32 to index
        %get3A_1817 = arith.index_cast %add3A_1814 : i32 to index
        %get3A_1818 = arith.constant 48 : index
        %get3A_1819 = tpu.vector_load %arg7[%get3A_1816, %get3A_1817, %get3A_1818] {strides = array<i32>} : memref<2x832x64xf32, #tpu.memory_space<vmem>>, vector<1x1x16xf32>,
        %get3A_1820 = vector.shape_cast %get3A_1819 : vector<1x1x16xf32> to vector<16xf32>
        %add3A_1821 = arith.addf %add3A_1785, %get3A_1820 : vector<16xf32>
        %swap3A = arith.index_cast %scan3A_896 : i32 to index
        %swap3A_1822 = arith.constant 0 : index
        %swap3A_1823 = tpu.vector_load %arg9[%swap3A, %swap3A_1822] {strides = array<i32>} : memref<32x80xf32, #tpu.memory_space<vmem>>, vector<1x16xf32>,
        %swap3A_1824 = vector.shape_cast %swap3A_1823 : vector<1x16xf32> to vector<16xf32>
        %swap3A_1825 = vector.shape_cast %add3A_1794 : vector<16xf32> to vector<1x16xf32>
        tpu.vector_store %arg9[%swap3A, %swap3A_1822], %swap3A_1825 {strides = array<i32>} : memref<32x80xf32, #tpu.memory_space<vmem>>, vector<1x16xf32>,
        %swap3A_1826 = arith.index_cast %scan3A_896 : i32 to index
        %swap3A_1827 = arith.constant 16 : index
        %swap3A_1828 = tpu.vector_load %arg9[%swap3A_1826, %swap3A_1827] {strides = array<i32>} : memref<32x80xf32, #tpu.memory_space<vmem>>, vector<1x16xf32>,
        %swap3A_1829 = vector.shape_cast %swap3A_1828 : vector<1x16xf32> to vector<16xf32>
        %swap3A_1830 = vector.shape_cast %add3A_1803 : vector<16xf32> to vector<1x16xf32>
        tpu.vector_store %arg9[%swap3A_1826, %swap3A_1827], %swap3A_1830 {strides = array<i32>} : memref<32x80xf32, #tpu.memory_space<vmem>>, vector<1x16xf32>,
        %swap3A_1831 = arith.index_cast %scan3A_896 : i32 to index
        %swap3A_1832 = arith.constant 32 : index
        %swap3A_1833 = tpu.vector_load %arg9[%swap3A_1831, %swap3A_1832] {strides = array<i32>} : memref<32x80xf32, #tpu.memory_space<vmem>>, vector<1x16xf32>,
        %swap3A_1834 = vector.shape_cast %swap3A_1833 : vector<1x16xf32> to vector<16xf32>
        %swap3A_1835 = vector.shape_cast %add3A_1812 : vector<16xf32> to vector<1x16xf32>
        tpu.vector_store %arg9[%swap3A_1831, %swap3A_1832], %swap3A_1835 {strides = array<i32>} : memref<32x80xf32, #tpu.memory_space<vmem>>, vector<1x16xf32>,
        %swap3A_1836 = arith.index_cast %scan3A_896 : i32 to index
        %swap3A_1837 = arith.constant 48 : index
        %swap3A_1838 = tpu.vector_load %arg9[%swap3A_1836, %swap3A_1837] {strides = array<i32>} : memref<32x80xf32, #tpu.memory_space<vmem>>, vector<1x16xf32>,
        %swap3A_1839 = vector.shape_cast %swap3A_1838 : vector<1x16xf32> to vector<16xf32>
        %swap3A_1840 = vector.shape_cast %add3A_1821 : vector<16xf32> to vector<1x16xf32>
        tpu.vector_store %arg9[%swap3A_1836, %swap3A_1837], %swap3A_1840 {strides = array<i32>} : memref<32x80xf32, #tpu.memory_space<vmem>>, vector<1x16xf32>,
        %get3A_1841 = arith.index_cast %scan3A_896 : i32 to index
        %get3A_1842 = arith.constant 0 : index
        %get3A_1843 = tpu.vector_load %arg8[%get3A_1841, %get3A_1842] {strides = array<i32>} : memref<32x16xf32, #tpu.memory_space<vmem>>, vector<1x16xf32>,
        %get3A_1844 = vector.shape_cast %get3A_1843 : vector<1x16xf32> to vector<16xf32>
        %swap3A_1845 = arith.index_cast %scan3A_896 : i32 to index
        %swap3A_1846 = arith.constant 64 : index
        %swap3A_1847 = tpu.vector_load %arg9[%swap3A_1845, %swap3A_1846] {strides = array<i32>} : memref<32x80xf32, #tpu.memory_space<vmem>>, vector<1x16xf32>,
        %swap3A_1848 = vector.shape_cast %swap3A_1847 : vector<1x16xf32> to vector<16xf32>
        %swap3A_1849 = vector.shape_cast %get3A_1844 : vector<16xf32> to vector<1x16xf32>
        tpu.vector_store %arg9[%swap3A_1845, %swap3A_1846], %swap3A_1849 {strides = array<i32>} : memref<32x80xf32, #tpu.memory_space<vmem>>, vector<1x16xf32>,
      }
      %scan3A_670 = arith.constant 32 : i32
      "tpu.region"() ({
        %run_scoped3A_896 = tpu.sem_alloc : memref<!tpu.dma_semaphore, #tpu.memory_space<semaphore_mem>>
        %dma_start3A_897 = arith.constant 0 : i32
        %dma_start3A_898 = tpu.memref_slice %arg5[%add3A_664, %dma_start3A_897] : memref<51200x80xf32, #tpu.memory_space<hbm>> -> memref<32x80xf32, #tpu.memory_space<hbm>>
        %dma_start3A_899 = arith.constant 0 : i32
        %dma_start3A_900 = tpu.memref_slice %arg5[%add3A_664, %dma_start3A_899] : memref<51200x80xf32, #tpu.memory_space<hbm>> -> memref<32x80xf32, #tpu.memory_space<hbm>>
        tpu.enqueue_dma source(%arg9 : memref<32x80xf32, #tpu.memory_space<vmem>>) target(%dma_start3A_900 : memref<32x80xf32, #tpu.memory_space<hbm>>) target_semaphore(%run_scoped3A_896 : memref<!tpu.dma_semaphore, #tpu.memory_space<semaphore_mem>>)
        %dma_wait3A_901 = arith.constant 0 : i32
        %dma_wait3A_902 = tpu.memref_slice %arg5[%add3A_664, %dma_wait3A_901] : memref<51200x80xf32, #tpu.memory_space<hbm>> -> memref<32x80xf32, #tpu.memory_space<hbm>>
        %dma_wait3A_903 = arith.constant 0 : i32
        %dma_wait3A_904 = tpu.memref_slice %arg5[%add3A_664, %dma_wait3A_903] : memref<51200x80xf32, #tpu.memory_space<hbm>> -> memref<32x80xf32, #tpu.memory_space<hbm>>
        tpu.wait_dma2 semaphore(%run_scoped3A_896 : memref<!tpu.dma_semaphore, #tpu.memory_space<semaphore_mem>>) src(%arg9 : memref<32x80xf32, #tpu.memory_space<vmem>>) dst(%dma_wait3A_904 : memref<32x80xf32, #tpu.memory_space<hbm>>)
        tpu.yield
      }) : () -> ()
      %add3A_671 = arith.constant 2 : i32
      %add3A_672 = arith.addi %mul3A_447, %add3A_671 : i32
      %mul3A_673 = arith.constant 8 : i32
      %mul3A_674 = arith.muli %add3A_672, %mul3A_673 : i32
      %add3A_675 = arith.addi %mul3A_4, %mul3A_674 : i32
      %run_scoped3A_676 = arith.constant 0 : i32
      "tpu.region"() ({
        %run_scoped3A_896 = tpu.sem_alloc : memref<!tpu.dma_semaphore, #tpu.memory_space<semaphore_mem>>
        %dma_start3A_897 = arith.constant 0 : i32
        %dma_start3A_898 = arith.constant 0 : i32
        %dma_start3A_899 = tpu.memref_slice %arg6[%run_scoped3A_676, %dma_start3A_897, %dma_start3A_898] : memref<2x8x104xi32, #tpu.memory_space<vmem>> -> memref<1x8x104xi32, #tpu.memory_space<vmem>>
        %dma_start3A_900 = tpu.memref_squeeze %dma_start3A_899 : memref<1x8x104xi32, #tpu.memory_space<vmem>> -> memref<8x104xi32, #tpu.memory_space<vmem>>
        %dma_start3A_901 = arith.constant 0 : i32
        %dma_start3A_902 = tpu.memref_slice %arg2[%add3A_675, %dma_start3A_901] : memref<12800x104xi32, #tpu.memory_space<hbm>> -> memref<8x104xi32, #tpu.memory_space<hbm>>
        %dma_start3A_903 = arith.constant 0 : i32
        %dma_start3A_904 = arith.constant 0 : i32
        %dma_start3A_905 = tpu.memref_slice %arg6[%run_scoped3A_676, %dma_start3A_903, %dma_start3A_904] : memref<2x8x104xi32, #tpu.memory_space<vmem>> -> memref<1x8x104xi32, #tpu.memory_space<vmem>>
        %dma_start3A_906 = tpu.memref_squeeze %dma_start3A_905 : memref<1x8x104xi32, #tpu.memory_space<vmem>> -> memref<8x104xi32, #tpu.memory_space<vmem>>
        %dma_start3A_907 = arith.constant 0 : i32
        %dma_start3A_908 = tpu.memref_slice %arg2[%add3A_675, %dma_start3A_907] : memref<12800x104xi32, #tpu.memory_space<hbm>> -> memref<8x104xi32, #tpu.memory_space<hbm>>
        tpu.enqueue_dma source(%dma_start3A_908 : memref<8x104xi32, #tpu.memory_space<hbm>>) target(%dma_start3A_906 : memref<8x104xi32, #tpu.memory_space<vmem>>) target_semaphore(%run_scoped3A_896 : memref<!tpu.dma_semaphore, #tpu.memory_space<semaphore_mem>>)
        %dma_wait3A_909 = arith.constant 0 : i32
        %dma_wait3A_910 = arith.constant 0 : i32
        %dma_wait3A_911 = tpu.memref_slice %arg6[%run_scoped3A_676, %dma_wait3A_909, %dma_wait3A_910] : memref<2x8x104xi32, #tpu.memory_space<vmem>> -> memref<1x8x104xi32, #tpu.memory_space<vmem>>
        %dma_wait3A_912 = tpu.memref_squeeze %dma_wait3A_911 : memref<1x8x104xi32, #tpu.memory_space<vmem>> -> memref<8x104xi32, #tpu.memory_space<vmem>>
        %dma_wait3A_913 = arith.constant 0 : i32
        %dma_wait3A_914 = tpu.memref_slice %arg2[%add3A_675, %dma_wait3A_913] : memref<12800x104xi32, #tpu.memory_space<hbm>> -> memref<8x104xi32, #tpu.memory_space<hbm>>
        %dma_wait3A_915 = arith.constant 0 : i32
        %dma_wait3A_916 = arith.constant 0 : i32
        %dma_wait3A_917 = tpu.memref_slice %arg6[%run_scoped3A_676, %dma_wait3A_915, %dma_wait3A_916] : memref<2x8x104xi32, #tpu.memory_space<vmem>> -> memref<1x8x104xi32, #tpu.memory_space<vmem>>
        %dma_wait3A_918 = tpu.memref_squeeze %dma_wait3A_917 : memref<1x8x104xi32, #tpu.memory_space<vmem>> -> memref<8x104xi32, #tpu.memory_space<vmem>>
        %dma_wait3A_919 = arith.constant 0 : i32
        %dma_wait3A_920 = tpu.memref_slice %arg2[%add3A_675, %dma_wait3A_919] : memref<12800x104xi32, #tpu.memory_space<hbm>> -> memref<8x104xi32, #tpu.memory_space<hbm>>
        tpu.wait_dma2 semaphore(%run_scoped3A_896 : memref<!tpu.dma_semaphore, #tpu.memory_space<semaphore_mem>>) src(%dma_wait3A_920 : memref<8x104xi32, #tpu.memory_space<hbm>>) dst(%dma_wait3A_918 : memref<8x104xi32, #tpu.memory_space<vmem>>)
        tpu.yield
      }) : () -> ()
      %dma_start3A_677 = arith.constant 0 : i32
      %dma_start3A_678 = arith.constant 0 : i32
      %dma_start3A_679 = arith.constant 0 : i32
      %dma_start3A_680 = arith.constant 0 : i32
      %dma_start3A_681 = arith.constant 0 : i32
      %dma_start3A_682 = tpu.memref_slice %arg7[%dma_start3A_679, %dma_start3A_680, %dma_start3A_681] : memref<2x832x64xf32, #tpu.memory_space<vmem>> -> memref<1x104x64xf32, #tpu.memory_space<vmem>>
      %dma_start3A_683 = tpu.memref_squeeze %dma_start3A_682 : memref<1x104x64xf32, #tpu.memory_space<vmem>> -> memref<104x64xf32, #tpu.memory_space<vmem>>
      %dma_start3A_684 = arith.constant 0 : i32
      %dma_start3A_685 = tpu.memref_slice %arg6[%dma_start3A_677, %dma_start3A_678, %dma_start3A_684] : memref<2x8x104xi32, #tpu.memory_space<vmem>> -> memref<1x1x104xi32, #tpu.memory_space<vmem>>
      %dma_start3A_686 = tpu.memref_squeeze %dma_start3A_685 : memref<1x1x104xi32, #tpu.memory_space<vmem>> -> memref<104xi32, #tpu.memory_space<vmem>>
      %dma_start3A_687 = arith.constant 0 : i32
      %dma_start3A_688 = arith.constant 0 : i32
      %dma_start3A_689 = tpu.memref_slice %arg4[%dma_start3A_687, %dma_start3A_688] : memref<1015808x64xf32, #tpu.memory_space<hbm>> -> memref<1015808x64xf32, #tpu.memory_space<hbm>>
      tpu.enqueue_indirect_dma source(%dma_start3A_689 : memref<1015808x64xf32, #tpu.memory_space<hbm>>) target(%dma_start3A_683 : memref<104x64xf32, #tpu.memory_space<vmem>>) offsets(%dma_start3A_686 : memref<104xi32, #tpu.memory_space<vmem>>) semaphore(%arg10 : memref<!tpu.dma_semaphore, #tpu.memory_space<semaphore_mem>>)
      %dma_start3A_690 = arith.constant 0 : i32
      %dma_start3A_691 = arith.constant 1 : i32
      %dma_start3A_692 = arith.constant 0 : i32
      %dma_start3A_693 = arith.constant 104 : i32
      %dma_start3A_694 = arith.constant 0 : i32
      %dma_start3A_695 = tpu.memref_slice %arg7[%dma_start3A_692, %dma_start3A_693, %dma_start3A_694] : memref<2x832x64xf32, #tpu.memory_space<vmem>> -> memref<1x104x64xf32, #tpu.memory_space<vmem>>
      %dma_start3A_696 = tpu.memref_squeeze %dma_start3A_695 : memref<1x104x64xf32, #tpu.memory_space<vmem>> -> memref<104x64xf32, #tpu.memory_space<vmem>>
      %dma_start3A_697 = arith.constant 0 : i32
      %dma_start3A_698 = tpu.memref_slice %arg6[%dma_start3A_690, %dma_start3A_691, %dma_start3A_697] : memref<2x8x104xi32, #tpu.memory_space<vmem>> -> memref<1x1x104xi32, #tpu.memory_space<vmem>>
      %dma_start3A_699 = tpu.memref_squeeze %dma_start3A_698 : memref<1x1x104xi32, #tpu.memory_space<vmem>> -> memref<104xi32, #tpu.memory_space<vmem>>
      %dma_start3A_700 = arith.constant 0 : i32
      %dma_start3A_701 = arith.constant 0 : i32
      %dma_start3A_702 = tpu.memref_slice %arg4[%dma_start3A_700, %dma_start3A_701] : memref<1015808x64xf32, #tpu.memory_space<hbm>> -> memref<1015808x64xf32, #tpu.memory_space<hbm>>
      tpu.enqueue_indirect_dma source(%dma_start3A_702 : memref<1015808x64xf32, #tpu.memory_space<hbm>>) target(%dma_start3A_696 : memref<104x64xf32, #tpu.memory_space<vmem>>) offsets(%dma_start3A_699 : memref<104xi32, #tpu.memory_space<vmem>>) semaphore(%arg10 : memref<!tpu.dma_semaphore, #tpu.memory_space<semaphore_mem>>)
      %dma_start3A_703 = arith.constant 0 : i32
      %dma_start3A_704 = arith.constant 2 : i32
      %dma_start3A_705 = arith.constant 0 : i32
      %dma_start3A_706 = arith.constant 208 : i32
      %dma_start3A_707 = arith.constant 0 : i32
      %dma_start3A_708 = tpu.memref_slice %arg7[%dma_start3A_705, %dma_start3A_706, %dma_start3A_707] : memref<2x832x64xf32, #tpu.memory_space<vmem>> -> memref<1x104x64xf32, #tpu.memory_space<vmem>>
      %dma_start3A_709 = tpu.memref_squeeze %dma_start3A_708 : memref<1x104x64xf32, #tpu.memory_space<vmem>> -> memref<104x64xf32, #tpu.memory_space<vmem>>
      %dma_start3A_710 = arith.constant 0 : i32
      %dma_start3A_711 = tpu.memref_slice %arg6[%dma_start3A_703, %dma_start3A_704, %dma_start3A_710] : memref<2x8x104xi32, #tpu.memory_space<vmem>> -> memref<1x1x104xi32, #tpu.memory_space<vmem>>
      %dma_start3A_712 = tpu.memref_squeeze %dma_start3A_711 : memref<1x1x104xi32, #tpu.memory_space<vmem>> -> memref<104xi32, #tpu.memory_space<vmem>>
      %dma_start3A_713 = arith.constant 0 : i32
      %dma_start3A_714 = arith.constant 0 : i32
      %dma_start3A_715 = tpu.memref_slice %arg4[%dma_start3A_713, %dma_start3A_714] : memref<1015808x64xf32, #tpu.memory_space<hbm>> -> memref<1015808x64xf32, #tpu.memory_space<hbm>>
      tpu.enqueue_indirect_dma source(%dma_start3A_715 : memref<1015808x64xf32, #tpu.memory_space<hbm>>) target(%dma_start3A_709 : memref<104x64xf32, #tpu.memory_space<vmem>>) offsets(%dma_start3A_712 : memref<104xi32, #tpu.memory_space<vmem>>) semaphore(%arg10 : memref<!tpu.dma_semaphore, #tpu.memory_space<semaphore_mem>>)
      %dma_start3A_716 = arith.constant 0 : i32
      %dma_start3A_717 = arith.constant 3 : i32
      %dma_start3A_718 = arith.constant 0 : i32
      %dma_start3A_719 = arith.constant 312 : i32
      %dma_start3A_720 = arith.constant 0 : i32
      %dma_start3A_721 = tpu.memref_slice %arg7[%dma_start3A_718, %dma_start3A_719, %dma_start3A_720] : memref<2x832x64xf32, #tpu.memory_space<vmem>> -> memref<1x104x64xf32, #tpu.memory_space<vmem>>
      %dma_start3A_722 = tpu.memref_squeeze %dma_start3A_721 : memref<1x104x64xf32, #tpu.memory_space<vmem>> -> memref<104x64xf32, #tpu.memory_space<vmem>>
      %dma_start3A_723 = arith.constant 0 : i32
      %dma_start3A_724 = tpu.memref_slice %arg6[%dma_start3A_716, %dma_start3A_717, %dma_start3A_723] : memref<2x8x104xi32, #tpu.memory_space<vmem>> -> memref<1x1x104xi32, #tpu.memory_space<vmem>>
      %dma_start3A_725 = tpu.memref_squeeze %dma_start3A_724 : memref<1x1x104xi32, #tpu.memory_space<vmem>> -> memref<104xi32, #tpu.memory_space<vmem>>
      %dma_start3A_726 = arith.constant 0 : i32
      %dma_start3A_727 = arith.constant 0 : i32
      %dma_start3A_728 = tpu.memref_slice %arg4[%dma_start3A_726, %dma_start3A_727] : memref<1015808x64xf32, #tpu.memory_space<hbm>> -> memref<1015808x64xf32, #tpu.memory_space<hbm>>
      tpu.enqueue_indirect_dma source(%dma_start3A_728 : memref<1015808x64xf32, #tpu.memory_space<hbm>>) target(%dma_start3A_722 : memref<104x64xf32, #tpu.memory_space<vmem>>) offsets(%dma_start3A_725 : memref<104xi32, #tpu.memory_space<vmem>>) semaphore(%arg10 : memref<!tpu.dma_semaphore, #tpu.memory_space<semaphore_mem>>)
      %dma_start3A_729 = arith.constant 0 : i32
      %dma_start3A_730 = arith.constant 4 : i32
      %dma_start3A_731 = arith.constant 0 : i32
      %dma_start3A_732 = arith.constant 416 : i32
      %dma_start3A_733 = arith.constant 0 : i32
      %dma_start3A_734 = tpu.memref_slice %arg7[%dma_start3A_731, %dma_start3A_732, %dma_start3A_733] : memref<2x832x64xf32, #tpu.memory_space<vmem>> -> memref<1x104x64xf32, #tpu.memory_space<vmem>>
      %dma_start3A_735 = tpu.memref_squeeze %dma_start3A_734 : memref<1x104x64xf32, #tpu.memory_space<vmem>> -> memref<104x64xf32, #tpu.memory_space<vmem>>
      %dma_start3A_736 = arith.constant 0 : i32
      %dma_start3A_737 = tpu.memref_slice %arg6[%dma_start3A_729, %dma_start3A_730, %dma_start3A_736] : memref<2x8x104xi32, #tpu.memory_space<vmem>> -> memref<1x1x104xi32, #tpu.memory_space<vmem>>
      %dma_start3A_738 = tpu.memref_squeeze %dma_start3A_737 : memref<1x1x104xi32, #tpu.memory_space<vmem>> -> memref<104xi32, #tpu.memory_space<vmem>>
      %dma_start3A_739 = arith.constant 0 : i32
      %dma_start3A_740 = arith.constant 0 : i32
      %dma_start3A_741 = tpu.memref_slice %arg4[%dma_start3A_739, %dma_start3A_740] : memref<1015808x64xf32, #tpu.memory_space<hbm>> -> memref<1015808x64xf32, #tpu.memory_space<hbm>>
      tpu.enqueue_indirect_dma source(%dma_start3A_741 : memref<1015808x64xf32, #tpu.memory_space<hbm>>) target(%dma_start3A_735 : memref<104x64xf32, #tpu.memory_space<vmem>>) offsets(%dma_start3A_738 : memref<104xi32, #tpu.memory_space<vmem>>) semaphore(%arg10 : memref<!tpu.dma_semaphore, #tpu.memory_space<semaphore_mem>>)
      %dma_start3A_742 = arith.constant 0 : i32
      %dma_start3A_743 = arith.constant 5 : i32
      %dma_start3A_744 = arith.constant 0 : i32
      %dma_start3A_745 = arith.constant 520 : i32
      %dma_start3A_746 = arith.constant 0 : i32
      %dma_start3A_747 = tpu.memref_slice %arg7[%dma_start3A_744, %dma_start3A_745, %dma_start3A_746] : memref<2x832x64xf32, #tpu.memory_space<vmem>> -> memref<1x104x64xf32, #tpu.memory_space<vmem>>
      %dma_start3A_748 = tpu.memref_squeeze %dma_start3A_747 : memref<1x104x64xf32, #tpu.memory_space<vmem>> -> memref<104x64xf32, #tpu.memory_space<vmem>>
      %dma_start3A_749 = arith.constant 0 : i32
      %dma_start3A_750 = tpu.memref_slice %arg6[%dma_start3A_742, %dma_start3A_743, %dma_start3A_749] : memref<2x8x104xi32, #tpu.memory_space<vmem>> -> memref<1x1x104xi32, #tpu.memory_space<vmem>>
      %dma_start3A_751 = tpu.memref_squeeze %dma_start3A_750 : memref<1x1x104xi32, #tpu.memory_space<vmem>> -> memref<104xi32, #tpu.memory_space<vmem>>
      %dma_start3A_752 = arith.constant 0 : i32
      %dma_start3A_753 = arith.constant 0 : i32
      %dma_start3A_754 = tpu.memref_slice %arg4[%dma_start3A_752, %dma_start3A_753] : memref<1015808x64xf32, #tpu.memory_space<hbm>> -> memref<1015808x64xf32, #tpu.memory_space<hbm>>
      tpu.enqueue_indirect_dma source(%dma_start3A_754 : memref<1015808x64xf32, #tpu.memory_space<hbm>>) target(%dma_start3A_748 : memref<104x64xf32, #tpu.memory_space<vmem>>) offsets(%dma_start3A_751 : memref<104xi32, #tpu.memory_space<vmem>>) semaphore(%arg10 : memref<!tpu.dma_semaphore, #tpu.memory_space<semaphore_mem>>)
      %dma_start3A_755 = arith.constant 0 : i32
      %dma_start3A_756 = arith.constant 6 : i32
      %dma_start3A_757 = arith.constant 0 : i32
      %dma_start3A_758 = arith.constant 624 : i32
      %dma_start3A_759 = arith.constant 0 : i32
      %dma_start3A_760 = tpu.memref_slice %arg7[%dma_start3A_757, %dma_start3A_758, %dma_start3A_759] : memref<2x832x64xf32, #tpu.memory_space<vmem>> -> memref<1x104x64xf32, #tpu.memory_space<vmem>>
      %dma_start3A_761 = tpu.memref_squeeze %dma_start3A_760 : memref<1x104x64xf32, #tpu.memory_space<vmem>> -> memref<104x64xf32, #tpu.memory_space<vmem>>
      %dma_start3A_762 = arith.constant 0 : i32
      %dma_start3A_763 = tpu.memref_slice %arg6[%dma_start3A_755, %dma_start3A_756, %dma_start3A_762] : memref<2x8x104xi32, #tpu.memory_space<vmem>> -> memref<1x1x104xi32, #tpu.memory_space<vmem>>
      %dma_start3A_764 = tpu.memref_squeeze %dma_start3A_763 : memref<1x1x104xi32, #tpu.memory_space<vmem>> -> memref<104xi32, #tpu.memory_space<vmem>>
      %dma_start3A_765 = arith.constant 0 : i32
      %dma_start3A_766 = arith.constant 0 : i32
      %dma_start3A_767 = tpu.memref_slice %arg4[%dma_start3A_765, %dma_start3A_766] : memref<1015808x64xf32, #tpu.memory_space<hbm>> -> memref<1015808x64xf32, #tpu.memory_space<hbm>>
      tpu.enqueue_indirect_dma source(%dma_start3A_767 : memref<1015808x64xf32, #tpu.memory_space<hbm>>) target(%dma_start3A_761 : memref<104x64xf32, #tpu.memory_space<vmem>>) offsets(%dma_start3A_764 : memref<104xi32, #tpu.memory_space<vmem>>) semaphore(%arg10 : memref<!tpu.dma_semaphore, #tpu.memory_space<semaphore_mem>>)
      %dma_start3A_768 = arith.constant 0 : i32
      %dma_start3A_769 = arith.constant 7 : i32
      %dma_start3A_770 = arith.constant 0 : i32
      %dma_start3A_771 = arith.constant 728 : i32
      %dma_start3A_772 = arith.constant 0 : i32
      %dma_start3A_773 = tpu.memref_slice %arg7[%dma_start3A_770, %dma_start3A_771, %dma_start3A_772] : memref<2x832x64xf32, #tpu.memory_space<vmem>> -> memref<1x104x64xf32, #tpu.memory_space<vmem>>
      %dma_start3A_774 = tpu.memref_squeeze %dma_start3A_773 : memref<1x104x64xf32, #tpu.memory_space<vmem>> -> memref<104x64xf32, #tpu.memory_space<vmem>>
      %dma_start3A_775 = arith.constant 0 : i32
      %dma_start3A_776 = tpu.memref_slice %arg6[%dma_start3A_768, %dma_start3A_769, %dma_start3A_775] : memref<2x8x104xi32, #tpu.memory_space<vmem>> -> memref<1x1x104xi32, #tpu.memory_space<vmem>>
      %dma_start3A_777 = tpu.memref_squeeze %dma_start3A_776 : memref<1x1x104xi32, #tpu.memory_space<vmem>> -> memref<104xi32, #tpu.memory_space<vmem>>
      %dma_start3A_778 = arith.constant 0 : i32
      %dma_start3A_779 = arith.constant 0 : i32
      %dma_start3A_780 = tpu.memref_slice %arg4[%dma_start3A_778, %dma_start3A_779] : memref<1015808x64xf32, #tpu.memory_space<hbm>> -> memref<1015808x64xf32, #tpu.memory_space<hbm>>
      tpu.enqueue_indirect_dma source(%dma_start3A_780 : memref<1015808x64xf32, #tpu.memory_space<hbm>>) target(%dma_start3A_774 : memref<104x64xf32, #tpu.memory_space<vmem>>) offsets(%dma_start3A_777 : memref<104xi32, #tpu.memory_space<vmem>>) semaphore(%arg10 : memref<!tpu.dma_semaphore, #tpu.memory_space<semaphore_mem>>)
      %dma_wait3A_781 = arith.constant 1 : i32
      %dma_wait3A_782 = arith.constant 0 : i32
      %dma_wait3A_783 = arith.constant 1 : i32
      %dma_wait3A_784 = arith.constant 0 : i32
      %dma_wait3A_785 = arith.constant 0 : i32
      %dma_wait3A_786 = tpu.memref_slice %arg7[%dma_wait3A_783, %dma_wait3A_784, %dma_wait3A_785] : memref<2x832x64xf32, #tpu.memory_space<vmem>> -> memref<1x104x64xf32, #tpu.memory_space<vmem>>
      %dma_wait3A_787 = tpu.memref_squeeze %dma_wait3A_786 : memref<1x104x64xf32, #tpu.memory_space<vmem>> -> memref<104x64xf32, #tpu.memory_space<vmem>>
      %dma_wait3A_788 = arith.constant 0 : i32
      %dma_wait3A_789 = tpu.memref_slice %arg6[%dma_wait3A_781, %dma_wait3A_782, %dma_wait3A_788] : memref<2x8x104xi32, #tpu.memory_space<vmem>> -> memref<1x1x104xi32, #tpu.memory_space<vmem>>
      %dma_wait3A_790 = tpu.memref_squeeze %dma_wait3A_789 : memref<1x1x104xi32, #tpu.memory_space<vmem>> -> memref<104xi32, #tpu.memory_space<vmem>>
      %dma_wait3A_791 = arith.constant 0 : i32
      %dma_wait3A_792 = arith.constant 0 : i32
      %dma_wait3A_793 = tpu.memref_slice %arg4[%dma_wait3A_791, %dma_wait3A_792] : memref<1015808x64xf32, #tpu.memory_space<hbm>> -> memref<1015808x64xf32, #tpu.memory_space<hbm>>
      tpu.wait_indirect_dma semaphore(%arg11 : memref<!tpu.dma_semaphore, #tpu.memory_space<semaphore_mem>>) src(%dma_wait3A_793 : memref<1015808x64xf32, #tpu.memory_space<hbm>>) dst(%dma_wait3A_787 : memref<104x64xf32, #tpu.memory_space<vmem>>)
      %dma_wait3A_794 = arith.constant 1 : i32
      %dma_wait3A_795 = arith.constant 1 : i32
      %dma_wait3A_796 = arith.constant 1 : i32
      %dma_wait3A_797 = arith.constant 104 : i32
      %dma_wait3A_798 = arith.constant 0 : i32
      %dma_wait3A_799 = tpu.memref_slice %arg7[%dma_wait3A_796, %dma_wait3A_797, %dma_wait3A_798] : memref<2x832x64xf32, #tpu.memory_space<vmem>> -> memref<1x104x64xf32, #tpu.memory_space<vmem>>
      %dma_wait3A_800 = tpu.memref_squeeze %dma_wait3A_799 : memref<1x104x64xf32, #tpu.memory_space<vmem>> -> memref<104x64xf32, #tpu.memory_space<vmem>>
      %dma_wait3A_801 = arith.constant 0 : i32
      %dma_wait3A_802 = tpu.memref_slice %arg6[%dma_wait3A_794, %dma_wait3A_795, %dma_wait3A_801] : memref<2x8x104xi32, #tpu.memory_space<vmem>> -> memref<1x1x104xi32, #tpu.memory_space<vmem>>
      %dma_wait3A_803 = tpu.memref_squeeze %dma_wait3A_802 : memref<1x1x104xi32, #tpu.memory_space<vmem>> -> memref<104xi32, #tpu.memory_space<vmem>>
      %dma_wait3A_804 = arith.constant 0 : i32
      %dma_wait3A_805 = arith.constant 0 : i32
      %dma_wait3A_806 = tpu.memref_slice %arg4[%dma_wait3A_804, %dma_wait3A_805] : memref<1015808x64xf32, #tpu.memory_space<hbm>> -> memref<1015808x64xf32, #tpu.memory_space<hbm>>
      tpu.wait_indirect_dma semaphore(%arg11 : memref<!tpu.dma_semaphore, #tpu.memory_space<semaphore_mem>>) src(%dma_wait3A_806 : memref<1015808x64xf32, #tpu.memory_space<hbm>>) dst(%dma_wait3A_800 : memref<104x64xf32, #tpu.memory_space<vmem>>)
      %dma_wait3A_807 = arith.constant 1 : i32
      %dma_wait3A_808 = arith.constant 2 : i32
      %dma_wait3A_809 = arith.constant 1 : i32
      %dma_wait3A_810 = arith.constant 208 : i32
      %dma_wait3A_811 = arith.constant 0 : i32
      %dma_wait3A_812 = tpu.memref_slice %arg7[%dma_wait3A_809, %dma_wait3A_810, %dma_wait3A_811] : memref<2x832x64xf32, #tpu.memory_space<vmem>> -> memref<1x104x64xf32, #tpu.memory_space<vmem>>
      %dma_wait3A_813 = tpu.memref_squeeze %dma_wait3A_812 : memref<1x104x64xf32, #tpu.memory_space<vmem>> -> memref<104x64xf32, #tpu.memory_space<vmem>>
      %dma_wait3A_814 = arith.constant 0 : i32
      %dma_wait3A_815 = tpu.memref_slice %arg6[%dma_wait3A_807, %dma_wait3A_808, %dma_wait3A_814] : memref<2x8x104xi32, #tpu.memory_space<vmem>> -> memref<1x1x104xi32, #tpu.memory_space<vmem>>
      %dma_wait3A_816 = tpu.memref_squeeze %dma_wait3A_815 : memref<1x1x104xi32, #tpu.memory_space<vmem>> -> memref<104xi32, #tpu.memory_space<vmem>>
      %dma_wait3A_817 = arith.constant 0 : i32
      %dma_wait3A_818 = arith.constant 0 : i32
      %dma_wait3A_819 = tpu.memref_slice %arg4[%dma_wait3A_817, %dma_wait3A_818] : memref<1015808x64xf32, #tpu.memory_space<hbm>> -> memref<1015808x64xf32, #tpu.memory_space<hbm>>
      tpu.wait_indirect_dma semaphore(%arg11 : memref<!tpu.dma_semaphore, #tpu.memory_space<semaphore_mem>>) src(%dma_wait3A_819 : memref<1015808x64xf32, #tpu.memory_space<hbm>>) dst(%dma_wait3A_813 : memref<104x64xf32, #tpu.memory_space<vmem>>)
      %dma_wait3A_820 = arith.constant 1 : i32
      %dma_wait3A_821 = arith.constant 3 : i32
      %dma_wait3A_822 = arith.constant 1 : i32
      %dma_wait3A_823 = arith.constant 312 : i32
      %dma_wait3A_824 = arith.constant 0 : i32
      %dma_wait3A_825 = tpu.memref_slice %arg7[%dma_wait3A_822, %dma_wait3A_823, %dma_wait3A_824] : memref<2x832x64xf32, #tpu.memory_space<vmem>> -> memref<1x104x64xf32, #tpu.memory_space<vmem>>
      %dma_wait3A_826 = tpu.memref_squeeze %dma_wait3A_825 : memref<1x104x64xf32, #tpu.memory_space<vmem>> -> memref<104x64xf32, #tpu.memory_space<vmem>>
      %dma_wait3A_827 = arith.constant 0 : i32
      %dma_wait3A_828 = tpu.memref_slice %arg6[%dma_wait3A_820, %dma_wait3A_821, %dma_wait3A_827] : memref<2x8x104xi32, #tpu.memory_space<vmem>> -> memref<1x1x104xi32, #tpu.memory_space<vmem>>
      %dma_wait3A_829 = tpu.memref_squeeze %dma_wait3A_828 : memref<1x1x104xi32, #tpu.memory_space<vmem>> -> memref<104xi32, #tpu.memory_space<vmem>>
      %dma_wait3A_830 = arith.constant 0 : i32
      %dma_wait3A_831 = arith.constant 0 : i32
      %dma_wait3A_832 = tpu.memref_slice %arg4[%dma_wait3A_830, %dma_wait3A_831] : memref<1015808x64xf32, #tpu.memory_space<hbm>> -> memref<1015808x64xf32, #tpu.memory_space<hbm>>
      tpu.wait_indirect_dma semaphore(%arg11 : memref<!tpu.dma_semaphore, #tpu.memory_space<semaphore_mem>>) src(%dma_wait3A_832 : memref<1015808x64xf32, #tpu.memory_space<hbm>>) dst(%dma_wait3A_826 : memref<104x64xf32, #tpu.memory_space<vmem>>)
      %dma_wait3A_833 = arith.constant 1 : i32
      %dma_wait3A_834 = arith.constant 4 : i32
      %dma_wait3A_835 = arith.constant 1 : i32
      %dma_wait3A_836 = arith.constant 416 : i32
      %dma_wait3A_837 = arith.constant 0 : i32
      %dma_wait3A_838 = tpu.memref_slice %arg7[%dma_wait3A_835, %dma_wait3A_836, %dma_wait3A_837] : memref<2x832x64xf32, #tpu.memory_space<vmem>> -> memref<1x104x64xf32, #tpu.memory_space<vmem>>
      %dma_wait3A_839 = tpu.memref_squeeze %dma_wait3A_838 : memref<1x104x64xf32, #tpu.memory_space<vmem>> -> memref<104x64xf32, #tpu.memory_space<vmem>>
      %dma_wait3A_840 = arith.constant 0 : i32
      %dma_wait3A_841 = tpu.memref_slice %arg6[%dma_wait3A_833, %dma_wait3A_834, %dma_wait3A_840] : memref<2x8x104xi32, #tpu.memory_space<vmem>> -> memref<1x1x104xi32, #tpu.memory_space<vmem>>
      %dma_wait3A_842 = tpu.memref_squeeze %dma_wait3A_841 : memref<1x1x104xi32, #tpu.memory_space<vmem>> -> memref<104xi32, #tpu.memory_space<vmem>>
      %dma_wait3A_843 = arith.constant 0 : i32
      %dma_wait3A_844 = arith.constant 0 : i32
      %dma_wait3A_845 = tpu.memref_slice %arg4[%dma_wait3A_843, %dma_wait3A_844] : memref<1015808x64xf32, #tpu.memory_space<hbm>> -> memref<1015808x64xf32, #tpu.memory_space<hbm>>
      tpu.wait_indirect_dma semaphore(%arg11 : memref<!tpu.dma_semaphore, #tpu.memory_space<semaphore_mem>>) src(%dma_wait3A_845 : memref<1015808x64xf32, #tpu.memory_space<hbm>>) dst(%dma_wait3A_839 : memref<104x64xf32, #tpu.memory_space<vmem>>)
      %dma_wait3A_846 = arith.constant 1 : i32
      %dma_wait3A_847 = arith.constant 5 : i32
      %dma_wait3A_848 = arith.constant 1 : i32
      %dma_wait3A_849 = arith.constant 520 : i32
      %dma_wait3A_850 = arith.constant 0 : i32
      %dma_wait3A_851 = tpu.memref_slice %arg7[%dma_wait3A_848, %dma_wait3A_849, %dma_wait3A_850] : memref<2x832x64xf32, #tpu.memory_space<vmem>> -> memref<1x104x64xf32, #tpu.memory_space<vmem>>
      %dma_wait3A_852 = tpu.memref_squeeze %dma_wait3A_851 : memref<1x104x64xf32, #tpu.memory_space<vmem>> -> memref<104x64xf32, #tpu.memory_space<vmem>>
      %dma_wait3A_853 = arith.constant 0 : i32
      %dma_wait3A_854 = tpu.memref_slice %arg6[%dma_wait3A_846, %dma_wait3A_847, %dma_wait3A_853] : memref<2x8x104xi32, #tpu.memory_space<vmem>> -> memref<1x1x104xi32, #tpu.memory_space<vmem>>
      %dma_wait3A_855 = tpu.memref_squeeze %dma_wait3A_854 : memref<1x1x104xi32, #tpu.memory_space<vmem>> -> memref<104xi32, #tpu.memory_space<vmem>>
      %dma_wait3A_856 = arith.constant 0 : i32
      %dma_wait3A_857 = arith.constant 0 : i32
      %dma_wait3A_858 = tpu.memref_slice %arg4[%dma_wait3A_856, %dma_wait3A_857] : memref<1015808x64xf32, #tpu.memory_space<hbm>> -> memref<1015808x64xf32, #tpu.memory_space<hbm>>
      tpu.wait_indirect_dma semaphore(%arg11 : memref<!tpu.dma_semaphore, #tpu.memory_space<semaphore_mem>>) src(%dma_wait3A_858 : memref<1015808x64xf32, #tpu.memory_space<hbm>>) dst(%dma_wait3A_852 : memref<104x64xf32, #tpu.memory_space<vmem>>)
      %dma_wait3A_859 = arith.constant 1 : i32
      %dma_wait3A_860 = arith.constant 6 : i32
      %dma_wait3A_861 = arith.constant 1 : i32
      %dma_wait3A_862 = arith.constant 624 : i32
      %dma_wait3A_863 = arith.constant 0 : i32
      %dma_wait3A_864 = tpu.memref_slice %arg7[%dma_wait3A_861, %dma_wait3A_862, %dma_wait3A_863] : memref<2x832x64xf32, #tpu.memory_space<vmem>> -> memref<1x104x64xf32, #tpu.memory_space<vmem>>
      %dma_wait3A_865 = tpu.memref_squeeze %dma_wait3A_864 : memref<1x104x64xf32, #tpu.memory_space<vmem>> -> memref<104x64xf32, #tpu.memory_space<vmem>>
      %dma_wait3A_866 = arith.constant 0 : i32
      %dma_wait3A_867 = tpu.memref_slice %arg6[%dma_wait3A_859, %dma_wait3A_860, %dma_wait3A_866] : memref<2x8x104xi32, #tpu.memory_space<vmem>> -> memref<1x1x104xi32, #tpu.memory_space<vmem>>
      %dma_wait3A_868 = tpu.memref_squeeze %dma_wait3A_867 : memref<1x1x104xi32, #tpu.memory_space<vmem>> -> memref<104xi32, #tpu.memory_space<vmem>>
      %dma_wait3A_869 = arith.constant 0 : i32
      %dma_wait3A_870 = arith.constant 0 : i32
      %dma_wait3A_871 = tpu.memref_slice %arg4[%dma_wait3A_869, %dma_wait3A_870] : memref<1015808x64xf32, #tpu.memory_space<hbm>> -> memref<1015808x64xf32, #tpu.memory_space<hbm>>
      tpu.wait_indirect_dma semaphore(%arg11 : memref<!tpu.dma_semaphore, #tpu.memory_space<semaphore_mem>>) src(%dma_wait3A_871 : memref<1015808x64xf32, #tpu.memory_space<hbm>>) dst(%dma_wait3A_865 : memref<104x64xf32, #tpu.memory_space<vmem>>)
      %dma_wait3A_872 = arith.constant 1 : i32
      %dma_wait3A_873 = arith.constant 7 : i32
      %dma_wait3A_874 = arith.constant 1 : i32
      %dma_wait3A_875 = arith.constant 728 : i32
      %dma_wait3A_876 = arith.constant 0 : i32
      %dma_wait3A_877 = tpu.memref_slice %arg7[%dma_wait3A_874, %dma_wait3A_875, %dma_wait3A_876] : memref<2x832x64xf32, #tpu.memory_space<vmem>> -> memref<1x104x64xf32, #tpu.memory_space<vmem>>
      %dma_wait3A_878 = tpu.memref_squeeze %dma_wait3A_877 : memref<1x104x64xf32, #tpu.memory_space<vmem>> -> memref<104x64xf32, #tpu.memory_space<vmem>>
      %dma_wait3A_879 = arith.constant 0 : i32
      %dma_wait3A_880 = tpu.memref_slice %arg6[%dma_wait3A_872, %dma_wait3A_873, %dma_wait3A_879] : memref<2x8x104xi32, #tpu.memory_space<vmem>> -> memref<1x1x104xi32, #tpu.memory_space<vmem>>
      %dma_wait3A_881 = tpu.memref_squeeze %dma_wait3A_880 : memref<1x1x104xi32, #tpu.memory_space<vmem>> -> memref<104xi32, #tpu.memory_space<vmem>>
      %dma_wait3A_882 = arith.constant 0 : i32
      %dma_wait3A_883 = arith.constant 0 : i32
      %dma_wait3A_884 = tpu.memref_slice %arg4[%dma_wait3A_882, %dma_wait3A_883] : memref<1015808x64xf32, #tpu.memory_space<hbm>> -> memref<1015808x64xf32, #tpu.memory_space<hbm>>
      tpu.wait_indirect_dma semaphore(%arg11 : memref<!tpu.dma_semaphore, #tpu.memory_space<semaphore_mem>>) src(%dma_wait3A_884 : memref<1015808x64xf32, #tpu.memory_space<hbm>>) dst(%dma_wait3A_878 : memref<104x64xf32, #tpu.memory_space<vmem>>)
      %add3A_885 = arith.constant 1 : i32
      %add3A_886 = arith.addi %mul3A_447, %add3A_885 : i32
      %mul3A_887 = arith.constant 32 : i32
      %mul3A_888 = arith.muli %add3A_886, %mul3A_887 : i32
      %add3A_889 = arith.addi %mul3A_2, %mul3A_888 : i32
      "tpu.region"() ({
        %run_scoped3A_896 = tpu.sem_alloc : memref<!tpu.dma_semaphore, #tpu.memory_space<semaphore_mem>>
        %dma_start3A_897 = arith.constant 0 : i32
        %dma_start3A_898 = tpu.memref_slice %arg3[%add3A_889, %dma_start3A_897] : memref<51200x16xf32, #tpu.memory_space<hbm>> -> memref<32x16xf32, #tpu.memory_space<hbm>>
        %dma_start3A_899 = arith.constant 0 : i32
        %dma_start3A_900 = tpu.memref_slice %arg3[%add3A_889, %dma_start3A_899] : memref<51200x16xf32, #tpu.memory_space<hbm>> -> memref<32x16xf32, #tpu.memory_space<hbm>>
        tpu.enqueue_dma source(%dma_start3A_900 : memref<32x16xf32, #tpu.memory_space<hbm>>) target(%arg8 : memref<32x16xf32, #tpu.memory_space<vmem>>) target_semaphore(%run_scoped3A_896 : memref<!tpu.dma_semaphore, #tpu.memory_space<semaphore_mem>>)
        %dma_wait3A_901 = arith.constant 0 : i32
        %dma_wait3A_902 = tpu.memref_slice %arg3[%add3A_889, %dma_wait3A_901] : memref<51200x16xf32, #tpu.memory_space<hbm>> -> memref<32x16xf32, #tpu.memory_space<hbm>>
        %dma_wait3A_903 = arith.constant 0 : i32
        %dma_wait3A_904 = tpu.memref_slice %arg3[%add3A_889, %dma_wait3A_903] : memref<51200x16xf32, #tpu.memory_space<hbm>> -> memref<32x16xf32, #tpu.memory_space<hbm>>
        tpu.wait_dma2 semaphore(%run_scoped3A_896 : memref<!tpu.dma_semaphore, #tpu.memory_space<semaphore_mem>>) src(%dma_wait3A_904 : memref<32x16xf32, #tpu.memory_space<hbm>>) dst(%arg8 : memref<32x16xf32, #tpu.memory_space<vmem>>)
        tpu.yield
      }) : () -> ()
      %scan3A_890 = arith.constant 0 : i32
      %scan3A_891 = arith.constant 0 : i32
      %scan3A_892 = arith.constant 32 : i32
      %scan3A_893 = arith.addi %scan3A_891, %scan3A_892 : i32
      %scan3A_894 = arith.constant 1 : i32
      scf.for %scan3A_896 = %scan3A_891 to %scan3A_893 step %scan3A_894  : i32 {
        %mul3A_897 = arith.constant 26 : i32
        %mul3A_898 = arith.muli %scan3A_896, %mul3A_897 : i32
        %get3A = arith.constant 1 : i32
        %get3A_899 = arith.index_cast %get3A : i32 to index
        %get3A_900 = arith.index_cast %mul3A_898 : i32 to index
        %get3A_901 = arith.constant 0 : index
        %get3A_902 = tpu.vector_load %arg7[%get3A_899, %get3A_900, %get3A_901] {strides = array<i32>} : memref<2x832x64xf32, #tpu.memory_space<vmem>>, vector<1x1x16xf32>,
        %get3A_903 = vector.shape_cast %get3A_902 : vector<1x1x16xf32> to vector<16xf32>
        %get3A_904 = arith.constant 1 : i32
        %get3A_905 = arith.index_cast %get3A_904 : i32 to index
        %get3A_906 = arith.index_cast %mul3A_898 : i32 to index
        %get3A_907 = arith.constant 16 : index
        %get3A_908 = tpu.vector_load %arg7[%get3A_905, %get3A_906, %get3A_907] {strides = array<i32>} : memref<2x832x64xf32, #tpu.memory_space<vmem>>, vector<1x1x16xf32>,
        %get3A_909 = vector.shape_cast %get3A_908 : vector<1x1x16xf32> to vector<16xf32>
        %get3A_910 = arith.constant 1 : i32
        %get3A_911 = arith.index_cast %get3A_910 : i32 to index
        %get3A_912 = arith.index_cast %mul3A_898 : i32 to index
        %get3A_913 = arith.constant 32 : index
        %get3A_914 = tpu.vector_load %arg7[%get3A_911, %get3A_912, %get3A_913] {strides = array<i32>} : memref<2x832x64xf32, #tpu.memory_space<vmem>>, vector<1x1x16xf32>,
        %get3A_915 = vector.shape_cast %get3A_914 : vector<1x1x16xf32> to vector<16xf32>
        %get3A_916 = arith.constant 1 : i32
        %get3A_917 = arith.index_cast %get3A_916 : i32 to index
        %get3A_918 = arith.index_cast %mul3A_898 : i32 to index
        %get3A_919 = arith.constant 48 : index
        %get3A_920 = tpu.vector_load %arg7[%get3A_917, %get3A_918, %get3A_919] {strides = array<i32>} : memref<2x832x64xf32, #tpu.memory_space<vmem>>, vector<1x1x16xf32>,
        %get3A_921 = vector.shape_cast %get3A_920 : vector<1x1x16xf32> to vector<16xf32>
        %add3A_922 = arith.constant 1 : i32
        %add3A_923 = arith.addi %mul3A_898, %add3A_922 : i32
        %get3A_924 = arith.constant 1 : i32
        %get3A_925 = arith.index_cast %get3A_924 : i32 to index
        %get3A_926 = arith.index_cast %add3A_923 : i32 to index
        %get3A_927 = arith.constant 0 : index
        %get3A_928 = tpu.vector_load %arg7[%get3A_925, %get3A_926, %get3A_927] {strides = array<i32>} : memref<2x832x64xf32, #tpu.memory_space<vmem>>, vector<1x1x16xf32>,
        %get3A_929 = vector.shape_cast %get3A_928 : vector<1x1x16xf32> to vector<16xf32>
        %add3A_930 = arith.addf %get3A_903, %get3A_929 : vector<16xf32>
        %add3A_931 = arith.constant 1 : i32
        %add3A_932 = arith.addi %mul3A_898, %add3A_931 : i32
        %get3A_933 = arith.constant 1 : i32
        %get3A_934 = arith.index_cast %get3A_933 : i32 to index
        %get3A_935 = arith.index_cast %add3A_932 : i32 to index
        %get3A_936 = arith.constant 16 : index
        %get3A_937 = tpu.vector_load %arg7[%get3A_934, %get3A_935, %get3A_936] {strides = array<i32>} : memref<2x832x64xf32, #tpu.memory_space<vmem>>, vector<1x1x16xf32>,
        %get3A_938 = vector.shape_cast %get3A_937 : vector<1x1x16xf32> to vector<16xf32>
        %add3A_939 = arith.addf %get3A_909, %get3A_938 : vector<16xf32>
        %add3A_940 = arith.constant 1 : i32
        %add3A_941 = arith.addi %mul3A_898, %add3A_940 : i32
        %get3A_942 = arith.constant 1 : i32
        %get3A_943 = arith.index_cast %get3A_942 : i32 to index
        %get3A_944 = arith.index_cast %add3A_941 : i32 to index
        %get3A_945 = arith.constant 32 : index
        %get3A_946 = tpu.vector_load %arg7[%get3A_943, %get3A_944, %get3A_945] {strides = array<i32>} : memref<2x832x64xf32, #tpu.memory_space<vmem>>, vector<1x1x16xf32>,
        %get3A_947 = vector.shape_cast %get3A_946 : vector<1x1x16xf32> to vector<16xf32>
        %add3A_948 = arith.addf %get3A_915, %get3A_947 : vector<16xf32>
        %add3A_949 = arith.constant 1 : i32
        %add3A_950 = arith.addi %mul3A_898, %add3A_949 : i32
        %get3A_951 = arith.constant 1 : i32
        %get3A_952 = arith.index_cast %get3A_951 : i32 to index
        %get3A_953 = arith.index_cast %add3A_950 : i32 to index
        %get3A_954 = arith.constant 48 : index
        %get3A_955 = tpu.vector_load %arg7[%get3A_952, %get3A_953, %get3A_954] {strides = array<i32>} : memref<2x832x64xf32, #tpu.memory_space<vmem>>, vector<1x1x16xf32>,
        %get3A_956 = vector.shape_cast %get3A_955 : vector<1x1x16xf32> to vector<16xf32>
        %add3A_957 = arith.addf %get3A_921, %get3A_956 : vector<16xf32>
        %add3A_958 = arith.constant 2 : i32
        %add3A_959 = arith.addi %mul3A_898, %add3A_958 : i32
        %get3A_960 = arith.constant 1 : i32
        %get3A_961 = arith.index_cast %get3A_960 : i32 to index
        %get3A_962 = arith.index_cast %add3A_959 : i32 to index
        %get3A_963 = arith.constant 0 : index
        %get3A_964 = tpu.vector_load %arg7[%get3A_961, %get3A_962, %get3A_963] {strides = array<i32>} : memref<2x832x64xf32, #tpu.memory_space<vmem>>, vector<1x1x16xf32>,
        %get3A_965 = vector.shape_cast %get3A_964 : vector<1x1x16xf32> to vector<16xf32>
        %add3A_966 = arith.addf %add3A_930, %get3A_965 : vector<16xf32>
        %add3A_967 = arith.constant 2 : i32
        %add3A_968 = arith.addi %mul3A_898, %add3A_967 : i32
        %get3A_969 = arith.constant 1 : i32
        %get3A_970 = arith.index_cast %get3A_969 : i32 to index
        %get3A_971 = arith.index_cast %add3A_968 : i32 to index
        %get3A_972 = arith.constant 16 : index
        %get3A_973 = tpu.vector_load %arg7[%get3A_970, %get3A_971, %get3A_972] {strides = array<i32>} : memref<2x832x64xf32, #tpu.memory_space<vmem>>, vector<1x1x16xf32>,
        %get3A_974 = vector.shape_cast %get3A_973 : vector<1x1x16xf32> to vector<16xf32>
        %add3A_975 = arith.addf %add3A_939, %get3A_974 : vector<16xf32>
        %add3A_976 = arith.constant 2 : i32
        %add3A_977 = arith.addi %mul3A_898, %add3A_976 : i32
        %get3A_978 = arith.constant 1 : i32
        %get3A_979 = arith.index_cast %get3A_978 : i32 to index
        %get3A_980 = arith.index_cast %add3A_977 : i32 to index
        %get3A_981 = arith.constant 32 : index
        %get3A_982 = tpu.vector_load %arg7[%get3A_979, %get3A_980, %get3A_981] {strides = array<i32>} : memref<2x832x64xf32, #tpu.memory_space<vmem>>, vector<1x1x16xf32>,
        %get3A_983 = vector.shape_cast %get3A_982 : vector<1x1x16xf32> to vector<16xf32>
        %add3A_984 = arith.addf %add3A_948, %get3A_983 : vector<16xf32>
        %add3A_985 = arith.constant 2 : i32
        %add3A_986 = arith.addi %mul3A_898, %add3A_985 : i32
        %get3A_987 = arith.constant 1 : i32
        %get3A_988 = arith.index_cast %get3A_987 : i32 to index
        %get3A_989 = arith.index_cast %add3A_986 : i32 to index
        %get3A_990 = arith.constant 48 : index
        %get3A_991 = tpu.vector_load %arg7[%get3A_988, %get3A_989, %get3A_990] {strides = array<i32>} : memref<2x832x64xf32, #tpu.memory_space<vmem>>, vector<1x1x16xf32>,
        %get3A_992 = vector.shape_cast %get3A_991 : vector<1x1x16xf32> to vector<16xf32>
        %add3A_993 = arith.addf %add3A_957, %get3A_992 : vector<16xf32>
        %add3A_994 = arith.constant 3 : i32
        %add3A_995 = arith.addi %mul3A_898, %add3A_994 : i32
        %get3A_996 = arith.constant 1 : i32
        %get3A_997 = arith.index_cast %get3A_996 : i32 to index
        %get3A_998 = arith.index_cast %add3A_995 : i32 to index
        %get3A_999 = arith.constant 0 : index
        %get3A_1000 = tpu.vector_load %arg7[%get3A_997, %get3A_998, %get3A_999] {strides = array<i32>} : memref<2x832x64xf32, #tpu.memory_space<vmem>>, vector<1x1x16xf32>,
        %get3A_1001 = vector.shape_cast %get3A_1000 : vector<1x1x16xf32> to vector<16xf32>
        %add3A_1002 = arith.addf %add3A_966, %get3A_1001 : vector<16xf32>
        %add3A_1003 = arith.constant 3 : i32
        %add3A_1004 = arith.addi %mul3A_898, %add3A_1003 : i32
        %get3A_1005 = arith.constant 1 : i32
        %get3A_1006 = arith.index_cast %get3A_1005 : i32 to index
        %get3A_1007 = arith.index_cast %add3A_1004 : i32 to index
        %get3A_1008 = arith.constant 16 : index
        %get3A_1009 = tpu.vector_load %arg7[%get3A_1006, %get3A_1007, %get3A_1008] {strides = array<i32>} : memref<2x832x64xf32, #tpu.memory_space<vmem>>, vector<1x1x16xf32>,
        %get3A_1010 = vector.shape_cast %get3A_1009 : vector<1x1x16xf32> to vector<16xf32>
        %add3A_1011 = arith.addf %add3A_975, %get3A_1010 : vector<16xf32>
        %add3A_1012 = arith.constant 3 : i32
        %add3A_1013 = arith.addi %mul3A_898, %add3A_1012 : i32
        %get3A_1014 = arith.constant 1 : i32
        %get3A_1015 = arith.index_cast %get3A_1014 : i32 to index
        %get3A_1016 = arith.index_cast %add3A_1013 : i32 to index
        %get3A_1017 = arith.constant 32 : index
        %get3A_1018 = tpu.vector_load %arg7[%get3A_1015, %get3A_1016, %get3A_1017] {strides = array<i32>} : memref<2x832x64xf32, #tpu.memory_space<vmem>>, vector<1x1x16xf32>,
        %get3A_1019 = vector.shape_cast %get3A_1018 : vector<1x1x16xf32> to vector<16xf32>
        %add3A_1020 = arith.addf %add3A_984, %get3A_1019 : vector<16xf32>
        %add3A_1021 = arith.constant 3 : i32
        %add3A_1022 = arith.addi %mul3A_898, %add3A_1021 : i32
        %get3A_1023 = arith.constant 1 : i32
        %get3A_1024 = arith.index_cast %get3A_1023 : i32 to index
        %get3A_1025 = arith.index_cast %add3A_1022 : i32 to index
        %get3A_1026 = arith.constant 48 : index
        %get3A_1027 = tpu.vector_load %arg7[%get3A_1024, %get3A_1025, %get3A_1026] {strides = array<i32>} : memref<2x832x64xf32, #tpu.memory_space<vmem>>, vector<1x1x16xf32>,
        %get3A_1028 = vector.shape_cast %get3A_1027 : vector<1x1x16xf32> to vector<16xf32>
        %add3A_1029 = arith.addf %add3A_993, %get3A_1028 : vector<16xf32>
        %add3A_1030 = arith.constant 4 : i32
        %add3A_1031 = arith.addi %mul3A_898, %add3A_1030 : i32
        %get3A_1032 = arith.constant 1 : i32
        %get3A_1033 = arith.index_cast %get3A_1032 : i32 to index
        %get3A_1034 = arith.index_cast %add3A_1031 : i32 to index
        %get3A_1035 = arith.constant 0 : index
        %get3A_1036 = tpu.vector_load %arg7[%get3A_1033, %get3A_1034, %get3A_1035] {strides = array<i32>} : memref<2x832x64xf32, #tpu.memory_space<vmem>>, vector<1x1x16xf32>,
        %get3A_1037 = vector.shape_cast %get3A_1036 : vector<1x1x16xf32> to vector<16xf32>
        %add3A_1038 = arith.addf %add3A_1002, %get3A_1037 : vector<16xf32>
        %add3A_1039 = arith.constant 4 : i32
        %add3A_1040 = arith.addi %mul3A_898, %add3A_1039 : i32
        %get3A_1041 = arith.constant 1 : i32
        %get3A_1042 = arith.index_cast %get3A_1041 : i32 to index
        %get3A_1043 = arith.index_cast %add3A_1040 : i32 to index
        %get3A_1044 = arith.constant 16 : index
        %get3A_1045 = tpu.vector_load %arg7[%get3A_1042, %get3A_1043, %get3A_1044] {strides = array<i32>} : memref<2x832x64xf32, #tpu.memory_space<vmem>>, vector<1x1x16xf32>,
        %get3A_1046 = vector.shape_cast %get3A_1045 : vector<1x1x16xf32> to vector<16xf32>
        %add3A_1047 = arith.addf %add3A_1011, %get3A_1046 : vector<16xf32>
        %add3A_1048 = arith.constant 4 : i32
        %add3A_1049 = arith.addi %mul3A_898, %add3A_1048 : i32
        %get3A_1050 = arith.constant 1 : i32
        %get3A_1051 = arith.index_cast %get3A_1050 : i32 to index
        %get3A_1052 = arith.index_cast %add3A_1049 : i32 to index
        %get3A_1053 = arith.constant 32 : index
        %get3A_1054 = tpu.vector_load %arg7[%get3A_1051, %get3A_1052, %get3A_1053] {strides = array<i32>} : memref<2x832x64xf32, #tpu.memory_space<vmem>>, vector<1x1x16xf32>,
        %get3A_1055 = vector.shape_cast %get3A_1054 : vector<1x1x16xf32> to vector<16xf32>
        %add3A_1056 = arith.addf %add3A_1020, %get3A_1055 : vector<16xf32>
        %add3A_1057 = arith.constant 4 : i32
        %add3A_1058 = arith.addi %mul3A_898, %add3A_1057 : i32
        %get3A_1059 = arith.constant 1 : i32
        %get3A_1060 = arith.index_cast %get3A_1059 : i32 to index
        %get3A_1061 = arith.index_cast %add3A_1058 : i32 to index
        %get3A_1062 = arith.constant 48 : index
        %get3A_1063 = tpu.vector_load %arg7[%get3A_1060, %get3A_1061, %get3A_1062] {strides = array<i32>} : memref<2x832x64xf32, #tpu.memory_space<vmem>>, vector<1x1x16xf32>,
        %get3A_1064 = vector.shape_cast %get3A_1063 : vector<1x1x16xf32> to vector<16xf32>
        %add3A_1065 = arith.addf %add3A_1029, %get3A_1064 : vector<16xf32>
        %add3A_1066 = arith.constant 5 : i32
        %add3A_1067 = arith.addi %mul3A_898, %add3A_1066 : i32
        %get3A_1068 = arith.constant 1 : i32
        %get3A_1069 = arith.index_cast %get3A_1068 : i32 to index
        %get3A_1070 = arith.index_cast %add3A_1067 : i32 to index
        %get3A_1071 = arith.constant 0 : index
        %get3A_1072 = tpu.vector_load %arg7[%get3A_1069, %get3A_1070, %get3A_1071] {strides = array<i32>} : memref<2x832x64xf32, #tpu.memory_space<vmem>>, vector<1x1x16xf32>,
        %get3A_1073 = vector.shape_cast %get3A_1072 : vector<1x1x16xf32> to vector<16xf32>
        %add3A_1074 = arith.addf %add3A_1038, %get3A_1073 : vector<16xf32>
        %add3A_1075 = arith.constant 5 : i32
        %add3A_1076 = arith.addi %mul3A_898, %add3A_1075 : i32
        %get3A_1077 = arith.constant 1 : i32
        %get3A_1078 = arith.index_cast %get3A_1077 : i32 to index
        %get3A_1079 = arith.index_cast %add3A_1076 : i32 to index
        %get3A_1080 = arith.constant 16 : index
        %get3A_1081 = tpu.vector_load %arg7[%get3A_1078, %get3A_1079, %get3A_1080] {strides = array<i32>} : memref<2x832x64xf32, #tpu.memory_space<vmem>>, vector<1x1x16xf32>,
        %get3A_1082 = vector.shape_cast %get3A_1081 : vector<1x1x16xf32> to vector<16xf32>
        %add3A_1083 = arith.addf %add3A_1047, %get3A_1082 : vector<16xf32>
        %add3A_1084 = arith.constant 5 : i32
        %add3A_1085 = arith.addi %mul3A_898, %add3A_1084 : i32
        %get3A_1086 = arith.constant 1 : i32
        %get3A_1087 = arith.index_cast %get3A_1086 : i32 to index
        %get3A_1088 = arith.index_cast %add3A_1085 : i32 to index
        %get3A_1089 = arith.constant 32 : index
        %get3A_1090 = tpu.vector_load %arg7[%get3A_1087, %get3A_1088, %get3A_1089] {strides = array<i32>} : memref<2x832x64xf32, #tpu.memory_space<vmem>>, vector<1x1x16xf32>,
        %get3A_1091 = vector.shape_cast %get3A_1090 : vector<1x1x16xf32> to vector<16xf32>
        %add3A_1092 = arith.addf %add3A_1056, %get3A_1091 : vector<16xf32>
        %add3A_1093 = arith.constant 5 : i32
        %add3A_1094 = arith.addi %mul3A_898, %add3A_1093 : i32
        %get3A_1095 = arith.constant 1 : i32
        %get3A_1096 = arith.index_cast %get3A_1095 : i32 to index
        %get3A_1097 = arith.index_cast %add3A_1094 : i32 to index
        %get3A_1098 = arith.constant 48 : index
        %get3A_1099 = tpu.vector_load %arg7[%get3A_1096, %get3A_1097, %get3A_1098] {strides = array<i32>} : memref<2x832x64xf32, #tpu.memory_space<vmem>>, vector<1x1x16xf32>,
        %get3A_1100 = vector.shape_cast %get3A_1099 : vector<1x1x16xf32> to vector<16xf32>
        %add3A_1101 = arith.addf %add3A_1065, %get3A_1100 : vector<16xf32>
        %add3A_1102 = arith.constant 6 : i32
        %add3A_1103 = arith.addi %mul3A_898, %add3A_1102 : i32
        %get3A_1104 = arith.constant 1 : i32
        %get3A_1105 = arith.index_cast %get3A_1104 : i32 to index
        %get3A_1106 = arith.index_cast %add3A_1103 : i32 to index
        %get3A_1107 = arith.constant 0 : index
        %get3A_1108 = tpu.vector_load %arg7[%get3A_1105, %get3A_1106, %get3A_1107] {strides = array<i32>} : memref<2x832x64xf32, #tpu.memory_space<vmem>>, vector<1x1x16xf32>,
        %get3A_1109 = vector.shape_cast %get3A_1108 : vector<1x1x16xf32> to vector<16xf32>
        %add3A_1110 = arith.addf %add3A_1074, %get3A_1109 : vector<16xf32>
        %add3A_1111 = arith.constant 6 : i32
        %add3A_1112 = arith.addi %mul3A_898, %add3A_1111 : i32
        %get3A_1113 = arith.constant 1 : i32
        %get3A_1114 = arith.index_cast %get3A_1113 : i32 to index
        %get3A_1115 = arith.index_cast %add3A_1112 : i32 to index
        %get3A_1116 = arith.constant 16 : index
        %get3A_1117 = tpu.vector_load %arg7[%get3A_1114, %get3A_1115, %get3A_1116] {strides = array<i32>} : memref<2x832x64xf32, #tpu.memory_space<vmem>>, vector<1x1x16xf32>,
        %get3A_1118 = vector.shape_cast %get3A_1117 : vector<1x1x16xf32> to vector<16xf32>
        %add3A_1119 = arith.addf %add3A_1083, %get3A_1118 : vector<16xf32>
        %add3A_1120 = arith.constant 6 : i32
        %add3A_1121 = arith.addi %mul3A_898, %add3A_1120 : i32
        %get3A_1122 = arith.constant 1 : i32
        %get3A_1123 = arith.index_cast %get3A_1122 : i32 to index
        %get3A_1124 = arith.index_cast %add3A_1121 : i32 to index
        %get3A_1125 = arith.constant 32 : index
        %get3A_1126 = tpu.vector_load %arg7[%get3A_1123, %get3A_1124, %get3A_1125] {strides = array<i32>} : memref<2x832x64xf32, #tpu.memory_space<vmem>>, vector<1x1x16xf32>,
        %get3A_1127 = vector.shape_cast %get3A_1126 : vector<1x1x16xf32> to vector<16xf32>
        %add3A_1128 = arith.addf %add3A_1092, %get3A_1127 : vector<16xf32>
        %add3A_1129 = arith.constant 6 : i32
        %add3A_1130 = arith.addi %mul3A_898, %add3A_1129 : i32
        %get3A_1131 = arith.constant 1 : i32
        %get3A_1132 = arith.index_cast %get3A_1131 : i32 to index
        %get3A_1133 = arith.index_cast %add3A_1130 : i32 to index
        %get3A_1134 = arith.constant 48 : index
        %get3A_1135 = tpu.vector_load %arg7[%get3A_1132, %get3A_1133, %get3A_1134] {strides = array<i32>} : memref<2x832x64xf32, #tpu.memory_space<vmem>>, vector<1x1x16xf32>,
        %get3A_1136 = vector.shape_cast %get3A_1135 : vector<1x1x16xf32> to vector<16xf32>
        %add3A_1137 = arith.addf %add3A_1101, %get3A_1136 : vector<16xf32>
        %add3A_1138 = arith.constant 7 : i32
        %add3A_1139 = arith.addi %mul3A_898, %add3A_1138 : i32
        %get3A_1140 = arith.constant 1 : i32
        %get3A_1141 = arith.index_cast %get3A_1140 : i32 to index
        %get3A_1142 = arith.index_cast %add3A_1139 : i32 to index
        %get3A_1143 = arith.constant 0 : index
        %get3A_1144 = tpu.vector_load %arg7[%get3A_1141, %get3A_1142, %get3A_1143] {strides = array<i32>} : memref<2x832x64xf32, #tpu.memory_space<vmem>>, vector<1x1x16xf32>,
        %get3A_1145 = vector.shape_cast %get3A_1144 : vector<1x1x16xf32> to vector<16xf32>
        %add3A_1146 = arith.addf %add3A_1110, %get3A_1145 : vector<16xf32>
        %add3A_1147 = arith.constant 7 : i32
        %add3A_1148 = arith.addi %mul3A_898, %add3A_1147 : i32
        %get3A_1149 = arith.constant 1 : i32
        %get3A_1150 = arith.index_cast %get3A_1149 : i32 to index
        %get3A_1151 = arith.index_cast %add3A_1148 : i32 to index
        %get3A_1152 = arith.constant 16 : index
        %get3A_1153 = tpu.vector_load %arg7[%get3A_1150, %get3A_1151, %get3A_1152] {strides = array<i32>} : memref<2x832x64xf32, #tpu.memory_space<vmem>>, vector<1x1x16xf32>,
        %get3A_1154 = vector.shape_cast %get3A_1153 : vector<1x1x16xf32> to vector<16xf32>
        %add3A_1155 = arith.addf %add3A_1119, %get3A_1154 : vector<16xf32>
        %add3A_1156 = arith.constant 7 : i32
        %add3A_1157 = arith.addi %mul3A_898, %add3A_1156 : i32
        %get3A_1158 = arith.constant 1 : i32
        %get3A_1159 = arith.index_cast %get3A_1158 : i32 to index
        %get3A_1160 = arith.index_cast %add3A_1157 : i32 to index
        %get3A_1161 = arith.constant 32 : index
        %get3A_1162 = tpu.vector_load %arg7[%get3A_1159, %get3A_1160, %get3A_1161] {strides = array<i32>} : memref<2x832x64xf32, #tpu.memory_space<vmem>>, vector<1x1x16xf32>,
        %get3A_1163 = vector.shape_cast %get3A_1162 : vector<1x1x16xf32> to vector<16xf32>
        %add3A_1164 = arith.addf %add3A_1128, %get3A_1163 : vector<16xf32>
        %add3A_1165 = arith.constant 7 : i32
        %add3A_1166 = arith.addi %mul3A_898, %add3A_1165 : i32
        %get3A_1167 = arith.constant 1 : i32
        %get3A_1168 = arith.index_cast %get3A_1167 : i32 to index
        %get3A_1169 = arith.index_cast %add3A_1166 : i32 to index
        %get3A_1170 = arith.constant 48 : index
        %get3A_1171 = tpu.vector_load %arg7[%get3A_1168, %get3A_1169, %get3A_1170] {strides = array<i32>} : memref<2x832x64xf32, #tpu.memory_space<vmem>>, vector<1x1x16xf32>,
        %get3A_1172 = vector.shape_cast %get3A_1171 : vector<1x1x16xf32> to vector<16xf32>
        %add3A_1173 = arith.addf %add3A_1137, %get3A_1172 : vector<16xf32>
        %add3A_1174 = arith.constant 8 : i32
        %add3A_1175 = arith.addi %mul3A_898, %add3A_1174 : i32
        %get3A_1176 = arith.constant 1 : i32
        %get3A_1177 = arith.index_cast %get3A_1176 : i32 to index
        %get3A_1178 = arith.index_cast %add3A_1175 : i32 to index
        %get3A_1179 = arith.constant 0 : index
        %get3A_1180 = tpu.vector_load %arg7[%get3A_1177, %get3A_1178, %get3A_1179] {strides = array<i32>} : memref<2x832x64xf32, #tpu.memory_space<vmem>>, vector<1x1x16xf32>,
        %get3A_1181 = vector.shape_cast %get3A_1180 : vector<1x1x16xf32> to vector<16xf32>
        %add3A_1182 = arith.addf %add3A_1146, %get3A_1181 : vector<16xf32>
        %add3A_1183 = arith.constant 8 : i32
        %add3A_1184 = arith.addi %mul3A_898, %add3A_1183 : i32
        %get3A_1185 = arith.constant 1 : i32
        %get3A_1186 = arith.index_cast %get3A_1185 : i32 to index
        %get3A_1187 = arith.index_cast %add3A_1184 : i32 to index
        %get3A_1188 = arith.constant 16 : index
        %get3A_1189 = tpu.vector_load %arg7[%get3A_1186, %get3A_1187, %get3A_1188] {strides = array<i32>} : memref<2x832x64xf32, #tpu.memory_space<vmem>>, vector<1x1x16xf32>,
        %get3A_1190 = vector.shape_cast %get3A_1189 : vector<1x1x16xf32> to vector<16xf32>
        %add3A_1191 = arith.addf %add3A_1155, %get3A_1190 : vector<16xf32>
        %add3A_1192 = arith.constant 8 : i32
        %add3A_1193 = arith.addi %mul3A_898, %add3A_1192 : i32
        %get3A_1194 = arith.constant 1 : i32
        %get3A_1195 = arith.index_cast %get3A_1194 : i32 to index
        %get3A_1196 = arith.index_cast %add3A_1193 : i32 to index
        %get3A_1197 = arith.constant 32 : index
        %get3A_1198 = tpu.vector_load %arg7[%get3A_1195, %get3A_1196, %get3A_1197] {strides = array<i32>} : memref<2x832x64xf32, #tpu.memory_space<vmem>>, vector<1x1x16xf32>,
        %get3A_1199 = vector.shape_cast %get3A_1198 : vector<1x1x16xf32> to vector<16xf32>
        %add3A_1200 = arith.addf %add3A_1164, %get3A_1199 : vector<16xf32>
        %add3A_1201 = arith.constant 8 : i32
        %add3A_1202 = arith.addi %mul3A_898, %add3A_1201 : i32
        %get3A_1203 = arith.constant 1 : i32
        %get3A_1204 = arith.index_cast %get3A_1203 : i32 to index
        %get3A_1205 = arith.index_cast %add3A_1202 : i32 to index
        %get3A_1206 = arith.constant 48 : index
        %get3A_1207 = tpu.vector_load %arg7[%get3A_1204, %get3A_1205, %get3A_1206] {strides = array<i32>} : memref<2x832x64xf32, #tpu.memory_space<vmem>>, vector<1x1x16xf32>,
        %get3A_1208 = vector.shape_cast %get3A_1207 : vector<1x1x16xf32> to vector<16xf32>
        %add3A_1209 = arith.addf %add3A_1173, %get3A_1208 : vector<16xf32>
        %add3A_1210 = arith.constant 9 : i32
        %add3A_1211 = arith.addi %mul3A_898, %add3A_1210 : i32
        %get3A_1212 = arith.constant 1 : i32
        %get3A_1213 = arith.index_cast %get3A_1212 : i32 to index
        %get3A_1214 = arith.index_cast %add3A_1211 : i32 to index
        %get3A_1215 = arith.constant 0 : index
        %get3A_1216 = tpu.vector_load %arg7[%get3A_1213, %get3A_1214, %get3A_1215] {strides = array<i32>} : memref<2x832x64xf32, #tpu.memory_space<vmem>>, vector<1x1x16xf32>,
        %get3A_1217 = vector.shape_cast %get3A_1216 : vector<1x1x16xf32> to vector<16xf32>
        %add3A_1218 = arith.addf %add3A_1182, %get3A_1217 : vector<16xf32>
        %add3A_1219 = arith.constant 9 : i32
        %add3A_1220 = arith.addi %mul3A_898, %add3A_1219 : i32
        %get3A_1221 = arith.constant 1 : i32
        %get3A_1222 = arith.index_cast %get3A_1221 : i32 to index
        %get3A_1223 = arith.index_cast %add3A_1220 : i32 to index
        %get3A_1224 = arith.constant 16 : index
        %get3A_1225 = tpu.vector_load %arg7[%get3A_1222, %get3A_1223, %get3A_1224] {strides = array<i32>} : memref<2x832x64xf32, #tpu.memory_space<vmem>>, vector<1x1x16xf32>,
        %get3A_1226 = vector.shape_cast %get3A_1225 : vector<1x1x16xf32> to vector<16xf32>
        %add3A_1227 = arith.addf %add3A_1191, %get3A_1226 : vector<16xf32>
        %add3A_1228 = arith.constant 9 : i32
        %add3A_1229 = arith.addi %mul3A_898, %add3A_1228 : i32
        %get3A_1230 = arith.constant 1 : i32
        %get3A_1231 = arith.index_cast %get3A_1230 : i32 to index
        %get3A_1232 = arith.index_cast %add3A_1229 : i32 to index
        %get3A_1233 = arith.constant 32 : index
        %get3A_1234 = tpu.vector_load %arg7[%get3A_1231, %get3A_1232, %get3A_1233] {strides = array<i32>} : memref<2x832x64xf32, #tpu.memory_space<vmem>>, vector<1x1x16xf32>,
        %get3A_1235 = vector.shape_cast %get3A_1234 : vector<1x1x16xf32> to vector<16xf32>
        %add3A_1236 = arith.addf %add3A_1200, %get3A_1235 : vector<16xf32>
        %add3A_1237 = arith.constant 9 : i32
        %add3A_1238 = arith.addi %mul3A_898, %add3A_1237 : i32
        %get3A_1239 = arith.constant 1 : i32
        %get3A_1240 = arith.index_cast %get3A_1239 : i32 to index
        %get3A_1241 = arith.index_cast %add3A_1238 : i32 to index
        %get3A_1242 = arith.constant 48 : index
        %get3A_1243 = tpu.vector_load %arg7[%get3A_1240, %get3A_1241, %get3A_1242] {strides = array<i32>} : memref<2x832x64xf32, #tpu.memory_space<vmem>>, vector<1x1x16xf32>,
        %get3A_1244 = vector.shape_cast %get3A_1243 : vector<1x1x16xf32> to vector<16xf32>
        %add3A_1245 = arith.addf %add3A_1209, %get3A_1244 : vector<16xf32>
        %add3A_1246 = arith.constant 10 : i32
        %add3A_1247 = arith.addi %mul3A_898, %add3A_1246 : i32
        %get3A_1248 = arith.constant 1 : i32
        %get3A_1249 = arith.index_cast %get3A_1248 : i32 to index
        %get3A_1250 = arith.index_cast %add3A_1247 : i32 to index
        %get3A_1251 = arith.constant 0 : index
        %get3A_1252 = tpu.vector_load %arg7[%get3A_1249, %get3A_1250, %get3A_1251] {strides = array<i32>} : memref<2x832x64xf32, #tpu.memory_space<vmem>>, vector<1x1x16xf32>,
        %get3A_1253 = vector.shape_cast %get3A_1252 : vector<1x1x16xf32> to vector<16xf32>
        %add3A_1254 = arith.addf %add3A_1218, %get3A_1253 : vector<16xf32>
        %add3A_1255 = arith.constant 10 : i32
        %add3A_1256 = arith.addi %mul3A_898, %add3A_1255 : i32
        %get3A_1257 = arith.constant 1 : i32
        %get3A_1258 = arith.index_cast %get3A_1257 : i32 to index
        %get3A_1259 = arith.index_cast %add3A_1256 : i32 to index
        %get3A_1260 = arith.constant 16 : index
        %get3A_1261 = tpu.vector_load %arg7[%get3A_1258, %get3A_1259, %get3A_1260] {strides = array<i32>} : memref<2x832x64xf32, #tpu.memory_space<vmem>>, vector<1x1x16xf32>,
        %get3A_1262 = vector.shape_cast %get3A_1261 : vector<1x1x16xf32> to vector<16xf32>
        %add3A_1263 = arith.addf %add3A_1227, %get3A_1262 : vector<16xf32>
        %add3A_1264 = arith.constant 10 : i32
        %add3A_1265 = arith.addi %mul3A_898, %add3A_1264 : i32
        %get3A_1266 = arith.constant 1 : i32
        %get3A_1267 = arith.index_cast %get3A_1266 : i32 to index
        %get3A_1268 = arith.index_cast %add3A_1265 : i32 to index
        %get3A_1269 = arith.constant 32 : index
        %get3A_1270 = tpu.vector_load %arg7[%get3A_1267, %get3A_1268, %get3A_1269] {strides = array<i32>} : memref<2x832x64xf32, #tpu.memory_space<vmem>>, vector<1x1x16xf32>,
        %get3A_1271 = vector.shape_cast %get3A_1270 : vector<1x1x16xf32> to vector<16xf32>
        %add3A_1272 = arith.addf %add3A_1236, %get3A_1271 : vector<16xf32>
        %add3A_1273 = arith.constant 10 : i32
        %add3A_1274 = arith.addi %mul3A_898, %add3A_1273 : i32
        %get3A_1275 = arith.constant 1 : i32
        %get3A_1276 = arith.index_cast %get3A_1275 : i32 to index
        %get3A_1277 = arith.index_cast %add3A_1274 : i32 to index
        %get3A_1278 = arith.constant 48 : index
        %get3A_1279 = tpu.vector_load %arg7[%get3A_1276, %get3A_1277, %get3A_1278] {strides = array<i32>} : memref<2x832x64xf32, #tpu.memory_space<vmem>>, vector<1x1x16xf32>,
        %get3A_1280 = vector.shape_cast %get3A_1279 : vector<1x1x16xf32> to vector<16xf32>
        %add3A_1281 = arith.addf %add3A_1245, %get3A_1280 : vector<16xf32>
        %add3A_1282 = arith.constant 11 : i32
        %add3A_1283 = arith.addi %mul3A_898, %add3A_1282 : i32
        %get3A_1284 = arith.constant 1 : i32
        %get3A_1285 = arith.index_cast %get3A_1284 : i32 to index
        %get3A_1286 = arith.index_cast %add3A_1283 : i32 to index
        %get3A_1287 = arith.constant 0 : index
        %get3A_1288 = tpu.vector_load %arg7[%get3A_1285, %get3A_1286, %get3A_1287] {strides = array<i32>} : memref<2x832x64xf32, #tpu.memory_space<vmem>>, vector<1x1x16xf32>,
        %get3A_1289 = vector.shape_cast %get3A_1288 : vector<1x1x16xf32> to vector<16xf32>
        %add3A_1290 = arith.addf %add3A_1254, %get3A_1289 : vector<16xf32>
        %add3A_1291 = arith.constant 11 : i32
        %add3A_1292 = arith.addi %mul3A_898, %add3A_1291 : i32
        %get3A_1293 = arith.constant 1 : i32
        %get3A_1294 = arith.index_cast %get3A_1293 : i32 to index
        %get3A_1295 = arith.index_cast %add3A_1292 : i32 to index
        %get3A_1296 = arith.constant 16 : index
        %get3A_1297 = tpu.vector_load %arg7[%get3A_1294, %get3A_1295, %get3A_1296] {strides = array<i32>} : memref<2x832x64xf32, #tpu.memory_space<vmem>>, vector<1x1x16xf32>,
        %get3A_1298 = vector.shape_cast %get3A_1297 : vector<1x1x16xf32> to vector<16xf32>
        %add3A_1299 = arith.addf %add3A_1263, %get3A_1298 : vector<16xf32>
        %add3A_1300 = arith.constant 11 : i32
        %add3A_1301 = arith.addi %mul3A_898, %add3A_1300 : i32
        %get3A_1302 = arith.constant 1 : i32
        %get3A_1303 = arith.index_cast %get3A_1302 : i32 to index
        %get3A_1304 = arith.index_cast %add3A_1301 : i32 to index
        %get3A_1305 = arith.constant 32 : index
        %get3A_1306 = tpu.vector_load %arg7[%get3A_1303, %get3A_1304, %get3A_1305] {strides = array<i32>} : memref<2x832x64xf32, #tpu.memory_space<vmem>>, vector<1x1x16xf32>,
        %get3A_1307 = vector.shape_cast %get3A_1306 : vector<1x1x16xf32> to vector<16xf32>
        %add3A_1308 = arith.addf %add3A_1272, %get3A_1307 : vector<16xf32>
        %add3A_1309 = arith.constant 11 : i32
        %add3A_1310 = arith.addi %mul3A_898, %add3A_1309 : i32
        %get3A_1311 = arith.constant 1 : i32
        %get3A_1312 = arith.index_cast %get3A_1311 : i32 to index
        %get3A_1313 = arith.index_cast %add3A_1310 : i32 to index
        %get3A_1314 = arith.constant 48 : index
        %get3A_1315 = tpu.vector_load %arg7[%get3A_1312, %get3A_1313, %get3A_1314] {strides = array<i32>} : memref<2x832x64xf32, #tpu.memory_space<vmem>>, vector<1x1x16xf32>,
        %get3A_1316 = vector.shape_cast %get3A_1315 : vector<1x1x16xf32> to vector<16xf32>
        %add3A_1317 = arith.addf %add3A_1281, %get3A_1316 : vector<16xf32>
        %add3A_1318 = arith.constant 12 : i32
        %add3A_1319 = arith.addi %mul3A_898, %add3A_1318 : i32
        %get3A_1320 = arith.constant 1 : i32
        %get3A_1321 = arith.index_cast %get3A_1320 : i32 to index
        %get3A_1322 = arith.index_cast %add3A_1319 : i32 to index
        %get3A_1323 = arith.constant 0 : index
        %get3A_1324 = tpu.vector_load %arg7[%get3A_1321, %get3A_1322, %get3A_1323] {strides = array<i32>} : memref<2x832x64xf32, #tpu.memory_space<vmem>>, vector<1x1x16xf32>,
        %get3A_1325 = vector.shape_cast %get3A_1324 : vector<1x1x16xf32> to vector<16xf32>
        %add3A_1326 = arith.addf %add3A_1290, %get3A_1325 : vector<16xf32>
        %add3A_1327 = arith.constant 12 : i32
        %add3A_1328 = arith.addi %mul3A_898, %add3A_1327 : i32
        %get3A_1329 = arith.constant 1 : i32
        %get3A_1330 = arith.index_cast %get3A_1329 : i32 to index
        %get3A_1331 = arith.index_cast %add3A_1328 : i32 to index
        %get3A_1332 = arith.constant 16 : index
        %get3A_1333 = tpu.vector_load %arg7[%get3A_1330, %get3A_1331, %get3A_1332] {strides = array<i32>} : memref<2x832x64xf32, #tpu.memory_space<vmem>>, vector<1x1x16xf32>,
        %get3A_1334 = vector.shape_cast %get3A_1333 : vector<1x1x16xf32> to vector<16xf32>
        %add3A_1335 = arith.addf %add3A_1299, %get3A_1334 : vector<16xf32>
        %add3A_1336 = arith.constant 12 : i32
        %add3A_1337 = arith.addi %mul3A_898, %add3A_1336 : i32
        %get3A_1338 = arith.constant 1 : i32
        %get3A_1339 = arith.index_cast %get3A_1338 : i32 to index
        %get3A_1340 = arith.index_cast %add3A_1337 : i32 to index
        %get3A_1341 = arith.constant 32 : index
        %get3A_1342 = tpu.vector_load %arg7[%get3A_1339, %get3A_1340, %get3A_1341] {strides = array<i32>} : memref<2x832x64xf32, #tpu.memory_space<vmem>>, vector<1x1x16xf32>,
        %get3A_1343 = vector.shape_cast %get3A_1342 : vector<1x1x16xf32> to vector<16xf32>
        %add3A_1344 = arith.addf %add3A_1308, %get3A_1343 : vector<16xf32>
        %add3A_1345 = arith.constant 12 : i32
        %add3A_1346 = arith.addi %mul3A_898, %add3A_1345 : i32
        %get3A_1347 = arith.constant 1 : i32
        %get3A_1348 = arith.index_cast %get3A_1347 : i32 to index
        %get3A_1349 = arith.index_cast %add3A_1346 : i32 to index
        %get3A_1350 = arith.constant 48 : index
        %get3A_1351 = tpu.vector_load %arg7[%get3A_1348, %get3A_1349, %get3A_1350] {strides = array<i32>} : memref<2x832x64xf32, #tpu.memory_space<vmem>>, vector<1x1x16xf32>,
        %get3A_1352 = vector.shape_cast %get3A_1351 : vector<1x1x16xf32> to vector<16xf32>
        %add3A_1353 = arith.addf %add3A_1317, %get3A_1352 : vector<16xf32>
        %add3A_1354 = arith.constant 13 : i32
        %add3A_1355 = arith.addi %mul3A_898, %add3A_1354 : i32
        %get3A_1356 = arith.constant 1 : i32
        %get3A_1357 = arith.index_cast %get3A_1356 : i32 to index
        %get3A_1358 = arith.index_cast %add3A_1355 : i32 to index
        %get3A_1359 = arith.constant 0 : index
        %get3A_1360 = tpu.vector_load %arg7[%get3A_1357, %get3A_1358, %get3A_1359] {strides = array<i32>} : memref<2x832x64xf32, #tpu.memory_space<vmem>>, vector<1x1x16xf32>,
        %get3A_1361 = vector.shape_cast %get3A_1360 : vector<1x1x16xf32> to vector<16xf32>
        %add3A_1362 = arith.addf %add3A_1326, %get3A_1361 : vector<16xf32>
        %add3A_1363 = arith.constant 13 : i32
        %add3A_1364 = arith.addi %mul3A_898, %add3A_1363 : i32
        %get3A_1365 = arith.constant 1 : i32
        %get3A_1366 = arith.index_cast %get3A_1365 : i32 to index
        %get3A_1367 = arith.index_cast %add3A_1364 : i32 to index
        %get3A_1368 = arith.constant 16 : index
        %get3A_1369 = tpu.vector_load %arg7[%get3A_1366, %get3A_1367, %get3A_1368] {strides = array<i32>} : memref<2x832x64xf32, #tpu.memory_space<vmem>>, vector<1x1x16xf32>,
        %get3A_1370 = vector.shape_cast %get3A_1369 : vector<1x1x16xf32> to vector<16xf32>
        %add3A_1371 = arith.addf %add3A_1335, %get3A_1370 : vector<16xf32>
        %add3A_1372 = arith.constant 13 : i32
        %add3A_1373 = arith.addi %mul3A_898, %add3A_1372 : i32
        %get3A_1374 = arith.constant 1 : i32
        %get3A_1375 = arith.index_cast %get3A_1374 : i32 to index
        %get3A_1376 = arith.index_cast %add3A_1373 : i32 to index
        %get3A_1377 = arith.constant 32 : index
        %get3A_1378 = tpu.vector_load %arg7[%get3A_1375, %get3A_1376, %get3A_1377] {strides = array<i32>} : memref<2x832x64xf32, #tpu.memory_space<vmem>>, vector<1x1x16xf32>,
        %get3A_1379 = vector.shape_cast %get3A_1378 : vector<1x1x16xf32> to vector<16xf32>
        %add3A_1380 = arith.addf %add3A_1344, %get3A_1379 : vector<16xf32>
        %add3A_1381 = arith.constant 13 : i32
        %add3A_1382 = arith.addi %mul3A_898, %add3A_1381 : i32
        %get3A_1383 = arith.constant 1 : i32
        %get3A_1384 = arith.index_cast %get3A_1383 : i32 to index
        %get3A_1385 = arith.index_cast %add3A_1382 : i32 to index
        %get3A_1386 = arith.constant 48 : index
        %get3A_1387 = tpu.vector_load %arg7[%get3A_1384, %get3A_1385, %get3A_1386] {strides = array<i32>} : memref<2x832x64xf32, #tpu.memory_space<vmem>>, vector<1x1x16xf32>,
        %get3A_1388 = vector.shape_cast %get3A_1387 : vector<1x1x16xf32> to vector<16xf32>
        %add3A_1389 = arith.addf %add3A_1353, %get3A_1388 : vector<16xf32>
        %add3A_1390 = arith.constant 14 : i32
        %add3A_1391 = arith.addi %mul3A_898, %add3A_1390 : i32
        %get3A_1392 = arith.constant 1 : i32
        %get3A_1393 = arith.index_cast %get3A_1392 : i32 to index
        %get3A_1394 = arith.index_cast %add3A_1391 : i32 to index
        %get3A_1395 = arith.constant 0 : index
        %get3A_1396 = tpu.vector_load %arg7[%get3A_1393, %get3A_1394, %get3A_1395] {strides = array<i32>} : memref<2x832x64xf32, #tpu.memory_space<vmem>>, vector<1x1x16xf32>,
        %get3A_1397 = vector.shape_cast %get3A_1396 : vector<1x1x16xf32> to vector<16xf32>
        %add3A_1398 = arith.addf %add3A_1362, %get3A_1397 : vector<16xf32>
        %add3A_1399 = arith.constant 14 : i32
        %add3A_1400 = arith.addi %mul3A_898, %add3A_1399 : i32
        %get3A_1401 = arith.constant 1 : i32
        %get3A_1402 = arith.index_cast %get3A_1401 : i32 to index
        %get3A_1403 = arith.index_cast %add3A_1400 : i32 to index
        %get3A_1404 = arith.constant 16 : index
        %get3A_1405 = tpu.vector_load %arg7[%get3A_1402, %get3A_1403, %get3A_1404] {strides = array<i32>} : memref<2x832x64xf32, #tpu.memory_space<vmem>>, vector<1x1x16xf32>,
        %get3A_1406 = vector.shape_cast %get3A_1405 : vector<1x1x16xf32> to vector<16xf32>
        %add3A_1407 = arith.addf %add3A_1371, %get3A_1406 : vector<16xf32>
        %add3A_1408 = arith.constant 14 : i32
        %add3A_1409 = arith.addi %mul3A_898, %add3A_1408 : i32
        %get3A_1410 = arith.constant 1 : i32
        %get3A_1411 = arith.index_cast %get3A_1410 : i32 to index
        %get3A_1412 = arith.index_cast %add3A_1409 : i32 to index
        %get3A_1413 = arith.constant 32 : index
        %get3A_1414 = tpu.vector_load %arg7[%get3A_1411, %get3A_1412, %get3A_1413] {strides = array<i32>} : memref<2x832x64xf32, #tpu.memory_space<vmem>>, vector<1x1x16xf32>,
        %get3A_1415 = vector.shape_cast %get3A_1414 : vector<1x1x16xf32> to vector<16xf32>
        %add3A_1416 = arith.addf %add3A_1380, %get3A_1415 : vector<16xf32>
        %add3A_1417 = arith.constant 14 : i32
        %add3A_1418 = arith.addi %mul3A_898, %add3A_1417 : i32
        %get3A_1419 = arith.constant 1 : i32
        %get3A_1420 = arith.index_cast %get3A_1419 : i32 to index
        %get3A_1421 = arith.index_cast %add3A_1418 : i32 to index
        %get3A_1422 = arith.constant 48 : index
        %get3A_1423 = tpu.vector_load %arg7[%get3A_1420, %get3A_1421, %get3A_1422] {strides = array<i32>} : memref<2x832x64xf32, #tpu.memory_space<vmem>>, vector<1x1x16xf32>,
        %get3A_1424 = vector.shape_cast %get3A_1423 : vector<1x1x16xf32> to vector<16xf32>
        %add3A_1425 = arith.addf %add3A_1389, %get3A_1424 : vector<16xf32>
        %add3A_1426 = arith.constant 15 : i32
        %add3A_1427 = arith.addi %mul3A_898, %add3A_1426 : i32
        %get3A_1428 = arith.constant 1 : i32
        %get3A_1429 = arith.index_cast %get3A_1428 : i32 to index
        %get3A_1430 = arith.index_cast %add3A_1427 : i32 to index
        %get3A_1431 = arith.constant 0 : index
        %get3A_1432 = tpu.vector_load %arg7[%get3A_1429, %get3A_1430, %get3A_1431] {strides = array<i32>} : memref<2x832x64xf32, #tpu.memory_space<vmem>>, vector<1x1x16xf32>,
        %get3A_1433 = vector.shape_cast %get3A_1432 : vector<1x1x16xf32> to vector<16xf32>
        %add3A_1434 = arith.addf %add3A_1398, %get3A_1433 : vector<16xf32>
        %add3A_1435 = arith.constant 15 : i32
        %add3A_1436 = arith.addi %mul3A_898, %add3A_1435 : i32
        %get3A_1437 = arith.constant 1 : i32
        %get3A_1438 = arith.index_cast %get3A_1437 : i32 to index
        %get3A_1439 = arith.index_cast %add3A_1436 : i32 to index
        %get3A_1440 = arith.constant 16 : index
        %get3A_1441 = tpu.vector_load %arg7[%get3A_1438, %get3A_1439, %get3A_1440] {strides = array<i32>} : memref<2x832x64xf32, #tpu.memory_space<vmem>>, vector<1x1x16xf32>,
        %get3A_1442 = vector.shape_cast %get3A_1441 : vector<1x1x16xf32> to vector<16xf32>
        %add3A_1443 = arith.addf %add3A_1407, %get3A_1442 : vector<16xf32>
        %add3A_1444 = arith.constant 15 : i32
        %add3A_1445 = arith.addi %mul3A_898, %add3A_1444 : i32
        %get3A_1446 = arith.constant 1 : i32
        %get3A_1447 = arith.index_cast %get3A_1446 : i32 to index
        %get3A_1448 = arith.index_cast %add3A_1445 : i32 to index
        %get3A_1449 = arith.constant 32 : index
        %get3A_1450 = tpu.vector_load %arg7[%get3A_1447, %get3A_1448, %get3A_1449] {strides = array<i32>} : memref<2x832x64xf32, #tpu.memory_space<vmem>>, vector<1x1x16xf32>,
        %get3A_1451 = vector.shape_cast %get3A_1450 : vector<1x1x16xf32> to vector<16xf32>
        %add3A_1452 = arith.addf %add3A_1416, %get3A_1451 : vector<16xf32>
        %add3A_1453 = arith.constant 15 : i32
        %add3A_1454 = arith.addi %mul3A_898, %add3A_1453 : i32
        %get3A_1455 = arith.constant 1 : i32
        %get3A_1456 = arith.index_cast %get3A_1455 : i32 to index
        %get3A_1457 = arith.index_cast %add3A_1454 : i32 to index
        %get3A_1458 = arith.constant 48 : index
        %get3A_1459 = tpu.vector_load %arg7[%get3A_1456, %get3A_1457, %get3A_1458] {strides = array<i32>} : memref<2x832x64xf32, #tpu.memory_space<vmem>>, vector<1x1x16xf32>,
        %get3A_1460 = vector.shape_cast %get3A_1459 : vector<1x1x16xf32> to vector<16xf32>
        %add3A_1461 = arith.addf %add3A_1425, %get3A_1460 : vector<16xf32>
        %add3A_1462 = arith.constant 16 : i32
        %add3A_1463 = arith.addi %mul3A_898, %add3A_1462 : i32
        %get3A_1464 = arith.constant 1 : i32
        %get3A_1465 = arith.index_cast %get3A_1464 : i32 to index
        %get3A_1466 = arith.index_cast %add3A_1463 : i32 to index
        %get3A_1467 = arith.constant 0 : index
        %get3A_1468 = tpu.vector_load %arg7[%get3A_1465, %get3A_1466, %get3A_1467] {strides = array<i32>} : memref<2x832x64xf32, #tpu.memory_space<vmem>>, vector<1x1x16xf32>,
        %get3A_1469 = vector.shape_cast %get3A_1468 : vector<1x1x16xf32> to vector<16xf32>
        %add3A_1470 = arith.addf %add3A_1434, %get3A_1469 : vector<16xf32>
        %add3A_1471 = arith.constant 16 : i32
        %add3A_1472 = arith.addi %mul3A_898, %add3A_1471 : i32
        %get3A_1473 = arith.constant 1 : i32
        %get3A_1474 = arith.index_cast %get3A_1473 : i32 to index
        %get3A_1475 = arith.index_cast %add3A_1472 : i32 to index
        %get3A_1476 = arith.constant 16 : index
        %get3A_1477 = tpu.vector_load %arg7[%get3A_1474, %get3A_1475, %get3A_1476] {strides = array<i32>} : memref<2x832x64xf32, #tpu.memory_space<vmem>>, vector<1x1x16xf32>,
        %get3A_1478 = vector.shape_cast %get3A_1477 : vector<1x1x16xf32> to vector<16xf32>
        %add3A_1479 = arith.addf %add3A_1443, %get3A_1478 : vector<16xf32>
        %add3A_1480 = arith.constant 16 : i32
        %add3A_1481 = arith.addi %mul3A_898, %add3A_1480 : i32
        %get3A_1482 = arith.constant 1 : i32
        %get3A_1483 = arith.index_cast %get3A_1482 : i32 to index
        %get3A_1484 = arith.index_cast %add3A_1481 : i32 to index
        %get3A_1485 = arith.constant 32 : index
        %get3A_1486 = tpu.vector_load %arg7[%get3A_1483, %get3A_1484, %get3A_1485] {strides = array<i32>} : memref<2x832x64xf32, #tpu.memory_space<vmem>>, vector<1x1x16xf32>,
        %get3A_1487 = vector.shape_cast %get3A_1486 : vector<1x1x16xf32> to vector<16xf32>
        %add3A_1488 = arith.addf %add3A_1452, %get3A_1487 : vector<16xf32>
        %add3A_1489 = arith.constant 16 : i32
        %add3A_1490 = arith.addi %mul3A_898, %add3A_1489 : i32
        %get3A_1491 = arith.constant 1 : i32
        %get3A_1492 = arith.index_cast %get3A_1491 : i32 to index
        %get3A_1493 = arith.index_cast %add3A_1490 : i32 to index
        %get3A_1494 = arith.constant 48 : index
        %get3A_1495 = tpu.vector_load %arg7[%get3A_1492, %get3A_1493, %get3A_1494] {strides = array<i32>} : memref<2x832x64xf32, #tpu.memory_space<vmem>>, vector<1x1x16xf32>,
        %get3A_1496 = vector.shape_cast %get3A_1495 : vector<1x1x16xf32> to vector<16xf32>
        %add3A_1497 = arith.addf %add3A_1461, %get3A_1496 : vector<16xf32>
        %add3A_1498 = arith.constant 17 : i32
        %add3A_1499 = arith.addi %mul3A_898, %add3A_1498 : i32
        %get3A_1500 = arith.constant 1 : i32
        %get3A_1501 = arith.index_cast %get3A_1500 : i32 to index
        %get3A_1502 = arith.index_cast %add3A_1499 : i32 to index
        %get3A_1503 = arith.constant 0 : index
        %get3A_1504 = tpu.vector_load %arg7[%get3A_1501, %get3A_1502, %get3A_1503] {strides = array<i32>} : memref<2x832x64xf32, #tpu.memory_space<vmem>>, vector<1x1x16xf32>,
        %get3A_1505 = vector.shape_cast %get3A_1504 : vector<1x1x16xf32> to vector<16xf32>
        %add3A_1506 = arith.addf %add3A_1470, %get3A_1505 : vector<16xf32>
        %add3A_1507 = arith.constant 17 : i32
        %add3A_1508 = arith.addi %mul3A_898, %add3A_1507 : i32
        %get3A_1509 = arith.constant 1 : i32
        %get3A_1510 = arith.index_cast %get3A_1509 : i32 to index
        %get3A_1511 = arith.index_cast %add3A_1508 : i32 to index
        %get3A_1512 = arith.constant 16 : index
        %get3A_1513 = tpu.vector_load %arg7[%get3A_1510, %get3A_1511, %get3A_1512] {strides = array<i32>} : memref<2x832x64xf32, #tpu.memory_space<vmem>>, vector<1x1x16xf32>,
        %get3A_1514 = vector.shape_cast %get3A_1513 : vector<1x1x16xf32> to vector<16xf32>
        %add3A_1515 = arith.addf %add3A_1479, %get3A_1514 : vector<16xf32>
        %add3A_1516 = arith.constant 17 : i32
        %add3A_1517 = arith.addi %mul3A_898, %add3A_1516 : i32
        %get3A_1518 = arith.constant 1 : i32
        %get3A_1519 = arith.index_cast %get3A_1518 : i32 to index
        %get3A_1520 = arith.index_cast %add3A_1517 : i32 to index
        %get3A_1521 = arith.constant 32 : index
        %get3A_1522 = tpu.vector_load %arg7[%get3A_1519, %get3A_1520, %get3A_1521] {strides = array<i32>} : memref<2x832x64xf32, #tpu.memory_space<vmem>>, vector<1x1x16xf32>,
        %get3A_1523 = vector.shape_cast %get3A_1522 : vector<1x1x16xf32> to vector<16xf32>
        %add3A_1524 = arith.addf %add3A_1488, %get3A_1523 : vector<16xf32>
        %add3A_1525 = arith.constant 17 : i32
        %add3A_1526 = arith.addi %mul3A_898, %add3A_1525 : i32
        %get3A_1527 = arith.constant 1 : i32
        %get3A_1528 = arith.index_cast %get3A_1527 : i32 to index
        %get3A_1529 = arith.index_cast %add3A_1526 : i32 to index
        %get3A_1530 = arith.constant 48 : index
        %get3A_1531 = tpu.vector_load %arg7[%get3A_1528, %get3A_1529, %get3A_1530] {strides = array<i32>} : memref<2x832x64xf32, #tpu.memory_space<vmem>>, vector<1x1x16xf32>,
        %get3A_1532 = vector.shape_cast %get3A_1531 : vector<1x1x16xf32> to vector<16xf32>
        %add3A_1533 = arith.addf %add3A_1497, %get3A_1532 : vector<16xf32>
        %add3A_1534 = arith.constant 18 : i32
        %add3A_1535 = arith.addi %mul3A_898, %add3A_1534 : i32
        %get3A_1536 = arith.constant 1 : i32
        %get3A_1537 = arith.index_cast %get3A_1536 : i32 to index
        %get3A_1538 = arith.index_cast %add3A_1535 : i32 to index
        %get3A_1539 = arith.constant 0 : index
        %get3A_1540 = tpu.vector_load %arg7[%get3A_1537, %get3A_1538, %get3A_1539] {strides = array<i32>} : memref<2x832x64xf32, #tpu.memory_space<vmem>>, vector<1x1x16xf32>,
        %get3A_1541 = vector.shape_cast %get3A_1540 : vector<1x1x16xf32> to vector<16xf32>
        %add3A_1542 = arith.addf %add3A_1506, %get3A_1541 : vector<16xf32>
        %add3A_1543 = arith.constant 18 : i32
        %add3A_1544 = arith.addi %mul3A_898, %add3A_1543 : i32
        %get3A_1545 = arith.constant 1 : i32
        %get3A_1546 = arith.index_cast %get3A_1545 : i32 to index
        %get3A_1547 = arith.index_cast %add3A_1544 : i32 to index
        %get3A_1548 = arith.constant 16 : index
        %get3A_1549 = tpu.vector_load %arg7[%get3A_1546, %get3A_1547, %get3A_1548] {strides = array<i32>} : memref<2x832x64xf32, #tpu.memory_space<vmem>>, vector<1x1x16xf32>,
        %get3A_1550 = vector.shape_cast %get3A_1549 : vector<1x1x16xf32> to vector<16xf32>
        %add3A_1551 = arith.addf %add3A_1515, %get3A_1550 : vector<16xf32>
        %add3A_1552 = arith.constant 18 : i32
        %add3A_1553 = arith.addi %mul3A_898, %add3A_1552 : i32
        %get3A_1554 = arith.constant 1 : i32
        %get3A_1555 = arith.index_cast %get3A_1554 : i32 to index
        %get3A_1556 = arith.index_cast %add3A_1553 : i32 to index
        %get3A_1557 = arith.constant 32 : index
        %get3A_1558 = tpu.vector_load %arg7[%get3A_1555, %get3A_1556, %get3A_1557] {strides = array<i32>} : memref<2x832x64xf32, #tpu.memory_space<vmem>>, vector<1x1x16xf32>,
        %get3A_1559 = vector.shape_cast %get3A_1558 : vector<1x1x16xf32> to vector<16xf32>
        %add3A_1560 = arith.addf %add3A_1524, %get3A_1559 : vector<16xf32>
        %add3A_1561 = arith.constant 18 : i32
        %add3A_1562 = arith.addi %mul3A_898, %add3A_1561 : i32
        %get3A_1563 = arith.constant 1 : i32
        %get3A_1564 = arith.index_cast %get3A_1563 : i32 to index
        %get3A_1565 = arith.index_cast %add3A_1562 : i32 to index
        %get3A_1566 = arith.constant 48 : index
        %get3A_1567 = tpu.vector_load %arg7[%get3A_1564, %get3A_1565, %get3A_1566] {strides = array<i32>} : memref<2x832x64xf32, #tpu.memory_space<vmem>>, vector<1x1x16xf32>,
        %get3A_1568 = vector.shape_cast %get3A_1567 : vector<1x1x16xf32> to vector<16xf32>
        %add3A_1569 = arith.addf %add3A_1533, %get3A_1568 : vector<16xf32>
        %add3A_1570 = arith.constant 19 : i32
        %add3A_1571 = arith.addi %mul3A_898, %add3A_1570 : i32
        %get3A_1572 = arith.constant 1 : i32
        %get3A_1573 = arith.index_cast %get3A_1572 : i32 to index
        %get3A_1574 = arith.index_cast %add3A_1571 : i32 to index
        %get3A_1575 = arith.constant 0 : index
        %get3A_1576 = tpu.vector_load %arg7[%get3A_1573, %get3A_1574, %get3A_1575] {strides = array<i32>} : memref<2x832x64xf32, #tpu.memory_space<vmem>>, vector<1x1x16xf32>,
        %get3A_1577 = vector.shape_cast %get3A_1576 : vector<1x1x16xf32> to vector<16xf32>
        %add3A_1578 = arith.addf %add3A_1542, %get3A_1577 : vector<16xf32>
        %add3A_1579 = arith.constant 19 : i32
        %add3A_1580 = arith.addi %mul3A_898, %add3A_1579 : i32
        %get3A_1581 = arith.constant 1 : i32
        %get3A_1582 = arith.index_cast %get3A_1581 : i32 to index
        %get3A_1583 = arith.index_cast %add3A_1580 : i32 to index
        %get3A_1584 = arith.constant 16 : index
        %get3A_1585 = tpu.vector_load %arg7[%get3A_1582, %get3A_1583, %get3A_1584] {strides = array<i32>} : memref<2x832x64xf32, #tpu.memory_space<vmem>>, vector<1x1x16xf32>,
        %get3A_1586 = vector.shape_cast %get3A_1585 : vector<1x1x16xf32> to vector<16xf32>
        %add3A_1587 = arith.addf %add3A_1551, %get3A_1586 : vector<16xf32>
        %add3A_1588 = arith.constant 19 : i32
        %add3A_1589 = arith.addi %mul3A_898, %add3A_1588 : i32
        %get3A_1590 = arith.constant 1 : i32
        %get3A_1591 = arith.index_cast %get3A_1590 : i32 to index
        %get3A_1592 = arith.index_cast %add3A_1589 : i32 to index
        %get3A_1593 = arith.constant 32 : index
        %get3A_1594 = tpu.vector_load %arg7[%get3A_1591, %get3A_1592, %get3A_1593] {strides = array<i32>} : memref<2x832x64xf32, #tpu.memory_space<vmem>>, vector<1x1x16xf32>,
        %get3A_1595 = vector.shape_cast %get3A_1594 : vector<1x1x16xf32> to vector<16xf32>
        %add3A_1596 = arith.addf %add3A_1560, %get3A_1595 : vector<16xf32>
        %add3A_1597 = arith.constant 19 : i32
        %add3A_1598 = arith.addi %mul3A_898, %add3A_1597 : i32
        %get3A_1599 = arith.constant 1 : i32
        %get3A_1600 = arith.index_cast %get3A_1599 : i32 to index
        %get3A_1601 = arith.index_cast %add3A_1598 : i32 to index
        %get3A_1602 = arith.constant 48 : index
        %get3A_1603 = tpu.vector_load %arg7[%get3A_1600, %get3A_1601, %get3A_1602] {strides = array<i32>} : memref<2x832x64xf32, #tpu.memory_space<vmem>>, vector<1x1x16xf32>,
        %get3A_1604 = vector.shape_cast %get3A_1603 : vector<1x1x16xf32> to vector<16xf32>
        %add3A_1605 = arith.addf %add3A_1569, %get3A_1604 : vector<16xf32>
        %add3A_1606 = arith.constant 20 : i32
        %add3A_1607 = arith.addi %mul3A_898, %add3A_1606 : i32
        %get3A_1608 = arith.constant 1 : i32
        %get3A_1609 = arith.index_cast %get3A_1608 : i32 to index
        %get3A_1610 = arith.index_cast %add3A_1607 : i32 to index
        %get3A_1611 = arith.constant 0 : index
        %get3A_1612 = tpu.vector_load %arg7[%get3A_1609, %get3A_1610, %get3A_1611] {strides = array<i32>} : memref<2x832x64xf32, #tpu.memory_space<vmem>>, vector<1x1x16xf32>,
        %get3A_1613 = vector.shape_cast %get3A_1612 : vector<1x1x16xf32> to vector<16xf32>
        %add3A_1614 = arith.addf %add3A_1578, %get3A_1613 : vector<16xf32>
        %add3A_1615 = arith.constant 20 : i32
        %add3A_1616 = arith.addi %mul3A_898, %add3A_1615 : i32
        %get3A_1617 = arith.constant 1 : i32
        %get3A_1618 = arith.index_cast %get3A_1617 : i32 to index
        %get3A_1619 = arith.index_cast %add3A_1616 : i32 to index
        %get3A_1620 = arith.constant 16 : index
        %get3A_1621 = tpu.vector_load %arg7[%get3A_1618, %get3A_1619, %get3A_1620] {strides = array<i32>} : memref<2x832x64xf32, #tpu.memory_space<vmem>>, vector<1x1x16xf32>,
        %get3A_1622 = vector.shape_cast %get3A_1621 : vector<1x1x16xf32> to vector<16xf32>
        %add3A_1623 = arith.addf %add3A_1587, %get3A_1622 : vector<16xf32>
        %add3A_1624 = arith.constant 20 : i32
        %add3A_1625 = arith.addi %mul3A_898, %add3A_1624 : i32
        %get3A_1626 = arith.constant 1 : i32
        %get3A_1627 = arith.index_cast %get3A_1626 : i32 to index
        %get3A_1628 = arith.index_cast %add3A_1625 : i32 to index
        %get3A_1629 = arith.constant 32 : index
        %get3A_1630 = tpu.vector_load %arg7[%get3A_1627, %get3A_1628, %get3A_1629] {strides = array<i32>} : memref<2x832x64xf32, #tpu.memory_space<vmem>>, vector<1x1x16xf32>,
        %get3A_1631 = vector.shape_cast %get3A_1630 : vector<1x1x16xf32> to vector<16xf32>
        %add3A_1632 = arith.addf %add3A_1596, %get3A_1631 : vector<16xf32>
        %add3A_1633 = arith.constant 20 : i32
        %add3A_1634 = arith.addi %mul3A_898, %add3A_1633 : i32
        %get3A_1635 = arith.constant 1 : i32
        %get3A_1636 = arith.index_cast %get3A_1635 : i32 to index
        %get3A_1637 = arith.index_cast %add3A_1634 : i32 to index
        %get3A_1638 = arith.constant 48 : index
        %get3A_1639 = tpu.vector_load %arg7[%get3A_1636, %get3A_1637, %get3A_1638] {strides = array<i32>} : memref<2x832x64xf32, #tpu.memory_space<vmem>>, vector<1x1x16xf32>,
        %get3A_1640 = vector.shape_cast %get3A_1639 : vector<1x1x16xf32> to vector<16xf32>
        %add3A_1641 = arith.addf %add3A_1605, %get3A_1640 : vector<16xf32>
        %add3A_1642 = arith.constant 21 : i32
        %add3A_1643 = arith.addi %mul3A_898, %add3A_1642 : i32
        %get3A_1644 = arith.constant 1 : i32
        %get3A_1645 = arith.index_cast %get3A_1644 : i32 to index
        %get3A_1646 = arith.index_cast %add3A_1643 : i32 to index
        %get3A_1647 = arith.constant 0 : index
        %get3A_1648 = tpu.vector_load %arg7[%get3A_1645, %get3A_1646, %get3A_1647] {strides = array<i32>} : memref<2x832x64xf32, #tpu.memory_space<vmem>>, vector<1x1x16xf32>,
        %get3A_1649 = vector.shape_cast %get3A_1648 : vector<1x1x16xf32> to vector<16xf32>
        %add3A_1650 = arith.addf %add3A_1614, %get3A_1649 : vector<16xf32>
        %add3A_1651 = arith.constant 21 : i32
        %add3A_1652 = arith.addi %mul3A_898, %add3A_1651 : i32
        %get3A_1653 = arith.constant 1 : i32
        %get3A_1654 = arith.index_cast %get3A_1653 : i32 to index
        %get3A_1655 = arith.index_cast %add3A_1652 : i32 to index
        %get3A_1656 = arith.constant 16 : index
        %get3A_1657 = tpu.vector_load %arg7[%get3A_1654, %get3A_1655, %get3A_1656] {strides = array<i32>} : memref<2x832x64xf32, #tpu.memory_space<vmem>>, vector<1x1x16xf32>,
        %get3A_1658 = vector.shape_cast %get3A_1657 : vector<1x1x16xf32> to vector<16xf32>
        %add3A_1659 = arith.addf %add3A_1623, %get3A_1658 : vector<16xf32>
        %add3A_1660 = arith.constant 21 : i32
        %add3A_1661 = arith.addi %mul3A_898, %add3A_1660 : i32
        %get3A_1662 = arith.constant 1 : i32
        %get3A_1663 = arith.index_cast %get3A_1662 : i32 to index
        %get3A_1664 = arith.index_cast %add3A_1661 : i32 to index
        %get3A_1665 = arith.constant 32 : index
        %get3A_1666 = tpu.vector_load %arg7[%get3A_1663, %get3A_1664, %get3A_1665] {strides = array<i32>} : memref<2x832x64xf32, #tpu.memory_space<vmem>>, vector<1x1x16xf32>,
        %get3A_1667 = vector.shape_cast %get3A_1666 : vector<1x1x16xf32> to vector<16xf32>
        %add3A_1668 = arith.addf %add3A_1632, %get3A_1667 : vector<16xf32>
        %add3A_1669 = arith.constant 21 : i32
        %add3A_1670 = arith.addi %mul3A_898, %add3A_1669 : i32
        %get3A_1671 = arith.constant 1 : i32
        %get3A_1672 = arith.index_cast %get3A_1671 : i32 to index
        %get3A_1673 = arith.index_cast %add3A_1670 : i32 to index
        %get3A_1674 = arith.constant 48 : index
        %get3A_1675 = tpu.vector_load %arg7[%get3A_1672, %get3A_1673, %get3A_1674] {strides = array<i32>} : memref<2x832x64xf32, #tpu.memory_space<vmem>>, vector<1x1x16xf32>,
        %get3A_1676 = vector.shape_cast %get3A_1675 : vector<1x1x16xf32> to vector<16xf32>
        %add3A_1677 = arith.addf %add3A_1641, %get3A_1676 : vector<16xf32>
        %add3A_1678 = arith.constant 22 : i32
        %add3A_1679 = arith.addi %mul3A_898, %add3A_1678 : i32
        %get3A_1680 = arith.constant 1 : i32
        %get3A_1681 = arith.index_cast %get3A_1680 : i32 to index
        %get3A_1682 = arith.index_cast %add3A_1679 : i32 to index
        %get3A_1683 = arith.constant 0 : index
        %get3A_1684 = tpu.vector_load %arg7[%get3A_1681, %get3A_1682, %get3A_1683] {strides = array<i32>} : memref<2x832x64xf32, #tpu.memory_space<vmem>>, vector<1x1x16xf32>,
        %get3A_1685 = vector.shape_cast %get3A_1684 : vector<1x1x16xf32> to vector<16xf32>
        %add3A_1686 = arith.addf %add3A_1650, %get3A_1685 : vector<16xf32>
        %add3A_1687 = arith.constant 22 : i32
        %add3A_1688 = arith.addi %mul3A_898, %add3A_1687 : i32
        %get3A_1689 = arith.constant 1 : i32
        %get3A_1690 = arith.index_cast %get3A_1689 : i32 to index
        %get3A_1691 = arith.index_cast %add3A_1688 : i32 to index
        %get3A_1692 = arith.constant 16 : index
        %get3A_1693 = tpu.vector_load %arg7[%get3A_1690, %get3A_1691, %get3A_1692] {strides = array<i32>} : memref<2x832x64xf32, #tpu.memory_space<vmem>>, vector<1x1x16xf32>,
        %get3A_1694 = vector.shape_cast %get3A_1693 : vector<1x1x16xf32> to vector<16xf32>
        %add3A_1695 = arith.addf %add3A_1659, %get3A_1694 : vector<16xf32>
        %add3A_1696 = arith.constant 22 : i32
        %add3A_1697 = arith.addi %mul3A_898, %add3A_1696 : i32
        %get3A_1698 = arith.constant 1 : i32
        %get3A_1699 = arith.index_cast %get3A_1698 : i32 to index
        %get3A_1700 = arith.index_cast %add3A_1697 : i32 to index
        %get3A_1701 = arith.constant 32 : index
        %get3A_1702 = tpu.vector_load %arg7[%get3A_1699, %get3A_1700, %get3A_1701] {strides = array<i32>} : memref<2x832x64xf32, #tpu.memory_space<vmem>>, vector<1x1x16xf32>,
        %get3A_1703 = vector.shape_cast %get3A_1702 : vector<1x1x16xf32> to vector<16xf32>
        %add3A_1704 = arith.addf %add3A_1668, %get3A_1703 : vector<16xf32>
        %add3A_1705 = arith.constant 22 : i32
        %add3A_1706 = arith.addi %mul3A_898, %add3A_1705 : i32
        %get3A_1707 = arith.constant 1 : i32
        %get3A_1708 = arith.index_cast %get3A_1707 : i32 to index
        %get3A_1709 = arith.index_cast %add3A_1706 : i32 to index
        %get3A_1710 = arith.constant 48 : index
        %get3A_1711 = tpu.vector_load %arg7[%get3A_1708, %get3A_1709, %get3A_1710] {strides = array<i32>} : memref<2x832x64xf32, #tpu.memory_space<vmem>>, vector<1x1x16xf32>,
        %get3A_1712 = vector.shape_cast %get3A_1711 : vector<1x1x16xf32> to vector<16xf32>
        %add3A_1713 = arith.addf %add3A_1677, %get3A_1712 : vector<16xf32>
        %add3A_1714 = arith.constant 23 : i32
        %add3A_1715 = arith.addi %mul3A_898, %add3A_1714 : i32
        %get3A_1716 = arith.constant 1 : i32
        %get3A_1717 = arith.index_cast %get3A_1716 : i32 to index
        %get3A_1718 = arith.index_cast %add3A_1715 : i32 to index
        %get3A_1719 = arith.constant 0 : index
        %get3A_1720 = tpu.vector_load %arg7[%get3A_1717, %get3A_1718, %get3A_1719] {strides = array<i32>} : memref<2x832x64xf32, #tpu.memory_space<vmem>>, vector<1x1x16xf32>,
        %get3A_1721 = vector.shape_cast %get3A_1720 : vector<1x1x16xf32> to vector<16xf32>
        %add3A_1722 = arith.addf %add3A_1686, %get3A_1721 : vector<16xf32>
        %add3A_1723 = arith.constant 23 : i32
        %add3A_1724 = arith.addi %mul3A_898, %add3A_1723 : i32
        %get3A_1725 = arith.constant 1 : i32
        %get3A_1726 = arith.index_cast %get3A_1725 : i32 to index
        %get3A_1727 = arith.index_cast %add3A_1724 : i32 to index
        %get3A_1728 = arith.constant 16 : index
        %get3A_1729 = tpu.vector_load %arg7[%get3A_1726, %get3A_1727, %get3A_1728] {strides = array<i32>} : memref<2x832x64xf32, #tpu.memory_space<vmem>>, vector<1x1x16xf32>,
        %get3A_1730 = vector.shape_cast %get3A_1729 : vector<1x1x16xf32> to vector<16xf32>
        %add3A_1731 = arith.addf %add3A_1695, %get3A_1730 : vector<16xf32>
        %add3A_1732 = arith.constant 23 : i32
        %add3A_1733 = arith.addi %mul3A_898, %add3A_1732 : i32
        %get3A_1734 = arith.constant 1 : i32
        %get3A_1735 = arith.index_cast %get3A_1734 : i32 to index
        %get3A_1736 = arith.index_cast %add3A_1733 : i32 to index
        %get3A_1737 = arith.constant 32 : index
        %get3A_1738 = tpu.vector_load %arg7[%get3A_1735, %get3A_1736, %get3A_1737] {strides = array<i32>} : memref<2x832x64xf32, #tpu.memory_space<vmem>>, vector<1x1x16xf32>,
        %get3A_1739 = vector.shape_cast %get3A_1738 : vector<1x1x16xf32> to vector<16xf32>
        %add3A_1740 = arith.addf %add3A_1704, %get3A_1739 : vector<16xf32>
        %add3A_1741 = arith.constant 23 : i32
        %add3A_1742 = arith.addi %mul3A_898, %add3A_1741 : i32
        %get3A_1743 = arith.constant 1 : i32
        %get3A_1744 = arith.index_cast %get3A_1743 : i32 to index
        %get3A_1745 = arith.index_cast %add3A_1742 : i32 to index
        %get3A_1746 = arith.constant 48 : index
        %get3A_1747 = tpu.vector_load %arg7[%get3A_1744, %get3A_1745, %get3A_1746] {strides = array<i32>} : memref<2x832x64xf32, #tpu.memory_space<vmem>>, vector<1x1x16xf32>,
        %get3A_1748 = vector.shape_cast %get3A_1747 : vector<1x1x16xf32> to vector<16xf32>
        %add3A_1749 = arith.addf %add3A_1713, %get3A_1748 : vector<16xf32>
        %add3A_1750 = arith.constant 24 : i32
        %add3A_1751 = arith.addi %mul3A_898, %add3A_1750 : i32
        %get3A_1752 = arith.constant 1 : i32
        %get3A_1753 = arith.index_cast %get3A_1752 : i32 to index
        %get3A_1754 = arith.index_cast %add3A_1751 : i32 to index
        %get3A_1755 = arith.constant 0 : index
        %get3A_1756 = tpu.vector_load %arg7[%get3A_1753, %get3A_1754, %get3A_1755] {strides = array<i32>} : memref<2x832x64xf32, #tpu.memory_space<vmem>>, vector<1x1x16xf32>,
        %get3A_1757 = vector.shape_cast %get3A_1756 : vector<1x1x16xf32> to vector<16xf32>
        %add3A_1758 = arith.addf %add3A_1722, %get3A_1757 : vector<16xf32>
        %add3A_1759 = arith.constant 24 : i32
        %add3A_1760 = arith.addi %mul3A_898, %add3A_1759 : i32
        %get3A_1761 = arith.constant 1 : i32
        %get3A_1762 = arith.index_cast %get3A_1761 : i32 to index
        %get3A_1763 = arith.index_cast %add3A_1760 : i32 to index
        %get3A_1764 = arith.constant 16 : index
        %get3A_1765 = tpu.vector_load %arg7[%get3A_1762, %get3A_1763, %get3A_1764] {strides = array<i32>} : memref<2x832x64xf32, #tpu.memory_space<vmem>>, vector<1x1x16xf32>,
        %get3A_1766 = vector.shape_cast %get3A_1765 : vector<1x1x16xf32> to vector<16xf32>
        %add3A_1767 = arith.addf %add3A_1731, %get3A_1766 : vector<16xf32>
        %add3A_1768 = arith.constant 24 : i32
        %add3A_1769 = arith.addi %mul3A_898, %add3A_1768 : i32
        %get3A_1770 = arith.constant 1 : i32
        %get3A_1771 = arith.index_cast %get3A_1770 : i32 to index
        %get3A_1772 = arith.index_cast %add3A_1769 : i32 to index
        %get3A_1773 = arith.constant 32 : index
        %get3A_1774 = tpu.vector_load %arg7[%get3A_1771, %get3A_1772, %get3A_1773] {strides = array<i32>} : memref<2x832x64xf32, #tpu.memory_space<vmem>>, vector<1x1x16xf32>,
        %get3A_1775 = vector.shape_cast %get3A_1774 : vector<1x1x16xf32> to vector<16xf32>
        %add3A_1776 = arith.addf %add3A_1740, %get3A_1775 : vector<16xf32>
        %add3A_1777 = arith.constant 24 : i32
        %add3A_1778 = arith.addi %mul3A_898, %add3A_1777 : i32
        %get3A_1779 = arith.constant 1 : i32
        %get3A_1780 = arith.index_cast %get3A_1779 : i32 to index
        %get3A_1781 = arith.index_cast %add3A_1778 : i32 to index
        %get3A_1782 = arith.constant 48 : index
        %get3A_1783 = tpu.vector_load %arg7[%get3A_1780, %get3A_1781, %get3A_1782] {strides = array<i32>} : memref<2x832x64xf32, #tpu.memory_space<vmem>>, vector<1x1x16xf32>,
        %get3A_1784 = vector.shape_cast %get3A_1783 : vector<1x1x16xf32> to vector<16xf32>
        %add3A_1785 = arith.addf %add3A_1749, %get3A_1784 : vector<16xf32>
        %add3A_1786 = arith.constant 25 : i32
        %add3A_1787 = arith.addi %mul3A_898, %add3A_1786 : i32
        %get3A_1788 = arith.constant 1 : i32
        %get3A_1789 = arith.index_cast %get3A_1788 : i32 to index
        %get3A_1790 = arith.index_cast %add3A_1787 : i32 to index
        %get3A_1791 = arith.constant 0 : index
        %get3A_1792 = tpu.vector_load %arg7[%get3A_1789, %get3A_1790, %get3A_1791] {strides = array<i32>} : memref<2x832x64xf32, #tpu.memory_space<vmem>>, vector<1x1x16xf32>,
        %get3A_1793 = vector.shape_cast %get3A_1792 : vector<1x1x16xf32> to vector<16xf32>
        %add3A_1794 = arith.addf %add3A_1758, %get3A_1793 : vector<16xf32>
        %add3A_1795 = arith.constant 25 : i32
        %add3A_1796 = arith.addi %mul3A_898, %add3A_1795 : i32
        %get3A_1797 = arith.constant 1 : i32
        %get3A_1798 = arith.index_cast %get3A_1797 : i32 to index
        %get3A_1799 = arith.index_cast %add3A_1796 : i32 to index
        %get3A_1800 = arith.constant 16 : index
        %get3A_1801 = tpu.vector_load %arg7[%get3A_1798, %get3A_1799, %get3A_1800] {strides = array<i32>} : memref<2x832x64xf32, #tpu.memory_space<vmem>>, vector<1x1x16xf32>,
        %get3A_1802 = vector.shape_cast %get3A_1801 : vector<1x1x16xf32> to vector<16xf32>
        %add3A_1803 = arith.addf %add3A_1767, %get3A_1802 : vector<16xf32>
        %add3A_1804 = arith.constant 25 : i32
        %add3A_1805 = arith.addi %mul3A_898, %add3A_1804 : i32
        %get3A_1806 = arith.constant 1 : i32
        %get3A_1807 = arith.index_cast %get3A_1806 : i32 to index
        %get3A_1808 = arith.index_cast %add3A_1805 : i32 to index
        %get3A_1809 = arith.constant 32 : index
        %get3A_1810 = tpu.vector_load %arg7[%get3A_1807, %get3A_1808, %get3A_1809] {strides = array<i32>} : memref<2x832x64xf32, #tpu.memory_space<vmem>>, vector<1x1x16xf32>,
        %get3A_1811 = vector.shape_cast %get3A_1810 : vector<1x1x16xf32> to vector<16xf32>
        %add3A_1812 = arith.addf %add3A_1776, %get3A_1811 : vector<16xf32>
        %add3A_1813 = arith.constant 25 : i32
        %add3A_1814 = arith.addi %mul3A_898, %add3A_1813 : i32
        %get3A_1815 = arith.constant 1 : i32
        %get3A_1816 = arith.index_cast %get3A_1815 : i32 to index
        %get3A_1817 = arith.index_cast %add3A_1814 : i32 to index
        %get3A_1818 = arith.constant 48 : index
        %get3A_1819 = tpu.vector_load %arg7[%get3A_1816, %get3A_1817, %get3A_1818] {strides = array<i32>} : memref<2x832x64xf32, #tpu.memory_space<vmem>>, vector<1x1x16xf32>,
        %get3A_1820 = vector.shape_cast %get3A_1819 : vector<1x1x16xf32> to vector<16xf32>
        %add3A_1821 = arith.addf %add3A_1785, %get3A_1820 : vector<16xf32>
        %swap3A = arith.index_cast %scan3A_896 : i32 to index
        %swap3A_1822 = arith.constant 0 : index
        %swap3A_1823 = tpu.vector_load %arg9[%swap3A, %swap3A_1822] {strides = array<i32>} : memref<32x80xf32, #tpu.memory_space<vmem>>, vector<1x16xf32>,
        %swap3A_1824 = vector.shape_cast %swap3A_1823 : vector<1x16xf32> to vector<16xf32>
        %swap3A_1825 = vector.shape_cast %add3A_1794 : vector<16xf32> to vector<1x16xf32>
        tpu.vector_store %arg9[%swap3A, %swap3A_1822], %swap3A_1825 {strides = array<i32>} : memref<32x80xf32, #tpu.memory_space<vmem>>, vector<1x16xf32>,
        %swap3A_1826 = arith.index_cast %scan3A_896 : i32 to index
        %swap3A_1827 = arith.constant 16 : index
        %swap3A_1828 = tpu.vector_load %arg9[%swap3A_1826, %swap3A_1827] {strides = array<i32>} : memref<32x80xf32, #tpu.memory_space<vmem>>, vector<1x16xf32>,
        %swap3A_1829 = vector.shape_cast %swap3A_1828 : vector<1x16xf32> to vector<16xf32>
        %swap3A_1830 = vector.shape_cast %add3A_1803 : vector<16xf32> to vector<1x16xf32>
        tpu.vector_store %arg9[%swap3A_1826, %swap3A_1827], %swap3A_1830 {strides = array<i32>} : memref<32x80xf32, #tpu.memory_space<vmem>>, vector<1x16xf32>,
        %swap3A_1831 = arith.index_cast %scan3A_896 : i32 to index
        %swap3A_1832 = arith.constant 32 : index
        %swap3A_1833 = tpu.vector_load %arg9[%swap3A_1831, %swap3A_1832] {strides = array<i32>} : memref<32x80xf32, #tpu.memory_space<vmem>>, vector<1x16xf32>,
        %swap3A_1834 = vector.shape_cast %swap3A_1833 : vector<1x16xf32> to vector<16xf32>
        %swap3A_1835 = vector.shape_cast %add3A_1812 : vector<16xf32> to vector<1x16xf32>
        tpu.vector_store %arg9[%swap3A_1831, %swap3A_1832], %swap3A_1835 {strides = array<i32>} : memref<32x80xf32, #tpu.memory_space<vmem>>, vector<1x16xf32>,
        %swap3A_1836 = arith.index_cast %scan3A_896 : i32 to index
        %swap3A_1837 = arith.constant 48 : index
        %swap3A_1838 = tpu.vector_load %arg9[%swap3A_1836, %swap3A_1837] {strides = array<i32>} : memref<32x80xf32, #tpu.memory_space<vmem>>, vector<1x16xf32>,
        %swap3A_1839 = vector.shape_cast %swap3A_1838 : vector<1x16xf32> to vector<16xf32>
        %swap3A_1840 = vector.shape_cast %add3A_1821 : vector<16xf32> to vector<1x16xf32>
        tpu.vector_store %arg9[%swap3A_1836, %swap3A_1837], %swap3A_1840 {strides = array<i32>} : memref<32x80xf32, #tpu.memory_space<vmem>>, vector<1x16xf32>,
        %get3A_1841 = arith.index_cast %scan3A_896 : i32 to index
        %get3A_1842 = arith.constant 0 : index
        %get3A_1843 = tpu.vector_load %arg8[%get3A_1841, %get3A_1842] {strides = array<i32>} : memref<32x16xf32, #tpu.memory_space<vmem>>, vector<1x16xf32>,
        %get3A_1844 = vector.shape_cast %get3A_1843 : vector<1x16xf32> to vector<16xf32>
        %swap3A_1845 = arith.index_cast %scan3A_896 : i32 to index
        %swap3A_1846 = arith.constant 64 : index
        %swap3A_1847 = tpu.vector_load %arg9[%swap3A_1845, %swap3A_1846] {strides = array<i32>} : memref<32x80xf32, #tpu.memory_space<vmem>>, vector<1x16xf32>,
        %swap3A_1848 = vector.shape_cast %swap3A_1847 : vector<1x16xf32> to vector<16xf32>
        %swap3A_1849 = vector.shape_cast %get3A_1844 : vector<16xf32> to vector<1x16xf32>
        tpu.vector_store %arg9[%swap3A_1845, %swap3A_1846], %swap3A_1849 {strides = array<i32>} : memref<32x80xf32, #tpu.memory_space<vmem>>, vector<1x16xf32>,
      }
      %scan3A_895 = arith.constant 32 : i32
      "tpu.region"() ({
        %run_scoped3A_896 = tpu.sem_alloc : memref<!tpu.dma_semaphore, #tpu.memory_space<semaphore_mem>>
        %dma_start3A_897 = arith.constant 0 : i32
        %dma_start3A_898 = tpu.memref_slice %arg5[%add3A_889, %dma_start3A_897] : memref<51200x80xf32, #tpu.memory_space<hbm>> -> memref<32x80xf32, #tpu.memory_space<hbm>>
        %dma_start3A_899 = arith.constant 0 : i32
        %dma_start3A_900 = tpu.memref_slice %arg5[%add3A_889, %dma_start3A_899] : memref<51200x80xf32, #tpu.memory_space<hbm>> -> memref<32x80xf32, #tpu.memory_space<hbm>>
        tpu.enqueue_dma source(%arg9 : memref<32x80xf32, #tpu.memory_space<vmem>>) target(%dma_start3A_900 : memref<32x80xf32, #tpu.memory_space<hbm>>) target_semaphore(%run_scoped3A_896 : memref<!tpu.dma_semaphore, #tpu.memory_space<semaphore_mem>>)
        %dma_wait3A_901 = arith.constant 0 : i32
        %dma_wait3A_902 = tpu.memref_slice %arg5[%add3A_889, %dma_wait3A_901] : memref<51200x80xf32, #tpu.memory_space<hbm>> -> memref<32x80xf32, #tpu.memory_space<hbm>>
        %dma_wait3A_903 = arith.constant 0 : i32
        %dma_wait3A_904 = tpu.memref_slice %arg5[%add3A_889, %dma_wait3A_903] : memref<51200x80xf32, #tpu.memory_space<hbm>> -> memref<32x80xf32, #tpu.memory_space<hbm>>
        tpu.wait_dma2 semaphore(%run_scoped3A_896 : memref<!tpu.dma_semaphore, #tpu.memory_space<semaphore_mem>>) src(%arg9 : memref<32x80xf32, #tpu.memory_space<vmem>>) dst(%dma_wait3A_904 : memref<32x80xf32, #tpu.memory_space<hbm>>)
        tpu.yield
      }) : () -> ()
    }
    %scan3A_114 = arith.constant 24 : i32
    %add3A_115 = arith.constant 392 : i32
    %add3A_116 = arith.addi %mul3A_4, %add3A_115 : i32
    %run_scoped3A_117 = arith.constant 1 : i32
    "tpu.region"() ({
      %run_scoped3A_445 = tpu.sem_alloc : memref<!tpu.dma_semaphore, #tpu.memory_space<semaphore_mem>>
      %dma_start3A_446 = arith.constant 0 : i32
      %dma_start3A_447 = arith.constant 0 : i32
      %dma_start3A_448 = tpu.memref_slice %arg6[%run_scoped3A_117, %dma_start3A_446, %dma_start3A_447] : memref<2x8x104xi32, #tpu.memory_space<vmem>> -> memref<1x8x104xi32, #tpu.memory_space<vmem>>
      %dma_start3A_449 = tpu.memref_squeeze %dma_start3A_448 : memref<1x8x104xi32, #tpu.memory_space<vmem>> -> memref<8x104xi32, #tpu.memory_space<vmem>>
      %dma_start3A_450 = arith.constant 0 : i32
      %dma_start3A_451 = tpu.memref_slice %arg2[%add3A_116, %dma_start3A_450] : memref<12800x104xi32, #tpu.memory_space<hbm>> -> memref<8x104xi32, #tpu.memory_space<hbm>>
      %dma_start3A_452 = arith.constant 0 : i32
      %dma_start3A_453 = arith.constant 0 : i32
      %dma_start3A_454 = tpu.memref_slice %arg6[%run_scoped3A_117, %dma_start3A_452, %dma_start3A_453] : memref<2x8x104xi32, #tpu.memory_space<vmem>> -> memref<1x8x104xi32, #tpu.memory_space<vmem>>
      %dma_start3A_455 = tpu.memref_squeeze %dma_start3A_454 : memref<1x8x104xi32, #tpu.memory_space<vmem>> -> memref<8x104xi32, #tpu.memory_space<vmem>>
      %dma_start3A_456 = arith.constant 0 : i32
      %dma_start3A_457 = tpu.memref_slice %arg2[%add3A_116, %dma_start3A_456] : memref<12800x104xi32, #tpu.memory_space<hbm>> -> memref<8x104xi32, #tpu.memory_space<hbm>>
      tpu.enqueue_dma source(%dma_start3A_457 : memref<8x104xi32, #tpu.memory_space<hbm>>) target(%dma_start3A_455 : memref<8x104xi32, #tpu.memory_space<vmem>>) target_semaphore(%run_scoped3A_445 : memref<!tpu.dma_semaphore, #tpu.memory_space<semaphore_mem>>)
      %dma_wait3A_458 = arith.constant 0 : i32
      %dma_wait3A_459 = arith.constant 0 : i32
      %dma_wait3A_460 = tpu.memref_slice %arg6[%run_scoped3A_117, %dma_wait3A_458, %dma_wait3A_459] : memref<2x8x104xi32, #tpu.memory_space<vmem>> -> memref<1x8x104xi32, #tpu.memory_space<vmem>>
      %dma_wait3A_461 = tpu.memref_squeeze %dma_wait3A_460 : memref<1x8x104xi32, #tpu.memory_space<vmem>> -> memref<8x104xi32, #tpu.memory_space<vmem>>
      %dma_wait3A_462 = arith.constant 0 : i32
      %dma_wait3A_463 = tpu.memref_slice %arg2[%add3A_116, %dma_wait3A_462] : memref<12800x104xi32, #tpu.memory_space<hbm>> -> memref<8x104xi32, #tpu.memory_space<hbm>>
      %dma_wait3A_464 = arith.constant 0 : i32
      %dma_wait3A_465 = arith.constant 0 : i32
      %dma_wait3A_466 = tpu.memref_slice %arg6[%run_scoped3A_117, %dma_wait3A_464, %dma_wait3A_465] : memref<2x8x104xi32, #tpu.memory_space<vmem>> -> memref<1x8x104xi32, #tpu.memory_space<vmem>>
      %dma_wait3A_467 = tpu.memref_squeeze %dma_wait3A_466 : memref<1x8x104xi32, #tpu.memory_space<vmem>> -> memref<8x104xi32, #tpu.memory_space<vmem>>
      %dma_wait3A_468 = arith.constant 0 : i32
      %dma_wait3A_469 = tpu.memref_slice %arg2[%add3A_116, %dma_wait3A_468] : memref<12800x104xi32, #tpu.memory_space<hbm>> -> memref<8x104xi32, #tpu.memory_space<hbm>>
      tpu.wait_dma2 semaphore(%run_scoped3A_445 : memref<!tpu.dma_semaphore, #tpu.memory_space<semaphore_mem>>) src(%dma_wait3A_469 : memref<8x104xi32, #tpu.memory_space<hbm>>) dst(%dma_wait3A_467 : memref<8x104xi32, #tpu.memory_space<vmem>>)
      tpu.yield
    }) : () -> ()
    %dma_start3A_118 = arith.constant 1 : i32
    %dma_start3A_119 = arith.constant 0 : i32
    %dma_start3A_120 = arith.constant 1 : i32
    %dma_start3A_121 = arith.constant 0 : i32
    %dma_start3A_122 = arith.constant 0 : i32
    %dma_start3A_123 = tpu.memref_slice %arg7[%dma_start3A_120, %dma_start3A_121, %dma_start3A_122] : memref<2x832x64xf32, #tpu.memory_space<vmem>> -> memref<1x104x64xf32, #tpu.memory_space<vmem>>
    %dma_start3A_124 = tpu.memref_squeeze %dma_start3A_123 : memref<1x104x64xf32, #tpu.memory_space<vmem>> -> memref<104x64xf32, #tpu.memory_space<vmem>>
    %dma_start3A_125 = arith.constant 0 : i32
    %dma_start3A_126 = tpu.memref_slice %arg6[%dma_start3A_118, %dma_start3A_119, %dma_start3A_125] : memref<2x8x104xi32, #tpu.memory_space<vmem>> -> memref<1x1x104xi32, #tpu.memory_space<vmem>>
    %dma_start3A_127 = tpu.memref_squeeze %dma_start3A_126 : memref<1x1x104xi32, #tpu.memory_space<vmem>> -> memref<104xi32, #tpu.memory_space<vmem>>
    %dma_start3A_128 = arith.constant 0 : i32
    %dma_start3A_129 = arith.constant 0 : i32
    %dma_start3A_130 = tpu.memref_slice %arg4[%dma_start3A_128, %dma_start3A_129] : memref<1015808x64xf32, #tpu.memory_space<hbm>> -> memref<1015808x64xf32, #tpu.memory_space<hbm>>
    tpu.enqueue_indirect_dma source(%dma_start3A_130 : memref<1015808x64xf32, #tpu.memory_space<hbm>>) target(%dma_start3A_124 : memref<104x64xf32, #tpu.memory_space<vmem>>) offsets(%dma_start3A_127 : memref<104xi32, #tpu.memory_space<vmem>>) semaphore(%arg11 : memref<!tpu.dma_semaphore, #tpu.memory_space<semaphore_mem>>)
    %dma_start3A_131 = arith.constant 1 : i32
    %dma_start3A_132 = arith.constant 1 : i32
    %dma_start3A_133 = arith.constant 1 : i32
    %dma_start3A_134 = arith.constant 104 : i32
    %dma_start3A_135 = arith.constant 0 : i32
    %dma_start3A_136 = tpu.memref_slice %arg7[%dma_start3A_133, %dma_start3A_134, %dma_start3A_135] : memref<2x832x64xf32, #tpu.memory_space<vmem>> -> memref<1x104x64xf32, #tpu.memory_space<vmem>>
    %dma_start3A_137 = tpu.memref_squeeze %dma_start3A_136 : memref<1x104x64xf32, #tpu.memory_space<vmem>> -> memref<104x64xf32, #tpu.memory_space<vmem>>
    %dma_start3A_138 = arith.constant 0 : i32
    %dma_start3A_139 = tpu.memref_slice %arg6[%dma_start3A_131, %dma_start3A_132, %dma_start3A_138] : memref<2x8x104xi32, #tpu.memory_space<vmem>> -> memref<1x1x104xi32, #tpu.memory_space<vmem>>
    %dma_start3A_140 = tpu.memref_squeeze %dma_start3A_139 : memref<1x1x104xi32, #tpu.memory_space<vmem>> -> memref<104xi32, #tpu.memory_space<vmem>>
    %dma_start3A_141 = arith.constant 0 : i32
    %dma_start3A_142 = arith.constant 0 : i32
    %dma_start3A_143 = tpu.memref_slice %arg4[%dma_start3A_141, %dma_start3A_142] : memref<1015808x64xf32, #tpu.memory_space<hbm>> -> memref<1015808x64xf32, #tpu.memory_space<hbm>>
    tpu.enqueue_indirect_dma source(%dma_start3A_143 : memref<1015808x64xf32, #tpu.memory_space<hbm>>) target(%dma_start3A_137 : memref<104x64xf32, #tpu.memory_space<vmem>>) offsets(%dma_start3A_140 : memref<104xi32, #tpu.memory_space<vmem>>) semaphore(%arg11 : memref<!tpu.dma_semaphore, #tpu.memory_space<semaphore_mem>>)
    %dma_start3A_144 = arith.constant 1 : i32
    %dma_start3A_145 = arith.constant 2 : i32
    %dma_start3A_146 = arith.constant 1 : i32
    %dma_start3A_147 = arith.constant 208 : i32
    %dma_start3A_148 = arith.constant 0 : i32
    %dma_start3A_149 = tpu.memref_slice %arg7[%dma_start3A_146, %dma_start3A_147, %dma_start3A_148] : memref<2x832x64xf32, #tpu.memory_space<vmem>> -> memref<1x104x64xf32, #tpu.memory_space<vmem>>
    %dma_start3A_150 = tpu.memref_squeeze %dma_start3A_149 : memref<1x104x64xf32, #tpu.memory_space<vmem>> -> memref<104x64xf32, #tpu.memory_space<vmem>>
    %dma_start3A_151 = arith.constant 0 : i32
    %dma_start3A_152 = tpu.memref_slice %arg6[%dma_start3A_144, %dma_start3A_145, %dma_start3A_151] : memref<2x8x104xi32, #tpu.memory_space<vmem>> -> memref<1x1x104xi32, #tpu.memory_space<vmem>>
    %dma_start3A_153 = tpu.memref_squeeze %dma_start3A_152 : memref<1x1x104xi32, #tpu.memory_space<vmem>> -> memref<104xi32, #tpu.memory_space<vmem>>
    %dma_start3A_154 = arith.constant 0 : i32
    %dma_start3A_155 = arith.constant 0 : i32
    %dma_start3A_156 = tpu.memref_slice %arg4[%dma_start3A_154, %dma_start3A_155] : memref<1015808x64xf32, #tpu.memory_space<hbm>> -> memref<1015808x64xf32, #tpu.memory_space<hbm>>
    tpu.enqueue_indirect_dma source(%dma_start3A_156 : memref<1015808x64xf32, #tpu.memory_space<hbm>>) target(%dma_start3A_150 : memref<104x64xf32, #tpu.memory_space<vmem>>) offsets(%dma_start3A_153 : memref<104xi32, #tpu.memory_space<vmem>>) semaphore(%arg11 : memref<!tpu.dma_semaphore, #tpu.memory_space<semaphore_mem>>)
    %dma_start3A_157 = arith.constant 1 : i32
    %dma_start3A_158 = arith.constant 3 : i32
    %dma_start3A_159 = arith.constant 1 : i32
    %dma_start3A_160 = arith.constant 312 : i32
    %dma_start3A_161 = arith.constant 0 : i32
    %dma_start3A_162 = tpu.memref_slice %arg7[%dma_start3A_159, %dma_start3A_160, %dma_start3A_161] : memref<2x832x64xf32, #tpu.memory_space<vmem>> -> memref<1x104x64xf32, #tpu.memory_space<vmem>>
    %dma_start3A_163 = tpu.memref_squeeze %dma_start3A_162 : memref<1x104x64xf32, #tpu.memory_space<vmem>> -> memref<104x64xf32, #tpu.memory_space<vmem>>
    %dma_start3A_164 = arith.constant 0 : i32
    %dma_start3A_165 = tpu.memref_slice %arg6[%dma_start3A_157, %dma_start3A_158, %dma_start3A_164] : memref<2x8x104xi32, #tpu.memory_space<vmem>> -> memref<1x1x104xi32, #tpu.memory_space<vmem>>
    %dma_start3A_166 = tpu.memref_squeeze %dma_start3A_165 : memref<1x1x104xi32, #tpu.memory_space<vmem>> -> memref<104xi32, #tpu.memory_space<vmem>>
    %dma_start3A_167 = arith.constant 0 : i32
    %dma_start3A_168 = arith.constant 0 : i32
    %dma_start3A_169 = tpu.memref_slice %arg4[%dma_start3A_167, %dma_start3A_168] : memref<1015808x64xf32, #tpu.memory_space<hbm>> -> memref<1015808x64xf32, #tpu.memory_space<hbm>>
    tpu.enqueue_indirect_dma source(%dma_start3A_169 : memref<1015808x64xf32, #tpu.memory_space<hbm>>) target(%dma_start3A_163 : memref<104x64xf32, #tpu.memory_space<vmem>>) offsets(%dma_start3A_166 : memref<104xi32, #tpu.memory_space<vmem>>) semaphore(%arg11 : memref<!tpu.dma_semaphore, #tpu.memory_space<semaphore_mem>>)
    %dma_start3A_170 = arith.constant 1 : i32
    %dma_start3A_171 = arith.constant 4 : i32
    %dma_start3A_172 = arith.constant 1 : i32
    %dma_start3A_173 = arith.constant 416 : i32
    %dma_start3A_174 = arith.constant 0 : i32
    %dma_start3A_175 = tpu.memref_slice %arg7[%dma_start3A_172, %dma_start3A_173, %dma_start3A_174] : memref<2x832x64xf32, #tpu.memory_space<vmem>> -> memref<1x104x64xf32, #tpu.memory_space<vmem>>
    %dma_start3A_176 = tpu.memref_squeeze %dma_start3A_175 : memref<1x104x64xf32, #tpu.memory_space<vmem>> -> memref<104x64xf32, #tpu.memory_space<vmem>>
    %dma_start3A_177 = arith.constant 0 : i32
    %dma_start3A_178 = tpu.memref_slice %arg6[%dma_start3A_170, %dma_start3A_171, %dma_start3A_177] : memref<2x8x104xi32, #tpu.memory_space<vmem>> -> memref<1x1x104xi32, #tpu.memory_space<vmem>>
    %dma_start3A_179 = tpu.memref_squeeze %dma_start3A_178 : memref<1x1x104xi32, #tpu.memory_space<vmem>> -> memref<104xi32, #tpu.memory_space<vmem>>
    %dma_start3A_180 = arith.constant 0 : i32
    %dma_start3A_181 = arith.constant 0 : i32
    %dma_start3A_182 = tpu.memref_slice %arg4[%dma_start3A_180, %dma_start3A_181] : memref<1015808x64xf32, #tpu.memory_space<hbm>> -> memref<1015808x64xf32, #tpu.memory_space<hbm>>
    tpu.enqueue_indirect_dma source(%dma_start3A_182 : memref<1015808x64xf32, #tpu.memory_space<hbm>>) target(%dma_start3A_176 : memref<104x64xf32, #tpu.memory_space<vmem>>) offsets(%dma_start3A_179 : memref<104xi32, #tpu.memory_space<vmem>>) semaphore(%arg11 : memref<!tpu.dma_semaphore, #tpu.memory_space<semaphore_mem>>)
    %dma_start3A_183 = arith.constant 1 : i32
    %dma_start3A_184 = arith.constant 5 : i32
    %dma_start3A_185 = arith.constant 1 : i32
    %dma_start3A_186 = arith.constant 520 : i32
    %dma_start3A_187 = arith.constant 0 : i32
    %dma_start3A_188 = tpu.memref_slice %arg7[%dma_start3A_185, %dma_start3A_186, %dma_start3A_187] : memref<2x832x64xf32, #tpu.memory_space<vmem>> -> memref<1x104x64xf32, #tpu.memory_space<vmem>>
    %dma_start3A_189 = tpu.memref_squeeze %dma_start3A_188 : memref<1x104x64xf32, #tpu.memory_space<vmem>> -> memref<104x64xf32, #tpu.memory_space<vmem>>
    %dma_start3A_190 = arith.constant 0 : i32
    %dma_start3A_191 = tpu.memref_slice %arg6[%dma_start3A_183, %dma_start3A_184, %dma_start3A_190] : memref<2x8x104xi32, #tpu.memory_space<vmem>> -> memref<1x1x104xi32, #tpu.memory_space<vmem>>
    %dma_start3A_192 = tpu.memref_squeeze %dma_start3A_191 : memref<1x1x104xi32, #tpu.memory_space<vmem>> -> memref<104xi32, #tpu.memory_space<vmem>>
    %dma_start3A_193 = arith.constant 0 : i32
    %dma_start3A_194 = arith.constant 0 : i32
    %dma_start3A_195 = tpu.memref_slice %arg4[%dma_start3A_193, %dma_start3A_194] : memref<1015808x64xf32, #tpu.memory_space<hbm>> -> memref<1015808x64xf32, #tpu.memory_space<hbm>>
    tpu.enqueue_indirect_dma source(%dma_start3A_195 : memref<1015808x64xf32, #tpu.memory_space<hbm>>) target(%dma_start3A_189 : memref<104x64xf32, #tpu.memory_space<vmem>>) offsets(%dma_start3A_192 : memref<104xi32, #tpu.memory_space<vmem>>) semaphore(%arg11 : memref<!tpu.dma_semaphore, #tpu.memory_space<semaphore_mem>>)
    %dma_start3A_196 = arith.constant 1 : i32
    %dma_start3A_197 = arith.constant 6 : i32
    %dma_start3A_198 = arith.constant 1 : i32
    %dma_start3A_199 = arith.constant 624 : i32
    %dma_start3A_200 = arith.constant 0 : i32
    %dma_start3A_201 = tpu.memref_slice %arg7[%dma_start3A_198, %dma_start3A_199, %dma_start3A_200] : memref<2x832x64xf32, #tpu.memory_space<vmem>> -> memref<1x104x64xf32, #tpu.memory_space<vmem>>
    %dma_start3A_202 = tpu.memref_squeeze %dma_start3A_201 : memref<1x104x64xf32, #tpu.memory_space<vmem>> -> memref<104x64xf32, #tpu.memory_space<vmem>>
    %dma_start3A_203 = arith.constant 0 : i32
    %dma_start3A_204 = tpu.memref_slice %arg6[%dma_start3A_196, %dma_start3A_197, %dma_start3A_203] : memref<2x8x104xi32, #tpu.memory_space<vmem>> -> memref<1x1x104xi32, #tpu.memory_space<vmem>>
    %dma_start3A_205 = tpu.memref_squeeze %dma_start3A_204 : memref<1x1x104xi32, #tpu.memory_space<vmem>> -> memref<104xi32, #tpu.memory_space<vmem>>
    %dma_start3A_206 = arith.constant 0 : i32
    %dma_start3A_207 = arith.constant 0 : i32
    %dma_start3A_208 = tpu.memref_slice %arg4[%dma_start3A_206, %dma_start3A_207] : memref<1015808x64xf32, #tpu.memory_space<hbm>> -> memref<1015808x64xf32, #tpu.memory_space<hbm>>
    tpu.enqueue_indirect_dma source(%dma_start3A_208 : memref<1015808x64xf32, #tpu.memory_space<hbm>>) target(%dma_start3A_202 : memref<104x64xf32, #tpu.memory_space<vmem>>) offsets(%dma_start3A_205 : memref<104xi32, #tpu.memory_space<vmem>>) semaphore(%arg11 : memref<!tpu.dma_semaphore, #tpu.memory_space<semaphore_mem>>)
    %dma_start3A_209 = arith.constant 1 : i32
    %dma_start3A_210 = arith.constant 7 : i32
    %dma_start3A_211 = arith.constant 1 : i32
    %dma_start3A_212 = arith.constant 728 : i32
    %dma_start3A_213 = arith.constant 0 : i32
    %dma_start3A_214 = tpu.memref_slice %arg7[%dma_start3A_211, %dma_start3A_212, %dma_start3A_213] : memref<2x832x64xf32, #tpu.memory_space<vmem>> -> memref<1x104x64xf32, #tpu.memory_space<vmem>>
    %dma_start3A_215 = tpu.memref_squeeze %dma_start3A_214 : memref<1x104x64xf32, #tpu.memory_space<vmem>> -> memref<104x64xf32, #tpu.memory_space<vmem>>
    %dma_start3A_216 = arith.constant 0 : i32
    %dma_start3A_217 = tpu.memref_slice %arg6[%dma_start3A_209, %dma_start3A_210, %dma_start3A_216] : memref<2x8x104xi32, #tpu.memory_space<vmem>> -> memref<1x1x104xi32, #tpu.memory_space<vmem>>
    %dma_start3A_218 = tpu.memref_squeeze %dma_start3A_217 : memref<1x1x104xi32, #tpu.memory_space<vmem>> -> memref<104xi32, #tpu.memory_space<vmem>>
    %dma_start3A_219 = arith.constant 0 : i32
    %dma_start3A_220 = arith.constant 0 : i32
    %dma_start3A_221 = tpu.memref_slice %arg4[%dma_start3A_219, %dma_start3A_220] : memref<1015808x64xf32, #tpu.memory_space<hbm>> -> memref<1015808x64xf32, #tpu.memory_space<hbm>>
    tpu.enqueue_indirect_dma source(%dma_start3A_221 : memref<1015808x64xf32, #tpu.memory_space<hbm>>) target(%dma_start3A_215 : memref<104x64xf32, #tpu.memory_space<vmem>>) offsets(%dma_start3A_218 : memref<104xi32, #tpu.memory_space<vmem>>) semaphore(%arg11 : memref<!tpu.dma_semaphore, #tpu.memory_space<semaphore_mem>>)
    %dma_wait3A = arith.constant 0 : i32
    %dma_wait3A_222 = arith.constant 0 : i32
    %dma_wait3A_223 = arith.constant 0 : i32
    %dma_wait3A_224 = arith.constant 0 : i32
    %dma_wait3A_225 = arith.constant 0 : i32
    %dma_wait3A_226 = tpu.memref_slice %arg7[%dma_wait3A_223, %dma_wait3A_224, %dma_wait3A_225] : memref<2x832x64xf32, #tpu.memory_space<vmem>> -> memref<1x104x64xf32, #tpu.memory_space<vmem>>
    %dma_wait3A_227 = tpu.memref_squeeze %dma_wait3A_226 : memref<1x104x64xf32, #tpu.memory_space<vmem>> -> memref<104x64xf32, #tpu.memory_space<vmem>>
    %dma_wait3A_228 = arith.constant 0 : i32
    %dma_wait3A_229 = tpu.memref_slice %arg6[%dma_wait3A, %dma_wait3A_222, %dma_wait3A_228] : memref<2x8x104xi32, #tpu.memory_space<vmem>> -> memref<1x1x104xi32, #tpu.memory_space<vmem>>
    %dma_wait3A_230 = tpu.memref_squeeze %dma_wait3A_229 : memref<1x1x104xi32, #tpu.memory_space<vmem>> -> memref<104xi32, #tpu.memory_space<vmem>>
    %dma_wait3A_231 = arith.constant 0 : i32
    %dma_wait3A_232 = arith.constant 0 : i32
    %dma_wait3A_233 = tpu.memref_slice %arg4[%dma_wait3A_231, %dma_wait3A_232] : memref<1015808x64xf32, #tpu.memory_space<hbm>> -> memref<1015808x64xf32, #tpu.memory_space<hbm>>
    tpu.wait_indirect_dma semaphore(%arg10 : memref<!tpu.dma_semaphore, #tpu.memory_space<semaphore_mem>>) src(%dma_wait3A_233 : memref<1015808x64xf32, #tpu.memory_space<hbm>>) dst(%dma_wait3A_227 : memref<104x64xf32, #tpu.memory_space<vmem>>)
    %dma_wait3A_234 = arith.constant 0 : i32
    %dma_wait3A_235 = arith.constant 1 : i32
    %dma_wait3A_236 = arith.constant 0 : i32
    %dma_wait3A_237 = arith.constant 104 : i32
    %dma_wait3A_238 = arith.constant 0 : i32
    %dma_wait3A_239 = tpu.memref_slice %arg7[%dma_wait3A_236, %dma_wait3A_237, %dma_wait3A_238] : memref<2x832x64xf32, #tpu.memory_space<vmem>> -> memref<1x104x64xf32, #tpu.memory_space<vmem>>
    %dma_wait3A_240 = tpu.memref_squeeze %dma_wait3A_239 : memref<1x104x64xf32, #tpu.memory_space<vmem>> -> memref<104x64xf32, #tpu.memory_space<vmem>>
    %dma_wait3A_241 = arith.constant 0 : i32
    %dma_wait3A_242 = tpu.memref_slice %arg6[%dma_wait3A_234, %dma_wait3A_235, %dma_wait3A_241] : memref<2x8x104xi32, #tpu.memory_space<vmem>> -> memref<1x1x104xi32, #tpu.memory_space<vmem>>
    %dma_wait3A_243 = tpu.memref_squeeze %dma_wait3A_242 : memref<1x1x104xi32, #tpu.memory_space<vmem>> -> memref<104xi32, #tpu.memory_space<vmem>>
    %dma_wait3A_244 = arith.constant 0 : i32
    %dma_wait3A_245 = arith.constant 0 : i32
    %dma_wait3A_246 = tpu.memref_slice %arg4[%dma_wait3A_244, %dma_wait3A_245] : memref<1015808x64xf32, #tpu.memory_space<hbm>> -> memref<1015808x64xf32, #tpu.memory_space<hbm>>
    tpu.wait_indirect_dma semaphore(%arg10 : memref<!tpu.dma_semaphore, #tpu.memory_space<semaphore_mem>>) src(%dma_wait3A_246 : memref<1015808x64xf32, #tpu.memory_space<hbm>>) dst(%dma_wait3A_240 : memref<104x64xf32, #tpu.memory_space<vmem>>)
    %dma_wait3A_247 = arith.constant 0 : i32
    %dma_wait3A_248 = arith.constant 2 : i32
    %dma_wait3A_249 = arith.constant 0 : i32
    %dma_wait3A_250 = arith.constant 208 : i32
    %dma_wait3A_251 = arith.constant 0 : i32
    %dma_wait3A_252 = tpu.memref_slice %arg7[%dma_wait3A_249, %dma_wait3A_250, %dma_wait3A_251] : memref<2x832x64xf32, #tpu.memory_space<vmem>> -> memref<1x104x64xf32, #tpu.memory_space<vmem>>
    %dma_wait3A_253 = tpu.memref_squeeze %dma_wait3A_252 : memref<1x104x64xf32, #tpu.memory_space<vmem>> -> memref<104x64xf32, #tpu.memory_space<vmem>>
    %dma_wait3A_254 = arith.constant 0 : i32
    %dma_wait3A_255 = tpu.memref_slice %arg6[%dma_wait3A_247, %dma_wait3A_248, %dma_wait3A_254] : memref<2x8x104xi32, #tpu.memory_space<vmem>> -> memref<1x1x104xi32, #tpu.memory_space<vmem>>
    %dma_wait3A_256 = tpu.memref_squeeze %dma_wait3A_255 : memref<1x1x104xi32, #tpu.memory_space<vmem>> -> memref<104xi32, #tpu.memory_space<vmem>>
    %dma_wait3A_257 = arith.constant 0 : i32
    %dma_wait3A_258 = arith.constant 0 : i32
    %dma_wait3A_259 = tpu.memref_slice %arg4[%dma_wait3A_257, %dma_wait3A_258] : memref<1015808x64xf32, #tpu.memory_space<hbm>> -> memref<1015808x64xf32, #tpu.memory_space<hbm>>
    tpu.wait_indirect_dma semaphore(%arg10 : memref<!tpu.dma_semaphore, #tpu.memory_space<semaphore_mem>>) src(%dma_wait3A_259 : memref<1015808x64xf32, #tpu.memory_space<hbm>>) dst(%dma_wait3A_253 : memref<104x64xf32, #tpu.memory_space<vmem>>)
    %dma_wait3A_260 = arith.constant 0 : i32
    %dma_wait3A_261 = arith.constant 3 : i32
    %dma_wait3A_262 = arith.constant 0 : i32
    %dma_wait3A_263 = arith.constant 312 : i32
    %dma_wait3A_264 = arith.constant 0 : i32
    %dma_wait3A_265 = tpu.memref_slice %arg7[%dma_wait3A_262, %dma_wait3A_263, %dma_wait3A_264] : memref<2x832x64xf32, #tpu.memory_space<vmem>> -> memref<1x104x64xf32, #tpu.memory_space<vmem>>
    %dma_wait3A_266 = tpu.memref_squeeze %dma_wait3A_265 : memref<1x104x64xf32, #tpu.memory_space<vmem>> -> memref<104x64xf32, #tpu.memory_space<vmem>>
    %dma_wait3A_267 = arith.constant 0 : i32
    %dma_wait3A_268 = tpu.memref_slice %arg6[%dma_wait3A_260, %dma_wait3A_261, %dma_wait3A_267] : memref<2x8x104xi32, #tpu.memory_space<vmem>> -> memref<1x1x104xi32, #tpu.memory_space<vmem>>
    %dma_wait3A_269 = tpu.memref_squeeze %dma_wait3A_268 : memref<1x1x104xi32, #tpu.memory_space<vmem>> -> memref<104xi32, #tpu.memory_space<vmem>>
    %dma_wait3A_270 = arith.constant 0 : i32
    %dma_wait3A_271 = arith.constant 0 : i32
    %dma_wait3A_272 = tpu.memref_slice %arg4[%dma_wait3A_270, %dma_wait3A_271] : memref<1015808x64xf32, #tpu.memory_space<hbm>> -> memref<1015808x64xf32, #tpu.memory_space<hbm>>
    tpu.wait_indirect_dma semaphore(%arg10 : memref<!tpu.dma_semaphore, #tpu.memory_space<semaphore_mem>>) src(%dma_wait3A_272 : memref<1015808x64xf32, #tpu.memory_space<hbm>>) dst(%dma_wait3A_266 : memref<104x64xf32, #tpu.memory_space<vmem>>)
    %dma_wait3A_273 = arith.constant 0 : i32
    %dma_wait3A_274 = arith.constant 4 : i32
    %dma_wait3A_275 = arith.constant 0 : i32
    %dma_wait3A_276 = arith.constant 416 : i32
    %dma_wait3A_277 = arith.constant 0 : i32
    %dma_wait3A_278 = tpu.memref_slice %arg7[%dma_wait3A_275, %dma_wait3A_276, %dma_wait3A_277] : memref<2x832x64xf32, #tpu.memory_space<vmem>> -> memref<1x104x64xf32, #tpu.memory_space<vmem>>
    %dma_wait3A_279 = tpu.memref_squeeze %dma_wait3A_278 : memref<1x104x64xf32, #tpu.memory_space<vmem>> -> memref<104x64xf32, #tpu.memory_space<vmem>>
    %dma_wait3A_280 = arith.constant 0 : i32
    %dma_wait3A_281 = tpu.memref_slice %arg6[%dma_wait3A_273, %dma_wait3A_274, %dma_wait3A_280] : memref<2x8x104xi32, #tpu.memory_space<vmem>> -> memref<1x1x104xi32, #tpu.memory_space<vmem>>
    %dma_wait3A_282 = tpu.memref_squeeze %dma_wait3A_281 : memref<1x1x104xi32, #tpu.memory_space<vmem>> -> memref<104xi32, #tpu.memory_space<vmem>>
    %dma_wait3A_283 = arith.constant 0 : i32
    %dma_wait3A_284 = arith.constant 0 : i32
    %dma_wait3A_285 = tpu.memref_slice %arg4[%dma_wait3A_283, %dma_wait3A_284] : memref<1015808x64xf32, #tpu.memory_space<hbm>> -> memref<1015808x64xf32, #tpu.memory_space<hbm>>
    tpu.wait_indirect_dma semaphore(%arg10 : memref<!tpu.dma_semaphore, #tpu.memory_space<semaphore_mem>>) src(%dma_wait3A_285 : memref<1015808x64xf32, #tpu.memory_space<hbm>>) dst(%dma_wait3A_279 : memref<104x64xf32, #tpu.memory_space<vmem>>)
    %dma_wait3A_286 = arith.constant 0 : i32
    %dma_wait3A_287 = arith.constant 5 : i32
    %dma_wait3A_288 = arith.constant 0 : i32
    %dma_wait3A_289 = arith.constant 520 : i32
    %dma_wait3A_290 = arith.constant 0 : i32
    %dma_wait3A_291 = tpu.memref_slice %arg7[%dma_wait3A_288, %dma_wait3A_289, %dma_wait3A_290] : memref<2x832x64xf32, #tpu.memory_space<vmem>> -> memref<1x104x64xf32, #tpu.memory_space<vmem>>
    %dma_wait3A_292 = tpu.memref_squeeze %dma_wait3A_291 : memref<1x104x64xf32, #tpu.memory_space<vmem>> -> memref<104x64xf32, #tpu.memory_space<vmem>>
    %dma_wait3A_293 = arith.constant 0 : i32
    %dma_wait3A_294 = tpu.memref_slice %arg6[%dma_wait3A_286, %dma_wait3A_287, %dma_wait3A_293] : memref<2x8x104xi32, #tpu.memory_space<vmem>> -> memref<1x1x104xi32, #tpu.memory_space<vmem>>
    %dma_wait3A_295 = tpu.memref_squeeze %dma_wait3A_294 : memref<1x1x104xi32, #tpu.memory_space<vmem>> -> memref<104xi32, #tpu.memory_space<vmem>>
    %dma_wait3A_296 = arith.constant 0 : i32
    %dma_wait3A_297 = arith.constant 0 : i32
    %dma_wait3A_298 = tpu.memref_slice %arg4[%dma_wait3A_296, %dma_wait3A_297] : memref<1015808x64xf32, #tpu.memory_space<hbm>> -> memref<1015808x64xf32, #tpu.memory_space<hbm>>
    tpu.wait_indirect_dma semaphore(%arg10 : memref<!tpu.dma_semaphore, #tpu.memory_space<semaphore_mem>>) src(%dma_wait3A_298 : memref<1015808x64xf32, #tpu.memory_space<hbm>>) dst(%dma_wait3A_292 : memref<104x64xf32, #tpu.memory_space<vmem>>)
    %dma_wait3A_299 = arith.constant 0 : i32
    %dma_wait3A_300 = arith.constant 6 : i32
    %dma_wait3A_301 = arith.constant 0 : i32
    %dma_wait3A_302 = arith.constant 624 : i32
    %dma_wait3A_303 = arith.constant 0 : i32
    %dma_wait3A_304 = tpu.memref_slice %arg7[%dma_wait3A_301, %dma_wait3A_302, %dma_wait3A_303] : memref<2x832x64xf32, #tpu.memory_space<vmem>> -> memref<1x104x64xf32, #tpu.memory_space<vmem>>
    %dma_wait3A_305 = tpu.memref_squeeze %dma_wait3A_304 : memref<1x104x64xf32, #tpu.memory_space<vmem>> -> memref<104x64xf32, #tpu.memory_space<vmem>>
    %dma_wait3A_306 = arith.constant 0 : i32
    %dma_wait3A_307 = tpu.memref_slice %arg6[%dma_wait3A_299, %dma_wait3A_300, %dma_wait3A_306] : memref<2x8x104xi32, #tpu.memory_space<vmem>> -> memref<1x1x104xi32, #tpu.memory_space<vmem>>
    %dma_wait3A_308 = tpu.memref_squeeze %dma_wait3A_307 : memref<1x1x104xi32, #tpu.memory_space<vmem>> -> memref<104xi32, #tpu.memory_space<vmem>>
    %dma_wait3A_309 = arith.constant 0 : i32
    %dma_wait3A_310 = arith.constant 0 : i32
    %dma_wait3A_311 = tpu.memref_slice %arg4[%dma_wait3A_309, %dma_wait3A_310] : memref<1015808x64xf32, #tpu.memory_space<hbm>> -> memref<1015808x64xf32, #tpu.memory_space<hbm>>
    tpu.wait_indirect_dma semaphore(%arg10 : memref<!tpu.dma_semaphore, #tpu.memory_space<semaphore_mem>>) src(%dma_wait3A_311 : memref<1015808x64xf32, #tpu.memory_space<hbm>>) dst(%dma_wait3A_305 : memref<104x64xf32, #tpu.memory_space<vmem>>)
    %dma_wait3A_312 = arith.constant 0 : i32
    %dma_wait3A_313 = arith.constant 7 : i32
    %dma_wait3A_314 = arith.constant 0 : i32
    %dma_wait3A_315 = arith.constant 728 : i32
    %dma_wait3A_316 = arith.constant 0 : i32
    %dma_wait3A_317 = tpu.memref_slice %arg7[%dma_wait3A_314, %dma_wait3A_315, %dma_wait3A_316] : memref<2x832x64xf32, #tpu.memory_space<vmem>> -> memref<1x104x64xf32, #tpu.memory_space<vmem>>
    %dma_wait3A_318 = tpu.memref_squeeze %dma_wait3A_317 : memref<1x104x64xf32, #tpu.memory_space<vmem>> -> memref<104x64xf32, #tpu.memory_space<vmem>>
    %dma_wait3A_319 = arith.constant 0 : i32
    %dma_wait3A_320 = tpu.memref_slice %arg6[%dma_wait3A_312, %dma_wait3A_313, %dma_wait3A_319] : memref<2x8x104xi32, #tpu.memory_space<vmem>> -> memref<1x1x104xi32, #tpu.memory_space<vmem>>
    %dma_wait3A_321 = tpu.memref_squeeze %dma_wait3A_320 : memref<1x1x104xi32, #tpu.memory_space<vmem>> -> memref<104xi32, #tpu.memory_space<vmem>>
    %dma_wait3A_322 = arith.constant 0 : i32
    %dma_wait3A_323 = arith.constant 0 : i32
    %dma_wait3A_324 = tpu.memref_slice %arg4[%dma_wait3A_322, %dma_wait3A_323] : memref<1015808x64xf32, #tpu.memory_space<hbm>> -> memref<1015808x64xf32, #tpu.memory_space<hbm>>
    tpu.wait_indirect_dma semaphore(%arg10 : memref<!tpu.dma_semaphore, #tpu.memory_space<semaphore_mem>>) src(%dma_wait3A_324 : memref<1015808x64xf32, #tpu.memory_space<hbm>>) dst(%dma_wait3A_318 : memref<104x64xf32, #tpu.memory_space<vmem>>)
    %add3A_325 = arith.constant 1536 : i32
    %add3A_326 = arith.addi %mul3A_2, %add3A_325 : i32
    "tpu.region"() ({
      %run_scoped3A_445 = tpu.sem_alloc : memref<!tpu.dma_semaphore, #tpu.memory_space<semaphore_mem>>
      %dma_start3A_446 = arith.constant 0 : i32
      %dma_start3A_447 = tpu.memref_slice %arg3[%add3A_326, %dma_start3A_446] : memref<51200x16xf32, #tpu.memory_space<hbm>> -> memref<32x16xf32, #tpu.memory_space<hbm>>
      %dma_start3A_448 = arith.constant 0 : i32
      %dma_start3A_449 = tpu.memref_slice %arg3[%add3A_326, %dma_start3A_448] : memref<51200x16xf32, #tpu.memory_space<hbm>> -> memref<32x16xf32, #tpu.memory_space<hbm>>
      tpu.enqueue_dma source(%dma_start3A_449 : memref<32x16xf32, #tpu.memory_space<hbm>>) target(%arg8 : memref<32x16xf32, #tpu.memory_space<vmem>>) target_semaphore(%run_scoped3A_445 : memref<!tpu.dma_semaphore, #tpu.memory_space<semaphore_mem>>)
      %dma_wait3A_450 = arith.constant 0 : i32
      %dma_wait3A_451 = tpu.memref_slice %arg3[%add3A_326, %dma_wait3A_450] : memref<51200x16xf32, #tpu.memory_space<hbm>> -> memref<32x16xf32, #tpu.memory_space<hbm>>
      %dma_wait3A_452 = arith.constant 0 : i32
      %dma_wait3A_453 = tpu.memref_slice %arg3[%add3A_326, %dma_wait3A_452] : memref<51200x16xf32, #tpu.memory_space<hbm>> -> memref<32x16xf32, #tpu.memory_space<hbm>>
      tpu.wait_dma2 semaphore(%run_scoped3A_445 : memref<!tpu.dma_semaphore, #tpu.memory_space<semaphore_mem>>) src(%dma_wait3A_453 : memref<32x16xf32, #tpu.memory_space<hbm>>) dst(%arg8 : memref<32x16xf32, #tpu.memory_space<vmem>>)
      tpu.yield
    }) : () -> ()
    %scan3A_327 = arith.constant 0 : i32
    %scan3A_328 = arith.constant 0 : i32
    %scan3A_329 = arith.constant 32 : i32
    %scan3A_330 = arith.addi %scan3A_328, %scan3A_329 : i32
    %scan3A_331 = arith.constant 1 : i32
    scf.for %scan3A_445 = %scan3A_328 to %scan3A_330 step %scan3A_331  : i32 {
      %mul3A_446 = arith.constant 26 : i32
      %mul3A_447 = arith.muli %scan3A_445, %mul3A_446 : i32
      %get3A = arith.constant 0 : i32
      %get3A_448 = arith.index_cast %get3A : i32 to index
      %get3A_449 = arith.index_cast %mul3A_447 : i32 to index
      %get3A_450 = arith.constant 0 : index
      %get3A_451 = tpu.vector_load %arg7[%get3A_448, %get3A_449, %get3A_450] {strides = array<i32>} : memref<2x832x64xf32, #tpu.memory_space<vmem>>, vector<1x1x16xf32>,
      %get3A_452 = vector.shape_cast %get3A_451 : vector<1x1x16xf32> to vector<16xf32>
      %get3A_453 = arith.constant 0 : i32
      %get3A_454 = arith.index_cast %get3A_453 : i32 to index
      %get3A_455 = arith.index_cast %mul3A_447 : i32 to index
      %get3A_456 = arith.constant 16 : index
      %get3A_457 = tpu.vector_load %arg7[%get3A_454, %get3A_455, %get3A_456] {strides = array<i32>} : memref<2x832x64xf32, #tpu.memory_space<vmem>>, vector<1x1x16xf32>,
      %get3A_458 = vector.shape_cast %get3A_457 : vector<1x1x16xf32> to vector<16xf32>
      %get3A_459 = arith.constant 0 : i32
      %get3A_460 = arith.index_cast %get3A_459 : i32 to index
      %get3A_461 = arith.index_cast %mul3A_447 : i32 to index
      %get3A_462 = arith.constant 32 : index
      %get3A_463 = tpu.vector_load %arg7[%get3A_460, %get3A_461, %get3A_462] {strides = array<i32>} : memref<2x832x64xf32, #tpu.memory_space<vmem>>, vector<1x1x16xf32>,
      %get3A_464 = vector.shape_cast %get3A_463 : vector<1x1x16xf32> to vector<16xf32>
      %get3A_465 = arith.constant 0 : i32
      %get3A_466 = arith.index_cast %get3A_465 : i32 to index
      %get3A_467 = arith.index_cast %mul3A_447 : i32 to index
      %get3A_468 = arith.constant 48 : index
      %get3A_469 = tpu.vector_load %arg7[%get3A_466, %get3A_467, %get3A_468] {strides = array<i32>} : memref<2x832x64xf32, #tpu.memory_space<vmem>>, vector<1x1x16xf32>,
      %get3A_470 = vector.shape_cast %get3A_469 : vector<1x1x16xf32> to vector<16xf32>
      %add3A_471 = arith.constant 1 : i32
      %add3A_472 = arith.addi %mul3A_447, %add3A_471 : i32
      %get3A_473 = arith.constant 0 : i32
      %get3A_474 = arith.index_cast %get3A_473 : i32 to index
      %get3A_475 = arith.index_cast %add3A_472 : i32 to index
      %get3A_476 = arith.constant 0 : index
      %get3A_477 = tpu.vector_load %arg7[%get3A_474, %get3A_475, %get3A_476] {strides = array<i32>} : memref<2x832x64xf32, #tpu.memory_space<vmem>>, vector<1x1x16xf32>,
      %get3A_478 = vector.shape_cast %get3A_477 : vector<1x1x16xf32> to vector<16xf32>
      %add3A_479 = arith.addf %get3A_452, %get3A_478 : vector<16xf32>
      %add3A_480 = arith.constant 1 : i32
      %add3A_481 = arith.addi %mul3A_447, %add3A_480 : i32
      %get3A_482 = arith.constant 0 : i32
      %get3A_483 = arith.index_cast %get3A_482 : i32 to index
      %get3A_484 = arith.index_cast %add3A_481 : i32 to index
      %get3A_485 = arith.constant 16 : index
      %get3A_486 = tpu.vector_load %arg7[%get3A_483, %get3A_484, %get3A_485] {strides = array<i32>} : memref<2x832x64xf32, #tpu.memory_space<vmem>>, vector<1x1x16xf32>,
      %get3A_487 = vector.shape_cast %get3A_486 : vector<1x1x16xf32> to vector<16xf32>
      %add3A_488 = arith.addf %get3A_458, %get3A_487 : vector<16xf32>
      %add3A_489 = arith.constant 1 : i32
      %add3A_490 = arith.addi %mul3A_447, %add3A_489 : i32
      %get3A_491 = arith.constant 0 : i32
      %get3A_492 = arith.index_cast %get3A_491 : i32 to index
      %get3A_493 = arith.index_cast %add3A_490 : i32 to index
      %get3A_494 = arith.constant 32 : index
      %get3A_495 = tpu.vector_load %arg7[%get3A_492, %get3A_493, %get3A_494] {strides = array<i32>} : memref<2x832x64xf32, #tpu.memory_space<vmem>>, vector<1x1x16xf32>,
      %get3A_496 = vector.shape_cast %get3A_495 : vector<1x1x16xf32> to vector<16xf32>
      %add3A_497 = arith.addf %get3A_464, %get3A_496 : vector<16xf32>
      %add3A_498 = arith.constant 1 : i32
      %add3A_499 = arith.addi %mul3A_447, %add3A_498 : i32
      %get3A_500 = arith.constant 0 : i32
      %get3A_501 = arith.index_cast %get3A_500 : i32 to index
      %get3A_502 = arith.index_cast %add3A_499 : i32 to index
      %get3A_503 = arith.constant 48 : index
      %get3A_504 = tpu.vector_load %arg7[%get3A_501, %get3A_502, %get3A_503] {strides = array<i32>} : memref<2x832x64xf32, #tpu.memory_space<vmem>>, vector<1x1x16xf32>,
      %get3A_505 = vector.shape_cast %get3A_504 : vector<1x1x16xf32> to vector<16xf32>
      %add3A_506 = arith.addf %get3A_470, %get3A_505 : vector<16xf32>
      %add3A_507 = arith.constant 2 : i32
      %add3A_508 = arith.addi %mul3A_447, %add3A_507 : i32
      %get3A_509 = arith.constant 0 : i32
      %get3A_510 = arith.index_cast %get3A_509 : i32 to index
      %get3A_511 = arith.index_cast %add3A_508 : i32 to index
      %get3A_512 = arith.constant 0 : index
      %get3A_513 = tpu.vector_load %arg7[%get3A_510, %get3A_511, %get3A_512] {strides = array<i32>} : memref<2x832x64xf32, #tpu.memory_space<vmem>>, vector<1x1x16xf32>,
      %get3A_514 = vector.shape_cast %get3A_513 : vector<1x1x16xf32> to vector<16xf32>
      %add3A_515 = arith.addf %add3A_479, %get3A_514 : vector<16xf32>
      %add3A_516 = arith.constant 2 : i32
      %add3A_517 = arith.addi %mul3A_447, %add3A_516 : i32
      %get3A_518 = arith.constant 0 : i32
      %get3A_519 = arith.index_cast %get3A_518 : i32 to index
      %get3A_520 = arith.index_cast %add3A_517 : i32 to index
      %get3A_521 = arith.constant 16 : index
      %get3A_522 = tpu.vector_load %arg7[%get3A_519, %get3A_520, %get3A_521] {strides = array<i32>} : memref<2x832x64xf32, #tpu.memory_space<vmem>>, vector<1x1x16xf32>,
      %get3A_523 = vector.shape_cast %get3A_522 : vector<1x1x16xf32> to vector<16xf32>
      %add3A_524 = arith.addf %add3A_488, %get3A_523 : vector<16xf32>
      %add3A_525 = arith.constant 2 : i32
      %add3A_526 = arith.addi %mul3A_447, %add3A_525 : i32
      %get3A_527 = arith.constant 0 : i32
      %get3A_528 = arith.index_cast %get3A_527 : i32 to index
      %get3A_529 = arith.index_cast %add3A_526 : i32 to index
      %get3A_530 = arith.constant 32 : index
      %get3A_531 = tpu.vector_load %arg7[%get3A_528, %get3A_529, %get3A_530] {strides = array<i32>} : memref<2x832x64xf32, #tpu.memory_space<vmem>>, vector<1x1x16xf32>,
      %get3A_532 = vector.shape_cast %get3A_531 : vector<1x1x16xf32> to vector<16xf32>
      %add3A_533 = arith.addf %add3A_497, %get3A_532 : vector<16xf32>
      %add3A_534 = arith.constant 2 : i32
      %add3A_535 = arith.addi %mul3A_447, %add3A_534 : i32
      %get3A_536 = arith.constant 0 : i32
      %get3A_537 = arith.index_cast %get3A_536 : i32 to index
      %get3A_538 = arith.index_cast %add3A_535 : i32 to index
      %get3A_539 = arith.constant 48 : index
      %get3A_540 = tpu.vector_load %arg7[%get3A_537, %get3A_538, %get3A_539] {strides = array<i32>} : memref<2x832x64xf32, #tpu.memory_space<vmem>>, vector<1x1x16xf32>,
      %get3A_541 = vector.shape_cast %get3A_540 : vector<1x1x16xf32> to vector<16xf32>
      %add3A_542 = arith.addf %add3A_506, %get3A_541 : vector<16xf32>
      %add3A_543 = arith.constant 3 : i32
      %add3A_544 = arith.addi %mul3A_447, %add3A_543 : i32
      %get3A_545 = arith.constant 0 : i32
      %get3A_546 = arith.index_cast %get3A_545 : i32 to index
      %get3A_547 = arith.index_cast %add3A_544 : i32 to index
      %get3A_548 = arith.constant 0 : index
      %get3A_549 = tpu.vector_load %arg7[%get3A_546, %get3A_547, %get3A_548] {strides = array<i32>} : memref<2x832x64xf32, #tpu.memory_space<vmem>>, vector<1x1x16xf32>,
      %get3A_550 = vector.shape_cast %get3A_549 : vector<1x1x16xf32> to vector<16xf32>
      %add3A_551 = arith.addf %add3A_515, %get3A_550 : vector<16xf32>
      %add3A_552 = arith.constant 3 : i32
      %add3A_553 = arith.addi %mul3A_447, %add3A_552 : i32
      %get3A_554 = arith.constant 0 : i32
      %get3A_555 = arith.index_cast %get3A_554 : i32 to index
      %get3A_556 = arith.index_cast %add3A_553 : i32 to index
      %get3A_557 = arith.constant 16 : index
      %get3A_558 = tpu.vector_load %arg7[%get3A_555, %get3A_556, %get3A_557] {strides = array<i32>} : memref<2x832x64xf32, #tpu.memory_space<vmem>>, vector<1x1x16xf32>,
      %get3A_559 = vector.shape_cast %get3A_558 : vector<1x1x16xf32> to vector<16xf32>
      %add3A_560 = arith.addf %add3A_524, %get3A_559 : vector<16xf32>
      %add3A_561 = arith.constant 3 : i32
      %add3A_562 = arith.addi %mul3A_447, %add3A_561 : i32
      %get3A_563 = arith.constant 0 : i32
      %get3A_564 = arith.index_cast %get3A_563 : i32 to index
      %get3A_565 = arith.index_cast %add3A_562 : i32 to index
      %get3A_566 = arith.constant 32 : index
      %get3A_567 = tpu.vector_load %arg7[%get3A_564, %get3A_565, %get3A_566] {strides = array<i32>} : memref<2x832x64xf32, #tpu.memory_space<vmem>>, vector<1x1x16xf32>,
      %get3A_568 = vector.shape_cast %get3A_567 : vector<1x1x16xf32> to vector<16xf32>
      %add3A_569 = arith.addf %add3A_533, %get3A_568 : vector<16xf32>
      %add3A_570 = arith.constant 3 : i32
      %add3A_571 = arith.addi %mul3A_447, %add3A_570 : i32
      %get3A_572 = arith.constant 0 : i32
      %get3A_573 = arith.index_cast %get3A_572 : i32 to index
      %get3A_574 = arith.index_cast %add3A_571 : i32 to index
      %get3A_575 = arith.constant 48 : index
      %get3A_576 = tpu.vector_load %arg7[%get3A_573, %get3A_574, %get3A_575] {strides = array<i32>} : memref<2x832x64xf32, #tpu.memory_space<vmem>>, vector<1x1x16xf32>,
      %get3A_577 = vector.shape_cast %get3A_576 : vector<1x1x16xf32> to vector<16xf32>
      %add3A_578 = arith.addf %add3A_542, %get3A_577 : vector<16xf32>
      %add3A_579 = arith.constant 4 : i32
      %add3A_580 = arith.addi %mul3A_447, %add3A_579 : i32
      %get3A_581 = arith.constant 0 : i32
      %get3A_582 = arith.index_cast %get3A_581 : i32 to index
      %get3A_583 = arith.index_cast %add3A_580 : i32 to index
      %get3A_584 = arith.constant 0 : index
      %get3A_585 = tpu.vector_load %arg7[%get3A_582, %get3A_583, %get3A_584] {strides = array<i32>} : memref<2x832x64xf32, #tpu.memory_space<vmem>>, vector<1x1x16xf32>,
      %get3A_586 = vector.shape_cast %get3A_585 : vector<1x1x16xf32> to vector<16xf32>
      %add3A_587 = arith.addf %add3A_551, %get3A_586 : vector<16xf32>
      %add3A_588 = arith.constant 4 : i32
      %add3A_589 = arith.addi %mul3A_447, %add3A_588 : i32
      %get3A_590 = arith.constant 0 : i32
      %get3A_591 = arith.index_cast %get3A_590 : i32 to index
      %get3A_592 = arith.index_cast %add3A_589 : i32 to index
      %get3A_593 = arith.constant 16 : index
      %get3A_594 = tpu.vector_load %arg7[%get3A_591, %get3A_592, %get3A_593] {strides = array<i32>} : memref<2x832x64xf32, #tpu.memory_space<vmem>>, vector<1x1x16xf32>,
      %get3A_595 = vector.shape_cast %get3A_594 : vector<1x1x16xf32> to vector<16xf32>
      %add3A_596 = arith.addf %add3A_560, %get3A_595 : vector<16xf32>
      %add3A_597 = arith.constant 4 : i32
      %add3A_598 = arith.addi %mul3A_447, %add3A_597 : i32
      %get3A_599 = arith.constant 0 : i32
      %get3A_600 = arith.index_cast %get3A_599 : i32 to index
      %get3A_601 = arith.index_cast %add3A_598 : i32 to index
      %get3A_602 = arith.constant 32 : index
      %get3A_603 = tpu.vector_load %arg7[%get3A_600, %get3A_601, %get3A_602] {strides = array<i32>} : memref<2x832x64xf32, #tpu.memory_space<vmem>>, vector<1x1x16xf32>,
      %get3A_604 = vector.shape_cast %get3A_603 : vector<1x1x16xf32> to vector<16xf32>
      %add3A_605 = arith.addf %add3A_569, %get3A_604 : vector<16xf32>
      %add3A_606 = arith.constant 4 : i32
      %add3A_607 = arith.addi %mul3A_447, %add3A_606 : i32
      %get3A_608 = arith.constant 0 : i32
      %get3A_609 = arith.index_cast %get3A_608 : i32 to index
      %get3A_610 = arith.index_cast %add3A_607 : i32 to index
      %get3A_611 = arith.constant 48 : index
      %get3A_612 = tpu.vector_load %arg7[%get3A_609, %get3A_610, %get3A_611] {strides = array<i32>} : memref<2x832x64xf32, #tpu.memory_space<vmem>>, vector<1x1x16xf32>,
      %get3A_613 = vector.shape_cast %get3A_612 : vector<1x1x16xf32> to vector<16xf32>
      %add3A_614 = arith.addf %add3A_578, %get3A_613 : vector<16xf32>
      %add3A_615 = arith.constant 5 : i32
      %add3A_616 = arith.addi %mul3A_447, %add3A_615 : i32
      %get3A_617 = arith.constant 0 : i32
      %get3A_618 = arith.index_cast %get3A_617 : i32 to index
      %get3A_619 = arith.index_cast %add3A_616 : i32 to index
      %get3A_620 = arith.constant 0 : index
      %get3A_621 = tpu.vector_load %arg7[%get3A_618, %get3A_619, %get3A_620] {strides = array<i32>} : memref<2x832x64xf32, #tpu.memory_space<vmem>>, vector<1x1x16xf32>,
      %get3A_622 = vector.shape_cast %get3A_621 : vector<1x1x16xf32> to vector<16xf32>
      %add3A_623 = arith.addf %add3A_587, %get3A_622 : vector<16xf32>
      %add3A_624 = arith.constant 5 : i32
      %add3A_625 = arith.addi %mul3A_447, %add3A_624 : i32
      %get3A_626 = arith.constant 0 : i32
      %get3A_627 = arith.index_cast %get3A_626 : i32 to index
      %get3A_628 = arith.index_cast %add3A_625 : i32 to index
      %get3A_629 = arith.constant 16 : index
      %get3A_630 = tpu.vector_load %arg7[%get3A_627, %get3A_628, %get3A_629] {strides = array<i32>} : memref<2x832x64xf32, #tpu.memory_space<vmem>>, vector<1x1x16xf32>,
      %get3A_631 = vector.shape_cast %get3A_630 : vector<1x1x16xf32> to vector<16xf32>
      %add3A_632 = arith.addf %add3A_596, %get3A_631 : vector<16xf32>
      %add3A_633 = arith.constant 5 : i32
      %add3A_634 = arith.addi %mul3A_447, %add3A_633 : i32
      %get3A_635 = arith.constant 0 : i32
      %get3A_636 = arith.index_cast %get3A_635 : i32 to index
      %get3A_637 = arith.index_cast %add3A_634 : i32 to index
      %get3A_638 = arith.constant 32 : index
      %get3A_639 = tpu.vector_load %arg7[%get3A_636, %get3A_637, %get3A_638] {strides = array<i32>} : memref<2x832x64xf32, #tpu.memory_space<vmem>>, vector<1x1x16xf32>,
      %get3A_640 = vector.shape_cast %get3A_639 : vector<1x1x16xf32> to vector<16xf32>
      %add3A_641 = arith.addf %add3A_605, %get3A_640 : vector<16xf32>
      %add3A_642 = arith.constant 5 : i32
      %add3A_643 = arith.addi %mul3A_447, %add3A_642 : i32
      %get3A_644 = arith.constant 0 : i32
      %get3A_645 = arith.index_cast %get3A_644 : i32 to index
      %get3A_646 = arith.index_cast %add3A_643 : i32 to index
      %get3A_647 = arith.constant 48 : index
      %get3A_648 = tpu.vector_load %arg7[%get3A_645, %get3A_646, %get3A_647] {strides = array<i32>} : memref<2x832x64xf32, #tpu.memory_space<vmem>>, vector<1x1x16xf32>,
      %get3A_649 = vector.shape_cast %get3A_648 : vector<1x1x16xf32> to vector<16xf32>
      %add3A_650 = arith.addf %add3A_614, %get3A_649 : vector<16xf32>
      %add3A_651 = arith.constant 6 : i32
      %add3A_652 = arith.addi %mul3A_447, %add3A_651 : i32
      %get3A_653 = arith.constant 0 : i32
      %get3A_654 = arith.index_cast %get3A_653 : i32 to index
      %get3A_655 = arith.index_cast %add3A_652 : i32 to index
      %get3A_656 = arith.constant 0 : index
      %get3A_657 = tpu.vector_load %arg7[%get3A_654, %get3A_655, %get3A_656] {strides = array<i32>} : memref<2x832x64xf32, #tpu.memory_space<vmem>>, vector<1x1x16xf32>,
      %get3A_658 = vector.shape_cast %get3A_657 : vector<1x1x16xf32> to vector<16xf32>
      %add3A_659 = arith.addf %add3A_623, %get3A_658 : vector<16xf32>
      %add3A_660 = arith.constant 6 : i32
      %add3A_661 = arith.addi %mul3A_447, %add3A_660 : i32
      %get3A_662 = arith.constant 0 : i32
      %get3A_663 = arith.index_cast %get3A_662 : i32 to index
      %get3A_664 = arith.index_cast %add3A_661 : i32 to index
      %get3A_665 = arith.constant 16 : index
      %get3A_666 = tpu.vector_load %arg7[%get3A_663, %get3A_664, %get3A_665] {strides = array<i32>} : memref<2x832x64xf32, #tpu.memory_space<vmem>>, vector<1x1x16xf32>,
      %get3A_667 = vector.shape_cast %get3A_666 : vector<1x1x16xf32> to vector<16xf32>
      %add3A_668 = arith.addf %add3A_632, %get3A_667 : vector<16xf32>
      %add3A_669 = arith.constant 6 : i32
      %add3A_670 = arith.addi %mul3A_447, %add3A_669 : i32
      %get3A_671 = arith.constant 0 : i32
      %get3A_672 = arith.index_cast %get3A_671 : i32 to index
      %get3A_673 = arith.index_cast %add3A_670 : i32 to index
      %get3A_674 = arith.constant 32 : index
      %get3A_675 = tpu.vector_load %arg7[%get3A_672, %get3A_673, %get3A_674] {strides = array<i32>} : memref<2x832x64xf32, #tpu.memory_space<vmem>>, vector<1x1x16xf32>,
      %get3A_676 = vector.shape_cast %get3A_675 : vector<1x1x16xf32> to vector<16xf32>
      %add3A_677 = arith.addf %add3A_641, %get3A_676 : vector<16xf32>
      %add3A_678 = arith.constant 6 : i32
      %add3A_679 = arith.addi %mul3A_447, %add3A_678 : i32
      %get3A_680 = arith.constant 0 : i32
      %get3A_681 = arith.index_cast %get3A_680 : i32 to index
      %get3A_682 = arith.index_cast %add3A_679 : i32 to index
      %get3A_683 = arith.constant 48 : index
      %get3A_684 = tpu.vector_load %arg7[%get3A_681, %get3A_682, %get3A_683] {strides = array<i32>} : memref<2x832x64xf32, #tpu.memory_space<vmem>>, vector<1x1x16xf32>,
      %get3A_685 = vector.shape_cast %get3A_684 : vector<1x1x16xf32> to vector<16xf32>
      %add3A_686 = arith.addf %add3A_650, %get3A_685 : vector<16xf32>
      %add3A_687 = arith.constant 7 : i32
      %add3A_688 = arith.addi %mul3A_447, %add3A_687 : i32
      %get3A_689 = arith.constant 0 : i32
      %get3A_690 = arith.index_cast %get3A_689 : i32 to index
      %get3A_691 = arith.index_cast %add3A_688 : i32 to index
      %get3A_692 = arith.constant 0 : index
      %get3A_693 = tpu.vector_load %arg7[%get3A_690, %get3A_691, %get3A_692] {strides = array<i32>} : memref<2x832x64xf32, #tpu.memory_space<vmem>>, vector<1x1x16xf32>,
      %get3A_694 = vector.shape_cast %get3A_693 : vector<1x1x16xf32> to vector<16xf32>
      %add3A_695 = arith.addf %add3A_659, %get3A_694 : vector<16xf32>
      %add3A_696 = arith.constant 7 : i32
      %add3A_697 = arith.addi %mul3A_447, %add3A_696 : i32
      %get3A_698 = arith.constant 0 : i32
      %get3A_699 = arith.index_cast %get3A_698 : i32 to index
      %get3A_700 = arith.index_cast %add3A_697 : i32 to index
      %get3A_701 = arith.constant 16 : index
      %get3A_702 = tpu.vector_load %arg7[%get3A_699, %get3A_700, %get3A_701] {strides = array<i32>} : memref<2x832x64xf32, #tpu.memory_space<vmem>>, vector<1x1x16xf32>,
      %get3A_703 = vector.shape_cast %get3A_702 : vector<1x1x16xf32> to vector<16xf32>
      %add3A_704 = arith.addf %add3A_668, %get3A_703 : vector<16xf32>
      %add3A_705 = arith.constant 7 : i32
      %add3A_706 = arith.addi %mul3A_447, %add3A_705 : i32
      %get3A_707 = arith.constant 0 : i32
      %get3A_708 = arith.index_cast %get3A_707 : i32 to index
      %get3A_709 = arith.index_cast %add3A_706 : i32 to index
      %get3A_710 = arith.constant 32 : index
      %get3A_711 = tpu.vector_load %arg7[%get3A_708, %get3A_709, %get3A_710] {strides = array<i32>} : memref<2x832x64xf32, #tpu.memory_space<vmem>>, vector<1x1x16xf32>,
      %get3A_712 = vector.shape_cast %get3A_711 : vector<1x1x16xf32> to vector<16xf32>
      %add3A_713 = arith.addf %add3A_677, %get3A_712 : vector<16xf32>
      %add3A_714 = arith.constant 7 : i32
      %add3A_715 = arith.addi %mul3A_447, %add3A_714 : i32
      %get3A_716 = arith.constant 0 : i32
      %get3A_717 = arith.index_cast %get3A_716 : i32 to index
      %get3A_718 = arith.index_cast %add3A_715 : i32 to index
      %get3A_719 = arith.constant 48 : index
      %get3A_720 = tpu.vector_load %arg7[%get3A_717, %get3A_718, %get3A_719] {strides = array<i32>} : memref<2x832x64xf32, #tpu.memory_space<vmem>>, vector<1x1x16xf32>,
      %get3A_721 = vector.shape_cast %get3A_720 : vector<1x1x16xf32> to vector<16xf32>
      %add3A_722 = arith.addf %add3A_686, %get3A_721 : vector<16xf32>
      %add3A_723 = arith.constant 8 : i32
      %add3A_724 = arith.addi %mul3A_447, %add3A_723 : i32
      %get3A_725 = arith.constant 0 : i32
      %get3A_726 = arith.index_cast %get3A_725 : i32 to index
      %get3A_727 = arith.index_cast %add3A_724 : i32 to index
      %get3A_728 = arith.constant 0 : index
      %get3A_729 = tpu.vector_load %arg7[%get3A_726, %get3A_727, %get3A_728] {strides = array<i32>} : memref<2x832x64xf32, #tpu.memory_space<vmem>>, vector<1x1x16xf32>,
      %get3A_730 = vector.shape_cast %get3A_729 : vector<1x1x16xf32> to vector<16xf32>
      %add3A_731 = arith.addf %add3A_695, %get3A_730 : vector<16xf32>
      %add3A_732 = arith.constant 8 : i32
      %add3A_733 = arith.addi %mul3A_447, %add3A_732 : i32
      %get3A_734 = arith.constant 0 : i32
      %get3A_735 = arith.index_cast %get3A_734 : i32 to index
      %get3A_736 = arith.index_cast %add3A_733 : i32 to index
      %get3A_737 = arith.constant 16 : index
      %get3A_738 = tpu.vector_load %arg7[%get3A_735, %get3A_736, %get3A_737] {strides = array<i32>} : memref<2x832x64xf32, #tpu.memory_space<vmem>>, vector<1x1x16xf32>,
      %get3A_739 = vector.shape_cast %get3A_738 : vector<1x1x16xf32> to vector<16xf32>
      %add3A_740 = arith.addf %add3A_704, %get3A_739 : vector<16xf32>
      %add3A_741 = arith.constant 8 : i32
      %add3A_742 = arith.addi %mul3A_447, %add3A_741 : i32
      %get3A_743 = arith.constant 0 : i32
      %get3A_744 = arith.index_cast %get3A_743 : i32 to index
      %get3A_745 = arith.index_cast %add3A_742 : i32 to index
      %get3A_746 = arith.constant 32 : index
      %get3A_747 = tpu.vector_load %arg7[%get3A_744, %get3A_745, %get3A_746] {strides = array<i32>} : memref<2x832x64xf32, #tpu.memory_space<vmem>>, vector<1x1x16xf32>,
      %get3A_748 = vector.shape_cast %get3A_747 : vector<1x1x16xf32> to vector<16xf32>
      %add3A_749 = arith.addf %add3A_713, %get3A_748 : vector<16xf32>
      %add3A_750 = arith.constant 8 : i32
      %add3A_751 = arith.addi %mul3A_447, %add3A_750 : i32
      %get3A_752 = arith.constant 0 : i32
      %get3A_753 = arith.index_cast %get3A_752 : i32 to index
      %get3A_754 = arith.index_cast %add3A_751 : i32 to index
      %get3A_755 = arith.constant 48 : index
      %get3A_756 = tpu.vector_load %arg7[%get3A_753, %get3A_754, %get3A_755] {strides = array<i32>} : memref<2x832x64xf32, #tpu.memory_space<vmem>>, vector<1x1x16xf32>,
      %get3A_757 = vector.shape_cast %get3A_756 : vector<1x1x16xf32> to vector<16xf32>
      %add3A_758 = arith.addf %add3A_722, %get3A_757 : vector<16xf32>
      %add3A_759 = arith.constant 9 : i32
      %add3A_760 = arith.addi %mul3A_447, %add3A_759 : i32
      %get3A_761 = arith.constant 0 : i32
      %get3A_762 = arith.index_cast %get3A_761 : i32 to index
      %get3A_763 = arith.index_cast %add3A_760 : i32 to index
      %get3A_764 = arith.constant 0 : index
      %get3A_765 = tpu.vector_load %arg7[%get3A_762, %get3A_763, %get3A_764] {strides = array<i32>} : memref<2x832x64xf32, #tpu.memory_space<vmem>>, vector<1x1x16xf32>,
      %get3A_766 = vector.shape_cast %get3A_765 : vector<1x1x16xf32> to vector<16xf32>
      %add3A_767 = arith.addf %add3A_731, %get3A_766 : vector<16xf32>
      %add3A_768 = arith.constant 9 : i32
      %add3A_769 = arith.addi %mul3A_447, %add3A_768 : i32
      %get3A_770 = arith.constant 0 : i32
      %get3A_771 = arith.index_cast %get3A_770 : i32 to index
      %get3A_772 = arith.index_cast %add3A_769 : i32 to index
      %get3A_773 = arith.constant 16 : index
      %get3A_774 = tpu.vector_load %arg7[%get3A_771, %get3A_772, %get3A_773] {strides = array<i32>} : memref<2x832x64xf32, #tpu.memory_space<vmem>>, vector<1x1x16xf32>,
      %get3A_775 = vector.shape_cast %get3A_774 : vector<1x1x16xf32> to vector<16xf32>
      %add3A_776 = arith.addf %add3A_740, %get3A_775 : vector<16xf32>
      %add3A_777 = arith.constant 9 : i32
      %add3A_778 = arith.addi %mul3A_447, %add3A_777 : i32
      %get3A_779 = arith.constant 0 : i32
      %get3A_780 = arith.index_cast %get3A_779 : i32 to index
      %get3A_781 = arith.index_cast %add3A_778 : i32 to index
      %get3A_782 = arith.constant 32 : index
      %get3A_783 = tpu.vector_load %arg7[%get3A_780, %get3A_781, %get3A_782] {strides = array<i32>} : memref<2x832x64xf32, #tpu.memory_space<vmem>>, vector<1x1x16xf32>,
      %get3A_784 = vector.shape_cast %get3A_783 : vector<1x1x16xf32> to vector<16xf32>
      %add3A_785 = arith.addf %add3A_749, %get3A_784 : vector<16xf32>
      %add3A_786 = arith.constant 9 : i32
      %add3A_787 = arith.addi %mul3A_447, %add3A_786 : i32
      %get3A_788 = arith.constant 0 : i32
      %get3A_789 = arith.index_cast %get3A_788 : i32 to index
      %get3A_790 = arith.index_cast %add3A_787 : i32 to index
      %get3A_791 = arith.constant 48 : index
      %get3A_792 = tpu.vector_load %arg7[%get3A_789, %get3A_790, %get3A_791] {strides = array<i32>} : memref<2x832x64xf32, #tpu.memory_space<vmem>>, vector<1x1x16xf32>,
      %get3A_793 = vector.shape_cast %get3A_792 : vector<1x1x16xf32> to vector<16xf32>
      %add3A_794 = arith.addf %add3A_758, %get3A_793 : vector<16xf32>
      %add3A_795 = arith.constant 10 : i32
      %add3A_796 = arith.addi %mul3A_447, %add3A_795 : i32
      %get3A_797 = arith.constant 0 : i32
      %get3A_798 = arith.index_cast %get3A_797 : i32 to index
      %get3A_799 = arith.index_cast %add3A_796 : i32 to index
      %get3A_800 = arith.constant 0 : index
      %get3A_801 = tpu.vector_load %arg7[%get3A_798, %get3A_799, %get3A_800] {strides = array<i32>} : memref<2x832x64xf32, #tpu.memory_space<vmem>>, vector<1x1x16xf32>,
      %get3A_802 = vector.shape_cast %get3A_801 : vector<1x1x16xf32> to vector<16xf32>
      %add3A_803 = arith.addf %add3A_767, %get3A_802 : vector<16xf32>
      %add3A_804 = arith.constant 10 : i32
      %add3A_805 = arith.addi %mul3A_447, %add3A_804 : i32
      %get3A_806 = arith.constant 0 : i32
      %get3A_807 = arith.index_cast %get3A_806 : i32 to index
      %get3A_808 = arith.index_cast %add3A_805 : i32 to index
      %get3A_809 = arith.constant 16 : index
      %get3A_810 = tpu.vector_load %arg7[%get3A_807, %get3A_808, %get3A_809] {strides = array<i32>} : memref<2x832x64xf32, #tpu.memory_space<vmem>>, vector<1x1x16xf32>,
      %get3A_811 = vector.shape_cast %get3A_810 : vector<1x1x16xf32> to vector<16xf32>
      %add3A_812 = arith.addf %add3A_776, %get3A_811 : vector<16xf32>
      %add3A_813 = arith.constant 10 : i32
      %add3A_814 = arith.addi %mul3A_447, %add3A_813 : i32
      %get3A_815 = arith.constant 0 : i32
      %get3A_816 = arith.index_cast %get3A_815 : i32 to index
      %get3A_817 = arith.index_cast %add3A_814 : i32 to index
      %get3A_818 = arith.constant 32 : index
      %get3A_819 = tpu.vector_load %arg7[%get3A_816, %get3A_817, %get3A_818] {strides = array<i32>} : memref<2x832x64xf32, #tpu.memory_space<vmem>>, vector<1x1x16xf32>,
      %get3A_820 = vector.shape_cast %get3A_819 : vector<1x1x16xf32> to vector<16xf32>
      %add3A_821 = arith.addf %add3A_785, %get3A_820 : vector<16xf32>
      %add3A_822 = arith.constant 10 : i32
      %add3A_823 = arith.addi %mul3A_447, %add3A_822 : i32
      %get3A_824 = arith.constant 0 : i32
      %get3A_825 = arith.index_cast %get3A_824 : i32 to index
      %get3A_826 = arith.index_cast %add3A_823 : i32 to index
      %get3A_827 = arith.constant 48 : index
      %get3A_828 = tpu.vector_load %arg7[%get3A_825, %get3A_826, %get3A_827] {strides = array<i32>} : memref<2x832x64xf32, #tpu.memory_space<vmem>>, vector<1x1x16xf32>,
      %get3A_829 = vector.shape_cast %get3A_828 : vector<1x1x16xf32> to vector<16xf32>
      %add3A_830 = arith.addf %add3A_794, %get3A_829 : vector<16xf32>
      %add3A_831 = arith.constant 11 : i32
      %add3A_832 = arith.addi %mul3A_447, %add3A_831 : i32
      %get3A_833 = arith.constant 0 : i32
      %get3A_834 = arith.index_cast %get3A_833 : i32 to index
      %get3A_835 = arith.index_cast %add3A_832 : i32 to index
      %get3A_836 = arith.constant 0 : index
      %get3A_837 = tpu.vector_load %arg7[%get3A_834, %get3A_835, %get3A_836] {strides = array<i32>} : memref<2x832x64xf32, #tpu.memory_space<vmem>>, vector<1x1x16xf32>,
      %get3A_838 = vector.shape_cast %get3A_837 : vector<1x1x16xf32> to vector<16xf32>
      %add3A_839 = arith.addf %add3A_803, %get3A_838 : vector<16xf32>
      %add3A_840 = arith.constant 11 : i32
      %add3A_841 = arith.addi %mul3A_447, %add3A_840 : i32
      %get3A_842 = arith.constant 0 : i32
      %get3A_843 = arith.index_cast %get3A_842 : i32 to index
      %get3A_844 = arith.index_cast %add3A_841 : i32 to index
      %get3A_845 = arith.constant 16 : index
      %get3A_846 = tpu.vector_load %arg7[%get3A_843, %get3A_844, %get3A_845] {strides = array<i32>} : memref<2x832x64xf32, #tpu.memory_space<vmem>>, vector<1x1x16xf32>,
      %get3A_847 = vector.shape_cast %get3A_846 : vector<1x1x16xf32> to vector<16xf32>
      %add3A_848 = arith.addf %add3A_812, %get3A_847 : vector<16xf32>
      %add3A_849 = arith.constant 11 : i32
      %add3A_850 = arith.addi %mul3A_447, %add3A_849 : i32
      %get3A_851 = arith.constant 0 : i32
      %get3A_852 = arith.index_cast %get3A_851 : i32 to index
      %get3A_853 = arith.index_cast %add3A_850 : i32 to index
      %get3A_854 = arith.constant 32 : index
      %get3A_855 = tpu.vector_load %arg7[%get3A_852, %get3A_853, %get3A_854] {strides = array<i32>} : memref<2x832x64xf32, #tpu.memory_space<vmem>>, vector<1x1x16xf32>,
      %get3A_856 = vector.shape_cast %get3A_855 : vector<1x1x16xf32> to vector<16xf32>
      %add3A_857 = arith.addf %add3A_821, %get3A_856 : vector<16xf32>
      %add3A_858 = arith.constant 11 : i32
      %add3A_859 = arith.addi %mul3A_447, %add3A_858 : i32
      %get3A_860 = arith.constant 0 : i32
      %get3A_861 = arith.index_cast %get3A_860 : i32 to index
      %get3A_862 = arith.index_cast %add3A_859 : i32 to index
      %get3A_863 = arith.constant 48 : index
      %get3A_864 = tpu.vector_load %arg7[%get3A_861, %get3A_862, %get3A_863] {strides = array<i32>} : memref<2x832x64xf32, #tpu.memory_space<vmem>>, vector<1x1x16xf32>,
      %get3A_865 = vector.shape_cast %get3A_864 : vector<1x1x16xf32> to vector<16xf32>
      %add3A_866 = arith.addf %add3A_830, %get3A_865 : vector<16xf32>
      %add3A_867 = arith.constant 12 : i32
      %add3A_868 = arith.addi %mul3A_447, %add3A_867 : i32
      %get3A_869 = arith.constant 0 : i32
      %get3A_870 = arith.index_cast %get3A_869 : i32 to index
      %get3A_871 = arith.index_cast %add3A_868 : i32 to index
      %get3A_872 = arith.constant 0 : index
      %get3A_873 = tpu.vector_load %arg7[%get3A_870, %get3A_871, %get3A_872] {strides = array<i32>} : memref<2x832x64xf32, #tpu.memory_space<vmem>>, vector<1x1x16xf32>,
      %get3A_874 = vector.shape_cast %get3A_873 : vector<1x1x16xf32> to vector<16xf32>
      %add3A_875 = arith.addf %add3A_839, %get3A_874 : vector<16xf32>
      %add3A_876 = arith.constant 12 : i32
      %add3A_877 = arith.addi %mul3A_447, %add3A_876 : i32
      %get3A_878 = arith.constant 0 : i32
      %get3A_879 = arith.index_cast %get3A_878 : i32 to index
      %get3A_880 = arith.index_cast %add3A_877 : i32 to index
      %get3A_881 = arith.constant 16 : index
      %get3A_882 = tpu.vector_load %arg7[%get3A_879, %get3A_880, %get3A_881] {strides = array<i32>} : memref<2x832x64xf32, #tpu.memory_space<vmem>>, vector<1x1x16xf32>,
      %get3A_883 = vector.shape_cast %get3A_882 : vector<1x1x16xf32> to vector<16xf32>
      %add3A_884 = arith.addf %add3A_848, %get3A_883 : vector<16xf32>
      %add3A_885 = arith.constant 12 : i32
      %add3A_886 = arith.addi %mul3A_447, %add3A_885 : i32
      %get3A_887 = arith.constant 0 : i32
      %get3A_888 = arith.index_cast %get3A_887 : i32 to index
      %get3A_889 = arith.index_cast %add3A_886 : i32 to index
      %get3A_890 = arith.constant 32 : index
      %get3A_891 = tpu.vector_load %arg7[%get3A_888, %get3A_889, %get3A_890] {strides = array<i32>} : memref<2x832x64xf32, #tpu.memory_space<vmem>>, vector<1x1x16xf32>,
      %get3A_892 = vector.shape_cast %get3A_891 : vector<1x1x16xf32> to vector<16xf32>
      %add3A_893 = arith.addf %add3A_857, %get3A_892 : vector<16xf32>
      %add3A_894 = arith.constant 12 : i32
      %add3A_895 = arith.addi %mul3A_447, %add3A_894 : i32
      %get3A_896 = arith.constant 0 : i32
      %get3A_897 = arith.index_cast %get3A_896 : i32 to index
      %get3A_898 = arith.index_cast %add3A_895 : i32 to index
      %get3A_899 = arith.constant 48 : index
      %get3A_900 = tpu.vector_load %arg7[%get3A_897, %get3A_898, %get3A_899] {strides = array<i32>} : memref<2x832x64xf32, #tpu.memory_space<vmem>>, vector<1x1x16xf32>,
      %get3A_901 = vector.shape_cast %get3A_900 : vector<1x1x16xf32> to vector<16xf32>
      %add3A_902 = arith.addf %add3A_866, %get3A_901 : vector<16xf32>
      %add3A_903 = arith.constant 13 : i32
      %add3A_904 = arith.addi %mul3A_447, %add3A_903 : i32
      %get3A_905 = arith.constant 0 : i32
      %get3A_906 = arith.index_cast %get3A_905 : i32 to index
      %get3A_907 = arith.index_cast %add3A_904 : i32 to index
      %get3A_908 = arith.constant 0 : index
      %get3A_909 = tpu.vector_load %arg7[%get3A_906, %get3A_907, %get3A_908] {strides = array<i32>} : memref<2x832x64xf32, #tpu.memory_space<vmem>>, vector<1x1x16xf32>,
      %get3A_910 = vector.shape_cast %get3A_909 : vector<1x1x16xf32> to vector<16xf32>
      %add3A_911 = arith.addf %add3A_875, %get3A_910 : vector<16xf32>
      %add3A_912 = arith.constant 13 : i32
      %add3A_913 = arith.addi %mul3A_447, %add3A_912 : i32
      %get3A_914 = arith.constant 0 : i32
      %get3A_915 = arith.index_cast %get3A_914 : i32 to index
      %get3A_916 = arith.index_cast %add3A_913 : i32 to index
      %get3A_917 = arith.constant 16 : index
      %get3A_918 = tpu.vector_load %arg7[%get3A_915, %get3A_916, %get3A_917] {strides = array<i32>} : memref<2x832x64xf32, #tpu.memory_space<vmem>>, vector<1x1x16xf32>,
      %get3A_919 = vector.shape_cast %get3A_918 : vector<1x1x16xf32> to vector<16xf32>
      %add3A_920 = arith.addf %add3A_884, %get3A_919 : vector<16xf32>
      %add3A_921 = arith.constant 13 : i32
      %add3A_922 = arith.addi %mul3A_447, %add3A_921 : i32
      %get3A_923 = arith.constant 0 : i32
      %get3A_924 = arith.index_cast %get3A_923 : i32 to index
      %get3A_925 = arith.index_cast %add3A_922 : i32 to index
      %get3A_926 = arith.constant 32 : index
      %get3A_927 = tpu.vector_load %arg7[%get3A_924, %get3A_925, %get3A_926] {strides = array<i32>} : memref<2x832x64xf32, #tpu.memory_space<vmem>>, vector<1x1x16xf32>,
      %get3A_928 = vector.shape_cast %get3A_927 : vector<1x1x16xf32> to vector<16xf32>
      %add3A_929 = arith.addf %add3A_893, %get3A_928 : vector<16xf32>
      %add3A_930 = arith.constant 13 : i32
      %add3A_931 = arith.addi %mul3A_447, %add3A_930 : i32
      %get3A_932 = arith.constant 0 : i32
      %get3A_933 = arith.index_cast %get3A_932 : i32 to index
      %get3A_934 = arith.index_cast %add3A_931 : i32 to index
      %get3A_935 = arith.constant 48 : index
      %get3A_936 = tpu.vector_load %arg7[%get3A_933, %get3A_934, %get3A_935] {strides = array<i32>} : memref<2x832x64xf32, #tpu.memory_space<vmem>>, vector<1x1x16xf32>,
      %get3A_937 = vector.shape_cast %get3A_936 : vector<1x1x16xf32> to vector<16xf32>
      %add3A_938 = arith.addf %add3A_902, %get3A_937 : vector<16xf32>
      %add3A_939 = arith.constant 14 : i32
      %add3A_940 = arith.addi %mul3A_447, %add3A_939 : i32
      %get3A_941 = arith.constant 0 : i32
      %get3A_942 = arith.index_cast %get3A_941 : i32 to index
      %get3A_943 = arith.index_cast %add3A_940 : i32 to index
      %get3A_944 = arith.constant 0 : index
      %get3A_945 = tpu.vector_load %arg7[%get3A_942, %get3A_943, %get3A_944] {strides = array<i32>} : memref<2x832x64xf32, #tpu.memory_space<vmem>>, vector<1x1x16xf32>,
      %get3A_946 = vector.shape_cast %get3A_945 : vector<1x1x16xf32> to vector<16xf32>
      %add3A_947 = arith.addf %add3A_911, %get3A_946 : vector<16xf32>
      %add3A_948 = arith.constant 14 : i32
      %add3A_949 = arith.addi %mul3A_447, %add3A_948 : i32
      %get3A_950 = arith.constant 0 : i32
      %get3A_951 = arith.index_cast %get3A_950 : i32 to index
      %get3A_952 = arith.index_cast %add3A_949 : i32 to index
      %get3A_953 = arith.constant 16 : index
      %get3A_954 = tpu.vector_load %arg7[%get3A_951, %get3A_952, %get3A_953] {strides = array<i32>} : memref<2x832x64xf32, #tpu.memory_space<vmem>>, vector<1x1x16xf32>,
      %get3A_955 = vector.shape_cast %get3A_954 : vector<1x1x16xf32> to vector<16xf32>
      %add3A_956 = arith.addf %add3A_920, %get3A_955 : vector<16xf32>
      %add3A_957 = arith.constant 14 : i32
      %add3A_958 = arith.addi %mul3A_447, %add3A_957 : i32
      %get3A_959 = arith.constant 0 : i32
      %get3A_960 = arith.index_cast %get3A_959 : i32 to index
      %get3A_961 = arith.index_cast %add3A_958 : i32 to index
      %get3A_962 = arith.constant 32 : index
      %get3A_963 = tpu.vector_load %arg7[%get3A_960, %get3A_961, %get3A_962] {strides = array<i32>} : memref<2x832x64xf32, #tpu.memory_space<vmem>>, vector<1x1x16xf32>,
      %get3A_964 = vector.shape_cast %get3A_963 : vector<1x1x16xf32> to vector<16xf32>
      %add3A_965 = arith.addf %add3A_929, %get3A_964 : vector<16xf32>
      %add3A_966 = arith.constant 14 : i32
      %add3A_967 = arith.addi %mul3A_447, %add3A_966 : i32
      %get3A_968 = arith.constant 0 : i32
      %get3A_969 = arith.index_cast %get3A_968 : i32 to index
      %get3A_970 = arith.index_cast %add3A_967 : i32 to index
      %get3A_971 = arith.constant 48 : index
      %get3A_972 = tpu.vector_load %arg7[%get3A_969, %get3A_970, %get3A_971] {strides = array<i32>} : memref<2x832x64xf32, #tpu.memory_space<vmem>>, vector<1x1x16xf32>,
      %get3A_973 = vector.shape_cast %get3A_972 : vector<1x1x16xf32> to vector<16xf32>
      %add3A_974 = arith.addf %add3A_938, %get3A_973 : vector<16xf32>
      %add3A_975 = arith.constant 15 : i32
      %add3A_976 = arith.addi %mul3A_447, %add3A_975 : i32
      %get3A_977 = arith.constant 0 : i32
      %get3A_978 = arith.index_cast %get3A_977 : i32 to index
      %get3A_979 = arith.index_cast %add3A_976 : i32 to index
      %get3A_980 = arith.constant 0 : index
      %get3A_981 = tpu.vector_load %arg7[%get3A_978, %get3A_979, %get3A_980] {strides = array<i32>} : memref<2x832x64xf32, #tpu.memory_space<vmem>>, vector<1x1x16xf32>,
      %get3A_982 = vector.shape_cast %get3A_981 : vector<1x1x16xf32> to vector<16xf32>
      %add3A_983 = arith.addf %add3A_947, %get3A_982 : vector<16xf32>
      %add3A_984 = arith.constant 15 : i32
      %add3A_985 = arith.addi %mul3A_447, %add3A_984 : i32
      %get3A_986 = arith.constant 0 : i32
      %get3A_987 = arith.index_cast %get3A_986 : i32 to index
      %get3A_988 = arith.index_cast %add3A_985 : i32 to index
      %get3A_989 = arith.constant 16 : index
      %get3A_990 = tpu.vector_load %arg7[%get3A_987, %get3A_988, %get3A_989] {strides = array<i32>} : memref<2x832x64xf32, #tpu.memory_space<vmem>>, vector<1x1x16xf32>,
      %get3A_991 = vector.shape_cast %get3A_990 : vector<1x1x16xf32> to vector<16xf32>
      %add3A_992 = arith.addf %add3A_956, %get3A_991 : vector<16xf32>
      %add3A_993 = arith.constant 15 : i32
      %add3A_994 = arith.addi %mul3A_447, %add3A_993 : i32
      %get3A_995 = arith.constant 0 : i32
      %get3A_996 = arith.index_cast %get3A_995 : i32 to index
      %get3A_997 = arith.index_cast %add3A_994 : i32 to index
      %get3A_998 = arith.constant 32 : index
      %get3A_999 = tpu.vector_load %arg7[%get3A_996, %get3A_997, %get3A_998] {strides = array<i32>} : memref<2x832x64xf32, #tpu.memory_space<vmem>>, vector<1x1x16xf32>,
      %get3A_1000 = vector.shape_cast %get3A_999 : vector<1x1x16xf32> to vector<16xf32>
      %add3A_1001 = arith.addf %add3A_965, %get3A_1000 : vector<16xf32>
      %add3A_1002 = arith.constant 15 : i32
      %add3A_1003 = arith.addi %mul3A_447, %add3A_1002 : i32
      %get3A_1004 = arith.constant 0 : i32
      %get3A_1005 = arith.index_cast %get3A_1004 : i32 to index
      %get3A_1006 = arith.index_cast %add3A_1003 : i32 to index
      %get3A_1007 = arith.constant 48 : index
      %get3A_1008 = tpu.vector_load %arg7[%get3A_1005, %get3A_1006, %get3A_1007] {strides = array<i32>} : memref<2x832x64xf32, #tpu.memory_space<vmem>>, vector<1x1x16xf32>,
      %get3A_1009 = vector.shape_cast %get3A_1008 : vector<1x1x16xf32> to vector<16xf32>
      %add3A_1010 = arith.addf %add3A_974, %get3A_1009 : vector<16xf32>
      %add3A_1011 = arith.constant 16 : i32
      %add3A_1012 = arith.addi %mul3A_447, %add3A_1011 : i32
      %get3A_1013 = arith.constant 0 : i32
      %get3A_1014 = arith.index_cast %get3A_1013 : i32 to index
      %get3A_1015 = arith.index_cast %add3A_1012 : i32 to index
      %get3A_1016 = arith.constant 0 : index
      %get3A_1017 = tpu.vector_load %arg7[%get3A_1014, %get3A_1015, %get3A_1016] {strides = array<i32>} : memref<2x832x64xf32, #tpu.memory_space<vmem>>, vector<1x1x16xf32>,
      %get3A_1018 = vector.shape_cast %get3A_1017 : vector<1x1x16xf32> to vector<16xf32>
      %add3A_1019 = arith.addf %add3A_983, %get3A_1018 : vector<16xf32>
      %add3A_1020 = arith.constant 16 : i32
      %add3A_1021 = arith.addi %mul3A_447, %add3A_1020 : i32
      %get3A_1022 = arith.constant 0 : i32
      %get3A_1023 = arith.index_cast %get3A_1022 : i32 to index
      %get3A_1024 = arith.index_cast %add3A_1021 : i32 to index
      %get3A_1025 = arith.constant 16 : index
      %get3A_1026 = tpu.vector_load %arg7[%get3A_1023, %get3A_1024, %get3A_1025] {strides = array<i32>} : memref<2x832x64xf32, #tpu.memory_space<vmem>>, vector<1x1x16xf32>,
      %get3A_1027 = vector.shape_cast %get3A_1026 : vector<1x1x16xf32> to vector<16xf32>
      %add3A_1028 = arith.addf %add3A_992, %get3A_1027 : vector<16xf32>
      %add3A_1029 = arith.constant 16 : i32
      %add3A_1030 = arith.addi %mul3A_447, %add3A_1029 : i32
      %get3A_1031 = arith.constant 0 : i32
      %get3A_1032 = arith.index_cast %get3A_1031 : i32 to index
      %get3A_1033 = arith.index_cast %add3A_1030 : i32 to index
      %get3A_1034 = arith.constant 32 : index
      %get3A_1035 = tpu.vector_load %arg7[%get3A_1032, %get3A_1033, %get3A_1034] {strides = array<i32>} : memref<2x832x64xf32, #tpu.memory_space<vmem>>, vector<1x1x16xf32>,
      %get3A_1036 = vector.shape_cast %get3A_1035 : vector<1x1x16xf32> to vector<16xf32>
      %add3A_1037 = arith.addf %add3A_1001, %get3A_1036 : vector<16xf32>
      %add3A_1038 = arith.constant 16 : i32
      %add3A_1039 = arith.addi %mul3A_447, %add3A_1038 : i32
      %get3A_1040 = arith.constant 0 : i32
      %get3A_1041 = arith.index_cast %get3A_1040 : i32 to index
      %get3A_1042 = arith.index_cast %add3A_1039 : i32 to index
      %get3A_1043 = arith.constant 48 : index
      %get3A_1044 = tpu.vector_load %arg7[%get3A_1041, %get3A_1042, %get3A_1043] {strides = array<i32>} : memref<2x832x64xf32, #tpu.memory_space<vmem>>, vector<1x1x16xf32>,
      %get3A_1045 = vector.shape_cast %get3A_1044 : vector<1x1x16xf32> to vector<16xf32>
      %add3A_1046 = arith.addf %add3A_1010, %get3A_1045 : vector<16xf32>
      %add3A_1047 = arith.constant 17 : i32
      %add3A_1048 = arith.addi %mul3A_447, %add3A_1047 : i32
      %get3A_1049 = arith.constant 0 : i32
      %get3A_1050 = arith.index_cast %get3A_1049 : i32 to index
      %get3A_1051 = arith.index_cast %add3A_1048 : i32 to index
      %get3A_1052 = arith.constant 0 : index
      %get3A_1053 = tpu.vector_load %arg7[%get3A_1050, %get3A_1051, %get3A_1052] {strides = array<i32>} : memref<2x832x64xf32, #tpu.memory_space<vmem>>, vector<1x1x16xf32>,
      %get3A_1054 = vector.shape_cast %get3A_1053 : vector<1x1x16xf32> to vector<16xf32>
      %add3A_1055 = arith.addf %add3A_1019, %get3A_1054 : vector<16xf32>
      %add3A_1056 = arith.constant 17 : i32
      %add3A_1057 = arith.addi %mul3A_447, %add3A_1056 : i32
      %get3A_1058 = arith.constant 0 : i32
      %get3A_1059 = arith.index_cast %get3A_1058 : i32 to index
      %get3A_1060 = arith.index_cast %add3A_1057 : i32 to index
      %get3A_1061 = arith.constant 16 : index
      %get3A_1062 = tpu.vector_load %arg7[%get3A_1059, %get3A_1060, %get3A_1061] {strides = array<i32>} : memref<2x832x64xf32, #tpu.memory_space<vmem>>, vector<1x1x16xf32>,
      %get3A_1063 = vector.shape_cast %get3A_1062 : vector<1x1x16xf32> to vector<16xf32>
      %add3A_1064 = arith.addf %add3A_1028, %get3A_1063 : vector<16xf32>
      %add3A_1065 = arith.constant 17 : i32
      %add3A_1066 = arith.addi %mul3A_447, %add3A_1065 : i32
      %get3A_1067 = arith.constant 0 : i32
      %get3A_1068 = arith.index_cast %get3A_1067 : i32 to index
      %get3A_1069 = arith.index_cast %add3A_1066 : i32 to index
      %get3A_1070 = arith.constant 32 : index
      %get3A_1071 = tpu.vector_load %arg7[%get3A_1068, %get3A_1069, %get3A_1070] {strides = array<i32>} : memref<2x832x64xf32, #tpu.memory_space<vmem>>, vector<1x1x16xf32>,
      %get3A_1072 = vector.shape_cast %get3A_1071 : vector<1x1x16xf32> to vector<16xf32>
      %add3A_1073 = arith.addf %add3A_1037, %get3A_1072 : vector<16xf32>
      %add3A_1074 = arith.constant 17 : i32
      %add3A_1075 = arith.addi %mul3A_447, %add3A_1074 : i32
      %get3A_1076 = arith.constant 0 : i32
      %get3A_1077 = arith.index_cast %get3A_1076 : i32 to index
      %get3A_1078 = arith.index_cast %add3A_1075 : i32 to index
      %get3A_1079 = arith.constant 48 : index
      %get3A_1080 = tpu.vector_load %arg7[%get3A_1077, %get3A_1078, %get3A_1079] {strides = array<i32>} : memref<2x832x64xf32, #tpu.memory_space<vmem>>, vector<1x1x16xf32>,
      %get3A_1081 = vector.shape_cast %get3A_1080 : vector<1x1x16xf32> to vector<16xf32>
      %add3A_1082 = arith.addf %add3A_1046, %get3A_1081 : vector<16xf32>
      %add3A_1083 = arith.constant 18 : i32
      %add3A_1084 = arith.addi %mul3A_447, %add3A_1083 : i32
      %get3A_1085 = arith.constant 0 : i32
      %get3A_1086 = arith.index_cast %get3A_1085 : i32 to index
      %get3A_1087 = arith.index_cast %add3A_1084 : i32 to index
      %get3A_1088 = arith.constant 0 : index
      %get3A_1089 = tpu.vector_load %arg7[%get3A_1086, %get3A_1087, %get3A_1088] {strides = array<i32>} : memref<2x832x64xf32, #tpu.memory_space<vmem>>, vector<1x1x16xf32>,
      %get3A_1090 = vector.shape_cast %get3A_1089 : vector<1x1x16xf32> to vector<16xf32>
      %add3A_1091 = arith.addf %add3A_1055, %get3A_1090 : vector<16xf32>
      %add3A_1092 = arith.constant 18 : i32
      %add3A_1093 = arith.addi %mul3A_447, %add3A_1092 : i32
      %get3A_1094 = arith.constant 0 : i32
      %get3A_1095 = arith.index_cast %get3A_1094 : i32 to index
      %get3A_1096 = arith.index_cast %add3A_1093 : i32 to index
      %get3A_1097 = arith.constant 16 : index
      %get3A_1098 = tpu.vector_load %arg7[%get3A_1095, %get3A_1096, %get3A_1097] {strides = array<i32>} : memref<2x832x64xf32, #tpu.memory_space<vmem>>, vector<1x1x16xf32>,
      %get3A_1099 = vector.shape_cast %get3A_1098 : vector<1x1x16xf32> to vector<16xf32>
      %add3A_1100 = arith.addf %add3A_1064, %get3A_1099 : vector<16xf32>
      %add3A_1101 = arith.constant 18 : i32
      %add3A_1102 = arith.addi %mul3A_447, %add3A_1101 : i32
      %get3A_1103 = arith.constant 0 : i32
      %get3A_1104 = arith.index_cast %get3A_1103 : i32 to index
      %get3A_1105 = arith.index_cast %add3A_1102 : i32 to index
      %get3A_1106 = arith.constant 32 : index
      %get3A_1107 = tpu.vector_load %arg7[%get3A_1104, %get3A_1105, %get3A_1106] {strides = array<i32>} : memref<2x832x64xf32, #tpu.memory_space<vmem>>, vector<1x1x16xf32>,
      %get3A_1108 = vector.shape_cast %get3A_1107 : vector<1x1x16xf32> to vector<16xf32>
      %add3A_1109 = arith.addf %add3A_1073, %get3A_1108 : vector<16xf32>
      %add3A_1110 = arith.constant 18 : i32
      %add3A_1111 = arith.addi %mul3A_447, %add3A_1110 : i32
      %get3A_1112 = arith.constant 0 : i32
      %get3A_1113 = arith.index_cast %get3A_1112 : i32 to index
      %get3A_1114 = arith.index_cast %add3A_1111 : i32 to index
      %get3A_1115 = arith.constant 48 : index
      %get3A_1116 = tpu.vector_load %arg7[%get3A_1113, %get3A_1114, %get3A_1115] {strides = array<i32>} : memref<2x832x64xf32, #tpu.memory_space<vmem>>, vector<1x1x16xf32>,
      %get3A_1117 = vector.shape_cast %get3A_1116 : vector<1x1x16xf32> to vector<16xf32>
      %add3A_1118 = arith.addf %add3A_1082, %get3A_1117 : vector<16xf32>
      %add3A_1119 = arith.constant 19 : i32
      %add3A_1120 = arith.addi %mul3A_447, %add3A_1119 : i32
      %get3A_1121 = arith.constant 0 : i32
      %get3A_1122 = arith.index_cast %get3A_1121 : i32 to index
      %get3A_1123 = arith.index_cast %add3A_1120 : i32 to index
      %get3A_1124 = arith.constant 0 : index
      %get3A_1125 = tpu.vector_load %arg7[%get3A_1122, %get3A_1123, %get3A_1124] {strides = array<i32>} : memref<2x832x64xf32, #tpu.memory_space<vmem>>, vector<1x1x16xf32>,
      %get3A_1126 = vector.shape_cast %get3A_1125 : vector<1x1x16xf32> to vector<16xf32>
      %add3A_1127 = arith.addf %add3A_1091, %get3A_1126 : vector<16xf32>
      %add3A_1128 = arith.constant 19 : i32
      %add3A_1129 = arith.addi %mul3A_447, %add3A_1128 : i32
      %get3A_1130 = arith.constant 0 : i32
      %get3A_1131 = arith.index_cast %get3A_1130 : i32 to index
      %get3A_1132 = arith.index_cast %add3A_1129 : i32 to index
      %get3A_1133 = arith.constant 16 : index
      %get3A_1134 = tpu.vector_load %arg7[%get3A_1131, %get3A_1132, %get3A_1133] {strides = array<i32>} : memref<2x832x64xf32, #tpu.memory_space<vmem>>, vector<1x1x16xf32>,
      %get3A_1135 = vector.shape_cast %get3A_1134 : vector<1x1x16xf32> to vector<16xf32>
      %add3A_1136 = arith.addf %add3A_1100, %get3A_1135 : vector<16xf32>
      %add3A_1137 = arith.constant 19 : i32
      %add3A_1138 = arith.addi %mul3A_447, %add3A_1137 : i32
      %get3A_1139 = arith.constant 0 : i32
      %get3A_1140 = arith.index_cast %get3A_1139 : i32 to index
      %get3A_1141 = arith.index_cast %add3A_1138 : i32 to index
      %get3A_1142 = arith.constant 32 : index
      %get3A_1143 = tpu.vector_load %arg7[%get3A_1140, %get3A_1141, %get3A_1142] {strides = array<i32>} : memref<2x832x64xf32, #tpu.memory_space<vmem>>, vector<1x1x16xf32>,
      %get3A_1144 = vector.shape_cast %get3A_1143 : vector<1x1x16xf32> to vector<16xf32>
      %add3A_1145 = arith.addf %add3A_1109, %get3A_1144 : vector<16xf32>
      %add3A_1146 = arith.constant 19 : i32
      %add3A_1147 = arith.addi %mul3A_447, %add3A_1146 : i32
      %get3A_1148 = arith.constant 0 : i32
      %get3A_1149 = arith.index_cast %get3A_1148 : i32 to index
      %get3A_1150 = arith.index_cast %add3A_1147 : i32 to index
      %get3A_1151 = arith.constant 48 : index
      %get3A_1152 = tpu.vector_load %arg7[%get3A_1149, %get3A_1150, %get3A_1151] {strides = array<i32>} : memref<2x832x64xf32, #tpu.memory_space<vmem>>, vector<1x1x16xf32>,
      %get3A_1153 = vector.shape_cast %get3A_1152 : vector<1x1x16xf32> to vector<16xf32>
      %add3A_1154 = arith.addf %add3A_1118, %get3A_1153 : vector<16xf32>
      %add3A_1155 = arith.constant 20 : i32
      %add3A_1156 = arith.addi %mul3A_447, %add3A_1155 : i32
      %get3A_1157 = arith.constant 0 : i32
      %get3A_1158 = arith.index_cast %get3A_1157 : i32 to index
      %get3A_1159 = arith.index_cast %add3A_1156 : i32 to index
      %get3A_1160 = arith.constant 0 : index
      %get3A_1161 = tpu.vector_load %arg7[%get3A_1158, %get3A_1159, %get3A_1160] {strides = array<i32>} : memref<2x832x64xf32, #tpu.memory_space<vmem>>, vector<1x1x16xf32>,
      %get3A_1162 = vector.shape_cast %get3A_1161 : vector<1x1x16xf32> to vector<16xf32>
      %add3A_1163 = arith.addf %add3A_1127, %get3A_1162 : vector<16xf32>
      %add3A_1164 = arith.constant 20 : i32
      %add3A_1165 = arith.addi %mul3A_447, %add3A_1164 : i32
      %get3A_1166 = arith.constant 0 : i32
      %get3A_1167 = arith.index_cast %get3A_1166 : i32 to index
      %get3A_1168 = arith.index_cast %add3A_1165 : i32 to index
      %get3A_1169 = arith.constant 16 : index
      %get3A_1170 = tpu.vector_load %arg7[%get3A_1167, %get3A_1168, %get3A_1169] {strides = array<i32>} : memref<2x832x64xf32, #tpu.memory_space<vmem>>, vector<1x1x16xf32>,
      %get3A_1171 = vector.shape_cast %get3A_1170 : vector<1x1x16xf32> to vector<16xf32>
      %add3A_1172 = arith.addf %add3A_1136, %get3A_1171 : vector<16xf32>
      %add3A_1173 = arith.constant 20 : i32
      %add3A_1174 = arith.addi %mul3A_447, %add3A_1173 : i32
      %get3A_1175 = arith.constant 0 : i32
      %get3A_1176 = arith.index_cast %get3A_1175 : i32 to index
      %get3A_1177 = arith.index_cast %add3A_1174 : i32 to index
      %get3A_1178 = arith.constant 32 : index
      %get3A_1179 = tpu.vector_load %arg7[%get3A_1176, %get3A_1177, %get3A_1178] {strides = array<i32>} : memref<2x832x64xf32, #tpu.memory_space<vmem>>, vector<1x1x16xf32>,
      %get3A_1180 = vector.shape_cast %get3A_1179 : vector<1x1x16xf32> to vector<16xf32>
      %add3A_1181 = arith.addf %add3A_1145, %get3A_1180 : vector<16xf32>
      %add3A_1182 = arith.constant 20 : i32
      %add3A_1183 = arith.addi %mul3A_447, %add3A_1182 : i32
      %get3A_1184 = arith.constant 0 : i32
      %get3A_1185 = arith.index_cast %get3A_1184 : i32 to index
      %get3A_1186 = arith.index_cast %add3A_1183 : i32 to index
      %get3A_1187 = arith.constant 48 : index
      %get3A_1188 = tpu.vector_load %arg7[%get3A_1185, %get3A_1186, %get3A_1187] {strides = array<i32>} : memref<2x832x64xf32, #tpu.memory_space<vmem>>, vector<1x1x16xf32>,
      %get3A_1189 = vector.shape_cast %get3A_1188 : vector<1x1x16xf32> to vector<16xf32>
      %add3A_1190 = arith.addf %add3A_1154, %get3A_1189 : vector<16xf32>
      %add3A_1191 = arith.constant 21 : i32
      %add3A_1192 = arith.addi %mul3A_447, %add3A_1191 : i32
      %get3A_1193 = arith.constant 0 : i32
      %get3A_1194 = arith.index_cast %get3A_1193 : i32 to index
      %get3A_1195 = arith.index_cast %add3A_1192 : i32 to index
      %get3A_1196 = arith.constant 0 : index
      %get3A_1197 = tpu.vector_load %arg7[%get3A_1194, %get3A_1195, %get3A_1196] {strides = array<i32>} : memref<2x832x64xf32, #tpu.memory_space<vmem>>, vector<1x1x16xf32>,
      %get3A_1198 = vector.shape_cast %get3A_1197 : vector<1x1x16xf32> to vector<16xf32>
      %add3A_1199 = arith.addf %add3A_1163, %get3A_1198 : vector<16xf32>
      %add3A_1200 = arith.constant 21 : i32
      %add3A_1201 = arith.addi %mul3A_447, %add3A_1200 : i32
      %get3A_1202 = arith.constant 0 : i32
      %get3A_1203 = arith.index_cast %get3A_1202 : i32 to index
      %get3A_1204 = arith.index_cast %add3A_1201 : i32 to index
      %get3A_1205 = arith.constant 16 : index
      %get3A_1206 = tpu.vector_load %arg7[%get3A_1203, %get3A_1204, %get3A_1205] {strides = array<i32>} : memref<2x832x64xf32, #tpu.memory_space<vmem>>, vector<1x1x16xf32>,
      %get3A_1207 = vector.shape_cast %get3A_1206 : vector<1x1x16xf32> to vector<16xf32>
      %add3A_1208 = arith.addf %add3A_1172, %get3A_1207 : vector<16xf32>
      %add3A_1209 = arith.constant 21 : i32
      %add3A_1210 = arith.addi %mul3A_447, %add3A_1209 : i32
      %get3A_1211 = arith.constant 0 : i32
      %get3A_1212 = arith.index_cast %get3A_1211 : i32 to index
      %get3A_1213 = arith.index_cast %add3A_1210 : i32 to index
      %get3A_1214 = arith.constant 32 : index
      %get3A_1215 = tpu.vector_load %arg7[%get3A_1212, %get3A_1213, %get3A_1214] {strides = array<i32>} : memref<2x832x64xf32, #tpu.memory_space<vmem>>, vector<1x1x16xf32>,
      %get3A_1216 = vector.shape_cast %get3A_1215 : vector<1x1x16xf32> to vector<16xf32>
      %add3A_1217 = arith.addf %add3A_1181, %get3A_1216 : vector<16xf32>
      %add3A_1218 = arith.constant 21 : i32
      %add3A_1219 = arith.addi %mul3A_447, %add3A_1218 : i32
      %get3A_1220 = arith.constant 0 : i32
      %get3A_1221 = arith.index_cast %get3A_1220 : i32 to index
      %get3A_1222 = arith.index_cast %add3A_1219 : i32 to index
      %get3A_1223 = arith.constant 48 : index
      %get3A_1224 = tpu.vector_load %arg7[%get3A_1221, %get3A_1222, %get3A_1223] {strides = array<i32>} : memref<2x832x64xf32, #tpu.memory_space<vmem>>, vector<1x1x16xf32>,
      %get3A_1225 = vector.shape_cast %get3A_1224 : vector<1x1x16xf32> to vector<16xf32>
      %add3A_1226 = arith.addf %add3A_1190, %get3A_1225 : vector<16xf32>
      %add3A_1227 = arith.constant 22 : i32
      %add3A_1228 = arith.addi %mul3A_447, %add3A_1227 : i32
      %get3A_1229 = arith.constant 0 : i32
      %get3A_1230 = arith.index_cast %get3A_1229 : i32 to index
      %get3A_1231 = arith.index_cast %add3A_1228 : i32 to index
      %get3A_1232 = arith.constant 0 : index
      %get3A_1233 = tpu.vector_load %arg7[%get3A_1230, %get3A_1231, %get3A_1232] {strides = array<i32>} : memref<2x832x64xf32, #tpu.memory_space<vmem>>, vector<1x1x16xf32>,
      %get3A_1234 = vector.shape_cast %get3A_1233 : vector<1x1x16xf32> to vector<16xf32>
      %add3A_1235 = arith.addf %add3A_1199, %get3A_1234 : vector<16xf32>
      %add3A_1236 = arith.constant 22 : i32
      %add3A_1237 = arith.addi %mul3A_447, %add3A_1236 : i32
      %get3A_1238 = arith.constant 0 : i32
      %get3A_1239 = arith.index_cast %get3A_1238 : i32 to index
      %get3A_1240 = arith.index_cast %add3A_1237 : i32 to index
      %get3A_1241 = arith.constant 16 : index
      %get3A_1242 = tpu.vector_load %arg7[%get3A_1239, %get3A_1240, %get3A_1241] {strides = array<i32>} : memref<2x832x64xf32, #tpu.memory_space<vmem>>, vector<1x1x16xf32>,
      %get3A_1243 = vector.shape_cast %get3A_1242 : vector<1x1x16xf32> to vector<16xf32>
      %add3A_1244 = arith.addf %add3A_1208, %get3A_1243 : vector<16xf32>
      %add3A_1245 = arith.constant 22 : i32
      %add3A_1246 = arith.addi %mul3A_447, %add3A_1245 : i32
      %get3A_1247 = arith.constant 0 : i32
      %get3A_1248 = arith.index_cast %get3A_1247 : i32 to index
      %get3A_1249 = arith.index_cast %add3A_1246 : i32 to index
      %get3A_1250 = arith.constant 32 : index
      %get3A_1251 = tpu.vector_load %arg7[%get3A_1248, %get3A_1249, %get3A_1250] {strides = array<i32>} : memref<2x832x64xf32, #tpu.memory_space<vmem>>, vector<1x1x16xf32>,
      %get3A_1252 = vector.shape_cast %get3A_1251 : vector<1x1x16xf32> to vector<16xf32>
      %add3A_1253 = arith.addf %add3A_1217, %get3A_1252 : vector<16xf32>
      %add3A_1254 = arith.constant 22 : i32
      %add3A_1255 = arith.addi %mul3A_447, %add3A_1254 : i32
      %get3A_1256 = arith.constant 0 : i32
      %get3A_1257 = arith.index_cast %get3A_1256 : i32 to index
      %get3A_1258 = arith.index_cast %add3A_1255 : i32 to index
      %get3A_1259 = arith.constant 48 : index
      %get3A_1260 = tpu.vector_load %arg7[%get3A_1257, %get3A_1258, %get3A_1259] {strides = array<i32>} : memref<2x832x64xf32, #tpu.memory_space<vmem>>, vector<1x1x16xf32>,
      %get3A_1261 = vector.shape_cast %get3A_1260 : vector<1x1x16xf32> to vector<16xf32>
      %add3A_1262 = arith.addf %add3A_1226, %get3A_1261 : vector<16xf32>
      %add3A_1263 = arith.constant 23 : i32
      %add3A_1264 = arith.addi %mul3A_447, %add3A_1263 : i32
      %get3A_1265 = arith.constant 0 : i32
      %get3A_1266 = arith.index_cast %get3A_1265 : i32 to index
      %get3A_1267 = arith.index_cast %add3A_1264 : i32 to index
      %get3A_1268 = arith.constant 0 : index
      %get3A_1269 = tpu.vector_load %arg7[%get3A_1266, %get3A_1267, %get3A_1268] {strides = array<i32>} : memref<2x832x64xf32, #tpu.memory_space<vmem>>, vector<1x1x16xf32>,
      %get3A_1270 = vector.shape_cast %get3A_1269 : vector<1x1x16xf32> to vector<16xf32>
      %add3A_1271 = arith.addf %add3A_1235, %get3A_1270 : vector<16xf32>
      %add3A_1272 = arith.constant 23 : i32
      %add3A_1273 = arith.addi %mul3A_447, %add3A_1272 : i32
      %get3A_1274 = arith.constant 0 : i32
      %get3A_1275 = arith.index_cast %get3A_1274 : i32 to index
      %get3A_1276 = arith.index_cast %add3A_1273 : i32 to index
      %get3A_1277 = arith.constant 16 : index
      %get3A_1278 = tpu.vector_load %arg7[%get3A_1275, %get3A_1276, %get3A_1277] {strides = array<i32>} : memref<2x832x64xf32, #tpu.memory_space<vmem>>, vector<1x1x16xf32>,
      %get3A_1279 = vector.shape_cast %get3A_1278 : vector<1x1x16xf32> to vector<16xf32>
      %add3A_1280 = arith.addf %add3A_1244, %get3A_1279 : vector<16xf32>
      %add3A_1281 = arith.constant 23 : i32
      %add3A_1282 = arith.addi %mul3A_447, %add3A_1281 : i32
      %get3A_1283 = arith.constant 0 : i32
      %get3A_1284 = arith.index_cast %get3A_1283 : i32 to index
      %get3A_1285 = arith.index_cast %add3A_1282 : i32 to index
      %get3A_1286 = arith.constant 32 : index
      %get3A_1287 = tpu.vector_load %arg7[%get3A_1284, %get3A_1285, %get3A_1286] {strides = array<i32>} : memref<2x832x64xf32, #tpu.memory_space<vmem>>, vector<1x1x16xf32>,
      %get3A_1288 = vector.shape_cast %get3A_1287 : vector<1x1x16xf32> to vector<16xf32>
      %add3A_1289 = arith.addf %add3A_1253, %get3A_1288 : vector<16xf32>
      %add3A_1290 = arith.constant 23 : i32
      %add3A_1291 = arith.addi %mul3A_447, %add3A_1290 : i32
      %get3A_1292 = arith.constant 0 : i32
      %get3A_1293 = arith.index_cast %get3A_1292 : i32 to index
      %get3A_1294 = arith.index_cast %add3A_1291 : i32 to index
      %get3A_1295 = arith.constant 48 : index
      %get3A_1296 = tpu.vector_load %arg7[%get3A_1293, %get3A_1294, %get3A_1295] {strides = array<i32>} : memref<2x832x64xf32, #tpu.memory_space<vmem>>, vector<1x1x16xf32>,
      %get3A_1297 = vector.shape_cast %get3A_1296 : vector<1x1x16xf32> to vector<16xf32>
      %add3A_1298 = arith.addf %add3A_1262, %get3A_1297 : vector<16xf32>
      %add3A_1299 = arith.constant 24 : i32
      %add3A_1300 = arith.addi %mul3A_447, %add3A_1299 : i32
      %get3A_1301 = arith.constant 0 : i32
      %get3A_1302 = arith.index_cast %get3A_1301 : i32 to index
      %get3A_1303 = arith.index_cast %add3A_1300 : i32 to index
      %get3A_1304 = arith.constant 0 : index
      %get3A_1305 = tpu.vector_load %arg7[%get3A_1302, %get3A_1303, %get3A_1304] {strides = array<i32>} : memref<2x832x64xf32, #tpu.memory_space<vmem>>, vector<1x1x16xf32>,
      %get3A_1306 = vector.shape_cast %get3A_1305 : vector<1x1x16xf32> to vector<16xf32>
      %add3A_1307 = arith.addf %add3A_1271, %get3A_1306 : vector<16xf32>
      %add3A_1308 = arith.constant 24 : i32
      %add3A_1309 = arith.addi %mul3A_447, %add3A_1308 : i32
      %get3A_1310 = arith.constant 0 : i32
      %get3A_1311 = arith.index_cast %get3A_1310 : i32 to index
      %get3A_1312 = arith.index_cast %add3A_1309 : i32 to index
      %get3A_1313 = arith.constant 16 : index
      %get3A_1314 = tpu.vector_load %arg7[%get3A_1311, %get3A_1312, %get3A_1313] {strides = array<i32>} : memref<2x832x64xf32, #tpu.memory_space<vmem>>, vector<1x1x16xf32>,
      %get3A_1315 = vector.shape_cast %get3A_1314 : vector<1x1x16xf32> to vector<16xf32>
      %add3A_1316 = arith.addf %add3A_1280, %get3A_1315 : vector<16xf32>
      %add3A_1317 = arith.constant 24 : i32
      %add3A_1318 = arith.addi %mul3A_447, %add3A_1317 : i32
      %get3A_1319 = arith.constant 0 : i32
      %get3A_1320 = arith.index_cast %get3A_1319 : i32 to index
      %get3A_1321 = arith.index_cast %add3A_1318 : i32 to index
      %get3A_1322 = arith.constant 32 : index
      %get3A_1323 = tpu.vector_load %arg7[%get3A_1320, %get3A_1321, %get3A_1322] {strides = array<i32>} : memref<2x832x64xf32, #tpu.memory_space<vmem>>, vector<1x1x16xf32>,
      %get3A_1324 = vector.shape_cast %get3A_1323 : vector<1x1x16xf32> to vector<16xf32>
      %add3A_1325 = arith.addf %add3A_1289, %get3A_1324 : vector<16xf32>
      %add3A_1326 = arith.constant 24 : i32
      %add3A_1327 = arith.addi %mul3A_447, %add3A_1326 : i32
      %get3A_1328 = arith.constant 0 : i32
      %get3A_1329 = arith.index_cast %get3A_1328 : i32 to index
      %get3A_1330 = arith.index_cast %add3A_1327 : i32 to index
      %get3A_1331 = arith.constant 48 : index
      %get3A_1332 = tpu.vector_load %arg7[%get3A_1329, %get3A_1330, %get3A_1331] {strides = array<i32>} : memref<2x832x64xf32, #tpu.memory_space<vmem>>, vector<1x1x16xf32>,
      %get3A_1333 = vector.shape_cast %get3A_1332 : vector<1x1x16xf32> to vector<16xf32>
      %add3A_1334 = arith.addf %add3A_1298, %get3A_1333 : vector<16xf32>
      %add3A_1335 = arith.constant 25 : i32
      %add3A_1336 = arith.addi %mul3A_447, %add3A_1335 : i32
      %get3A_1337 = arith.constant 0 : i32
      %get3A_1338 = arith.index_cast %get3A_1337 : i32 to index
      %get3A_1339 = arith.index_cast %add3A_1336 : i32 to index
      %get3A_1340 = arith.constant 0 : index
      %get3A_1341 = tpu.vector_load %arg7[%get3A_1338, %get3A_1339, %get3A_1340] {strides = array<i32>} : memref<2x832x64xf32, #tpu.memory_space<vmem>>, vector<1x1x16xf32>,
      %get3A_1342 = vector.shape_cast %get3A_1341 : vector<1x1x16xf32> to vector<16xf32>
      %add3A_1343 = arith.addf %add3A_1307, %get3A_1342 : vector<16xf32>
      %add3A_1344 = arith.constant 25 : i32
      %add3A_1345 = arith.addi %mul3A_447, %add3A_1344 : i32
      %get3A_1346 = arith.constant 0 : i32
      %get3A_1347 = arith.index_cast %get3A_1346 : i32 to index
      %get3A_1348 = arith.index_cast %add3A_1345 : i32 to index
      %get3A_1349 = arith.constant 16 : index
      %get3A_1350 = tpu.vector_load %arg7[%get3A_1347, %get3A_1348, %get3A_1349] {strides = array<i32>} : memref<2x832x64xf32, #tpu.memory_space<vmem>>, vector<1x1x16xf32>,
      %get3A_1351 = vector.shape_cast %get3A_1350 : vector<1x1x16xf32> to vector<16xf32>
      %add3A_1352 = arith.addf %add3A_1316, %get3A_1351 : vector<16xf32>
      %add3A_1353 = arith.constant 25 : i32
      %add3A_1354 = arith.addi %mul3A_447, %add3A_1353 : i32
      %get3A_1355 = arith.constant 0 : i32
      %get3A_1356 = arith.index_cast %get3A_1355 : i32 to index
      %get3A_1357 = arith.index_cast %add3A_1354 : i32 to index
      %get3A_1358 = arith.constant 32 : index
      %get3A_1359 = tpu.vector_load %arg7[%get3A_1356, %get3A_1357, %get3A_1358] {strides = array<i32>} : memref<2x832x64xf32, #tpu.memory_space<vmem>>, vector<1x1x16xf32>,
      %get3A_1360 = vector.shape_cast %get3A_1359 : vector<1x1x16xf32> to vector<16xf32>
      %add3A_1361 = arith.addf %add3A_1325, %get3A_1360 : vector<16xf32>
      %add3A_1362 = arith.constant 25 : i32
      %add3A_1363 = arith.addi %mul3A_447, %add3A_1362 : i32
      %get3A_1364 = arith.constant 0 : i32
      %get3A_1365 = arith.index_cast %get3A_1364 : i32 to index
      %get3A_1366 = arith.index_cast %add3A_1363 : i32 to index
      %get3A_1367 = arith.constant 48 : index
      %get3A_1368 = tpu.vector_load %arg7[%get3A_1365, %get3A_1366, %get3A_1367] {strides = array<i32>} : memref<2x832x64xf32, #tpu.memory_space<vmem>>, vector<1x1x16xf32>,
      %get3A_1369 = vector.shape_cast %get3A_1368 : vector<1x1x16xf32> to vector<16xf32>
      %add3A_1370 = arith.addf %add3A_1334, %get3A_1369 : vector<16xf32>
      %swap3A = arith.index_cast %scan3A_445 : i32 to index
      %swap3A_1371 = arith.constant 0 : index
      %swap3A_1372 = tpu.vector_load %arg9[%swap3A, %swap3A_1371] {strides = array<i32>} : memref<32x80xf32, #tpu.memory_space<vmem>>, vector<1x16xf32>,
      %swap3A_1373 = vector.shape_cast %swap3A_1372 : vector<1x16xf32> to vector<16xf32>
      %swap3A_1374 = vector.shape_cast %add3A_1343 : vector<16xf32> to vector<1x16xf32>
      tpu.vector_store %arg9[%swap3A, %swap3A_1371], %swap3A_1374 {strides = array<i32>} : memref<32x80xf32, #tpu.memory_space<vmem>>, vector<1x16xf32>,
      %swap3A_1375 = arith.index_cast %scan3A_445 : i32 to index
      %swap3A_1376 = arith.constant 16 : index
      %swap3A_1377 = tpu.vector_load %arg9[%swap3A_1375, %swap3A_1376] {strides = array<i32>} : memref<32x80xf32, #tpu.memory_space<vmem>>, vector<1x16xf32>,
      %swap3A_1378 = vector.shape_cast %swap3A_1377 : vector<1x16xf32> to vector<16xf32>
      %swap3A_1379 = vector.shape_cast %add3A_1352 : vector<16xf32> to vector<1x16xf32>
      tpu.vector_store %arg9[%swap3A_1375, %swap3A_1376], %swap3A_1379 {strides = array<i32>} : memref<32x80xf32, #tpu.memory_space<vmem>>, vector<1x16xf32>,
      %swap3A_1380 = arith.index_cast %scan3A_445 : i32 to index
      %swap3A_1381 = arith.constant 32 : index
      %swap3A_1382 = tpu.vector_load %arg9[%swap3A_1380, %swap3A_1381] {strides = array<i32>} : memref<32x80xf32, #tpu.memory_space<vmem>>, vector<1x16xf32>,
      %swap3A_1383 = vector.shape_cast %swap3A_1382 : vector<1x16xf32> to vector<16xf32>
      %swap3A_1384 = vector.shape_cast %add3A_1361 : vector<16xf32> to vector<1x16xf32>
      tpu.vector_store %arg9[%swap3A_1380, %swap3A_1381], %swap3A_1384 {strides = array<i32>} : memref<32x80xf32, #tpu.memory_space<vmem>>, vector<1x16xf32>,
      %swap3A_1385 = arith.index_cast %scan3A_445 : i32 to index
      %swap3A_1386 = arith.constant 48 : index
      %swap3A_1387 = tpu.vector_load %arg9[%swap3A_1385, %swap3A_1386] {strides = array<i32>} : memref<32x80xf32, #tpu.memory_space<vmem>>, vector<1x16xf32>,
      %swap3A_1388 = vector.shape_cast %swap3A_1387 : vector<1x16xf32> to vector<16xf32>
      %swap3A_1389 = vector.shape_cast %add3A_1370 : vector<16xf32> to vector<1x16xf32>
      tpu.vector_store %arg9[%swap3A_1385, %swap3A_1386], %swap3A_1389 {strides = array<i32>} : memref<32x80xf32, #tpu.memory_space<vmem>>, vector<1x16xf32>,
      %get3A_1390 = arith.index_cast %scan3A_445 : i32 to index
      %get3A_1391 = arith.constant 0 : index
      %get3A_1392 = tpu.vector_load %arg8[%get3A_1390, %get3A_1391] {strides = array<i32>} : memref<32x16xf32, #tpu.memory_space<vmem>>, vector<1x16xf32>,
      %get3A_1393 = vector.shape_cast %get3A_1392 : vector<1x16xf32> to vector<16xf32>
      %swap3A_1394 = arith.index_cast %scan3A_445 : i32 to index
      %swap3A_1395 = arith.constant 64 : index
      %swap3A_1396 = tpu.vector_load %arg9[%swap3A_1394, %swap3A_1395] {strides = array<i32>} : memref<32x80xf32, #tpu.memory_space<vmem>>, vector<1x16xf32>,
      %swap3A_1397 = vector.shape_cast %swap3A_1396 : vector<1x16xf32> to vector<16xf32>
      %swap3A_1398 = vector.shape_cast %get3A_1393 : vector<16xf32> to vector<1x16xf32>
      tpu.vector_store %arg9[%swap3A_1394, %swap3A_1395], %swap3A_1398 {strides = array<i32>} : memref<32x80xf32, #tpu.memory_space<vmem>>, vector<1x16xf32>,
    }
    %scan3A_332 = arith.constant 32 : i32
    "tpu.region"() ({
      %run_scoped3A_445 = tpu.sem_alloc : memref<!tpu.dma_semaphore, #tpu.memory_space<semaphore_mem>>
      %dma_start3A_446 = arith.constant 0 : i32
      %dma_start3A_447 = tpu.memref_slice %arg5[%add3A_326, %dma_start3A_446] : memref<51200x80xf32, #tpu.memory_space<hbm>> -> memref<32x80xf32, #tpu.memory_space<hbm>>
      %dma_start3A_448 = arith.constant 0 : i32
      %dma_start3A_449 = tpu.memref_slice %arg5[%add3A_326, %dma_start3A_448] : memref<51200x80xf32, #tpu.memory_space<hbm>> -> memref<32x80xf32, #tpu.memory_space<hbm>>
      tpu.enqueue_dma source(%arg9 : memref<32x80xf32, #tpu.memory_space<vmem>>) target(%dma_start3A_449 : memref<32x80xf32, #tpu.memory_space<hbm>>) target_semaphore(%run_scoped3A_445 : memref<!tpu.dma_semaphore, #tpu.memory_space<semaphore_mem>>)
      %dma_wait3A_450 = arith.constant 0 : i32
      %dma_wait3A_451 = tpu.memref_slice %arg5[%add3A_326, %dma_wait3A_450] : memref<51200x80xf32, #tpu.memory_space<hbm>> -> memref<32x80xf32, #tpu.memory_space<hbm>>
      %dma_wait3A_452 = arith.constant 0 : i32
      %dma_wait3A_453 = tpu.memref_slice %arg5[%add3A_326, %dma_wait3A_452] : memref<51200x80xf32, #tpu.memory_space<hbm>> -> memref<32x80xf32, #tpu.memory_space<hbm>>
      tpu.wait_dma2 semaphore(%run_scoped3A_445 : memref<!tpu.dma_semaphore, #tpu.memory_space<semaphore_mem>>) src(%arg9 : memref<32x80xf32, #tpu.memory_space<vmem>>) dst(%dma_wait3A_453 : memref<32x80xf32, #tpu.memory_space<hbm>>)
      tpu.yield
    }) : () -> ()
    %dma_wait3A_333 = arith.constant 1 : i32
    %dma_wait3A_334 = arith.constant 0 : i32
    %dma_wait3A_335 = arith.constant 1 : i32
    %dma_wait3A_336 = arith.constant 0 : i32
    %dma_wait3A_337 = arith.constant 0 : i32
    %dma_wait3A_338 = tpu.memref_slice %arg7[%dma_wait3A_335, %dma_wait3A_336, %dma_wait3A_337] : memref<2x832x64xf32, #tpu.memory_space<vmem>> -> memref<1x104x64xf32, #tpu.memory_space<vmem>>
    %dma_wait3A_339 = tpu.memref_squeeze %dma_wait3A_338 : memref<1x104x64xf32, #tpu.memory_space<vmem>> -> memref<104x64xf32, #tpu.memory_space<vmem>>
    %dma_wait3A_340 = arith.constant 0 : i32
    %dma_wait3A_341 = tpu.memref_slice %arg6[%dma_wait3A_333, %dma_wait3A_334, %dma_wait3A_340] : memref<2x8x104xi32, #tpu.memory_space<vmem>> -> memref<1x1x104xi32, #tpu.memory_space<vmem>>
    %dma_wait3A_342 = tpu.memref_squeeze %dma_wait3A_341 : memref<1x1x104xi32, #tpu.memory_space<vmem>> -> memref<104xi32, #tpu.memory_space<vmem>>
    %dma_wait3A_343 = arith.constant 0 : i32
    %dma_wait3A_344 = arith.constant 0 : i32
    %dma_wait3A_345 = tpu.memref_slice %arg4[%dma_wait3A_343, %dma_wait3A_344] : memref<1015808x64xf32, #tpu.memory_space<hbm>> -> memref<1015808x64xf32, #tpu.memory_space<hbm>>
    tpu.wait_indirect_dma semaphore(%arg11 : memref<!tpu.dma_semaphore, #tpu.memory_space<semaphore_mem>>) src(%dma_wait3A_345 : memref<1015808x64xf32, #tpu.memory_space<hbm>>) dst(%dma_wait3A_339 : memref<104x64xf32, #tpu.memory_space<vmem>>)
    %dma_wait3A_346 = arith.constant 1 : i32
    %dma_wait3A_347 = arith.constant 1 : i32
    %dma_wait3A_348 = arith.constant 1 : i32
    %dma_wait3A_349 = arith.constant 104 : i32
    %dma_wait3A_350 = arith.constant 0 : i32
    %dma_wait3A_351 = tpu.memref_slice %arg7[%dma_wait3A_348, %dma_wait3A_349, %dma_wait3A_350] : memref<2x832x64xf32, #tpu.memory_space<vmem>> -> memref<1x104x64xf32, #tpu.memory_space<vmem>>
    %dma_wait3A_352 = tpu.memref_squeeze %dma_wait3A_351 : memref<1x104x64xf32, #tpu.memory_space<vmem>> -> memref<104x64xf32, #tpu.memory_space<vmem>>
    %dma_wait3A_353 = arith.constant 0 : i32
    %dma_wait3A_354 = tpu.memref_slice %arg6[%dma_wait3A_346, %dma_wait3A_347, %dma_wait3A_353] : memref<2x8x104xi32, #tpu.memory_space<vmem>> -> memref<1x1x104xi32, #tpu.memory_space<vmem>>
    %dma_wait3A_355 = tpu.memref_squeeze %dma_wait3A_354 : memref<1x1x104xi32, #tpu.memory_space<vmem>> -> memref<104xi32, #tpu.memory_space<vmem>>
    %dma_wait3A_356 = arith.constant 0 : i32
    %dma_wait3A_357 = arith.constant 0 : i32
    %dma_wait3A_358 = tpu.memref_slice %arg4[%dma_wait3A_356, %dma_wait3A_357] : memref<1015808x64xf32, #tpu.memory_space<hbm>> -> memref<1015808x64xf32, #tpu.memory_space<hbm>>
    tpu.wait_indirect_dma semaphore(%arg11 : memref<!tpu.dma_semaphore, #tpu.memory_space<semaphore_mem>>) src(%dma_wait3A_358 : memref<1015808x64xf32, #tpu.memory_space<hbm>>) dst(%dma_wait3A_352 : memref<104x64xf32, #tpu.memory_space<vmem>>)
    %dma_wait3A_359 = arith.constant 1 : i32
    %dma_wait3A_360 = arith.constant 2 : i32
    %dma_wait3A_361 = arith.constant 1 : i32
    %dma_wait3A_362 = arith.constant 208 : i32
    %dma_wait3A_363 = arith.constant 0 : i32
    %dma_wait3A_364 = tpu.memref_slice %arg7[%dma_wait3A_361, %dma_wait3A_362, %dma_wait3A_363] : memref<2x832x64xf32, #tpu.memory_space<vmem>> -> memref<1x104x64xf32, #tpu.memory_space<vmem>>
    %dma_wait3A_365 = tpu.memref_squeeze %dma_wait3A_364 : memref<1x104x64xf32, #tpu.memory_space<vmem>> -> memref<104x64xf32, #tpu.memory_space<vmem>>
    %dma_wait3A_366 = arith.constant 0 : i32
    %dma_wait3A_367 = tpu.memref_slice %arg6[%dma_wait3A_359, %dma_wait3A_360, %dma_wait3A_366] : memref<2x8x104xi32, #tpu.memory_space<vmem>> -> memref<1x1x104xi32, #tpu.memory_space<vmem>>
    %dma_wait3A_368 = tpu.memref_squeeze %dma_wait3A_367 : memref<1x1x104xi32, #tpu.memory_space<vmem>> -> memref<104xi32, #tpu.memory_space<vmem>>
    %dma_wait3A_369 = arith.constant 0 : i32
    %dma_wait3A_370 = arith.constant 0 : i32
    %dma_wait3A_371 = tpu.memref_slice %arg4[%dma_wait3A_369, %dma_wait3A_370] : memref<1015808x64xf32, #tpu.memory_space<hbm>> -> memref<1015808x64xf32, #tpu.memory_space<hbm>>
    tpu.wait_indirect_dma semaphore(%arg11 : memref<!tpu.dma_semaphore, #tpu.memory_space<semaphore_mem>>) src(%dma_wait3A_371 : memref<1015808x64xf32, #tpu.memory_space<hbm>>) dst(%dma_wait3A_365 : memref<104x64xf32, #tpu.memory_space<vmem>>)
    %dma_wait3A_372 = arith.constant 1 : i32
    %dma_wait3A_373 = arith.constant 3 : i32
    %dma_wait3A_374 = arith.constant 1 : i32
    %dma_wait3A_375 = arith.constant 312 : i32
    %dma_wait3A_376 = arith.constant 0 : i32
    %dma_wait3A_377 = tpu.memref_slice %arg7[%dma_wait3A_374, %dma_wait3A_375, %dma_wait3A_376] : memref<2x832x64xf32, #tpu.memory_space<vmem>> -> memref<1x104x64xf32, #tpu.memory_space<vmem>>
    %dma_wait3A_378 = tpu.memref_squeeze %dma_wait3A_377 : memref<1x104x64xf32, #tpu.memory_space<vmem>> -> memref<104x64xf32, #tpu.memory_space<vmem>>
    %dma_wait3A_379 = arith.constant 0 : i32
    %dma_wait3A_380 = tpu.memref_slice %arg6[%dma_wait3A_372, %dma_wait3A_373, %dma_wait3A_379] : memref<2x8x104xi32, #tpu.memory_space<vmem>> -> memref<1x1x104xi32, #tpu.memory_space<vmem>>
    %dma_wait3A_381 = tpu.memref_squeeze %dma_wait3A_380 : memref<1x1x104xi32, #tpu.memory_space<vmem>> -> memref<104xi32, #tpu.memory_space<vmem>>
    %dma_wait3A_382 = arith.constant 0 : i32
    %dma_wait3A_383 = arith.constant 0 : i32
    %dma_wait3A_384 = tpu.memref_slice %arg4[%dma_wait3A_382, %dma_wait3A_383] : memref<1015808x64xf32, #tpu.memory_space<hbm>> -> memref<1015808x64xf32, #tpu.memory_space<hbm>>
    tpu.wait_indirect_dma semaphore(%arg11 : memref<!tpu.dma_semaphore, #tpu.memory_space<semaphore_mem>>) src(%dma_wait3A_384 : memref<1015808x64xf32, #tpu.memory_space<hbm>>) dst(%dma_wait3A_378 : memref<104x64xf32, #tpu.memory_space<vmem>>)
    %dma_wait3A_385 = arith.constant 1 : i32
    %dma_wait3A_386 = arith.constant 4 : i32
    %dma_wait3A_387 = arith.constant 1 : i32
    %dma_wait3A_388 = arith.constant 416 : i32
    %dma_wait3A_389 = arith.constant 0 : i32
    %dma_wait3A_390 = tpu.memref_slice %arg7[%dma_wait3A_387, %dma_wait3A_388, %dma_wait3A_389] : memref<2x832x64xf32, #tpu.memory_space<vmem>> -> memref<1x104x64xf32, #tpu.memory_space<vmem>>
    %dma_wait3A_391 = tpu.memref_squeeze %dma_wait3A_390 : memref<1x104x64xf32, #tpu.memory_space<vmem>> -> memref<104x64xf32, #tpu.memory_space<vmem>>
    %dma_wait3A_392 = arith.constant 0 : i32
    %dma_wait3A_393 = tpu.memref_slice %arg6[%dma_wait3A_385, %dma_wait3A_386, %dma_wait3A_392] : memref<2x8x104xi32, #tpu.memory_space<vmem>> -> memref<1x1x104xi32, #tpu.memory_space<vmem>>
    %dma_wait3A_394 = tpu.memref_squeeze %dma_wait3A_393 : memref<1x1x104xi32, #tpu.memory_space<vmem>> -> memref<104xi32, #tpu.memory_space<vmem>>
    %dma_wait3A_395 = arith.constant 0 : i32
    %dma_wait3A_396 = arith.constant 0 : i32
    %dma_wait3A_397 = tpu.memref_slice %arg4[%dma_wait3A_395, %dma_wait3A_396] : memref<1015808x64xf32, #tpu.memory_space<hbm>> -> memref<1015808x64xf32, #tpu.memory_space<hbm>>
    tpu.wait_indirect_dma semaphore(%arg11 : memref<!tpu.dma_semaphore, #tpu.memory_space<semaphore_mem>>) src(%dma_wait3A_397 : memref<1015808x64xf32, #tpu.memory_space<hbm>>) dst(%dma_wait3A_391 : memref<104x64xf32, #tpu.memory_space<vmem>>)
    %dma_wait3A_398 = arith.constant 1 : i32
    %dma_wait3A_399 = arith.constant 5 : i32
    %dma_wait3A_400 = arith.constant 1 : i32
    %dma_wait3A_401 = arith.constant 520 : i32
    %dma_wait3A_402 = arith.constant 0 : i32
    %dma_wait3A_403 = tpu.memref_slice %arg7[%dma_wait3A_400, %dma_wait3A_401, %dma_wait3A_402] : memref<2x832x64xf32, #tpu.memory_space<vmem>> -> memref<1x104x64xf32, #tpu.memory_space<vmem>>
    %dma_wait3A_404 = tpu.memref_squeeze %dma_wait3A_403 : memref<1x104x64xf32, #tpu.memory_space<vmem>> -> memref<104x64xf32, #tpu.memory_space<vmem>>
    %dma_wait3A_405 = arith.constant 0 : i32
    %dma_wait3A_406 = tpu.memref_slice %arg6[%dma_wait3A_398, %dma_wait3A_399, %dma_wait3A_405] : memref<2x8x104xi32, #tpu.memory_space<vmem>> -> memref<1x1x104xi32, #tpu.memory_space<vmem>>
    %dma_wait3A_407 = tpu.memref_squeeze %dma_wait3A_406 : memref<1x1x104xi32, #tpu.memory_space<vmem>> -> memref<104xi32, #tpu.memory_space<vmem>>
    %dma_wait3A_408 = arith.constant 0 : i32
    %dma_wait3A_409 = arith.constant 0 : i32
    %dma_wait3A_410 = tpu.memref_slice %arg4[%dma_wait3A_408, %dma_wait3A_409] : memref<1015808x64xf32, #tpu.memory_space<hbm>> -> memref<1015808x64xf32, #tpu.memory_space<hbm>>
    tpu.wait_indirect_dma semaphore(%arg11 : memref<!tpu.dma_semaphore, #tpu.memory_space<semaphore_mem>>) src(%dma_wait3A_410 : memref<1015808x64xf32, #tpu.memory_space<hbm>>) dst(%dma_wait3A_404 : memref<104x64xf32, #tpu.memory_space<vmem>>)
    %dma_wait3A_411 = arith.constant 1 : i32
    %dma_wait3A_412 = arith.constant 6 : i32
    %dma_wait3A_413 = arith.constant 1 : i32
    %dma_wait3A_414 = arith.constant 624 : i32
    %dma_wait3A_415 = arith.constant 0 : i32
    %dma_wait3A_416 = tpu.memref_slice %arg7[%dma_wait3A_413, %dma_wait3A_414, %dma_wait3A_415] : memref<2x832x64xf32, #tpu.memory_space<vmem>> -> memref<1x104x64xf32, #tpu.memory_space<vmem>>
    %dma_wait3A_417 = tpu.memref_squeeze %dma_wait3A_416 : memref<1x104x64xf32, #tpu.memory_space<vmem>> -> memref<104x64xf32, #tpu.memory_space<vmem>>
    %dma_wait3A_418 = arith.constant 0 : i32
    %dma_wait3A_419 = tpu.memref_slice %arg6[%dma_wait3A_411, %dma_wait3A_412, %dma_wait3A_418] : memref<2x8x104xi32, #tpu.memory_space<vmem>> -> memref<1x1x104xi32, #tpu.memory_space<vmem>>
    %dma_wait3A_420 = tpu.memref_squeeze %dma_wait3A_419 : memref<1x1x104xi32, #tpu.memory_space<vmem>> -> memref<104xi32, #tpu.memory_space<vmem>>
    %dma_wait3A_421 = arith.constant 0 : i32
    %dma_wait3A_422 = arith.constant 0 : i32
    %dma_wait3A_423 = tpu.memref_slice %arg4[%dma_wait3A_421, %dma_wait3A_422] : memref<1015808x64xf32, #tpu.memory_space<hbm>> -> memref<1015808x64xf32, #tpu.memory_space<hbm>>
    tpu.wait_indirect_dma semaphore(%arg11 : memref<!tpu.dma_semaphore, #tpu.memory_space<semaphore_mem>>) src(%dma_wait3A_423 : memref<1015808x64xf32, #tpu.memory_space<hbm>>) dst(%dma_wait3A_417 : memref<104x64xf32, #tpu.memory_space<vmem>>)
    %dma_wait3A_424 = arith.constant 1 : i32
    %dma_wait3A_425 = arith.constant 7 : i32
    %dma_wait3A_426 = arith.constant 1 : i32
    %dma_wait3A_427 = arith.constant 728 : i32
    %dma_wait3A_428 = arith.constant 0 : i32
    %dma_wait3A_429 = tpu.memref_slice %arg7[%dma_wait3A_426, %dma_wait3A_427, %dma_wait3A_428] : memref<2x832x64xf32, #tpu.memory_space<vmem>> -> memref<1x104x64xf32, #tpu.memory_space<vmem>>
    %dma_wait3A_430 = tpu.memref_squeeze %dma_wait3A_429 : memref<1x104x64xf32, #tpu.memory_space<vmem>> -> memref<104x64xf32, #tpu.memory_space<vmem>>
    %dma_wait3A_431 = arith.constant 0 : i32
    %dma_wait3A_432 = tpu.memref_slice %arg6[%dma_wait3A_424, %dma_wait3A_425, %dma_wait3A_431] : memref<2x8x104xi32, #tpu.memory_space<vmem>> -> memref<1x1x104xi32, #tpu.memory_space<vmem>>
    %dma_wait3A_433 = tpu.memref_squeeze %dma_wait3A_432 : memref<1x1x104xi32, #tpu.memory_space<vmem>> -> memref<104xi32, #tpu.memory_space<vmem>>
    %dma_wait3A_434 = arith.constant 0 : i32
    %dma_wait3A_435 = arith.constant 0 : i32
    %dma_wait3A_436 = tpu.memref_slice %arg4[%dma_wait3A_434, %dma_wait3A_435] : memref<1015808x64xf32, #tpu.memory_space<hbm>> -> memref<1015808x64xf32, #tpu.memory_space<hbm>>
    tpu.wait_indirect_dma semaphore(%arg11 : memref<!tpu.dma_semaphore, #tpu.memory_space<semaphore_mem>>) src(%dma_wait3A_436 : memref<1015808x64xf32, #tpu.memory_space<hbm>>) dst(%dma_wait3A_430 : memref<104x64xf32, #tpu.memory_space<vmem>>)
    %add3A_437 = arith.constant 1568 : i32
    %add3A_438 = arith.addi %mul3A_2, %add3A_437 : i32
    "tpu.region"() ({
      %run_scoped3A_445 = tpu.sem_alloc : memref<!tpu.dma_semaphore, #tpu.memory_space<semaphore_mem>>
      %dma_start3A_446 = arith.constant 0 : i32
      %dma_start3A_447 = tpu.memref_slice %arg3[%add3A_438, %dma_start3A_446] : memref<51200x16xf32, #tpu.memory_space<hbm>> -> memref<32x16xf32, #tpu.memory_space<hbm>>
      %dma_start3A_448 = arith.constant 0 : i32
      %dma_start3A_449 = tpu.memref_slice %arg3[%add3A_438, %dma_start3A_448] : memref<51200x16xf32, #tpu.memory_space<hbm>> -> memref<32x16xf32, #tpu.memory_space<hbm>>
      tpu.enqueue_dma source(%dma_start3A_449 : memref<32x16xf32, #tpu.memory_space<hbm>>) target(%arg8 : memref<32x16xf32, #tpu.memory_space<vmem>>) target_semaphore(%run_scoped3A_445 : memref<!tpu.dma_semaphore, #tpu.memory_space<semaphore_mem>>)
      %dma_wait3A_450 = arith.constant 0 : i32
      %dma_wait3A_451 = tpu.memref_slice %arg3[%add3A_438, %dma_wait3A_450] : memref<51200x16xf32, #tpu.memory_space<hbm>> -> memref<32x16xf32, #tpu.memory_space<hbm>>
      %dma_wait3A_452 = arith.constant 0 : i32
      %dma_wait3A_453 = tpu.memref_slice %arg3[%add3A_438, %dma_wait3A_452] : memref<51200x16xf32, #tpu.memory_space<hbm>> -> memref<32x16xf32, #tpu.memory_space<hbm>>
      tpu.wait_dma2 semaphore(%run_scoped3A_445 : memref<!tpu.dma_semaphore, #tpu.memory_space<semaphore_mem>>) src(%dma_wait3A_453 : memref<32x16xf32, #tpu.memory_space<hbm>>) dst(%arg8 : memref<32x16xf32, #tpu.memory_space<vmem>>)
      tpu.yield
    }) : () -> ()
    %scan3A_439 = arith.constant 0 : i32
    %scan3A_440 = arith.constant 0 : i32
    %scan3A_441 = arith.constant 32 : i32
    %scan3A_442 = arith.addi %scan3A_440, %scan3A_441 : i32
    %scan3A_443 = arith.constant 1 : i32
    scf.for %scan3A_445 = %scan3A_440 to %scan3A_442 step %scan3A_443  : i32 {
      %mul3A_446 = arith.constant 26 : i32
      %mul3A_447 = arith.muli %scan3A_445, %mul3A_446 : i32
      %get3A = arith.constant 1 : i32
      %get3A_448 = arith.index_cast %get3A : i32 to index
      %get3A_449 = arith.index_cast %mul3A_447 : i32 to index
      %get3A_450 = arith.constant 0 : index
      %get3A_451 = tpu.vector_load %arg7[%get3A_448, %get3A_449, %get3A_450] {strides = array<i32>} : memref<2x832x64xf32, #tpu.memory_space<vmem>>, vector<1x1x16xf32>,
      %get3A_452 = vector.shape_cast %get3A_451 : vector<1x1x16xf32> to vector<16xf32>
      %get3A_453 = arith.constant 1 : i32
      %get3A_454 = arith.index_cast %get3A_453 : i32 to index
      %get3A_455 = arith.index_cast %mul3A_447 : i32 to index
      %get3A_456 = arith.constant 16 : index
      %get3A_457 = tpu.vector_load %arg7[%get3A_454, %get3A_455, %get3A_456] {strides = array<i32>} : memref<2x832x64xf32, #tpu.memory_space<vmem>>, vector<1x1x16xf32>,
      %get3A_458 = vector.shape_cast %get3A_457 : vector<1x1x16xf32> to vector<16xf32>
      %get3A_459 = arith.constant 1 : i32
      %get3A_460 = arith.index_cast %get3A_459 : i32 to index
      %get3A_461 = arith.index_cast %mul3A_447 : i32 to index
      %get3A_462 = arith.constant 32 : index
      %get3A_463 = tpu.vector_load %arg7[%get3A_460, %get3A_461, %get3A_462] {strides = array<i32>} : memref<2x832x64xf32, #tpu.memory_space<vmem>>, vector<1x1x16xf32>,
      %get3A_464 = vector.shape_cast %get3A_463 : vector<1x1x16xf32> to vector<16xf32>
      %get3A_465 = arith.constant 1 : i32
      %get3A_466 = arith.index_cast %get3A_465 : i32 to index
      %get3A_467 = arith.index_cast %mul3A_447 : i32 to index
      %get3A_468 = arith.constant 48 : index
      %get3A_469 = tpu.vector_load %arg7[%get3A_466, %get3A_467, %get3A_468] {strides = array<i32>} : memref<2x832x64xf32, #tpu.memory_space<vmem>>, vector<1x1x16xf32>,
      %get3A_470 = vector.shape_cast %get3A_469 : vector<1x1x16xf32> to vector<16xf32>
      %add3A_471 = arith.constant 1 : i32
      %add3A_472 = arith.addi %mul3A_447, %add3A_471 : i32
      %get3A_473 = arith.constant 1 : i32
      %get3A_474 = arith.index_cast %get3A_473 : i32 to index
      %get3A_475 = arith.index_cast %add3A_472 : i32 to index
      %get3A_476 = arith.constant 0 : index
      %get3A_477 = tpu.vector_load %arg7[%get3A_474, %get3A_475, %get3A_476] {strides = array<i32>} : memref<2x832x64xf32, #tpu.memory_space<vmem>>, vector<1x1x16xf32>,
      %get3A_478 = vector.shape_cast %get3A_477 : vector<1x1x16xf32> to vector<16xf32>
      %add3A_479 = arith.addf %get3A_452, %get3A_478 : vector<16xf32>
      %add3A_480 = arith.constant 1 : i32
      %add3A_481 = arith.addi %mul3A_447, %add3A_480 : i32
      %get3A_482 = arith.constant 1 : i32
      %get3A_483 = arith.index_cast %get3A_482 : i32 to index
      %get3A_484 = arith.index_cast %add3A_481 : i32 to index
      %get3A_485 = arith.constant 16 : index
      %get3A_486 = tpu.vector_load %arg7[%get3A_483, %get3A_484, %get3A_485] {strides = array<i32>} : memref<2x832x64xf32, #tpu.memory_space<vmem>>, vector<1x1x16xf32>,
      %get3A_487 = vector.shape_cast %get3A_486 : vector<1x1x16xf32> to vector<16xf32>
      %add3A_488 = arith.addf %get3A_458, %get3A_487 : vector<16xf32>
      %add3A_489 = arith.constant 1 : i32
      %add3A_490 = arith.addi %mul3A_447, %add3A_489 : i32
      %get3A_491 = arith.constant 1 : i32
      %get3A_492 = arith.index_cast %get3A_491 : i32 to index
      %get3A_493 = arith.index_cast %add3A_490 : i32 to index
      %get3A_494 = arith.constant 32 : index
      %get3A_495 = tpu.vector_load %arg7[%get3A_492, %get3A_493, %get3A_494] {strides = array<i32>} : memref<2x832x64xf32, #tpu.memory_space<vmem>>, vector<1x1x16xf32>,
      %get3A_496 = vector.shape_cast %get3A_495 : vector<1x1x16xf32> to vector<16xf32>
      %add3A_497 = arith.addf %get3A_464, %get3A_496 : vector<16xf32>
      %add3A_498 = arith.constant 1 : i32
      %add3A_499 = arith.addi %mul3A_447, %add3A_498 : i32
      %get3A_500 = arith.constant 1 : i32
      %get3A_501 = arith.index_cast %get3A_500 : i32 to index
      %get3A_502 = arith.index_cast %add3A_499 : i32 to index
      %get3A_503 = arith.constant 48 : index
      %get3A_504 = tpu.vector_load %arg7[%get3A_501, %get3A_502, %get3A_503] {strides = array<i32>} : memref<2x832x64xf32, #tpu.memory_space<vmem>>, vector<1x1x16xf32>,
      %get3A_505 = vector.shape_cast %get3A_504 : vector<1x1x16xf32> to vector<16xf32>
      %add3A_506 = arith.addf %get3A_470, %get3A_505 : vector<16xf32>
      %add3A_507 = arith.constant 2 : i32
      %add3A_508 = arith.addi %mul3A_447, %add3A_507 : i32
      %get3A_509 = arith.constant 1 : i32
      %get3A_510 = arith.index_cast %get3A_509 : i32 to index
      %get3A_511 = arith.index_cast %add3A_508 : i32 to index
      %get3A_512 = arith.constant 0 : index
      %get3A_513 = tpu.vector_load %arg7[%get3A_510, %get3A_511, %get3A_512] {strides = array<i32>} : memref<2x832x64xf32, #tpu.memory_space<vmem>>, vector<1x1x16xf32>,
      %get3A_514 = vector.shape_cast %get3A_513 : vector<1x1x16xf32> to vector<16xf32>
      %add3A_515 = arith.addf %add3A_479, %get3A_514 : vector<16xf32>
      %add3A_516 = arith.constant 2 : i32
      %add3A_517 = arith.addi %mul3A_447, %add3A_516 : i32
      %get3A_518 = arith.constant 1 : i32
      %get3A_519 = arith.index_cast %get3A_518 : i32 to index
      %get3A_520 = arith.index_cast %add3A_517 : i32 to index
      %get3A_521 = arith.constant 16 : index
      %get3A_522 = tpu.vector_load %arg7[%get3A_519, %get3A_520, %get3A_521] {strides = array<i32>} : memref<2x832x64xf32, #tpu.memory_space<vmem>>, vector<1x1x16xf32>,
      %get3A_523 = vector.shape_cast %get3A_522 : vector<1x1x16xf32> to vector<16xf32>
      %add3A_524 = arith.addf %add3A_488, %get3A_523 : vector<16xf32>
      %add3A_525 = arith.constant 2 : i32
      %add3A_526 = arith.addi %mul3A_447, %add3A_525 : i32
      %get3A_527 = arith.constant 1 : i32
      %get3A_528 = arith.index_cast %get3A_527 : i32 to index
      %get3A_529 = arith.index_cast %add3A_526 : i32 to index
      %get3A_530 = arith.constant 32 : index
      %get3A_531 = tpu.vector_load %arg7[%get3A_528, %get3A_529, %get3A_530] {strides = array<i32>} : memref<2x832x64xf32, #tpu.memory_space<vmem>>, vector<1x1x16xf32>,
      %get3A_532 = vector.shape_cast %get3A_531 : vector<1x1x16xf32> to vector<16xf32>
      %add3A_533 = arith.addf %add3A_497, %get3A_532 : vector<16xf32>
      %add3A_534 = arith.constant 2 : i32
      %add3A_535 = arith.addi %mul3A_447, %add3A_534 : i32
      %get3A_536 = arith.constant 1 : i32
      %get3A_537 = arith.index_cast %get3A_536 : i32 to index
      %get3A_538 = arith.index_cast %add3A_535 : i32 to index
      %get3A_539 = arith.constant 48 : index
      %get3A_540 = tpu.vector_load %arg7[%get3A_537, %get3A_538, %get3A_539] {strides = array<i32>} : memref<2x832x64xf32, #tpu.memory_space<vmem>>, vector<1x1x16xf32>,
      %get3A_541 = vector.shape_cast %get3A_540 : vector<1x1x16xf32> to vector<16xf32>
      %add3A_542 = arith.addf %add3A_506, %get3A_541 : vector<16xf32>
      %add3A_543 = arith.constant 3 : i32
      %add3A_544 = arith.addi %mul3A_447, %add3A_543 : i32
      %get3A_545 = arith.constant 1 : i32
      %get3A_546 = arith.index_cast %get3A_545 : i32 to index
      %get3A_547 = arith.index_cast %add3A_544 : i32 to index
      %get3A_548 = arith.constant 0 : index
      %get3A_549 = tpu.vector_load %arg7[%get3A_546, %get3A_547, %get3A_548] {strides = array<i32>} : memref<2x832x64xf32, #tpu.memory_space<vmem>>, vector<1x1x16xf32>,
      %get3A_550 = vector.shape_cast %get3A_549 : vector<1x1x16xf32> to vector<16xf32>
      %add3A_551 = arith.addf %add3A_515, %get3A_550 : vector<16xf32>
      %add3A_552 = arith.constant 3 : i32
      %add3A_553 = arith.addi %mul3A_447, %add3A_552 : i32
      %get3A_554 = arith.constant 1 : i32
      %get3A_555 = arith.index_cast %get3A_554 : i32 to index
      %get3A_556 = arith.index_cast %add3A_553 : i32 to index
      %get3A_557 = arith.constant 16 : index
      %get3A_558 = tpu.vector_load %arg7[%get3A_555, %get3A_556, %get3A_557] {strides = array<i32>} : memref<2x832x64xf32, #tpu.memory_space<vmem>>, vector<1x1x16xf32>,
      %get3A_559 = vector.shape_cast %get3A_558 : vector<1x1x16xf32> to vector<16xf32>
      %add3A_560 = arith.addf %add3A_524, %get3A_559 : vector<16xf32>
      %add3A_561 = arith.constant 3 : i32
      %add3A_562 = arith.addi %mul3A_447, %add3A_561 : i32
      %get3A_563 = arith.constant 1 : i32
      %get3A_564 = arith.index_cast %get3A_563 : i32 to index
      %get3A_565 = arith.index_cast %add3A_562 : i32 to index
      %get3A_566 = arith.constant 32 : index
      %get3A_567 = tpu.vector_load %arg7[%get3A_564, %get3A_565, %get3A_566] {strides = array<i32>} : memref<2x832x64xf32, #tpu.memory_space<vmem>>, vector<1x1x16xf32>,
      %get3A_568 = vector.shape_cast %get3A_567 : vector<1x1x16xf32> to vector<16xf32>
      %add3A_569 = arith.addf %add3A_533, %get3A_568 : vector<16xf32>
      %add3A_570 = arith.constant 3 : i32
      %add3A_571 = arith.addi %mul3A_447, %add3A_570 : i32
      %get3A_572 = arith.constant 1 : i32
      %get3A_573 = arith.index_cast %get3A_572 : i32 to index
      %get3A_574 = arith.index_cast %add3A_571 : i32 to index
      %get3A_575 = arith.constant 48 : index
      %get3A_576 = tpu.vector_load %arg7[%get3A_573, %get3A_574, %get3A_575] {strides = array<i32>} : memref<2x832x64xf32, #tpu.memory_space<vmem>>, vector<1x1x16xf32>,
      %get3A_577 = vector.shape_cast %get3A_576 : vector<1x1x16xf32> to vector<16xf32>
      %add3A_578 = arith.addf %add3A_542, %get3A_577 : vector<16xf32>
      %add3A_579 = arith.constant 4 : i32
      %add3A_580 = arith.addi %mul3A_447, %add3A_579 : i32
      %get3A_581 = arith.constant 1 : i32
      %get3A_582 = arith.index_cast %get3A_581 : i32 to index
      %get3A_583 = arith.index_cast %add3A_580 : i32 to index
      %get3A_584 = arith.constant 0 : index
      %get3A_585 = tpu.vector_load %arg7[%get3A_582, %get3A_583, %get3A_584] {strides = array<i32>} : memref<2x832x64xf32, #tpu.memory_space<vmem>>, vector<1x1x16xf32>,
      %get3A_586 = vector.shape_cast %get3A_585 : vector<1x1x16xf32> to vector<16xf32>
      %add3A_587 = arith.addf %add3A_551, %get3A_586 : vector<16xf32>
      %add3A_588 = arith.constant 4 : i32
      %add3A_589 = arith.addi %mul3A_447, %add3A_588 : i32
      %get3A_590 = arith.constant 1 : i32
      %get3A_591 = arith.index_cast %get3A_590 : i32 to index
      %get3A_592 = arith.index_cast %add3A_589 : i32 to index
      %get3A_593 = arith.constant 16 : index
      %get3A_594 = tpu.vector_load %arg7[%get3A_591, %get3A_592, %get3A_593] {strides = array<i32>} : memref<2x832x64xf32, #tpu.memory_space<vmem>>, vector<1x1x16xf32>,
      %get3A_595 = vector.shape_cast %get3A_594 : vector<1x1x16xf32> to vector<16xf32>
      %add3A_596 = arith.addf %add3A_560, %get3A_595 : vector<16xf32>
      %add3A_597 = arith.constant 4 : i32
      %add3A_598 = arith.addi %mul3A_447, %add3A_597 : i32
      %get3A_599 = arith.constant 1 : i32
      %get3A_600 = arith.index_cast %get3A_599 : i32 to index
      %get3A_601 = arith.index_cast %add3A_598 : i32 to index
      %get3A_602 = arith.constant 32 : index
      %get3A_603 = tpu.vector_load %arg7[%get3A_600, %get3A_601, %get3A_602] {strides = array<i32>} : memref<2x832x64xf32, #tpu.memory_space<vmem>>, vector<1x1x16xf32>,
      %get3A_604 = vector.shape_cast %get3A_603 : vector<1x1x16xf32> to vector<16xf32>
      %add3A_605 = arith.addf %add3A_569, %get3A_604 : vector<16xf32>
      %add3A_606 = arith.constant 4 : i32
      %add3A_607 = arith.addi %mul3A_447, %add3A_606 : i32
      %get3A_608 = arith.constant 1 : i32
      %get3A_609 = arith.index_cast %get3A_608 : i32 to index
      %get3A_610 = arith.index_cast %add3A_607 : i32 to index
      %get3A_611 = arith.constant 48 : index
      %get3A_612 = tpu.vector_load %arg7[%get3A_609, %get3A_610, %get3A_611] {strides = array<i32>} : memref<2x832x64xf32, #tpu.memory_space<vmem>>, vector<1x1x16xf32>,
      %get3A_613 = vector.shape_cast %get3A_612 : vector<1x1x16xf32> to vector<16xf32>
      %add3A_614 = arith.addf %add3A_578, %get3A_613 : vector<16xf32>
      %add3A_615 = arith.constant 5 : i32
      %add3A_616 = arith.addi %mul3A_447, %add3A_615 : i32
      %get3A_617 = arith.constant 1 : i32
      %get3A_618 = arith.index_cast %get3A_617 : i32 to index
      %get3A_619 = arith.index_cast %add3A_616 : i32 to index
      %get3A_620 = arith.constant 0 : index
      %get3A_621 = tpu.vector_load %arg7[%get3A_618, %get3A_619, %get3A_620] {strides = array<i32>} : memref<2x832x64xf32, #tpu.memory_space<vmem>>, vector<1x1x16xf32>,
      %get3A_622 = vector.shape_cast %get3A_621 : vector<1x1x16xf32> to vector<16xf32>
      %add3A_623 = arith.addf %add3A_587, %get3A_622 : vector<16xf32>
      %add3A_624 = arith.constant 5 : i32
      %add3A_625 = arith.addi %mul3A_447, %add3A_624 : i32
      %get3A_626 = arith.constant 1 : i32
      %get3A_627 = arith.index_cast %get3A_626 : i32 to index
      %get3A_628 = arith.index_cast %add3A_625 : i32 to index
      %get3A_629 = arith.constant 16 : index
      %get3A_630 = tpu.vector_load %arg7[%get3A_627, %get3A_628, %get3A_629] {strides = array<i32>} : memref<2x832x64xf32, #tpu.memory_space<vmem>>, vector<1x1x16xf32>,
      %get3A_631 = vector.shape_cast %get3A_630 : vector<1x1x16xf32> to vector<16xf32>
      %add3A_632 = arith.addf %add3A_596, %get3A_631 : vector<16xf32>
      %add3A_633 = arith.constant 5 : i32
      %add3A_634 = arith.addi %mul3A_447, %add3A_633 : i32
      %get3A_635 = arith.constant 1 : i32
      %get3A_636 = arith.index_cast %get3A_635 : i32 to index
      %get3A_637 = arith.index_cast %add3A_634 : i32 to index
      %get3A_638 = arith.constant 32 : index
      %get3A_639 = tpu.vector_load %arg7[%get3A_636, %get3A_637, %get3A_638] {strides = array<i32>} : memref<2x832x64xf32, #tpu.memory_space<vmem>>, vector<1x1x16xf32>,
      %get3A_640 = vector.shape_cast %get3A_639 : vector<1x1x16xf32> to vector<16xf32>
      %add3A_641 = arith.addf %add3A_605, %get3A_640 : vector<16xf32>
      %add3A_642 = arith.constant 5 : i32
      %add3A_643 = arith.addi %mul3A_447, %add3A_642 : i32
      %get3A_644 = arith.constant 1 : i32
      %get3A_645 = arith.index_cast %get3A_644 : i32 to index
      %get3A_646 = arith.index_cast %add3A_643 : i32 to index
      %get3A_647 = arith.constant 48 : index
      %get3A_648 = tpu.vector_load %arg7[%get3A_645, %get3A_646, %get3A_647] {strides = array<i32>} : memref<2x832x64xf32, #tpu.memory_space<vmem>>, vector<1x1x16xf32>,
      %get3A_649 = vector.shape_cast %get3A_648 : vector<1x1x16xf32> to vector<16xf32>
      %add3A_650 = arith.addf %add3A_614, %get3A_649 : vector<16xf32>
      %add3A_651 = arith.constant 6 : i32
      %add3A_652 = arith.addi %mul3A_447, %add3A_651 : i32
      %get3A_653 = arith.constant 1 : i32
      %get3A_654 = arith.index_cast %get3A_653 : i32 to index
      %get3A_655 = arith.index_cast %add3A_652 : i32 to index
      %get3A_656 = arith.constant 0 : index
      %get3A_657 = tpu.vector_load %arg7[%get3A_654, %get3A_655, %get3A_656] {strides = array<i32>} : memref<2x832x64xf32, #tpu.memory_space<vmem>>, vector<1x1x16xf32>,
      %get3A_658 = vector.shape_cast %get3A_657 : vector<1x1x16xf32> to vector<16xf32>
      %add3A_659 = arith.addf %add3A_623, %get3A_658 : vector<16xf32>
      %add3A_660 = arith.constant 6 : i32
      %add3A_661 = arith.addi %mul3A_447, %add3A_660 : i32
      %get3A_662 = arith.constant 1 : i32
      %get3A_663 = arith.index_cast %get3A_662 : i32 to index
      %get3A_664 = arith.index_cast %add3A_661 : i32 to index
      %get3A_665 = arith.constant 16 : index
      %get3A_666 = tpu.vector_load %arg7[%get3A_663, %get3A_664, %get3A_665] {strides = array<i32>} : memref<2x832x64xf32, #tpu.memory_space<vmem>>, vector<1x1x16xf32>,
      %get3A_667 = vector.shape_cast %get3A_666 : vector<1x1x16xf32> to vector<16xf32>
      %add3A_668 = arith.addf %add3A_632, %get3A_667 : vector<16xf32>
      %add3A_669 = arith.constant 6 : i32
      %add3A_670 = arith.addi %mul3A_447, %add3A_669 : i32
      %get3A_671 = arith.constant 1 : i32
      %get3A_672 = arith.index_cast %get3A_671 : i32 to index
      %get3A_673 = arith.index_cast %add3A_670 : i32 to index
      %get3A_674 = arith.constant 32 : index
      %get3A_675 = tpu.vector_load %arg7[%get3A_672, %get3A_673, %get3A_674] {strides = array<i32>} : memref<2x832x64xf32, #tpu.memory_space<vmem>>, vector<1x1x16xf32>,
      %get3A_676 = vector.shape_cast %get3A_675 : vector<1x1x16xf32> to vector<16xf32>
      %add3A_677 = arith.addf %add3A_641, %get3A_676 : vector<16xf32>
      %add3A_678 = arith.constant 6 : i32
      %add3A_679 = arith.addi %mul3A_447, %add3A_678 : i32
      %get3A_680 = arith.constant 1 : i32
      %get3A_681 = arith.index_cast %get3A_680 : i32 to index
      %get3A_682 = arith.index_cast %add3A_679 : i32 to index
      %get3A_683 = arith.constant 48 : index
      %get3A_684 = tpu.vector_load %arg7[%get3A_681, %get3A_682, %get3A_683] {strides = array<i32>} : memref<2x832x64xf32, #tpu.memory_space<vmem>>, vector<1x1x16xf32>,
      %get3A_685 = vector.shape_cast %get3A_684 : vector<1x1x16xf32> to vector<16xf32>
      %add3A_686 = arith.addf %add3A_650, %get3A_685 : vector<16xf32>
      %add3A_687 = arith.constant 7 : i32
      %add3A_688 = arith.addi %mul3A_447, %add3A_687 : i32
      %get3A_689 = arith.constant 1 : i32
      %get3A_690 = arith.index_cast %get3A_689 : i32 to index
      %get3A_691 = arith.index_cast %add3A_688 : i32 to index
      %get3A_692 = arith.constant 0 : index
      %get3A_693 = tpu.vector_load %arg7[%get3A_690, %get3A_691, %get3A_692] {strides = array<i32>} : memref<2x832x64xf32, #tpu.memory_space<vmem>>, vector<1x1x16xf32>,
      %get3A_694 = vector.shape_cast %get3A_693 : vector<1x1x16xf32> to vector<16xf32>
      %add3A_695 = arith.addf %add3A_659, %get3A_694 : vector<16xf32>
      %add3A_696 = arith.constant 7 : i32
      %add3A_697 = arith.addi %mul3A_447, %add3A_696 : i32
      %get3A_698 = arith.constant 1 : i32
      %get3A_699 = arith.index_cast %get3A_698 : i32 to index
      %get3A_700 = arith.index_cast %add3A_697 : i32 to index
      %get3A_701 = arith.constant 16 : index
      %get3A_702 = tpu.vector_load %arg7[%get3A_699, %get3A_700, %get3A_701] {strides = array<i32>} : memref<2x832x64xf32, #tpu.memory_space<vmem>>, vector<1x1x16xf32>,
      %get3A_703 = vector.shape_cast %get3A_702 : vector<1x1x16xf32> to vector<16xf32>
      %add3A_704 = arith.addf %add3A_668, %get3A_703 : vector<16xf32>
      %add3A_705 = arith.constant 7 : i32
      %add3A_706 = arith.addi %mul3A_447, %add3A_705 : i32
      %get3A_707 = arith.constant 1 : i32
      %get3A_708 = arith.index_cast %get3A_707 : i32 to index
      %get3A_709 = arith.index_cast %add3A_706 : i32 to index
      %get3A_710 = arith.constant 32 : index
      %get3A_711 = tpu.vector_load %arg7[%get3A_708, %get3A_709, %get3A_710] {strides = array<i32>} : memref<2x832x64xf32, #tpu.memory_space<vmem>>, vector<1x1x16xf32>,
      %get3A_712 = vector.shape_cast %get3A_711 : vector<1x1x16xf32> to vector<16xf32>
      %add3A_713 = arith.addf %add3A_677, %get3A_712 : vector<16xf32>
      %add3A_714 = arith.constant 7 : i32
      %add3A_715 = arith.addi %mul3A_447, %add3A_714 : i32
      %get3A_716 = arith.constant 1 : i32
      %get3A_717 = arith.index_cast %get3A_716 : i32 to index
      %get3A_718 = arith.index_cast %add3A_715 : i32 to index
      %get3A_719 = arith.constant 48 : index
      %get3A_720 = tpu.vector_load %arg7[%get3A_717, %get3A_718, %get3A_719] {strides = array<i32>} : memref<2x832x64xf32, #tpu.memory_space<vmem>>, vector<1x1x16xf32>,
      %get3A_721 = vector.shape_cast %get3A_720 : vector<1x1x16xf32> to vector<16xf32>
      %add3A_722 = arith.addf %add3A_686, %get3A_721 : vector<16xf32>
      %add3A_723 = arith.constant 8 : i32
      %add3A_724 = arith.addi %mul3A_447, %add3A_723 : i32
      %get3A_725 = arith.constant 1 : i32
      %get3A_726 = arith.index_cast %get3A_725 : i32 to index
      %get3A_727 = arith.index_cast %add3A_724 : i32 to index
      %get3A_728 = arith.constant 0 : index
      %get3A_729 = tpu.vector_load %arg7[%get3A_726, %get3A_727, %get3A_728] {strides = array<i32>} : memref<2x832x64xf32, #tpu.memory_space<vmem>>, vector<1x1x16xf32>,
      %get3A_730 = vector.shape_cast %get3A_729 : vector<1x1x16xf32> to vector<16xf32>
      %add3A_731 = arith.addf %add3A_695, %get3A_730 : vector<16xf32>
      %add3A_732 = arith.constant 8 : i32
      %add3A_733 = arith.addi %mul3A_447, %add3A_732 : i32
      %get3A_734 = arith.constant 1 : i32
      %get3A_735 = arith.index_cast %get3A_734 : i32 to index
      %get3A_736 = arith.index_cast %add3A_733 : i32 to index
      %get3A_737 = arith.constant 16 : index
      %get3A_738 = tpu.vector_load %arg7[%get3A_735, %get3A_736, %get3A_737] {strides = array<i32>} : memref<2x832x64xf32, #tpu.memory_space<vmem>>, vector<1x1x16xf32>,
      %get3A_739 = vector.shape_cast %get3A_738 : vector<1x1x16xf32> to vector<16xf32>
      %add3A_740 = arith.addf %add3A_704, %get3A_739 : vector<16xf32>
      %add3A_741 = arith.constant 8 : i32
      %add3A_742 = arith.addi %mul3A_447, %add3A_741 : i32
      %get3A_743 = arith.constant 1 : i32
      %get3A_744 = arith.index_cast %get3A_743 : i32 to index
      %get3A_745 = arith.index_cast %add3A_742 : i32 to index
      %get3A_746 = arith.constant 32 : index
      %get3A_747 = tpu.vector_load %arg7[%get3A_744, %get3A_745, %get3A_746] {strides = array<i32>} : memref<2x832x64xf32, #tpu.memory_space<vmem>>, vector<1x1x16xf32>,
      %get3A_748 = vector.shape_cast %get3A_747 : vector<1x1x16xf32> to vector<16xf32>
      %add3A_749 = arith.addf %add3A_713, %get3A_748 : vector<16xf32>
      %add3A_750 = arith.constant 8 : i32
      %add3A_751 = arith.addi %mul3A_447, %add3A_750 : i32
      %get3A_752 = arith.constant 1 : i32
      %get3A_753 = arith.index_cast %get3A_752 : i32 to index
      %get3A_754 = arith.index_cast %add3A_751 : i32 to index
      %get3A_755 = arith.constant 48 : index
      %get3A_756 = tpu.vector_load %arg7[%get3A_753, %get3A_754, %get3A_755] {strides = array<i32>} : memref<2x832x64xf32, #tpu.memory_space<vmem>>, vector<1x1x16xf32>,
      %get3A_757 = vector.shape_cast %get3A_756 : vector<1x1x16xf32> to vector<16xf32>
      %add3A_758 = arith.addf %add3A_722, %get3A_757 : vector<16xf32>
      %add3A_759 = arith.constant 9 : i32
      %add3A_760 = arith.addi %mul3A_447, %add3A_759 : i32
      %get3A_761 = arith.constant 1 : i32
      %get3A_762 = arith.index_cast %get3A_761 : i32 to index
      %get3A_763 = arith.index_cast %add3A_760 : i32 to index
      %get3A_764 = arith.constant 0 : index
      %get3A_765 = tpu.vector_load %arg7[%get3A_762, %get3A_763, %get3A_764] {strides = array<i32>} : memref<2x832x64xf32, #tpu.memory_space<vmem>>, vector<1x1x16xf32>,
      %get3A_766 = vector.shape_cast %get3A_765 : vector<1x1x16xf32> to vector<16xf32>
      %add3A_767 = arith.addf %add3A_731, %get3A_766 : vector<16xf32>
      %add3A_768 = arith.constant 9 : i32
      %add3A_769 = arith.addi %mul3A_447, %add3A_768 : i32
      %get3A_770 = arith.constant 1 : i32
      %get3A_771 = arith.index_cast %get3A_770 : i32 to index
      %get3A_772 = arith.index_cast %add3A_769 : i32 to index
      %get3A_773 = arith.constant 16 : index
      %get3A_774 = tpu.vector_load %arg7[%get3A_771, %get3A_772, %get3A_773] {strides = array<i32>} : memref<2x832x64xf32, #tpu.memory_space<vmem>>, vector<1x1x16xf32>,
      %get3A_775 = vector.shape_cast %get3A_774 : vector<1x1x16xf32> to vector<16xf32>
      %add3A_776 = arith.addf %add3A_740, %get3A_775 : vector<16xf32>
      %add3A_777 = arith.constant 9 : i32
      %add3A_778 = arith.addi %mul3A_447, %add3A_777 : i32
      %get3A_779 = arith.constant 1 : i32
      %get3A_780 = arith.index_cast %get3A_779 : i32 to index
      %get3A_781 = arith.index_cast %add3A_778 : i32 to index
      %get3A_782 = arith.constant 32 : index
      %get3A_783 = tpu.vector_load %arg7[%get3A_780, %get3A_781, %get3A_782] {strides = array<i32>} : memref<2x832x64xf32, #tpu.memory_space<vmem>>, vector<1x1x16xf32>,
      %get3A_784 = vector.shape_cast %get3A_783 : vector<1x1x16xf32> to vector<16xf32>
      %add3A_785 = arith.addf %add3A_749, %get3A_784 : vector<16xf32>
      %add3A_786 = arith.constant 9 : i32
      %add3A_787 = arith.addi %mul3A_447, %add3A_786 : i32
      %get3A_788 = arith.constant 1 : i32
      %get3A_789 = arith.index_cast %get3A_788 : i32 to index
      %get3A_790 = arith.index_cast %add3A_787 : i32 to index
      %get3A_791 = arith.constant 48 : index
      %get3A_792 = tpu.vector_load %arg7[%get3A_789, %get3A_790, %get3A_791] {strides = array<i32>} : memref<2x832x64xf32, #tpu.memory_space<vmem>>, vector<1x1x16xf32>,
      %get3A_793 = vector.shape_cast %get3A_792 : vector<1x1x16xf32> to vector<16xf32>
      %add3A_794 = arith.addf %add3A_758, %get3A_793 : vector<16xf32>
      %add3A_795 = arith.constant 10 : i32
      %add3A_796 = arith.addi %mul3A_447, %add3A_795 : i32
      %get3A_797 = arith.constant 1 : i32
      %get3A_798 = arith.index_cast %get3A_797 : i32 to index
      %get3A_799 = arith.index_cast %add3A_796 : i32 to index
      %get3A_800 = arith.constant 0 : index
      %get3A_801 = tpu.vector_load %arg7[%get3A_798, %get3A_799, %get3A_800] {strides = array<i32>} : memref<2x832x64xf32, #tpu.memory_space<vmem>>, vector<1x1x16xf32>,
      %get3A_802 = vector.shape_cast %get3A_801 : vector<1x1x16xf32> to vector<16xf32>
      %add3A_803 = arith.addf %add3A_767, %get3A_802 : vector<16xf32>
      %add3A_804 = arith.constant 10 : i32
      %add3A_805 = arith.addi %mul3A_447, %add3A_804 : i32
      %get3A_806 = arith.constant 1 : i32
      %get3A_807 = arith.index_cast %get3A_806 : i32 to index
      %get3A_808 = arith.index_cast %add3A_805 : i32 to index
      %get3A_809 = arith.constant 16 : index
      %get3A_810 = tpu.vector_load %arg7[%get3A_807, %get3A_808, %get3A_809] {strides = array<i32>} : memref<2x832x64xf32, #tpu.memory_space<vmem>>, vector<1x1x16xf32>,
      %get3A_811 = vector.shape_cast %get3A_810 : vector<1x1x16xf32> to vector<16xf32>
      %add3A_812 = arith.addf %add3A_776, %get3A_811 : vector<16xf32>
      %add3A_813 = arith.constant 10 : i32
      %add3A_814 = arith.addi %mul3A_447, %add3A_813 : i32
      %get3A_815 = arith.constant 1 : i32
      %get3A_816 = arith.index_cast %get3A_815 : i32 to index
      %get3A_817 = arith.index_cast %add3A_814 : i32 to index
      %get3A_818 = arith.constant 32 : index
      %get3A_819 = tpu.vector_load %arg7[%get3A_816, %get3A_817, %get3A_818] {strides = array<i32>} : memref<2x832x64xf32, #tpu.memory_space<vmem>>, vector<1x1x16xf32>,
      %get3A_820 = vector.shape_cast %get3A_819 : vector<1x1x16xf32> to vector<16xf32>
      %add3A_821 = arith.addf %add3A_785, %get3A_820 : vector<16xf32>
      %add3A_822 = arith.constant 10 : i32
      %add3A_823 = arith.addi %mul3A_447, %add3A_822 : i32
      %get3A_824 = arith.constant 1 : i32
      %get3A_825 = arith.index_cast %get3A_824 : i32 to index
      %get3A_826 = arith.index_cast %add3A_823 : i32 to index
      %get3A_827 = arith.constant 48 : index
      %get3A_828 = tpu.vector_load %arg7[%get3A_825, %get3A_826, %get3A_827] {strides = array<i32>} : memref<2x832x64xf32, #tpu.memory_space<vmem>>, vector<1x1x16xf32>,
      %get3A_829 = vector.shape_cast %get3A_828 : vector<1x1x16xf32> to vector<16xf32>
      %add3A_830 = arith.addf %add3A_794, %get3A_829 : vector<16xf32>
      %add3A_831 = arith.constant 11 : i32
      %add3A_832 = arith.addi %mul3A_447, %add3A_831 : i32
      %get3A_833 = arith.constant 1 : i32
      %get3A_834 = arith.index_cast %get3A_833 : i32 to index
      %get3A_835 = arith.index_cast %add3A_832 : i32 to index
      %get3A_836 = arith.constant 0 : index
      %get3A_837 = tpu.vector_load %arg7[%get3A_834, %get3A_835, %get3A_836] {strides = array<i32>} : memref<2x832x64xf32, #tpu.memory_space<vmem>>, vector<1x1x16xf32>,
      %get3A_838 = vector.shape_cast %get3A_837 : vector<1x1x16xf32> to vector<16xf32>
      %add3A_839 = arith.addf %add3A_803, %get3A_838 : vector<16xf32>
      %add3A_840 = arith.constant 11 : i32
      %add3A_841 = arith.addi %mul3A_447, %add3A_840 : i32
      %get3A_842 = arith.constant 1 : i32
      %get3A_843 = arith.index_cast %get3A_842 : i32 to index
      %get3A_844 = arith.index_cast %add3A_841 : i32 to index
      %get3A_845 = arith.constant 16 : index
      %get3A_846 = tpu.vector_load %arg7[%get3A_843, %get3A_844, %get3A_845] {strides = array<i32>} : memref<2x832x64xf32, #tpu.memory_space<vmem>>, vector<1x1x16xf32>,
      %get3A_847 = vector.shape_cast %get3A_846 : vector<1x1x16xf32> to vector<16xf32>
      %add3A_848 = arith.addf %add3A_812, %get3A_847 : vector<16xf32>
      %add3A_849 = arith.constant 11 : i32
      %add3A_850 = arith.addi %mul3A_447, %add3A_849 : i32
      %get3A_851 = arith.constant 1 : i32
      %get3A_852 = arith.index_cast %get3A_851 : i32 to index
      %get3A_853 = arith.index_cast %add3A_850 : i32 to index
      %get3A_854 = arith.constant 32 : index
      %get3A_855 = tpu.vector_load %arg7[%get3A_852, %get3A_853, %get3A_854] {strides = array<i32>} : memref<2x832x64xf32, #tpu.memory_space<vmem>>, vector<1x1x16xf32>,
      %get3A_856 = vector.shape_cast %get3A_855 : vector<1x1x16xf32> to vector<16xf32>
      %add3A_857 = arith.addf %add3A_821, %get3A_856 : vector<16xf32>
      %add3A_858 = arith.constant 11 : i32
      %add3A_859 = arith.addi %mul3A_447, %add3A_858 : i32
      %get3A_860 = arith.constant 1 : i32
      %get3A_861 = arith.index_cast %get3A_860 : i32 to index
      %get3A_862 = arith.index_cast %add3A_859 : i32 to index
      %get3A_863 = arith.constant 48 : index
      %get3A_864 = tpu.vector_load %arg7[%get3A_861, %get3A_862, %get3A_863] {strides = array<i32>} : memref<2x832x64xf32, #tpu.memory_space<vmem>>, vector<1x1x16xf32>,
      %get3A_865 = vector.shape_cast %get3A_864 : vector<1x1x16xf32> to vector<16xf32>
      %add3A_866 = arith.addf %add3A_830, %get3A_865 : vector<16xf32>
      %add3A_867 = arith.constant 12 : i32
      %add3A_868 = arith.addi %mul3A_447, %add3A_867 : i32
      %get3A_869 = arith.constant 1 : i32
      %get3A_870 = arith.index_cast %get3A_869 : i32 to index
      %get3A_871 = arith.index_cast %add3A_868 : i32 to index
      %get3A_872 = arith.constant 0 : index
      %get3A_873 = tpu.vector_load %arg7[%get3A_870, %get3A_871, %get3A_872] {strides = array<i32>} : memref<2x832x64xf32, #tpu.memory_space<vmem>>, vector<1x1x16xf32>,
      %get3A_874 = vector.shape_cast %get3A_873 : vector<1x1x16xf32> to vector<16xf32>
      %add3A_875 = arith.addf %add3A_839, %get3A_874 : vector<16xf32>
      %add3A_876 = arith.constant 12 : i32
      %add3A_877 = arith.addi %mul3A_447, %add3A_876 : i32
      %get3A_878 = arith.constant 1 : i32
      %get3A_879 = arith.index_cast %get3A_878 : i32 to index
      %get3A_880 = arith.index_cast %add3A_877 : i32 to index
      %get3A_881 = arith.constant 16 : index
      %get3A_882 = tpu.vector_load %arg7[%get3A_879, %get3A_880, %get3A_881] {strides = array<i32>} : memref<2x832x64xf32, #tpu.memory_space<vmem>>, vector<1x1x16xf32>,
      %get3A_883 = vector.shape_cast %get3A_882 : vector<1x1x16xf32> to vector<16xf32>
      %add3A_884 = arith.addf %add3A_848, %get3A_883 : vector<16xf32>
      %add3A_885 = arith.constant 12 : i32
      %add3A_886 = arith.addi %mul3A_447, %add3A_885 : i32
      %get3A_887 = arith.constant 1 : i32
      %get3A_888 = arith.index_cast %get3A_887 : i32 to index
      %get3A_889 = arith.index_cast %add3A_886 : i32 to index
      %get3A_890 = arith.constant 32 : index
      %get3A_891 = tpu.vector_load %arg7[%get3A_888, %get3A_889, %get3A_890] {strides = array<i32>} : memref<2x832x64xf32, #tpu.memory_space<vmem>>, vector<1x1x16xf32>,
      %get3A_892 = vector.shape_cast %get3A_891 : vector<1x1x16xf32> to vector<16xf32>
      %add3A_893 = arith.addf %add3A_857, %get3A_892 : vector<16xf32>
      %add3A_894 = arith.constant 12 : i32
      %add3A_895 = arith.addi %mul3A_447, %add3A_894 : i32
      %get3A_896 = arith.constant 1 : i32
      %get3A_897 = arith.index_cast %get3A_896 : i32 to index
      %get3A_898 = arith.index_cast %add3A_895 : i32 to index
      %get3A_899 = arith.constant 48 : index
      %get3A_900 = tpu.vector_load %arg7[%get3A_897, %get3A_898, %get3A_899] {strides = array<i32>} : memref<2x832x64xf32, #tpu.memory_space<vmem>>, vector<1x1x16xf32>,
      %get3A_901 = vector.shape_cast %get3A_900 : vector<1x1x16xf32> to vector<16xf32>
      %add3A_902 = arith.addf %add3A_866, %get3A_901 : vector<16xf32>
      %add3A_903 = arith.constant 13 : i32
      %add3A_904 = arith.addi %mul3A_447, %add3A_903 : i32
      %get3A_905 = arith.constant 1 : i32
      %get3A_906 = arith.index_cast %get3A_905 : i32 to index
      %get3A_907 = arith.index_cast %add3A_904 : i32 to index
      %get3A_908 = arith.constant 0 : index
      %get3A_909 = tpu.vector_load %arg7[%get3A_906, %get3A_907, %get3A_908] {strides = array<i32>} : memref<2x832x64xf32, #tpu.memory_space<vmem>>, vector<1x1x16xf32>,
      %get3A_910 = vector.shape_cast %get3A_909 : vector<1x1x16xf32> to vector<16xf32>
      %add3A_911 = arith.addf %add3A_875, %get3A_910 : vector<16xf32>
      %add3A_912 = arith.constant 13 : i32
      %add3A_913 = arith.addi %mul3A_447, %add3A_912 : i32
      %get3A_914 = arith.constant 1 : i32
      %get3A_915 = arith.index_cast %get3A_914 : i32 to index
      %get3A_916 = arith.index_cast %add3A_913 : i32 to index
      %get3A_917 = arith.constant 16 : index
      %get3A_918 = tpu.vector_load %arg7[%get3A_915, %get3A_916, %get3A_917] {strides = array<i32>} : memref<2x832x64xf32, #tpu.memory_space<vmem>>, vector<1x1x16xf32>,
      %get3A_919 = vector.shape_cast %get3A_918 : vector<1x1x16xf32> to vector<16xf32>
      %add3A_920 = arith.addf %add3A_884, %get3A_919 : vector<16xf32>
      %add3A_921 = arith.constant 13 : i32
      %add3A_922 = arith.addi %mul3A_447, %add3A_921 : i32
      %get3A_923 = arith.constant 1 : i32
      %get3A_924 = arith.index_cast %get3A_923 : i32 to index
      %get3A_925 = arith.index_cast %add3A_922 : i32 to index
      %get3A_926 = arith.constant 32 : index
      %get3A_927 = tpu.vector_load %arg7[%get3A_924, %get3A_925, %get3A_926] {strides = array<i32>} : memref<2x832x64xf32, #tpu.memory_space<vmem>>, vector<1x1x16xf32>,
      %get3A_928 = vector.shape_cast %get3A_927 : vector<1x1x16xf32> to vector<16xf32>
      %add3A_929 = arith.addf %add3A_893, %get3A_928 : vector<16xf32>
      %add3A_930 = arith.constant 13 : i32
      %add3A_931 = arith.addi %mul3A_447, %add3A_930 : i32
      %get3A_932 = arith.constant 1 : i32
      %get3A_933 = arith.index_cast %get3A_932 : i32 to index
      %get3A_934 = arith.index_cast %add3A_931 : i32 to index
      %get3A_935 = arith.constant 48 : index
      %get3A_936 = tpu.vector_load %arg7[%get3A_933, %get3A_934, %get3A_935] {strides = array<i32>} : memref<2x832x64xf32, #tpu.memory_space<vmem>>, vector<1x1x16xf32>,
      %get3A_937 = vector.shape_cast %get3A_936 : vector<1x1x16xf32> to vector<16xf32>
      %add3A_938 = arith.addf %add3A_902, %get3A_937 : vector<16xf32>
      %add3A_939 = arith.constant 14 : i32
      %add3A_940 = arith.addi %mul3A_447, %add3A_939 : i32
      %get3A_941 = arith.constant 1 : i32
      %get3A_942 = arith.index_cast %get3A_941 : i32 to index
      %get3A_943 = arith.index_cast %add3A_940 : i32 to index
      %get3A_944 = arith.constant 0 : index
      %get3A_945 = tpu.vector_load %arg7[%get3A_942, %get3A_943, %get3A_944] {strides = array<i32>} : memref<2x832x64xf32, #tpu.memory_space<vmem>>, vector<1x1x16xf32>,
      %get3A_946 = vector.shape_cast %get3A_945 : vector<1x1x16xf32> to vector<16xf32>
      %add3A_947 = arith.addf %add3A_911, %get3A_946 : vector<16xf32>
      %add3A_948 = arith.constant 14 : i32
      %add3A_949 = arith.addi %mul3A_447, %add3A_948 : i32
      %get3A_950 = arith.constant 1 : i32
      %get3A_951 = arith.index_cast %get3A_950 : i32 to index
      %get3A_952 = arith.index_cast %add3A_949 : i32 to index
      %get3A_953 = arith.constant 16 : index
      %get3A_954 = tpu.vector_load %arg7[%get3A_951, %get3A_952, %get3A_953] {strides = array<i32>} : memref<2x832x64xf32, #tpu.memory_space<vmem>>, vector<1x1x16xf32>,
      %get3A_955 = vector.shape_cast %get3A_954 : vector<1x1x16xf32> to vector<16xf32>
      %add3A_956 = arith.addf %add3A_920, %get3A_955 : vector<16xf32>
      %add3A_957 = arith.constant 14 : i32
      %add3A_958 = arith.addi %mul3A_447, %add3A_957 : i32
      %get3A_959 = arith.constant 1 : i32
      %get3A_960 = arith.index_cast %get3A_959 : i32 to index
      %get3A_961 = arith.index_cast %add3A_958 : i32 to index
      %get3A_962 = arith.constant 32 : index
      %get3A_963 = tpu.vector_load %arg7[%get3A_960, %get3A_961, %get3A_962] {strides = array<i32>} : memref<2x832x64xf32, #tpu.memory_space<vmem>>, vector<1x1x16xf32>,
      %get3A_964 = vector.shape_cast %get3A_963 : vector<1x1x16xf32> to vector<16xf32>
      %add3A_965 = arith.addf %add3A_929, %get3A_964 : vector<16xf32>
      %add3A_966 = arith.constant 14 : i32
      %add3A_967 = arith.addi %mul3A_447, %add3A_966 : i32
      %get3A_968 = arith.constant 1 : i32
      %get3A_969 = arith.index_cast %get3A_968 : i32 to index
      %get3A_970 = arith.index_cast %add3A_967 : i32 to index
      %get3A_971 = arith.constant 48 : index
      %get3A_972 = tpu.vector_load %arg7[%get3A_969, %get3A_970, %get3A_971] {strides = array<i32>} : memref<2x832x64xf32, #tpu.memory_space<vmem>>, vector<1x1x16xf32>,
      %get3A_973 = vector.shape_cast %get3A_972 : vector<1x1x16xf32> to vector<16xf32>
      %add3A_974 = arith.addf %add3A_938, %get3A_973 : vector<16xf32>
      %add3A_975 = arith.constant 15 : i32
      %add3A_976 = arith.addi %mul3A_447, %add3A_975 : i32
      %get3A_977 = arith.constant 1 : i32
      %get3A_978 = arith.index_cast %get3A_977 : i32 to index
      %get3A_979 = arith.index_cast %add3A_976 : i32 to index
      %get3A_980 = arith.constant 0 : index
      %get3A_981 = tpu.vector_load %arg7[%get3A_978, %get3A_979, %get3A_980] {strides = array<i32>} : memref<2x832x64xf32, #tpu.memory_space<vmem>>, vector<1x1x16xf32>,
      %get3A_982 = vector.shape_cast %get3A_981 : vector<1x1x16xf32> to vector<16xf32>
      %add3A_983 = arith.addf %add3A_947, %get3A_982 : vector<16xf32>
      %add3A_984 = arith.constant 15 : i32
      %add3A_985 = arith.addi %mul3A_447, %add3A_984 : i32
      %get3A_986 = arith.constant 1 : i32
      %get3A_987 = arith.index_cast %get3A_986 : i32 to index
      %get3A_988 = arith.index_cast %add3A_985 : i32 to index
      %get3A_989 = arith.constant 16 : index
      %get3A_990 = tpu.vector_load %arg7[%get3A_987, %get3A_988, %get3A_989] {strides = array<i32>} : memref<2x832x64xf32, #tpu.memory_space<vmem>>, vector<1x1x16xf32>,
      %get3A_991 = vector.shape_cast %get3A_990 : vector<1x1x16xf32> to vector<16xf32>
      %add3A_992 = arith.addf %add3A_956, %get3A_991 : vector<16xf32>
      %add3A_993 = arith.constant 15 : i32
      %add3A_994 = arith.addi %mul3A_447, %add3A_993 : i32
      %get3A_995 = arith.constant 1 : i32
      %get3A_996 = arith.index_cast %get3A_995 : i32 to index
      %get3A_997 = arith.index_cast %add3A_994 : i32 to index
      %get3A_998 = arith.constant 32 : index
      %get3A_999 = tpu.vector_load %arg7[%get3A_996, %get3A_997, %get3A_998] {strides = array<i32>} : memref<2x832x64xf32, #tpu.memory_space<vmem>>, vector<1x1x16xf32>,
      %get3A_1000 = vector.shape_cast %get3A_999 : vector<1x1x16xf32> to vector<16xf32>
      %add3A_1001 = arith.addf %add3A_965, %get3A_1000 : vector<16xf32>
      %add3A_1002 = arith.constant 15 : i32
      %add3A_1003 = arith.addi %mul3A_447, %add3A_1002 : i32
      %get3A_1004 = arith.constant 1 : i32
      %get3A_1005 = arith.index_cast %get3A_1004 : i32 to index
      %get3A_1006 = arith.index_cast %add3A_1003 : i32 to index
      %get3A_1007 = arith.constant 48 : index
      %get3A_1008 = tpu.vector_load %arg7[%get3A_1005, %get3A_1006, %get3A_1007] {strides = array<i32>} : memref<2x832x64xf32, #tpu.memory_space<vmem>>, vector<1x1x16xf32>,
      %get3A_1009 = vector.shape_cast %get3A_1008 : vector<1x1x16xf32> to vector<16xf32>
      %add3A_1010 = arith.addf %add3A_974, %get3A_1009 : vector<16xf32>
      %add3A_1011 = arith.constant 16 : i32
      %add3A_1012 = arith.addi %mul3A_447, %add3A_1011 : i32
      %get3A_1013 = arith.constant 1 : i32
      %get3A_1014 = arith.index_cast %get3A_1013 : i32 to index
      %get3A_1015 = arith.index_cast %add3A_1012 : i32 to index
      %get3A_1016 = arith.constant 0 : index
      %get3A_1017 = tpu.vector_load %arg7[%get3A_1014, %get3A_1015, %get3A_1016] {strides = array<i32>} : memref<2x832x64xf32, #tpu.memory_space<vmem>>, vector<1x1x16xf32>,
      %get3A_1018 = vector.shape_cast %get3A_1017 : vector<1x1x16xf32> to vector<16xf32>
      %add3A_1019 = arith.addf %add3A_983, %get3A_1018 : vector<16xf32>
      %add3A_1020 = arith.constant 16 : i32
      %add3A_1021 = arith.addi %mul3A_447, %add3A_1020 : i32
      %get3A_1022 = arith.constant 1 : i32
      %get3A_1023 = arith.index_cast %get3A_1022 : i32 to index
      %get3A_1024 = arith.index_cast %add3A_1021 : i32 to index
      %get3A_1025 = arith.constant 16 : index
      %get3A_1026 = tpu.vector_load %arg7[%get3A_1023, %get3A_1024, %get3A_1025] {strides = array<i32>} : memref<2x832x64xf32, #tpu.memory_space<vmem>>, vector<1x1x16xf32>,
      %get3A_1027 = vector.shape_cast %get3A_1026 : vector<1x1x16xf32> to vector<16xf32>
      %add3A_1028 = arith.addf %add3A_992, %get3A_1027 : vector<16xf32>
      %add3A_1029 = arith.constant 16 : i32
      %add3A_1030 = arith.addi %mul3A_447, %add3A_1029 : i32
      %get3A_1031 = arith.constant 1 : i32
      %get3A_1032 = arith.index_cast %get3A_1031 : i32 to index
      %get3A_1033 = arith.index_cast %add3A_1030 : i32 to index
      %get3A_1034 = arith.constant 32 : index
      %get3A_1035 = tpu.vector_load %arg7[%get3A_1032, %get3A_1033, %get3A_1034] {strides = array<i32>} : memref<2x832x64xf32, #tpu.memory_space<vmem>>, vector<1x1x16xf32>,
      %get3A_1036 = vector.shape_cast %get3A_1035 : vector<1x1x16xf32> to vector<16xf32>
      %add3A_1037 = arith.addf %add3A_1001, %get3A_1036 : vector<16xf32>
      %add3A_1038 = arith.constant 16 : i32
      %add3A_1039 = arith.addi %mul3A_447, %add3A_1038 : i32
      %get3A_1040 = arith.constant 1 : i32
      %get3A_1041 = arith.index_cast %get3A_1040 : i32 to index
      %get3A_1042 = arith.index_cast %add3A_1039 : i32 to index
      %get3A_1043 = arith.constant 48 : index
      %get3A_1044 = tpu.vector_load %arg7[%get3A_1041, %get3A_1042, %get3A_1043] {strides = array<i32>} : memref<2x832x64xf32, #tpu.memory_space<vmem>>, vector<1x1x16xf32>,
      %get3A_1045 = vector.shape_cast %get3A_1044 : vector<1x1x16xf32> to vector<16xf32>
      %add3A_1046 = arith.addf %add3A_1010, %get3A_1045 : vector<16xf32>
      %add3A_1047 = arith.constant 17 : i32
      %add3A_1048 = arith.addi %mul3A_447, %add3A_1047 : i32
      %get3A_1049 = arith.constant 1 : i32
      %get3A_1050 = arith.index_cast %get3A_1049 : i32 to index
      %get3A_1051 = arith.index_cast %add3A_1048 : i32 to index
      %get3A_1052 = arith.constant 0 : index
      %get3A_1053 = tpu.vector_load %arg7[%get3A_1050, %get3A_1051, %get3A_1052] {strides = array<i32>} : memref<2x832x64xf32, #tpu.memory_space<vmem>>, vector<1x1x16xf32>,
      %get3A_1054 = vector.shape_cast %get3A_1053 : vector<1x1x16xf32> to vector<16xf32>
      %add3A_1055 = arith.addf %add3A_1019, %get3A_1054 : vector<16xf32>
      %add3A_1056 = arith.constant 17 : i32
      %add3A_1057 = arith.addi %mul3A_447, %add3A_1056 : i32
      %get3A_1058 = arith.constant 1 : i32
      %get3A_1059 = arith.index_cast %get3A_1058 : i32 to index
      %get3A_1060 = arith.index_cast %add3A_1057 : i32 to index
      %get3A_1061 = arith.constant 16 : index
      %get3A_1062 = tpu.vector_load %arg7[%get3A_1059, %get3A_1060, %get3A_1061] {strides = array<i32>} : memref<2x832x64xf32, #tpu.memory_space<vmem>>, vector<1x1x16xf32>,
      %get3A_1063 = vector.shape_cast %get3A_1062 : vector<1x1x16xf32> to vector<16xf32>
      %add3A_1064 = arith.addf %add3A_1028, %get3A_1063 : vector<16xf32>
      %add3A_1065 = arith.constant 17 : i32
      %add3A_1066 = arith.addi %mul3A_447, %add3A_1065 : i32
      %get3A_1067 = arith.constant 1 : i32
      %get3A_1068 = arith.index_cast %get3A_1067 : i32 to index
      %get3A_1069 = arith.index_cast %add3A_1066 : i32 to index
      %get3A_1070 = arith.constant 32 : index
      %get3A_1071 = tpu.vector_load %arg7[%get3A_1068, %get3A_1069, %get3A_1070] {strides = array<i32>} : memref<2x832x64xf32, #tpu.memory_space<vmem>>, vector<1x1x16xf32>,
      %get3A_1072 = vector.shape_cast %get3A_1071 : vector<1x1x16xf32> to vector<16xf32>
      %add3A_1073 = arith.addf %add3A_1037, %get3A_1072 : vector<16xf32>
      %add3A_1074 = arith.constant 17 : i32
      %add3A_1075 = arith.addi %mul3A_447, %add3A_1074 : i32
      %get3A_1076 = arith.constant 1 : i32
      %get3A_1077 = arith.index_cast %get3A_1076 : i32 to index
      %get3A_1078 = arith.index_cast %add3A_1075 : i32 to index
      %get3A_1079 = arith.constant 48 : index
      %get3A_1080 = tpu.vector_load %arg7[%get3A_1077, %get3A_1078, %get3A_1079] {strides = array<i32>} : memref<2x832x64xf32, #tpu.memory_space<vmem>>, vector<1x1x16xf32>,
      %get3A_1081 = vector.shape_cast %get3A_1080 : vector<1x1x16xf32> to vector<16xf32>
      %add3A_1082 = arith.addf %add3A_1046, %get3A_1081 : vector<16xf32>
      %add3A_1083 = arith.constant 18 : i32
      %add3A_1084 = arith.addi %mul3A_447, %add3A_1083 : i32
      %get3A_1085 = arith.constant 1 : i32
      %get3A_1086 = arith.index_cast %get3A_1085 : i32 to index
      %get3A_1087 = arith.index_cast %add3A_1084 : i32 to index
      %get3A_1088 = arith.constant 0 : index
      %get3A_1089 = tpu.vector_load %arg7[%get3A_1086, %get3A_1087, %get3A_1088] {strides = array<i32>} : memref<2x832x64xf32, #tpu.memory_space<vmem>>, vector<1x1x16xf32>,
      %get3A_1090 = vector.shape_cast %get3A_1089 : vector<1x1x16xf32> to vector<16xf32>
      %add3A_1091 = arith.addf %add3A_1055, %get3A_1090 : vector<16xf32>
      %add3A_1092 = arith.constant 18 : i32
      %add3A_1093 = arith.addi %mul3A_447, %add3A_1092 : i32
      %get3A_1094 = arith.constant 1 : i32
      %get3A_1095 = arith.index_cast %get3A_1094 : i32 to index
      %get3A_1096 = arith.index_cast %add3A_1093 : i32 to index
      %get3A_1097 = arith.constant 16 : index
      %get3A_1098 = tpu.vector_load %arg7[%get3A_1095, %get3A_1096, %get3A_1097] {strides = array<i32>} : memref<2x832x64xf32, #tpu.memory_space<vmem>>, vector<1x1x16xf32>,
      %get3A_1099 = vector.shape_cast %get3A_1098 : vector<1x1x16xf32> to vector<16xf32>
      %add3A_1100 = arith.addf %add3A_1064, %get3A_1099 : vector<16xf32>
      %add3A_1101 = arith.constant 18 : i32
      %add3A_1102 = arith.addi %mul3A_447, %add3A_1101 : i32
      %get3A_1103 = arith.constant 1 : i32
      %get3A_1104 = arith.index_cast %get3A_1103 : i32 to index
      %get3A_1105 = arith.index_cast %add3A_1102 : i32 to index
      %get3A_1106 = arith.constant 32 : index
      %get3A_1107 = tpu.vector_load %arg7[%get3A_1104, %get3A_1105, %get3A_1106] {strides = array<i32>} : memref<2x832x64xf32, #tpu.memory_space<vmem>>, vector<1x1x16xf32>,
      %get3A_1108 = vector.shape_cast %get3A_1107 : vector<1x1x16xf32> to vector<16xf32>
      %add3A_1109 = arith.addf %add3A_1073, %get3A_1108 : vector<16xf32>
      %add3A_1110 = arith.constant 18 : i32
      %add3A_1111 = arith.addi %mul3A_447, %add3A_1110 : i32
      %get3A_1112 = arith.constant 1 : i32
      %get3A_1113 = arith.index_cast %get3A_1112 : i32 to index
      %get3A_1114 = arith.index_cast %add3A_1111 : i32 to index
      %get3A_1115 = arith.constant 48 : index
      %get3A_1116 = tpu.vector_load %arg7[%get3A_1113, %get3A_1114, %get3A_1115] {strides = array<i32>} : memref<2x832x64xf32, #tpu.memory_space<vmem>>, vector<1x1x16xf32>,
      %get3A_1117 = vector.shape_cast %get3A_1116 : vector<1x1x16xf32> to vector<16xf32>
      %add3A_1118 = arith.addf %add3A_1082, %get3A_1117 : vector<16xf32>
      %add3A_1119 = arith.constant 19 : i32
      %add3A_1120 = arith.addi %mul3A_447, %add3A_1119 : i32
      %get3A_1121 = arith.constant 1 : i32
      %get3A_1122 = arith.index_cast %get3A_1121 : i32 to index
      %get3A_1123 = arith.index_cast %add3A_1120 : i32 to index
      %get3A_1124 = arith.constant 0 : index
      %get3A_1125 = tpu.vector_load %arg7[%get3A_1122, %get3A_1123, %get3A_1124] {strides = array<i32>} : memref<2x832x64xf32, #tpu.memory_space<vmem>>, vector<1x1x16xf32>,
      %get3A_1126 = vector.shape_cast %get3A_1125 : vector<1x1x16xf32> to vector<16xf32>
      %add3A_1127 = arith.addf %add3A_1091, %get3A_1126 : vector<16xf32>
      %add3A_1128 = arith.constant 19 : i32
      %add3A_1129 = arith.addi %mul3A_447, %add3A_1128 : i32
      %get3A_1130 = arith.constant 1 : i32
      %get3A_1131 = arith.index_cast %get3A_1130 : i32 to index
      %get3A_1132 = arith.index_cast %add3A_1129 : i32 to index
      %get3A_1133 = arith.constant 16 : index
      %get3A_1134 = tpu.vector_load %arg7[%get3A_1131, %get3A_1132, %get3A_1133] {strides = array<i32>} : memref<2x832x64xf32, #tpu.memory_space<vmem>>, vector<1x1x16xf32>,
      %get3A_1135 = vector.shape_cast %get3A_1134 : vector<1x1x16xf32> to vector<16xf32>
      %add3A_1136 = arith.addf %add3A_1100, %get3A_1135 : vector<16xf32>
      %add3A_1137 = arith.constant 19 : i32
      %add3A_1138 = arith.addi %mul3A_447, %add3A_1137 : i32
      %get3A_1139 = arith.constant 1 : i32
      %get3A_1140 = arith.index_cast %get3A_1139 : i32 to index
      %get3A_1141 = arith.index_cast %add3A_1138 : i32 to index
      %get3A_1142 = arith.constant 32 : index
      %get3A_1143 = tpu.vector_load %arg7[%get3A_1140, %get3A_1141, %get3A_1142] {strides = array<i32>} : memref<2x832x64xf32, #tpu.memory_space<vmem>>, vector<1x1x16xf32>,
      %get3A_1144 = vector.shape_cast %get3A_1143 : vector<1x1x16xf32> to vector<16xf32>
      %add3A_1145 = arith.addf %add3A_1109, %get3A_1144 : vector<16xf32>
      %add3A_1146 = arith.constant 19 : i32
      %add3A_1147 = arith.addi %mul3A_447, %add3A_1146 : i32
      %get3A_1148 = arith.constant 1 : i32
      %get3A_1149 = arith.index_cast %get3A_1148 : i32 to index
      %get3A_1150 = arith.index_cast %add3A_1147 : i32 to index
      %get3A_1151 = arith.constant 48 : index
      %get3A_1152 = tpu.vector_load %arg7[%get3A_1149, %get3A_1150, %get3A_1151] {strides = array<i32>} : memref<2x832x64xf32, #tpu.memory_space<vmem>>, vector<1x1x16xf32>,
      %get3A_1153 = vector.shape_cast %get3A_1152 : vector<1x1x16xf32> to vector<16xf32>
      %add3A_1154 = arith.addf %add3A_1118, %get3A_1153 : vector<16xf32>
      %add3A_1155 = arith.constant 20 : i32
      %add3A_1156 = arith.addi %mul3A_447, %add3A_1155 : i32
      %get3A_1157 = arith.constant 1 : i32
      %get3A_1158 = arith.index_cast %get3A_1157 : i32 to index
      %get3A_1159 = arith.index_cast %add3A_1156 : i32 to index
      %get3A_1160 = arith.constant 0 : index
      %get3A_1161 = tpu.vector_load %arg7[%get3A_1158, %get3A_1159, %get3A_1160] {strides = array<i32>} : memref<2x832x64xf32, #tpu.memory_space<vmem>>, vector<1x1x16xf32>,
      %get3A_1162 = vector.shape_cast %get3A_1161 : vector<1x1x16xf32> to vector<16xf32>
      %add3A_1163 = arith.addf %add3A_1127, %get3A_1162 : vector<16xf32>
      %add3A_1164 = arith.constant 20 : i32
      %add3A_1165 = arith.addi %mul3A_447, %add3A_1164 : i32
      %get3A_1166 = arith.constant 1 : i32
      %get3A_1167 = arith.index_cast %get3A_1166 : i32 to index
      %get3A_1168 = arith.index_cast %add3A_1165 : i32 to index
      %get3A_1169 = arith.constant 16 : index
      %get3A_1170 = tpu.vector_load %arg7[%get3A_1167, %get3A_1168, %get3A_1169] {strides = array<i32>} : memref<2x832x64xf32, #tpu.memory_space<vmem>>, vector<1x1x16xf32>,
      %get3A_1171 = vector.shape_cast %get3A_1170 : vector<1x1x16xf32> to vector<16xf32>
      %add3A_1172 = arith.addf %add3A_1136, %get3A_1171 : vector<16xf32>
      %add3A_1173 = arith.constant 20 : i32
      %add3A_1174 = arith.addi %mul3A_447, %add3A_1173 : i32
      %get3A_1175 = arith.constant 1 : i32
      %get3A_1176 = arith.index_cast %get3A_1175 : i32 to index
      %get3A_1177 = arith.index_cast %add3A_1174 : i32 to index
      %get3A_1178 = arith.constant 32 : index
      %get3A_1179 = tpu.vector_load %arg7[%get3A_1176, %get3A_1177, %get3A_1178] {strides = array<i32>} : memref<2x832x64xf32, #tpu.memory_space<vmem>>, vector<1x1x16xf32>,
      %get3A_1180 = vector.shape_cast %get3A_1179 : vector<1x1x16xf32> to vector<16xf32>
      %add3A_1181 = arith.addf %add3A_1145, %get3A_1180 : vector<16xf32>
      %add3A_1182 = arith.constant 20 : i32
      %add3A_1183 = arith.addi %mul3A_447, %add3A_1182 : i32
      %get3A_1184 = arith.constant 1 : i32
      %get3A_1185 = arith.index_cast %get3A_1184 : i32 to index
      %get3A_1186 = arith.index_cast %add3A_1183 : i32 to index
      %get3A_1187 = arith.constant 48 : index
      %get3A_1188 = tpu.vector_load %arg7[%get3A_1185, %get3A_1186, %get3A_1187] {strides = array<i32>} : memref<2x832x64xf32, #tpu.memory_space<vmem>>, vector<1x1x16xf32>,
      %get3A_1189 = vector.shape_cast %get3A_1188 : vector<1x1x16xf32> to vector<16xf32>
      %add3A_1190 = arith.addf %add3A_1154, %get3A_1189 : vector<16xf32>
      %add3A_1191 = arith.constant 21 : i32
      %add3A_1192 = arith.addi %mul3A_447, %add3A_1191 : i32
      %get3A_1193 = arith.constant 1 : i32
      %get3A_1194 = arith.index_cast %get3A_1193 : i32 to index
      %get3A_1195 = arith.index_cast %add3A_1192 : i32 to index
      %get3A_1196 = arith.constant 0 : index
      %get3A_1197 = tpu.vector_load %arg7[%get3A_1194, %get3A_1195, %get3A_1196] {strides = array<i32>} : memref<2x832x64xf32, #tpu.memory_space<vmem>>, vector<1x1x16xf32>,
      %get3A_1198 = vector.shape_cast %get3A_1197 : vector<1x1x16xf32> to vector<16xf32>
      %add3A_1199 = arith.addf %add3A_1163, %get3A_1198 : vector<16xf32>
      %add3A_1200 = arith.constant 21 : i32
      %add3A_1201 = arith.addi %mul3A_447, %add3A_1200 : i32
      %get3A_1202 = arith.constant 1 : i32
      %get3A_1203 = arith.index_cast %get3A_1202 : i32 to index
      %get3A_1204 = arith.index_cast %add3A_1201 : i32 to index
      %get3A_1205 = arith.constant 16 : index
      %get3A_1206 = tpu.vector_load %arg7[%get3A_1203, %get3A_1204, %get3A_1205] {strides = array<i32>} : memref<2x832x64xf32, #tpu.memory_space<vmem>>, vector<1x1x16xf32>,
      %get3A_1207 = vector.shape_cast %get3A_1206 : vector<1x1x16xf32> to vector<16xf32>
      %add3A_1208 = arith.addf %add3A_1172, %get3A_1207 : vector<16xf32>
      %add3A_1209 = arith.constant 21 : i32
      %add3A_1210 = arith.addi %mul3A_447, %add3A_1209 : i32
      %get3A_1211 = arith.constant 1 : i32
      %get3A_1212 = arith.index_cast %get3A_1211 : i32 to index
      %get3A_1213 = arith.index_cast %add3A_1210 : i32 to index
      %get3A_1214 = arith.constant 32 : index
      %get3A_1215 = tpu.vector_load %arg7[%get3A_1212, %get3A_1213, %get3A_1214] {strides = array<i32>} : memref<2x832x64xf32, #tpu.memory_space<vmem>>, vector<1x1x16xf32>,
      %get3A_1216 = vector.shape_cast %get3A_1215 : vector<1x1x16xf32> to vector<16xf32>
      %add3A_1217 = arith.addf %add3A_1181, %get3A_1216 : vector<16xf32>
      %add3A_1218 = arith.constant 21 : i32
      %add3A_1219 = arith.addi %mul3A_447, %add3A_1218 : i32
      %get3A_1220 = arith.constant 1 : i32
      %get3A_1221 = arith.index_cast %get3A_1220 : i32 to index
      %get3A_1222 = arith.index_cast %add3A_1219 : i32 to index
      %get3A_1223 = arith.constant 48 : index
      %get3A_1224 = tpu.vector_load %arg7[%get3A_1221, %get3A_1222, %get3A_1223] {strides = array<i32>} : memref<2x832x64xf32, #tpu.memory_space<vmem>>, vector<1x1x16xf32>,
      %get3A_1225 = vector.shape_cast %get3A_1224 : vector<1x1x16xf32> to vector<16xf32>
      %add3A_1226 = arith.addf %add3A_1190, %get3A_1225 : vector<16xf32>
      %add3A_1227 = arith.constant 22 : i32
      %add3A_1228 = arith.addi %mul3A_447, %add3A_1227 : i32
      %get3A_1229 = arith.constant 1 : i32
      %get3A_1230 = arith.index_cast %get3A_1229 : i32 to index
      %get3A_1231 = arith.index_cast %add3A_1228 : i32 to index
      %get3A_1232 = arith.constant 0 : index
      %get3A_1233 = tpu.vector_load %arg7[%get3A_1230, %get3A_1231, %get3A_1232] {strides = array<i32>} : memref<2x832x64xf32, #tpu.memory_space<vmem>>, vector<1x1x16xf32>,
      %get3A_1234 = vector.shape_cast %get3A_1233 : vector<1x1x16xf32> to vector<16xf32>
      %add3A_1235 = arith.addf %add3A_1199, %get3A_1234 : vector<16xf32>
      %add3A_1236 = arith.constant 22 : i32
      %add3A_1237 = arith.addi %mul3A_447, %add3A_1236 : i32
      %get3A_1238 = arith.constant 1 : i32
      %get3A_1239 = arith.index_cast %get3A_1238 : i32 to index
      %get3A_1240 = arith.index_cast %add3A_1237 : i32 to index
      %get3A_1241 = arith.constant 16 : index
      %get3A_1242 = tpu.vector_load %arg7[%get3A_1239, %get3A_1240, %get3A_1241] {strides = array<i32>} : memref<2x832x64xf32, #tpu.memory_space<vmem>>, vector<1x1x16xf32>,
      %get3A_1243 = vector.shape_cast %get3A_1242 : vector<1x1x16xf32> to vector<16xf32>
      %add3A_1244 = arith.addf %add3A_1208, %get3A_1243 : vector<16xf32>
      %add3A_1245 = arith.constant 22 : i32
      %add3A_1246 = arith.addi %mul3A_447, %add3A_1245 : i32
      %get3A_1247 = arith.constant 1 : i32
      %get3A_1248 = arith.index_cast %get3A_1247 : i32 to index
      %get3A_1249 = arith.index_cast %add3A_1246 : i32 to index
      %get3A_1250 = arith.constant 32 : index
      %get3A_1251 = tpu.vector_load %arg7[%get3A_1248, %get3A_1249, %get3A_1250] {strides = array<i32>} : memref<2x832x64xf32, #tpu.memory_space<vmem>>, vector<1x1x16xf32>,
      %get3A_1252 = vector.shape_cast %get3A_1251 : vector<1x1x16xf32> to vector<16xf32>
      %add3A_1253 = arith.addf %add3A_1217, %get3A_1252 : vector<16xf32>
      %add3A_1254 = arith.constant 22 : i32
      %add3A_1255 = arith.addi %mul3A_447, %add3A_1254 : i32
      %get3A_1256 = arith.constant 1 : i32
      %get3A_1257 = arith.index_cast %get3A_1256 : i32 to index
      %get3A_1258 = arith.index_cast %add3A_1255 : i32 to index
      %get3A_1259 = arith.constant 48 : index
      %get3A_1260 = tpu.vector_load %arg7[%get3A_1257, %get3A_1258, %get3A_1259] {strides = array<i32>} : memref<2x832x64xf32, #tpu.memory_space<vmem>>, vector<1x1x16xf32>,
      %get3A_1261 = vector.shape_cast %get3A_1260 : vector<1x1x16xf32> to vector<16xf32>
      %add3A_1262 = arith.addf %add3A_1226, %get3A_1261 : vector<16xf32>
      %add3A_1263 = arith.constant 23 : i32
      %add3A_1264 = arith.addi %mul3A_447, %add3A_1263 : i32
      %get3A_1265 = arith.constant 1 : i32
      %get3A_1266 = arith.index_cast %get3A_1265 : i32 to index
      %get3A_1267 = arith.index_cast %add3A_1264 : i32 to index
      %get3A_1268 = arith.constant 0 : index
      %get3A_1269 = tpu.vector_load %arg7[%get3A_1266, %get3A_1267, %get3A_1268] {strides = array<i32>} : memref<2x832x64xf32, #tpu.memory_space<vmem>>, vector<1x1x16xf32>,
      %get3A_1270 = vector.shape_cast %get3A_1269 : vector<1x1x16xf32> to vector<16xf32>
      %add3A_1271 = arith.addf %add3A_1235, %get3A_1270 : vector<16xf32>
      %add3A_1272 = arith.constant 23 : i32
      %add3A_1273 = arith.addi %mul3A_447, %add3A_1272 : i32
      %get3A_1274 = arith.constant 1 : i32
      %get3A_1275 = arith.index_cast %get3A_1274 : i32 to index
      %get3A_1276 = arith.index_cast %add3A_1273 : i32 to index
      %get3A_1277 = arith.constant 16 : index
      %get3A_1278 = tpu.vector_load %arg7[%get3A_1275, %get3A_1276, %get3A_1277] {strides = array<i32>} : memref<2x832x64xf32, #tpu.memory_space<vmem>>, vector<1x1x16xf32>,
      %get3A_1279 = vector.shape_cast %get3A_1278 : vector<1x1x16xf32> to vector<16xf32>
      %add3A_1280 = arith.addf %add3A_1244, %get3A_1279 : vector<16xf32>
      %add3A_1281 = arith.constant 23 : i32
      %add3A_1282 = arith.addi %mul3A_447, %add3A_1281 : i32
      %get3A_1283 = arith.constant 1 : i32
      %get3A_1284 = arith.index_cast %get3A_1283 : i32 to index
      %get3A_1285 = arith.index_cast %add3A_1282 : i32 to index
      %get3A_1286 = arith.constant 32 : index
      %get3A_1287 = tpu.vector_load %arg7[%get3A_1284, %get3A_1285, %get3A_1286] {strides = array<i32>} : memref<2x832x64xf32, #tpu.memory_space<vmem>>, vector<1x1x16xf32>,
      %get3A_1288 = vector.shape_cast %get3A_1287 : vector<1x1x16xf32> to vector<16xf32>
      %add3A_1289 = arith.addf %add3A_1253, %get3A_1288 : vector<16xf32>
      %add3A_1290 = arith.constant 23 : i32
      %add3A_1291 = arith.addi %mul3A_447, %add3A_1290 : i32
      %get3A_1292 = arith.constant 1 : i32
      %get3A_1293 = arith.index_cast %get3A_1292 : i32 to index
      %get3A_1294 = arith.index_cast %add3A_1291 : i32 to index
      %get3A_1295 = arith.constant 48 : index
      %get3A_1296 = tpu.vector_load %arg7[%get3A_1293, %get3A_1294, %get3A_1295] {strides = array<i32>} : memref<2x832x64xf32, #tpu.memory_space<vmem>>, vector<1x1x16xf32>,
      %get3A_1297 = vector.shape_cast %get3A_1296 : vector<1x1x16xf32> to vector<16xf32>
      %add3A_1298 = arith.addf %add3A_1262, %get3A_1297 : vector<16xf32>
      %add3A_1299 = arith.constant 24 : i32
      %add3A_1300 = arith.addi %mul3A_447, %add3A_1299 : i32
      %get3A_1301 = arith.constant 1 : i32
      %get3A_1302 = arith.index_cast %get3A_1301 : i32 to index
      %get3A_1303 = arith.index_cast %add3A_1300 : i32 to index
      %get3A_1304 = arith.constant 0 : index
      %get3A_1305 = tpu.vector_load %arg7[%get3A_1302, %get3A_1303, %get3A_1304] {strides = array<i32>} : memref<2x832x64xf32, #tpu.memory_space<vmem>>, vector<1x1x16xf32>,
      %get3A_1306 = vector.shape_cast %get3A_1305 : vector<1x1x16xf32> to vector<16xf32>
      %add3A_1307 = arith.addf %add3A_1271, %get3A_1306 : vector<16xf32>
      %add3A_1308 = arith.constant 24 : i32
      %add3A_1309 = arith.addi %mul3A_447, %add3A_1308 : i32
      %get3A_1310 = arith.constant 1 : i32
      %get3A_1311 = arith.index_cast %get3A_1310 : i32 to index
      %get3A_1312 = arith.index_cast %add3A_1309 : i32 to index
      %get3A_1313 = arith.constant 16 : index
      %get3A_1314 = tpu.vector_load %arg7[%get3A_1311, %get3A_1312, %get3A_1313] {strides = array<i32>} : memref<2x832x64xf32, #tpu.memory_space<vmem>>, vector<1x1x16xf32>,
      %get3A_1315 = vector.shape_cast %get3A_1314 : vector<1x1x16xf32> to vector<16xf32>
      %add3A_1316 = arith.addf %add3A_1280, %get3A_1315 : vector<16xf32>
      %add3A_1317 = arith.constant 24 : i32
      %add3A_1318 = arith.addi %mul3A_447, %add3A_1317 : i32
      %get3A_1319 = arith.constant 1 : i32
      %get3A_1320 = arith.index_cast %get3A_1319 : i32 to index
      %get3A_1321 = arith.index_cast %add3A_1318 : i32 to index
      %get3A_1322 = arith.constant 32 : index
      %get3A_1323 = tpu.vector_load %arg7[%get3A_1320, %get3A_1321, %get3A_1322] {strides = array<i32>} : memref<2x832x64xf32, #tpu.memory_space<vmem>>, vector<1x1x16xf32>,
      %get3A_1324 = vector.shape_cast %get3A_1323 : vector<1x1x16xf32> to vector<16xf32>
      %add3A_1325 = arith.addf %add3A_1289, %get3A_1324 : vector<16xf32>
      %add3A_1326 = arith.constant 24 : i32
      %add3A_1327 = arith.addi %mul3A_447, %add3A_1326 : i32
      %get3A_1328 = arith.constant 1 : i32
      %get3A_1329 = arith.index_cast %get3A_1328 : i32 to index
      %get3A_1330 = arith.index_cast %add3A_1327 : i32 to index
      %get3A_1331 = arith.constant 48 : index
      %get3A_1332 = tpu.vector_load %arg7[%get3A_1329, %get3A_1330, %get3A_1331] {strides = array<i32>} : memref<2x832x64xf32, #tpu.memory_space<vmem>>, vector<1x1x16xf32>,
      %get3A_1333 = vector.shape_cast %get3A_1332 : vector<1x1x16xf32> to vector<16xf32>
      %add3A_1334 = arith.addf %add3A_1298, %get3A_1333 : vector<16xf32>
      %add3A_1335 = arith.constant 25 : i32
      %add3A_1336 = arith.addi %mul3A_447, %add3A_1335 : i32
      %get3A_1337 = arith.constant 1 : i32
      %get3A_1338 = arith.index_cast %get3A_1337 : i32 to index
      %get3A_1339 = arith.index_cast %add3A_1336 : i32 to index
      %get3A_1340 = arith.constant 0 : index
      %get3A_1341 = tpu.vector_load %arg7[%get3A_1338, %get3A_1339, %get3A_1340] {strides = array<i32>} : memref<2x832x64xf32, #tpu.memory_space<vmem>>, vector<1x1x16xf32>,
      %get3A_1342 = vector.shape_cast %get3A_1341 : vector<1x1x16xf32> to vector<16xf32>
      %add3A_1343 = arith.addf %add3A_1307, %get3A_1342 : vector<16xf32>
      %add3A_1344 = arith.constant 25 : i32
      %add3A_1345 = arith.addi %mul3A_447, %add3A_1344 : i32
      %get3A_1346 = arith.constant 1 : i32
      %get3A_1347 = arith.index_cast %get3A_1346 : i32 to index
      %get3A_1348 = arith.index_cast %add3A_1345 : i32 to index
      %get3A_1349 = arith.constant 16 : index
      %get3A_1350 = tpu.vector_load %arg7[%get3A_1347, %get3A_1348, %get3A_1349] {strides = array<i32>} : memref<2x832x64xf32, #tpu.memory_space<vmem>>, vector<1x1x16xf32>,
      %get3A_1351 = vector.shape_cast %get3A_1350 : vector<1x1x16xf32> to vector<16xf32>
      %add3A_1352 = arith.addf %add3A_1316, %get3A_1351 : vector<16xf32>
      %add3A_1353 = arith.constant 25 : i32
      %add3A_1354 = arith.addi %mul3A_447, %add3A_1353 : i32
      %get3A_1355 = arith.constant 1 : i32
      %get3A_1356 = arith.index_cast %get3A_1355 : i32 to index
      %get3A_1357 = arith.index_cast %add3A_1354 : i32 to index
      %get3A_1358 = arith.constant 32 : index
      %get3A_1359 = tpu.vector_load %arg7[%get3A_1356, %get3A_1357, %get3A_1358] {strides = array<i32>} : memref<2x832x64xf32, #tpu.memory_space<vmem>>, vector<1x1x16xf32>,
      %get3A_1360 = vector.shape_cast %get3A_1359 : vector<1x1x16xf32> to vector<16xf32>
      %add3A_1361 = arith.addf %add3A_1325, %get3A_1360 : vector<16xf32>
      %add3A_1362 = arith.constant 25 : i32
      %add3A_1363 = arith.addi %mul3A_447, %add3A_1362 : i32
      %get3A_1364 = arith.constant 1 : i32
      %get3A_1365 = arith.index_cast %get3A_1364 : i32 to index
      %get3A_1366 = arith.index_cast %add3A_1363 : i32 to index
      %get3A_1367 = arith.constant 48 : index
      %get3A_1368 = tpu.vector_load %arg7[%get3A_1365, %get3A_1366, %get3A_1367] {strides = array<i32>} : memref<2x832x64xf32, #tpu.memory_space<vmem>>, vector<1x1x16xf32>,
      %get3A_1369 = vector.shape_cast %get3A_1368 : vector<1x1x16xf32> to vector<16xf32>
      %add3A_1370 = arith.addf %add3A_1334, %get3A_1369 : vector<16xf32>
      %swap3A = arith.index_cast %scan3A_445 : i32 to index
      %swap3A_1371 = arith.constant 0 : index
      %swap3A_1372 = tpu.vector_load %arg9[%swap3A, %swap3A_1371] {strides = array<i32>} : memref<32x80xf32, #tpu.memory_space<vmem>>, vector<1x16xf32>,
      %swap3A_1373 = vector.shape_cast %swap3A_1372 : vector<1x16xf32> to vector<16xf32>
      %swap3A_1374 = vector.shape_cast %add3A_1343 : vector<16xf32> to vector<1x16xf32>
      tpu.vector_store %arg9[%swap3A, %swap3A_1371], %swap3A_1374 {strides = array<i32>} : memref<32x80xf32, #tpu.memory_space<vmem>>, vector<1x16xf32>,
      %swap3A_1375 = arith.index_cast %scan3A_445 : i32 to index
      %swap3A_1376 = arith.constant 16 : index
      %swap3A_1377 = tpu.vector_load %arg9[%swap3A_1375, %swap3A_1376] {strides = array<i32>} : memref<32x80xf32, #tpu.memory_space<vmem>>, vector<1x16xf32>,
      %swap3A_1378 = vector.shape_cast %swap3A_1377 : vector<1x16xf32> to vector<16xf32>
      %swap3A_1379 = vector.shape_cast %add3A_1352 : vector<16xf32> to vector<1x16xf32>
      tpu.vector_store %arg9[%swap3A_1375, %swap3A_1376], %swap3A_1379 {strides = array<i32>} : memref<32x80xf32, #tpu.memory_space<vmem>>, vector<1x16xf32>,
      %swap3A_1380 = arith.index_cast %scan3A_445 : i32 to index
      %swap3A_1381 = arith.constant 32 : index
      %swap3A_1382 = tpu.vector_load %arg9[%swap3A_1380, %swap3A_1381] {strides = array<i32>} : memref<32x80xf32, #tpu.memory_space<vmem>>, vector<1x16xf32>,
      %swap3A_1383 = vector.shape_cast %swap3A_1382 : vector<1x16xf32> to vector<16xf32>
      %swap3A_1384 = vector.shape_cast %add3A_1361 : vector<16xf32> to vector<1x16xf32>
      tpu.vector_store %arg9[%swap3A_1380, %swap3A_1381], %swap3A_1384 {strides = array<i32>} : memref<32x80xf32, #tpu.memory_space<vmem>>, vector<1x16xf32>,
      %swap3A_1385 = arith.index_cast %scan3A_445 : i32 to index
      %swap3A_1386 = arith.constant 48 : index
      %swap3A_1387 = tpu.vector_load %arg9[%swap3A_1385, %swap3A_1386] {strides = array<i32>} : memref<32x80xf32, #tpu.memory_space<vmem>>, vector<1x16xf32>,
      %swap3A_1388 = vector.shape_cast %swap3A_1387 : vector<1x16xf32> to vector<16xf32>
      %swap3A_1389 = vector.shape_cast %add3A_1370 : vector<16xf32> to vector<1x16xf32>
      tpu.vector_store %arg9[%swap3A_1385, %swap3A_1386], %swap3A_1389 {strides = array<i32>} : memref<32x80xf32, #tpu.memory_space<vmem>>, vector<1x16xf32>,
      %get3A_1390 = arith.index_cast %scan3A_445 : i32 to index
      %get3A_1391 = arith.constant 0 : index
      %get3A_1392 = tpu.vector_load %arg8[%get3A_1390, %get3A_1391] {strides = array<i32>} : memref<32x16xf32, #tpu.memory_space<vmem>>, vector<1x16xf32>,
      %get3A_1393 = vector.shape_cast %get3A_1392 : vector<1x16xf32> to vector<16xf32>
      %swap3A_1394 = arith.index_cast %scan3A_445 : i32 to index
      %swap3A_1395 = arith.constant 64 : index
      %swap3A_1396 = tpu.vector_load %arg9[%swap3A_1394, %swap3A_1395] {strides = array<i32>} : memref<32x80xf32, #tpu.memory_space<vmem>>, vector<1x16xf32>,
      %swap3A_1397 = vector.shape_cast %swap3A_1396 : vector<1x16xf32> to vector<16xf32>
      %swap3A_1398 = vector.shape_cast %get3A_1393 : vector<16xf32> to vector<1x16xf32>
      tpu.vector_store %arg9[%swap3A_1394, %swap3A_1395], %swap3A_1398 {strides = array<i32>} : memref<32x80xf32, #tpu.memory_space<vmem>>, vector<1x16xf32>,
    }
    %scan3A_444 = arith.constant 32 : i32
    "tpu.region"() ({
      %run_scoped3A_445 = tpu.sem_alloc : memref<!tpu.dma_semaphore, #tpu.memory_space<semaphore_mem>>
      %dma_start3A_446 = arith.constant 0 : i32
      %dma_start3A_447 = tpu.memref_slice %arg5[%add3A_438, %dma_start3A_446] : memref<51200x80xf32, #tpu.memory_space<hbm>> -> memref<32x80xf32, #tpu.memory_space<hbm>>
      %dma_start3A_448 = arith.constant 0 : i32
      %dma_start3A_449 = tpu.memref_slice %arg5[%add3A_438, %dma_start3A_448] : memref<51200x80xf32, #tpu.memory_space<hbm>> -> memref<32x80xf32, #tpu.memory_space<hbm>>
      tpu.enqueue_dma source(%arg9 : memref<32x80xf32, #tpu.memory_space<vmem>>) target(%dma_start3A_449 : memref<32x80xf32, #tpu.memory_space<hbm>>) target_semaphore(%run_scoped3A_445 : memref<!tpu.dma_semaphore, #tpu.memory_space<semaphore_mem>>)
      %dma_wait3A_450 = arith.constant 0 : i32
      %dma_wait3A_451 = tpu.memref_slice %arg5[%add3A_438, %dma_wait3A_450] : memref<51200x80xf32, #tpu.memory_space<hbm>> -> memref<32x80xf32, #tpu.memory_space<hbm>>
      %dma_wait3A_452 = arith.constant 0 : i32
      %dma_wait3A_453 = tpu.memref_slice %arg5[%add3A_438, %dma_wait3A_452] : memref<51200x80xf32, #tpu.memory_space<hbm>> -> memref<32x80xf32, #tpu.memory_space<hbm>>
      tpu.wait_dma2 semaphore(%run_scoped3A_445 : memref<!tpu.dma_semaphore, #tpu.memory_space<semaphore_mem>>) src(%arg9 : memref<32x80xf32, #tpu.memory_space<vmem>>) dst(%dma_wait3A_453 : memref<32x80xf32, #tpu.memory_space<hbm>>)
      tpu.yield
    }) : () -> ()
    return
  }
}

module attributes {stable_mosaic.version = 14 : i64} {
  func.func @_relayout_body(%arg0: i32, %arg1: memref<64x16384xf32, #tpu.memory_space<vmem>>, %arg2: memref<64x16384xf32, #tpu.memory_space<vmem>>, %arg3: memref<16384x128xf32, #tpu.memory_space<vmem>>) attributes {dimension_semantics = [#tpu.dimension_semantics<arbitrary>], iteration_bounds = array<i64: 31>, scalar_prefetch = 0 : i64, scratch_operands = 0 : i64, tpu.core_type = #tpu.core_type<tc>, window_params = [{transform_indices = @transform_0, window_bounds = array<i64: 64, 16384>}, {transform_indices = @transform_1, window_bounds = array<i64: 64, 16384>}, {transform_indices = @transform_2, window_bounds = array<i64: 16384, 128>}]} {
    %iota3A = tpu.iota {dimensions = array<i32: 0>} : vector<64x64xi32>
    %iota3A_0 = tpu.iota {dimensions = array<i32: 1>} : vector<64x64xi32>
    %eq3A = arith.cmpi eq, %iota3A, %iota3A_0 : vector<64x64xi32>
    %convert_element_type3A = arith.extui %eq3A : vector<64x64xi1> to vector<64x64xi32>
    %convert_element_type3A_1 = arith.sitofp %convert_element_type3A : vector<64x64xi32> to vector<64x64xf32>
    %get3A = arith.constant 0 : index
    %get3A_2 = arith.constant 0 : index
    %get3A_3 = vector.load %arg1[%get3A, %get3A_2] : memref<64x16384xf32, #tpu.memory_space<vmem>>, vector<64x16384xf32>
    %dot_general3A = arith.constant dense<0.000000e+00> : vector<16384x64xf32>
    %dot_general3A_4 = tpu.matmul %get3A_3, %convert_element_type3A_1, %dot_general3A {dimension_numbers = #tpu.dot_dimension_numbers<[0], [0], [1], [1], [0, 1, 1, 1], [], []>, transpose_lhs_hint = false} : vector<64x16384xf32>, vector<64x64xf32>, vector<16384x64xf32> -> vector<16384x64xf32>
    %swap3A = arith.constant 0 : index
    %swap3A_5 = arith.constant 0 : index
    %swap3A_6 = vector.load %arg3[%swap3A, %swap3A_5] : memref<16384x128xf32, #tpu.memory_space<vmem>>, vector<16384x64xf32>
    tpu.vector_store %arg3[%swap3A, %swap3A_5], %dot_general3A_4 {strides = array<i32>} : memref<16384x128xf32, #tpu.memory_space<vmem>>, vector<16384x64xf32>,
    %get3A_7 = arith.constant 0 : index
    %get3A_8 = arith.constant 0 : index
    %get3A_9 = vector.load %arg2[%get3A_7, %get3A_8] : memref<64x16384xf32, #tpu.memory_space<vmem>>, vector<64x16384xf32>
    %dot_general3A_10 = arith.constant dense<0.000000e+00> : vector<16384x64xf32>
    %dot_general3A_11 = tpu.matmul %get3A_9, %convert_element_type3A_1, %dot_general3A_10 {dimension_numbers = #tpu.dot_dimension_numbers<[0], [0], [1], [1], [0, 1, 1, 1], [], []>, transpose_lhs_hint = false} : vector<64x16384xf32>, vector<64x64xf32>, vector<16384x64xf32> -> vector<16384x64xf32>
    %swap3A_12 = arith.constant 0 : index
    %swap3A_13 = arith.constant 64 : index
    %swap3A_14 = vector.load %arg3[%swap3A_12, %swap3A_13] : memref<16384x128xf32, #tpu.memory_space<vmem>>, vector<16384x64xf32>
    tpu.vector_store %arg3[%swap3A_12, %swap3A_13], %dot_general3A_11 {strides = array<i32>} : memref<16384x128xf32, #tpu.memory_space<vmem>>, vector<16384x64xf32>,
    return
  }
  func.func @transform_0(%arg0: i32) -> (i32, i32) {
    %mul3A = arith.constant 2 : i32
    %mul3A_0 = arith.muli %mul3A, %arg0 : i32
    %c0_i32 = arith.constant 0 : i32
    %c0_i32_1 = arith.constant 0 : i32
    return %c0_i32, %mul3A_0 : i32, i32
  }
  func.func @transform_1(%arg0: i32) -> (i32, i32) {
    %mul3A = arith.constant 2 : i32
    %mul3A_0 = arith.muli %mul3A, %arg0 : i32
    %add3A = arith.constant 1 : i32
    %add3A_1 = arith.addi %mul3A_0, %add3A : i32
    %c0_i32 = arith.constant 0 : i32
    %c0_i32_2 = arith.constant 0 : i32
    return %c0_i32, %add3A_1 : i32, i32
  }
  func.func @transform_2(%arg0: i32) -> (i32, i32) {
    %c0_i32 = arith.constant 0 : i32
    %c0_i32_0 = arith.constant 0 : i32
    return %arg0, %c0_i32 : i32, i32
  }
}

</mosaic_0001>

<sc_bundles>
// kernel: kernel.4.cloned.1.call-start
scs
__scs_entry_jumppad:
0x0: {  	(pc) =	sbr.rel $0x88, $3  }
0x1: {  	(tag) =	ssettag $0x0;
	lr =	simm.s32 $0x1  }
0x2: {  	[smem:$0x3F97] =	sst lr;
	_ =	strace $0xD0000000  }
0x3: {  	_ = 	snop  }
0x4: {  	_ = 	snop  }
0x5: {  	_ = 	snop  }
0x6: {  	_ = 	snop  }
0x7: {  	_ = 	snop  }
__scs_overlays_trampoline_lowered:
0x8: {  	[smem:$0x3FA6] =	sst s0  }
0x9: {  	[smem:$0x3FA7] =	sst s1  }
0xa: {  	[smem:$0x3FA8] =	sst s2  }
0xb: {  	[smem:$0x3FA9] =	sst s3  }
0xc: {  	[smem:$0x3FAA] =	sst s4  }
0xd: {  	[smem:$0x3FAB] =	sst s5  }
0xe: {  	[smem:$0x3FAC] =	sst s6  }
0xf: {  	[smem:$0x3FAD] =	sst s7  }
0x10: {  	[smem:$0x3FAE] =	sst s8  }
0x11: {  	[smem:$0x3FAF] =	sst s9;
	s0 =	simm.s32 @!p0 $0x0  }
0x12: {  	s1 =	sld [smem:$0x3F95];
	s0 =	simm.s32 @p0 $0x1  }
0x13: {  	[smem:$0x3FB0] =	sst s0;
	s0 =	simm.s32 @!p1 $0x0  }
0x14: {  	s2 =	sld [smem:$0x3F94];
	s0 =	simm.s32 @p1 $0x1  }
0x15: {  	[smem:$0x3FB1] =	sst s0;
	s0 =	simm.s32 @!p2 $0x0  }
0x16: {  	s3 =	sld [smem:$0x3FDB];
	s0 =	simm.s32 @p2 $0x1  }
0x17: {  	s4 =	simm.s32 $0x1BF5;
	[smem:$0x3FB3] =	sst s0  }
0x18: {  	s0 =	sld [smem:$0x3F96];
	_ =	swait.ge [sflag:s4], $0x0  }
0x19: {  	s7 =	sld [smem:$0x3F97]  }
0x1a: {  	s8 =	sadd.s32 $0xFFFFE003, lr  }
0x1b: {  	s9 =	sadd.s32 $0xFFFFFEF7, lr;
	s5 =	simm.s32 $0xFFFFFFFF;
	p2 =	slt.u32 s8, $0xFFFFF086  }
0x1c: {  	p1 =	slt.u32 s9, $0xF7A;
	s5 =	simm.s32 @!p2 $0x0  }
0x1d: {  	s5 =	simm.s32 @p1 $0x1;
	p0 =	seq.s32 s7, s2  }
0x1e: {  	s7 =	smul.u32 @!p0 $0xF7A, s2;
	p2 =	seq.s32 @!p0 s5, $0x0  }
0x1f: {  	s9 =	smul.u32 $0xF7A, s1;
	s8 =	simm.s32 @!p0 $0x1BF5;
	p2 =	por !p2, p0  }
0x20: {  	[sflag:s8] =	ssyncset.s32 @!p0 $0xFFFFF086;
	s6 =	sadd.s32 @!p0 s3, s7;
	s7 =	simm.s32 @!p0 $0x108  }
0x21: {  	s3 =	sadd.s32 s3, s9;
	s6 =	sadd.s32 @!p0 $0x88, s6;
	s7 =	simm.s32 @p2 $0x1082  }
0x22: {  	[simem:s7], [sflag:s8] =	dma.local @!p0 [hbm:s6], $0xF7A  }
0x23: {  	s9 =	sor.u32 $0xD0000000, s2;
	s6 =	simm.s32 $0x108;
	_ =	swait.ge @!p0 [sflag:s8], $0x0  }
0x24: {  	s3 =	sadd.s32 $0x88, s3;
	s6 =	simm.s32 @!p1 $0x1082;
	[sflag:s4] =	ssyncset.s32 $0xFFFFF086  }
0x25: {  	[simem:s6], [sflag:s4] =	dma.local [hbm:s3], $0xF7A  }
0x26: {  	[smem:$0x3F97] =	sst s1;
	(tag) =	ssettag s2;
	_ =	strace s9  }
0x27: {  	s1 =	sld [smem:$0x3FA7]  }
0x28: {  	s2 =	sld [smem:$0x3FA8]  }
0x29: {  	s4 =	sld [smem:$0x3FAA]  }
0x2a: {  	p0 =	seq.s32 s5, $0x0;
	s5 =	sld [smem:$0x3FAB]  }
0x2b: {  	s6 =	sld [smem:$0x3FAC]  }
0x2c: {  	s7 =	sld [smem:$0x3FAD]  }
0x2d: {  	s3 =	simm.s32 $0x108;
	s8 =	sld [smem:$0x3FAE]  }
0x2e: {  	s3 =	simm.s32 @!p0 $0x1082;
	s9 =	sld [smem:$0x3FAF]  }
0x2f: {  	lr =	sadd.s32 s0, s3;
	s0 =	sld [smem:$0x3FA6]  }
0x30: {  	s3 =	sld [smem:$0x3FA9]  }
0x31: {  	[smem:$0x3FB2] =	sst s10  }
0x32: {  	s10 =	sld [smem:$0x3FB0];
	_ =	sdelay $0x3  }
0x33: {  	p0 =	seq.s32 s10, $0x1;
	s10 =	sld [smem:$0x3FB2];
	_ =	sdelay $0x3  }
0x34: {  	[smem:$0x3FB2] =	sst s10  }
0x35: {  	s10 =	sld [smem:$0x3FB1];
	_ =	sdelay $0x3  }
0x36: {  	p1 =	seq.s32 s10, $0x1;
	s10 =	sld [smem:$0x3FB2];
	_ =	sdelay $0x3  }
0x37: {  	[smem:$0x3FB2] =	sst s10  }
0x38: {  	s10 =	sld [smem:$0x3FB3]  }
0x39: {  	_ = 	snop;
	(pc) =	sbr.ind lr, $3  }
0x3a: {  	_ = 	snop  }
0x3b: {  	_ = 	snop  }
0x3c: {  	p2 =	seq.s32 s10, $0x1;
	s10 =	sld [smem:$0x3FB2]  }
0x3d: {  	_ =	shalt  }
0x3e: {  	_ =	shalt  }
0x3f: {  	_ =	shalt  }
0x40: {  	_ =	shalt  }
0x41: {  	_ =	shalt  }
0x42: {  	_ =	shalt  }
0x43: {  	_ =	shalt  }
0x44: {  	_ =	shalt  }
0x45: {  	_ =	shalt  }
0x46: {  	_ =	shalt  }
0x47: {  	_ =	shalt  }
0x48: {  	_ =	shalt  }
0x49: {  	_ =	shalt  }
0x4a: {  	_ =	shalt  }
0x4b: {  	_ =	shalt  }
0x4c: {  	_ =	shalt  }
0x4d: {  	_ =	shalt  }
0x4e: {  	_ =	shalt  }
0x4f: {  	_ =	shalt  }
0x50: {  	_ =	shalt  }
0x51: {  	_ =	shalt  }
0x52: {  	_ =	shalt  }
0x53: {  	_ =	shalt  }
0x54: {  	_ =	shalt  }
0x55: {  	_ =	shalt  }
0x56: {  	_ =	shalt  }
0x57: {  	_ =	shalt  }
0x58: {  	_ =	shalt  }
0x59: {  	_ =	shalt  }
0x5a: {  	_ =	shalt  }
0x5b: {  	_ =	shalt  }
0x5c: {  	_ =	shalt  }
0x5d: {  	_ =	shalt  }
0x5e: {  	_ =	shalt  }
0x5f: {  	_ =	shalt  }
0x60: {  	_ =	shalt  }
0x61: {  	_ =	shalt  }
0x62: {  	_ =	shalt  }
0x63: {  	_ =	shalt  }
0x64: {  	_ =	shalt  }
0x65: {  	_ =	shalt  }
0x66: {  	_ =	shalt  }
0x67: {  	_ =	shalt  }
0x68: {  	_ =	shalt  }
0x69: {  	_ =	shalt  }
0x6a: {  	_ =	shalt  }
0x6b: {  	_ =	shalt  }
0x6c: {  	_ =	shalt  }
0x6d: {  	_ =	shalt  }
0x6e: {  	_ =	shalt  }
0x6f: {  	_ =	shalt  }
0x70: {  	_ =	shalt  }
0x71: {  	_ =	shalt  }
0x72: {  	_ =	shalt  }
0x73: {  	_ =	shalt  }
0x74: {  	_ =	shalt  }
0x75: {  	_ =	shalt  }
0x76: {  	_ =	shalt  }
0x77: {  	_ =	shalt  }
0x78: {  	_ =	shalt  }
0x79: {  	_ =	shalt  }
0x7a: {  	_ =	shalt  }
0x7b: {  	_ =	shalt  }
0x7c: {  	_ =	shalt  }
0x7d: {  	_ =	shalt  }
0x7e: {  	_ =	shalt  }
0x7f: {  	_ =	shalt  }
0x80: {  	_ =	shalt  }
0x81: {  	_ =	shalt  }
0x82: {  	_ =	shalt  }
0x83: {  	_ =	shalt  }
0x84: {  	_ =	shalt  }
0x85: {  	_ =	shalt  }
0x86: {  	_ =	shalt  }
0x87: {  	_ =	shalt  }
.Lfunc_end0:
.L_simem_size_0:
called_computation_lowered:
.L_overlay_start_0:
0x88: {  	s2 =	sld [smem:$0x3FD9]  }
0x89: {  	s3 =	sld [smem:$0x3FFE];
	_ =	sdelay $0x1  }
0x8a: {  	s1 =	srdreg.scid  }
0x8b: {  	s0 =	sand.u32 $0x1, s1  }
0x8c: {  	s14 =	sshll.u32 s0, $0xA;
	s2 =	sadd.s32 s3, s2  }
0x8d: {  	s2 =	sadd.s32 s2, s14  }
0x8e: {  	[smem:$0x3FBE] =	sst s2  }
0x8f: {  	_ = 	snop  }
0x90: {  	s2 =	sld [smem:$0x3FD0];
	_ =	sdelay $0x2  }
0x91: {  	s15 =	simm.s32 $0xA;
	s4 =	simm.s32 $0x10  }
0x92: {  	[smem:s4], [sflag:s15] =	dma.local [hbm:s2], $0x1  }
0x93: {  	_ =	swait.eq [sflag:s15], $0x1  }
0x94: {  	[sflag:s15] =	ssyncset.done $0x0  }
0x95: {  	[sflag:s15] =	ssyncadd.s32 $0xFFFFFFFF  }
0x96: {  	s16 =	sld [smem:$0x10];
	(tm) =	ssettm $0x1  }
0x97: {  	s17 =	sld [smem:$0x3FFB];
	_ =	sdelay $0x3  }
0x98: {  	_ =	strace s17  }
0x99: {  	s3 =	sld [smem:$0x3FFC];
	_ =	sdelay $0x3  }
0x9a: {  	_ =	strace s3  }
0x9b: {  	s3 =	sld [smem:$0x3FFD];
	_ =	sdelay $0x3  }
0x9c: {  	_ =	strace s3  }
0x9d: {  	_ =	strace $0x8FFFFFFF  }
0x9e: {  	s18 =	sld [smem:$0x3FDB];
	_ =	sdelay $0x1  }
0x9f: {  	s19 =	simm.s32 $_scs_section_size  }
0xa0: {  	s5 =	simm.s32 $_size__tile_overlayer_lowered;
	s6 =	simm.s32 $_tile_overlayer_lowered  }
0xa1: {  	s22 =	simm.s32 $0x1BFF;
	s21 =	sshll.u32 s6, $0x1;
	s3 =	sadd.s32 s19, s18  }
0xa2: {  	s7 =	simm.s32 $0x0;
	s20 =	sshll.u32 s5, $0x1;
	s5 =	sadd.s32 s21, s3  }
0xa3: {  	[timem:s7], [sflag:s22] =	dma.local [hbm:s5], s20  }
0xa4: {  	_ =	swait.ge [sflag:s22], s20  }
0xa5: {  	s4 =	ssub.s32 $0x0, s20;
	[sflag:s22] =	ssyncset.done $0x0  }
0xa6: {  	[sflag:s22] =	ssyncadd.s32 s4;
	_ =	sdelay $0x1  }
0xa7: {  	s23 =	simm.s32 $0x1B8B  }
0xa8: {  	_ =	swait.ge [sflag:s23], $0x1  }
0xa9: {  	[sflag:s23] =	ssyncset.done $0x0  }
0xaa: {  	s25 =	simm.s32 $0x1B8E;
	s24 =	sld [smem:$0x3FFE];
	[sflag:s23] =	ssyncadd.s32 $0xFFFFFFFF  }
0xab: {  	s26 =	simm.s32 $execute0_lowered;
	[smem:$0x3FD2] =	sst s25  }
0xac: {  	s5 =	sshll.u32 s26, $0x1;
	_ =	strace $0x80000046;
	[dreg:$0x1] =	wrdreg $0xFFFFFFFF  }
0xad: {  	s28 =	simm.s32 $_size_execute0_lowered;
	s3 =	sadd.s32 s3, s5;
	[dreg:$0x0] =	wrdreg $0x0  }
0xae: {  	s5 =	sshll.u32 s28, $0x1;
	[dreg:$0x2] =	wrdreg s3  }
0xaf: {  	[dreg:$0x3] =	wrdreg s5  }
0xb0: {  	[dreg:$0x4] =	wrdreg $0xC0  }
0xb1: {  	_ =	task [dreg:s7], $0x5FFFF  }
0xb2: {  	[dreg:$0x1] =	wrdreg $0xFFFFFFFF  }
0xb3: {  	[dreg:$0x0] =	wrdreg $0x60  }
0xb4: {  	[dreg:$0x2] =	wrdreg s24  }
0xb5: {  	[dreg:$0x3] =	wrdreg s16  }
0xb6: {  	[dreg:$0x4] =	wrdreg $0x9  }
0xb7: {  	_ =	task.clear_ibuf [dreg:s7], $0x5FFFF;
	_ =	strace $0x90000046  }
0xb8: {  	s29 =	simm.s32 $0x9;
	_ =	strace $0x80000048  }
0xb9: {  	_ =	swait.ge [sflag:s29], $0x1  }
0xba: {  	[sflag:s29] =	ssyncadd.s32 $0xFFFFFFFF  }
0xbb: {  	_ =	strace $0x90000048  }
0xbc: {  	_ =	sfence  }
0xbd: {  	s30 =	sld [smem:$0x0];
	_ =	sdelay $0x2  }
0xbe: {  	s31 =	sshll.u32 s1, $0xD;
	s1 =	sshrl.u32 s1, $0x2  }
0xbf: {  	s3 =	sand.u32 $0x4000, s31;
	s1 =	sadd.s32 s1, s30  }
0xc0: {  	s0 =	sor.u32 s3, s0;
	s1 =	sshll.u32 s1, $0x11  }
0xc1: {  	s0 =	sor.u32 s1, s0  }
0xc2: {  	s0 =	sadd.s32 $0x8F2B, s0  }
0xc3: {  	[sflag:s0] =	ssyncadd.remote.s32 $0x1  }
0xc4: {  	_ =	sfence.sel $0xFFFF  }
0xc5: {  	[dreg:$0x0] =	wrdreg $0xFFFFFFFF;
	(pc) =	sbr.abs _section_cstart, $3  }
0xc6: {  	[dreg:$0x1] =	wrdreg $0xFFFFFFFF  }
0xc7: {  	_ =	task.clear_ibuf [dreg:s7], $0x2FFFF;
	_ =	strace $0x9FFFFFFF  }
0xc8: {  	(tm) =	ssettm $0x7FFFFFFF  }
0xc9: {  	_ =	shalt  }
tec
execute0_lowered:
.L_overlay_start_1:
0x0: {  	(tag) =	ssettag $0x1  }
0x1: {  	s0 =	rddreg [dreg:$0x0]  }
0x2: {  	s2 =	rddreg [dreg:$0x1]  }
0x3: {  	s1 =	srdreg.scid;
	s4 =	stileid.u32  }
0x4: {  	s3 =	simm.s32 $0x0;
	s17 =	simm.s32 $0x3;
	s18 =	simm.s32 $0x68  }
0x5: {  	s28 =	simm.s32 $0x18C80;
	s1 =	sand.u32 $0x1, s1;
	s4 =	sshll.u32 s4, $0x1  }
0x6: {  	s29 =	simm.s32 $0x1;
	s30 =	simm.s32 $0x1A680;
	s9 =	sor.u32 s1, s4  }
0x7: {  	s31 =	simm.s32 $0x1A880;
	[smem:$0x7FF] =	sst s3;
	s4 =	smul.u32 $0x640, s9  }
0x8: {  	s5 =	sadd.s32 $0x1400, s0;
	s1 =	ssub.s32 $0x2, s1;
	s10 =	smul.u32 $0x1450, s9  }
0x9: {  	s6 =	sadd.s32 $0x29E00, s0;
	s8 =	sshrl.u32 s1, $0x1;
	s11 =	smul.u32 $0xA280, s9  }
0xa: {  	s7 =	sadd.s32 $0x42E00, s0;
	s19 =	ssub.s32 s1, s8;
	s8 =	smul.u32 $0x190, s9  }
0xb: {  	_ =	strace $0x80000047;
	s9 =	smul.u32 $0x3E80, s9;
	s20 =	sadd.s32 s5, s10  }
0xc: {  	s21 =	sshrl.u32 s11, $0x3;
	s22 =	sadd.s32 $0x600, s4;
	s13 =	sshll.u32 s4, $0x1  }
0xd: {  	s0 =	smax.u32 s19, $0x1;
	s19 =	simm.s32 $0x12480;
	[dreg:$0x3] =	wrdreg s20  }
0xe: {  	s10 =	sadd.s32 $0x10, s8;
	s1 =	sadd.s32 s5, s21;
	s12 =	smul.u32 $0xA, s22  }
0xf: {  	s11 =	sshll.u32 s22, $0x1;
	s24 =	sadd.s32 s6, s13;
	s26 =	sadd.s32 s2, s9  }
0x10: {  	[dreg:$0x9] =	wrdreg s0;
	s9 =	simm.s32 $0x340;
	s20 =	simm.s32 $0x4E0  }
0x11: {  	s21 =	simm.s32 $0x13E80;
	s22 =	simm.s32 $0x548;
	s1 =	sadd.s32 $0x13E8, s1  }
0x12: {  	s0 =	simm.s32 $0x2;
	s23 =	sadd.s32 s6, s11;
	[dreg:$0x4] =	wrdreg s1  }
0x13: {  	s11 =	simm.s32 $0x0;
	[dreg:$0x5] =	wrdreg s23;
	s25 =	sadd.s32 s2, s12  }
0x14: {  	s1 =	sadd.s32 $0xC40, s24;
	s23 =	simm.s32 $0x15880;
	[dreg:$0x6] =	wrdreg s25  }
0x15: {  	s24 =	simm.s32 $0x5B0;
	[dreg:$0x7] =	wrdreg s1;
	s1 =	sadd.s32 $0x3D40, s26  }
0x16: {  	s25 =	simm.s32 $0x17280;
	s26 =	simm.s32 $0x618;
	[dreg:$0x8] =	wrdreg s1  }
.LBB2_1:
0x17: {  	[dreg:$0xa] =	wrdreg s11  }
0x18: {  	s1 =	rddreg [dreg:$0x3]  }
0x19: {  	[tilespmem:s3], [sflag:$0x3] =	stream.linear.gather [hbm4b:s1+s3], $0x340, $0x38;
	[tilespmem:$0x1B280] =	vst v63  }
0x1a: {  	_ =	swait.ge [sflag:s17], $0x340  }
0x1b: {  	[sflag:s17] =	ssyncset.done $0x0  }
0x1c: {  	s15 =	simm.s32 $0x680;
	[sflag:s17] =	ssyncadd.s32 $0xFFFFFCC0  }
0x1d: {  	[tilespmem:s15], [sflag:$0x1] =	stream.indirect.gather [hbm4b:s7+s18], $0x40, s3, s18, $0xb8;
	[tilespmem:$0x1B280] =	vst v63  }
0x1e: {  	s16 =	simm.s32 $0x2080  }
0x1f: {  	[tilespmem:s16], [sflag:$0x1] =	stream.indirect.gather [hbm4b:s7+s18], $0x40, s18, s18, $0xb8;
	[tilespmem:$0x1B280] =	vst v63  }
0x20: {  	s11 =	simm.s32 $0xD0;
	s12 =	simm.s32 $0x3A80  }
0x21: {  	[tilespmem:s12], [sflag:$0x1] =	stream.indirect.gather [hbm4b:s7+s18], $0x40, s11, s18, $0xb8;
	[tilespmem:$0x1B280] =	vst v63  }
0x22: {  	s13 =	simm.s32 $0x138;
	s14 =	simm.s32 $0x5480  }
0x23: {  	[tilespmem:s14], [sflag:$0x1] =	stream.indirect.gather [hbm4b:s7+s18], $0x40, s13, s18, $0xb8;
	[tilespmem:$0x1B280] =	vst v63  }
0x24: {  	s15 =	simm.s32 $0x1A0;
	s16 =	simm.s32 $0x6E80  }
0x25: {  	[tilespmem:s16], [sflag:$0x1] =	stream.indirect.gather [hbm4b:s7+s18], $0x40, s15, s18, $0xb8;
	[tilespmem:$0x1B280] =	vst v63  }
0x26: {  	s11 =	simm.s32 $0x208;
	s12 =	simm.s32 $0x8880  }
0x27: {  	[tilespmem:s12], [sflag:$0x1] =	stream.indirect.gather [hbm4b:s7+s18], $0x40, s11, s18, $0xb8;
	[tilespmem:$0x1B280] =	vst v63  }
0x28: {  	s13 =	simm.s32 $0x270;
	s14 =	simm.s32 $0xA280  }
0x29: {  	[tilespmem:s14], [sflag:$0x1] =	stream.indirect.gather [hbm4b:s7+s18], $0x40, s13, s18, $0xb8;
	[tilespmem:$0x1B280] =	vst v63  }
0x2a: {  	s1 =	simm.s32 $0x0;
	s15 =	simm.s32 $0x2D8;
	s16 =	simm.s32 $0xBC80  }
0x2b: {  	[tilespmem:s16], [sflag:$0x1] =	stream.indirect.gather [hbm4b:s7+s18], $0x40, s15, s18, $0xb8;
	[tilespmem:$0x1B280] =	vst v63  }
.LBB2_2:
0x2c: {  	s11 =	sshllo.u32 s1, $0x1  }
0x2d: {  	s12 =	sshll.u32 s11, $0x3  }
0x2e: {  	s12 =	sadd.s32 s8, s12  }
0x2f: {  	s12 =	smul.u32 $0xD, s12;
	_ =	sdelay $0x1  }
0x30: {  	s13 =	sadd.s32 s5, s12;
	s12 =	simm.s32 $0x0  }
0x31: {  	[tilespmem:s9], [sflag:$0x3] =	stream.linear.gather [hbm4b:s13+s12], $0x340, $0x38;
	[tilespmem:$0x1B280] =	vst v63  }
0x32: {  	_ =	swait.ge [sflag:s17], $0x340  }
0x33: {  	[sflag:s17] =	ssyncset.done $0x0  }
0x34: {  	s15 =	simm.s32 $0xD680;
	[sflag:s17] =	ssyncadd.s32 $0xFFFFFCC0  }
0x35: {  	[tilespmem:s15], [sflag:$0x2] =	stream.indirect.gather [hbm4b:s7+s18], $0x40, s9, s18, $0xb8;
	[tilespmem:$0x1B280] =	vst v63  }
0x36: {  	s16 =	simm.s32 $0x3A8;
	s14 =	simm.s32 $0xF080  }
0x37: {  	[tilespmem:s14], [sflag:$0x2] =	stream.indirect.gather [hbm4b:s7+s18], $0x40, s16, s18, $0xb8;
	[tilespmem:$0x1B280] =	vst v63  }
0x38: {  	s15 =	simm.s32 $0x410;
	s16 =	simm.s32 $0x10A80  }
0x39: {  	[tilespmem:s16], [sflag:$0x2] =	stream.indirect.gather [hbm4b:s7+s18], $0x40, s15, s18, $0xb8;
	[tilespmem:$0x1B280] =	vst v63  }
0x3a: {  	s14 =	simm.s32 $0x478  }
0x3b: {  	[tilespmem:s19], [sflag:$0x2] =	stream.indirect.gather [hbm4b:s7+s18], $0x40, s14, s18, $0xb8;
	[tilespmem:$0x1B280] =	vst v63  }
0x3c: {  	_ = 	snop  }
0x3d: {  	[tilespmem:s21], [sflag:$0x2] =	stream.indirect.gather [hbm4b:s7+s18], $0x40, s20, s18, $0xb8;
	[tilespmem:$0x1B280] =	vst v63  }
0x3e: {  	_ = 	snop  }
0x3f: {  	[tilespmem:s23], [sflag:$0x2] =	stream.indirect.gather [hbm4b:s7+s18], $0x40, s22, s18, $0xb8;
	[tilespmem:$0x1B280] =	vst v63  }
0x40: {  	_ = 	snop  }
0x41: {  	[tilespmem:s25], [sflag:$0x2] =	stream.indirect.gather [hbm4b:s7+s18], $0x40, s24, s18, $0xb8;
	[tilespmem:$0x1B280] =	vst v63  }
0x42: {  	_ = 	snop  }
0x43: {  	[tilespmem:s28], [sflag:$0x2] =	stream.indirect.gather [hbm4b:s7+s18], $0x40, s26, s18, $0xb8;
	[tilespmem:$0x1B280] =	vst v63  }
0x44: {  	_ =	swait.ge [sflag:s29], $0x1A00  }
0x45: {  	[sflag:s29] =	ssyncset.done $0x0  }
0x46: {  	[sflag:s29] =	ssyncadd.s32 $0xFFFFE600  }
0x47: {  	_ =	swait.ge [sflag:s29], $0x1A00  }
0x48: {  	[sflag:s29] =	ssyncset.done $0x0  }
0x49: {  	[sflag:s29] =	ssyncadd.s32 $0xFFFFE600  }
0x4a: {  	_ =	swait.ge [sflag:s29], $0x1A00  }
0x4b: {  	[sflag:s29] =	ssyncset.done $0x0  }
0x4c: {  	[sflag:s29] =	ssyncadd.s32 $0xFFFFE600  }
0x4d: {  	_ =	swait.ge [sflag:s29], $0x1A00  }
0x4e: {  	[sflag:s29] =	ssyncset.done $0x0  }
0x4f: {  	[sflag:s29] =	ssyncadd.s32 $0xFFFFE600  }
0x50: {  	_ =	swait.ge [sflag:s29], $0x1A00  }
0x51: {  	[sflag:s29] =	ssyncset.done $0x0  }
0x52: {  	[sflag:s29] =	ssyncadd.s32 $0xFFFFE600  }
0x53: {  	_ =	swait.ge [sflag:s29], $0x1A00  }
0x54: {  	[sflag:s29] =	ssyncset.done $0x0  }
0x55: {  	[sflag:s29] =	ssyncadd.s32 $0xFFFFE600  }
0x56: {  	_ =	swait.ge [sflag:s29], $0x1A00  }
0x57: {  	[sflag:s29] =	ssyncset.done $0x0  }
0x58: {  	s15 =	sshll.u32 s1, $0x6;
	[sflag:s29] =	ssyncadd.s32 $0xFFFFE600  }
0x59: {  	s13 =	sadd.s32 s4, s15;
	_ =	swait.ge [sflag:s29], $0x1A00  }
0x5a: {  	s16 =	sshll.u32 s13, $0x1;
	[sflag:s29] =	ssyncset.done $0x0  }
0x5b: {  	s14 =	sadd.s32 s6, s16;
	[sflag:s29] =	ssyncadd.s32 $0xFFFFE600  }
0x5c: {  	[tilespmem:s30], [sflag:$0x3] =	stream.linear.gather [hbm4b:s14+s12], $0x200, $0x38;
	[tilespmem:$0x1B280] =	vst v63  }
0x5d: {  	_ =	swait.ge [sflag:s17], $0x200  }
0x5e: {  	[sflag:s17] =	ssyncset.done $0x0  }
0x5f: {  	s15 =	simm.s32 $0x9C0;
	s14 =	simm.s32 $0x1A8A0;
	[sflag:s17] =	ssyncadd.s32 $0xFFFFFE00  }
.LBB2_3:
0x60: {  	v0 =	vld [tilespmem:s15+$0xFFFFFCC0]  }
0x61: {  	v1 =	vld [tilespmem:s15+$0xFFFFFCD0]  }
0x62: {  	v2 =	vld [tilespmem:s15+$0xFFFFFCE0]  }
0x63: {  	v3 =	vld [tilespmem:s15+$0xFFFFFCF0]  }
0x64: {  	v4 =	vld [tilespmem:s15+$0xFFFFFD00]  }
0x65: {  	v5 =	vld [tilespmem:s15+$0xFFFFFD10]  }
0x66: {  	v6 =	vld [tilespmem:s15+$0xFFFFFD20]  }
0x67: {  	v7 =	vld [tilespmem:s15+$0xFFFFFD30]  }
0x68: {  	v8 =	vld [tilespmem:s15+$0xFFFFFD40]  }
0x69: {  	v9 =	vld [tilespmem:s15+$0xFFFFFD50]  }
0x6a: {  	v10 =	vld [tilespmem:s15+$0xFFFFFD60]  }
0x6b: {  	v11 =	vld [tilespmem:s15+$0xFFFFFD70]  }
0x6c: {  	v12 =	vld [tilespmem:s15+$0xFFFFFD80]  }
0x6d: {  	v13 =	vld [tilespmem:s15+$0xFFFFFD90]  }
0x6e: {  	v14 =	vld [tilespmem:s15+$0xFFFFFDA0]  }
0x6f: {  	v15 =	vld [tilespmem:s15+$0xFFFFFDB0]  }
0x70: {  	v16 =	vld [tilespmem:s15+$0xFFFFFDC0]  }
0x71: {  	v17 =	vld [tilespmem:s15+$0xFFFFFDD0]  }
0x72: {  	v18 =	vld [tilespmem:s15+$0xFFFFFDE0]  }
0x73: {  	v19 =	vld [tilespmem:s15+$0xFFFFFDF0]  }
0x74: {  	v20 =	vld [tilespmem:s15+$0xFFFFFE00]  }
0x75: {  	v21 =	vld [tilespmem:s15+$0xFFFFFE10]  }
0x76: {  	v22 =	vld [tilespmem:s15+$0xFFFFFE20]  }
0x77: {  	v23 =	vld [tilespmem:s15+$0xFFFFFE30]  }
0x78: {  	v24 =	vld [tilespmem:s15+$0xFFFFFE40]  }
0x79: {  	v25 =	vld [tilespmem:s15+$0xFFFFFE50]  }
0x7a: {  	v26 =	vld [tilespmem:s15+$0xFFFFFE60]  }
0x7b: {  	v27 =	vld [tilespmem:s15+$0xFFFFFE70]  }
0x7c: {  	v28 =	vld [tilespmem:s15+$0xFFFFFE80]  }
0x7d: {  	v29 =	vld [tilespmem:s15+$0xFFFFFE90]  }
0x7e: {  	v30 =	vld [tilespmem:s15+$0xFFFFFEA0]  }
0x7f: {  	v31 =	vld [tilespmem:s15+$0xFFFFFEB0]  }
0x80: {  	v32 =	vld [tilespmem:s15+$0xFFFFFEC0]  }
0x81: {  	v33 =	vld [tilespmem:s15+$0xFFFFFED0]  }
0x82: {  	v34 =	vld [tilespmem:s15+$0xFFFFFEE0]  }
0x83: {  	v35 =	vld [tilespmem:s15+$0xFFFFFEF0]  }
0x84: {  	v36 =	vld [tilespmem:s15+$0xFFFFFF00]  }
0x85: {  	v37 =	vld [tilespmem:s15+$0xFFFFFF10]  }
0x86: {  	v38 =	vld [tilespmem:s15+$0xFFFFFF20]  }
0x87: {  	v39 =	vld [tilespmem:s15+$0xFFFFFF30]  }
0x88: {  	v40 =	vld [tilespmem:s15+$0xFFFFFF40]  }
0x89: {  	v41 =	vld [tilespmem:s15+$0xFFFFFF50]  }
0x8a: {  	v42 =	vld [tilespmem:s15+$0xFFFFFF60]  }
0x8b: {  	v43 =	vld [tilespmem:s15+$0xFFFFFF70]  }
0x8c: {  	v44 =	vld [tilespmem:s15+$0xFFFFFF80]  }
0x8d: {  	v45 =	vld [tilespmem:s15+$0xFFFFFF90]  }
0x8e: {  	v46 =	vld [tilespmem:s15+$0xFFFFFFA0]  }
0x8f: {  	v47 =	vld [tilespmem:s15+$0xFFFFFFB0]  }
0x90: {  	v48 =	vld [tilespmem:s15+$0xFFFFFFC0]  }
0x91: {  	v49 =	vld [tilespmem:s15+$0xFFFFFFD0]  }
0x92: {  	v50 =	vld [tilespmem:s15+$0xFFFFFFE0]  }
0x93: {  	v51 =	vld [tilespmem:s15+$0xFFFFFFF0]  }
0x94: {  	v52 =	vld [tilespmem:s15+$0x0]  }
0x95: {  	v53 =	vld [tilespmem:s15+$0x10]  }
0x96: {  	v54 =	vld [tilespmem:s15+$0x20]  }
0x97: {  	v55 =	vld [tilespmem:s15+$0x30]  }
0x98: {  	v56 =	vld [tilespmem:s15+$0x40]  }
0x99: {  	v57 =	vld [tilespmem:s15+$0xF0];
	v0 =	vadd.f32 v4, v0  }
0x9a: {  	v58 =	vld [tilespmem:s15+$0x100];
	v1 =	vadd.f32 v5, v1  }
0x9b: {  	v59 =	vld [tilespmem:s15+$0x110];
	v2 =	vadd.f32 v6, v2;
	v0 =	vadd.f32 v8, v0  }
0x9c: {  	v60 =	vld [tilespmem:s15+$0x120];
	v3 =	vadd.f32 v7, v3;
	v1 =	vadd.f32 v9, v1  }
0x9d: {  	v61 =	vld [tilespmem:s15+$0x130];
	v2 =	vadd.f32 v10, v2;
	v0 =	vadd.f32 v12, v0  }
0x9e: {  	v62 =	vld [tilespmem:s15+$0x140];
	v3 =	vadd.f32 v11, v3;
	v1 =	vadd.f32 v13, v1  }
0x9f: {  	v63 =	vld [tilespmem:s15+$0x150];
	v2 =	vadd.f32 v14, v2;
	v0 =	vadd.f32 v16, v0  }
0xa0: {  	v4 =	vld [tilespmem:s15+$0x50];
	v3 =	vadd.f32 v15, v3;
	v1 =	vadd.f32 v17, v1  }
0xa1: {  	v5 =	vld [tilespmem:s15+$0x60];
	v2 =	vadd.f32 v18, v2;
	v0 =	vadd.f32 v20, v0  }
0xa2: {  	v6 =	vld [tilespmem:s15+$0x70];
	v3 =	vadd.f32 v19, v3;
	v1 =	vadd.f32 v21, v1  }
0xa3: {  	v7 =	vld [tilespmem:s15+$0x80];
	v2 =	vadd.f32 v22, v2;
	v0 =	vadd.f32 v24, v0  }
0xa4: {  	v8 =	vld [tilespmem:s15+$0x90];
	v3 =	vadd.f32 v23, v3;
	v1 =	vadd.f32 v25, v1  }
0xa5: {  	v9 =	vld [tilespmem:s15+$0xA0];
	v2 =	vadd.f32 v26, v2;
	v0 =	vadd.f32 v28, v0  }
0xa6: {  	v10 =	vld [tilespmem:s15+$0xB0];
	v3 =	vadd.f32 v27, v3;
	v1 =	vadd.f32 v29, v1  }
0xa7: {  	v11 =	vld [tilespmem:s15+$0xC0];
	v2 =	vadd.f32 v30, v2;
	v0 =	vadd.f32 v32, v0  }
0xa8: {  	v12 =	vld [tilespmem:s15+$0xD0];
	v3 =	vadd.f32 v31, v3;
	v1 =	vadd.f32 v33, v1  }
0xa9: {  	v13 =	vld [tilespmem:s15+$0xE0];
	v2 =	vadd.f32 v34, v2;
	v0 =	vadd.f32 v36, v0  }
0xaa: {  	v3 =	vadd.f32 v35, v3;
	v33 =	vld [tilespmem:s15+$0x160];
	v1 =	vadd.f32 v37, v1  }
0xab: {  	v34 =	vld [tilespmem:s15+$0x170];
	v2 =	vadd.f32 v38, v2;
	v0 =	vadd.f32 v40, v0  }
0xac: {  	v35 =	vld [tilespmem:s15+$0x180];
	v3 =	vadd.f32 v39, v3;
	v1 =	vadd.f32 v41, v1  }
0xad: {  	v36 =	vld [tilespmem:s15+$0x190];
	v2 =	vadd.f32 v42, v2;
	v0 =	vadd.f32 v44, v0  }
0xae: {  	v37 =	vld [tilespmem:s15+$0x1A0];
	v3 =	vadd.f32 v43, v3;
	v1 =	vadd.f32 v45, v1  }
0xaf: {  	v38 =	vld [tilespmem:s15+$0x1B0];
	v2 =	vadd.f32 v46, v2;
	v0 =	vadd.f32 v48, v0  }
0xb0: {  	v39 =	vld [tilespmem:s15+$0x1C0];
	v3 =	vadd.f32 v47, v3;
	v1 =	vadd.f32 v49, v1  }
0xb1: {  	v40 =	vld [tilespmem:s15+$0x1D0];
	v2 =	vadd.f32 v50, v2;
	v0 =	vadd.f32 v52, v0  }
0xb2: {  	v41 =	vld [tilespmem:s15+$0x1E0];
	v3 =	vadd.f32 v51, v3;
	v1 =	vadd.f32 v53, v1  }
0xb3: {  	v42 =	vld [tilespmem:s15+$0x1F0];
	v2 =	vadd.f32 v54, v2;
	v0 =	vadd.f32 v56, v0  }
0xb4: {  	v43 =	vld [tilespmem:s15+$0x200];
	v3 =	vadd.f32 v55, v3;
	v1 =	vadd.f32 v4, v1  }
0xb5: {  	v44 =	vld [tilespmem:s15+$0x210];
	v2 =	vadd.f32 v5, v2;
	v0 =	vadd.f32 v7, v0  }
0xb6: {  	v45 =	vld [tilespmem:s15+$0x220];
	v3 =	vadd.f32 v6, v3;
	v1 =	vadd.f32 v8, v1  }
0xb7: {  	v46 =	vld [tilespmem:s15+$0x230];
	v2 =	vadd.f32 v9, v2;
	v0 =	vadd.f32 v11, v0  }
0xb8: {  	v47 =	vld [tilespmem:s15+$0x240];
	v3 =	vadd.f32 v10, v3;
	v1 =	vadd.f32 v12, v1  }
0xb9: {  	v48 =	vld [tilespmem:s15+$0x250];
	v2 =	vadd.f32 v13, v2;
	v0 =	vadd.f32 v58, v0  }
0xba: {  	v49 =	vld [tilespmem:s15+$0x260];
	v3 =	vadd.f32 v57, v3;
	v1 =	vadd.f32 v59, v1  }
0xbb: {  	v50 =	vld [tilespmem:s15+$0x270];
	v2 =	vadd.f32 v60, v2;
	v0 =	vadd.f32 v62, v0  }
0xbc: {  	v51 =	vld [tilespmem:s15+$0x280];
	v3 =	vadd.f32 v61, v3;
	v1 =	vadd.f32 v63, v1  }
0xbd: {  	v52 =	vld [tilespmem:s15+$0x290];
	v2 =	vadd.f32 v33, v2;
	v0 =	vadd.f32 v35, v0  }
0xbe: {  	v53 =	vld [tilespmem:s15+$0x2A0];
	v3 =	vadd.f32 v34, v3;
	v1 =	vadd.f32 v36, v1  }
0xbf: {  	v54 =	vld [tilespmem:s15+$0x2B0];
	v2 =	vadd.f32 v37, v2;
	v0 =	vadd.f32 v39, v0  }
0xc0: {  	v55 =	vld [tilespmem:s15+$0x2C0];
	v3 =	vadd.f32 v38, v3;
	v1 =	vadd.f32 v40, v1  }
0xc1: {  	v56 =	vld [tilespmem:s15+$0x2D0];
	v2 =	vadd.f32 v41, v2;
	v0 =	vadd.f32 v43, v0  }
0xc2: {  	v57 =	vld [tilespmem:s15+$0x2E0];
	v3 =	vadd.f32 v42, v3;
	v1 =	vadd.f32 v44, v1  }
0xc3: {  	v58 =	vld [tilespmem:s15+$0x2F0];
	v2 =	vadd.f32 v45, v2;
	v0 =	vadd.f32 v47, v0  }
0xc4: {  	v59 =	vld [tilespmem:s15+$0x300];
	v3 =	vadd.f32 v46, v3;
	v1 =	vadd.f32 v48, v1  }
0xc5: {  	v60 =	vld [tilespmem:s15+$0x310];
	v2 =	vadd.f32 v49, v2;
	v0 =	vadd.f32 v51, v0  }
0xc6: {  	v61 =	vld [tilespmem:s15+$0x320];
	v3 =	vadd.f32 v50, v3;
	v1 =	vadd.f32 v52, v1  }
0xc7: {  	v62 =	vld [tilespmem:s15+$0x330];
	v2 =	vadd.f32 v53, v2;
	v0 =	vadd.f32 v55, v0  }
0xc8: {  	v3 =	vadd.f32 v54, v3;
	v1 =	vadd.f32 v56, v1  }
0xc9: {  	v2 =	vadd.f32 v57, v2;
	v0 =	vadd.f32 v59, v0  }
0xca: {  	v3 =	vadd.f32 v58, v3;
	v1 =	vadd.f32 v60, v1  }
0xcb: {  	v2 =	vadd.f32 v61, v2;
	[tilespmem:s14+$0xFFFFFFE0] =	vst v0  }
0xcc: {  	v63 =	vadd.f32 v62, v3;
	[tilespmem:s14+$0xFFFFFFF0] =	vst v1  }
0xcd: {  	[tilespmem:s14+$0x0] =	vst v2  }
0xce: {  	s16 =	sshra.s32 s12, $0x2;
	[tilespmem:s14+$0x10] =	vst v63  }
0xcf: {  	p0 =	sne.s32 s12, $0x7C0;
	v0 =	vld [tilespmem:s16+$0x1A680]  }
.Ltmp0:
0xd0: {  	_ = 	snop;
	(pc) =	sbr.rel @p0 .LBB2_3-.Ltmp0, $2  }
0xd1: {  	_ =	sdelay $0x2  }
0xd2: {  	s12 =	sadd.s32 $0x40, s12;
	s15 =	sadd.s32 $0x680, s15;
	[tilespmem:s14+$0x20] =	vst v0;
	s14 =	sadd.s32 $0x50, s14  }
0xd3: {  	s12 =	smul.u32 $0xA, s13;
	_ =	sdelay $0x1  }
0xd4: {  	s16 =	sshll.u32 s1, $0x4;
	s13 =	sadd.s32 s2, s12;
	s12 =	simm.s32 $0x0  }
0xd5: {  	[hbm4b:s13+s12] =	stream.linear.scatter [tilespmem:s31], [sflag:$0x3], $0xA00, $0x38;
	[tilespmem:$0x1B280] =	vst v63  }
0xd6: {  	s13 =	sadd.s32 s16, s10  }
0xd7: {  	_ =	swait.ge [sflag:s17], $0xA00;
	s13 =	smul.u32 $0xD, s13  }
0xd8: {  	[sflag:s17] =	ssyncset.done $0x0  }
0xd9: {  	[sflag:s17] =	ssyncadd.s32 $0xFFFFF600;
	s13 =	sadd.s32 s5, s13  }
0xda: {  	[tilespmem:s12], [sflag:$0x3] =	stream.linear.gather [hbm4b:s13+s12], $0x340, $0x38;
	[tilespmem:$0x1B280] =	vst v63  }
0xdb: {  	_ =	swait.ge [sflag:s17], $0x340  }
0xdc: {  	[sflag:s17] =	ssyncset.done $0x0  }
0xdd: {  	s14 =	simm.s32 $0x680;
	[sflag:s17] =	ssyncadd.s32 $0xFFFFFCC0  }
0xde: {  	[tilespmem:s14], [sflag:$0x1] =	stream.indirect.gather [hbm4b:s7+s18], $0x40, s12, s18, $0xb8;
	[tilespmem:$0x1B280] =	vst v63  }
0xdf: {  	s15 =	simm.s32 $0x2080  }
0xe0: {  	[tilespmem:s15], [sflag:$0x1] =	stream.indirect.gather [hbm4b:s7+s18], $0x40, s18, s18, $0xb8;
	[tilespmem:$0x1B280] =	vst v63  }
0xe1: {  	s16 =	simm.s32 $0xD0;
	s14 =	simm.s32 $0x3A80  }
0xe2: {  	[tilespmem:s14], [sflag:$0x1] =	stream.indirect.gather [hbm4b:s7+s18], $0x40, s16, s18, $0xb8;
	[tilespmem:$0x1B280] =	vst v63  }
0xe3: {  	s15 =	simm.s32 $0x138;
	s16 =	simm.s32 $0x5480  }
0xe4: {  	[tilespmem:s16], [sflag:$0x1] =	stream.indirect.gather [hbm4b:s7+s18], $0x40, s15, s18, $0xb8;
	[tilespmem:$0x1B280] =	vst v63  }
0xe5: {  	s15 =	simm.s32 $0x1A0;
	s16 =	simm.s32 $0x6E80  }
0xe6: {  	[tilespmem:s16], [sflag:$0x1] =	stream.indirect.gather [hbm4b:s7+s18], $0x40, s15, s18, $0xb8;
	[tilespmem:$0x1B280] =	vst v63  }
0xe7: {  	s15 =	simm.s32 $0x208;
	s16 =	simm.s32 $0x8880  }
0xe8: {  	[tilespmem:s16], [sflag:$0x1] =	stream.indirect.gather [hbm4b:s7+s18], $0x40, s15, s18, $0xb8;
	[tilespmem:$0x1B280] =	vst v63  }
0xe9: {  	s15 =	simm.s32 $0x270;
	s16 =	simm.s32 $0xA280  }
0xea: {  	[tilespmem:s16], [sflag:$0x1] =	stream.indirect.gather [hbm4b:s7+s18], $0x40, s15, s18, $0xb8;
	[tilespmem:$0x1B280] =	vst v63  }
0xeb: {  	s15 =	simm.s32 $0x2D8;
	s16 =	simm.s32 $0xBC80  }
0xec: {  	[tilespmem:s16], [sflag:$0x1] =	stream.indirect.gather [hbm4b:s7+s18], $0x40, s15, s18, $0xb8;
	[tilespmem:$0x1B280] =	vst v63  }
0xed: {  	_ =	swait.ge [sflag:s0], $0x1A00  }
0xee: {  	[sflag:s0] =	ssyncset.done $0x0  }
0xef: {  	[sflag:s0] =	ssyncadd.s32 $0xFFFFE600  }
0xf0: {  	_ =	swait.ge [sflag:s0], $0x1A00  }
0xf1: {  	[sflag:s0] =	ssyncset.done $0x0  }
0xf2: {  	[sflag:s0] =	ssyncadd.s32 $0xFFFFE600  }
0xf3: {  	_ =	swait.ge [sflag:s0], $0x1A00  }
0xf4: {  	[sflag:s0] =	ssyncset.done $0x0  }
0xf5: {  	[sflag:s0] =	ssyncadd.s32 $0xFFFFE600  }
0xf6: {  	_ =	swait.ge [sflag:s0], $0x1A00  }
0xf7: {  	[sflag:s0] =	ssyncset.done $0x0  }
0xf8: {  	[sflag:s0] =	ssyncadd.s32 $0xFFFFE600  }
0xf9: {  	_ =	swait.ge [sflag:s0], $0x1A00  }
0xfa: {  	[sflag:s0] =	ssyncset.done $0x0  }
0xfb: {  	[sflag:s0] =	ssyncadd.s32 $0xFFFFE600  }
0xfc: {  	_ =	swait.ge [sflag:s0], $0x1A00  }
0xfd: {  	[sflag:s0] =	ssyncset.done $0x0  }
0xfe: {  	[sflag:s0] =	ssyncadd.s32 $0xFFFFE600  }
0xff: {  	_ =	swait.ge [sflag:s0], $0x1A00  }
0x100: {  	s11 =	sshll.u32 s11, $0x5;
	[sflag:s0] =	ssyncset.done $0x0  }
0x101: {  	s11 =	sadd.s32 s4, s11;
	[sflag:s0] =	ssyncadd.s32 $0xFFFFE600  }
0x102: {  	s15 =	sshll.u32 s11, $0x1;
	_ =	swait.ge [sflag:s0], $0x1A00  }
0x103: {  	s13 =	sand.u32 $0x1FFFFFC0, s15;
	[sflag:s0] =	ssyncset.done $0x0  }
0x104: {  	s16 =	sadd.s32 s6, s13;
	s13 =	simm.s32 $0x1A680;
	[sflag:s0] =	ssyncadd.s32 $0xFFFFE600  }
0x105: {  	[tilespmem:s13], [sflag:$0x3] =	stream.linear.gather [hbm4b:s16+s12], $0x200, $0x38;
	[tilespmem:$0x1B280] =	vst v63  }
0x106: {  	_ =	swait.ge [sflag:s17], $0x200  }
0x107: {  	[sflag:s17] =	ssyncset.done $0x0  }
0x108: {  	s14 =	simm.s32 $0x1A8A0;
	[sflag:s17] =	ssyncadd.s32 $0xFFFFFE00  }
.LBB2_5:
0x109: {  	s15 =	sshra.s32 s12, $0x2  }
0x10a: {  	v0 =	vld [tilespmem:s15+$0xD680]  }
0x10b: {  	v1 =	vld [tilespmem:s15+$0xD690]  }
0x10c: {  	v2 =	vld [tilespmem:s15+$0xD6A0]  }
0x10d: {  	v3 =	vld [tilespmem:s15+$0xD6B0]  }
0x10e: {  	v4 =	vld [tilespmem:s15+$0xD6C0]  }
0x10f: {  	v5 =	vld [tilespmem:s15+$0xD6D0]  }
0x110: {  	v6 =	vld [tilespmem:s15+$0xD6E0]  }
0x111: {  	v7 =	vld [tilespmem:s15+$0xD6F0]  }
0x112: {  	v8 =	vld [tilespmem:s15+$0xD700]  }
0x113: {  	v9 =	vld [tilespmem:s15+$0xD710]  }
0x114: {  	v10 =	vld [tilespmem:s15+$0xD720]  }
0x115: {  	v11 =	vld [tilespmem:s15+$0xD730]  }
0x116: {  	v12 =	vld [tilespmem:s15+$0xD740]  }
0x117: {  	v13 =	vld [tilespmem:s15+$0xD750]  }
0x118: {  	v14 =	vld [tilespmem:s15+$0xD760]  }
0x119: {  	v15 =	vld [tilespmem:s15+$0xD770]  }
0x11a: {  	v16 =	vld [tilespmem:s15+$0xD780]  }
0x11b: {  	v17 =	vld [tilespmem:s15+$0xD790]  }
0x11c: {  	v18 =	vld [tilespmem:s15+$0xD7A0]  }
0x11d: {  	v19 =	vld [tilespmem:s15+$0xD7B0]  }
0x11e: {  	v20 =	vld [tilespmem:s15+$0xD7C0]  }
0x11f: {  	v21 =	vld [tilespmem:s15+$0xD7D0]  }
0x120: {  	v22 =	vld [tilespmem:s15+$0xD7E0]  }
0x121: {  	v23 =	vld [tilespmem:s15+$0xD7F0]  }
0x122: {  	v24 =	vld [tilespmem:s15+$0xD800]  }
0x123: {  	v25 =	vld [tilespmem:s15+$0xD810]  }
0x124: {  	v26 =	vld [tilespmem:s15+$0xD820]  }
0x125: {  	v27 =	vld [tilespmem:s15+$0xD830]  }
0x126: {  	v28 =	vld [tilespmem:s15+$0xD840]  }
0x127: {  	v29 =	vld [tilespmem:s15+$0xD850]  }
0x128: {  	v30 =	vld [tilespmem:s15+$0xD860]  }
0x129: {  	v31 =	vld [tilespmem:s15+$0xD870]  }
0x12a: {  	v32 =	vld [tilespmem:s15+$0xD880]  }
0x12b: {  	v33 =	vld [tilespmem:s15+$0xD890]  }
0x12c: {  	v34 =	vld [tilespmem:s15+$0xD8A0]  }
0x12d: {  	v35 =	vld [tilespmem:s15+$0xD8B0]  }
0x12e: {  	v36 =	vld [tilespmem:s15+$0xD8C0]  }
0x12f: {  	v37 =	vld [tilespmem:s15+$0xD8D0]  }
0x130: {  	v38 =	vld [tilespmem:s15+$0xD8E0]  }
0x131: {  	v39 =	vld [tilespmem:s15+$0xD8F0]  }
0x132: {  	v40 =	vld [tilespmem:s15+$0xD900]  }
0x133: {  	v41 =	vld [tilespmem:s15+$0xD910]  }
0x134: {  	v42 =	vld [tilespmem:s15+$0xD920]  }
0x135: {  	v43 =	vld [tilespmem:s15+$0xD930]  }
0x136: {  	v44 =	vld [tilespmem:s15+$0xD940]  }
0x137: {  	v45 =	vld [tilespmem:s15+$0xD950]  }
0x138: {  	v46 =	vld [tilespmem:s15+$0xD960]  }
0x139: {  	v47 =	vld [tilespmem:s15+$0xD970]  }
0x13a: {  	v48 =	vld [tilespmem:s15+$0xD980]  }
0x13b: {  	v49 =	vld [tilespmem:s15+$0xD990]  }
0x13c: {  	v50 =	vld [tilespmem:s15+$0xD9A0]  }
0x13d: {  	v51 =	vld [tilespmem:s15+$0xD9B0]  }
0x13e: {  	v52 =	vld [tilespmem:s15+$0xD9C0]  }
0x13f: {  	v53 =	vld [tilespmem:s15+$0xD9D0]  }
0x140: {  	v54 =	vld [tilespmem:s15+$0xD9E0]  }
0x141: {  	v55 =	vld [tilespmem:s15+$0xD9F0]  }
0x142: {  	v56 =	vld [tilespmem:s15+$0xDA00]  }
0x143: {  	v57 =	vld [tilespmem:s15+$0xDAB0];
	v0 =	vadd.f32 v4, v0  }
0x144: {  	v58 =	vld [tilespmem:s15+$0xDAC0];
	v1 =	vadd.f32 v5, v1  }
0x145: {  	v59 =	vld [tilespmem:s15+$0xDAD0];
	v2 =	vadd.f32 v6, v2;
	v0 =	vadd.f32 v8, v0  }
0x146: {  	v60 =	vld [tilespmem:s15+$0xDAE0];
	v3 =	vadd.f32 v7, v3;
	v1 =	vadd.f32 v9, v1  }
0x147: {  	v61 =	vld [tilespmem:s15+$0xDAF0];
	v2 =	vadd.f32 v10, v2;
	v0 =	vadd.f32 v12, v0  }
0x148: {  	v62 =	vld [tilespmem:s15+$0xDB00];
	v3 =	vadd.f32 v11, v3;
	v1 =	vadd.f32 v13, v1  }
0x149: {  	v63 =	vld [tilespmem:s15+$0xDB10];
	v2 =	vadd.f32 v14, v2;
	v0 =	vadd.f32 v16, v0  }
0x14a: {  	v4 =	vld [tilespmem:s15+$0xDA10];
	v3 =	vadd.f32 v15, v3;
	v1 =	vadd.f32 v17, v1  }
0x14b: {  	v5 =	vld [tilespmem:s15+$0xDA20];
	v2 =	vadd.f32 v18, v2;
	v0 =	vadd.f32 v20, v0  }
0x14c: {  	v6 =	vld [tilespmem:s15+$0xDA30];
	v3 =	vadd.f32 v19, v3;
	v1 =	vadd.f32 v21, v1  }
0x14d: {  	v7 =	vld [tilespmem:s15+$0xDA40];
	v2 =	vadd.f32 v22, v2;
	v0 =	vadd.f32 v24, v0  }
0x14e: {  	v8 =	vld [tilespmem:s15+$0xDA50];
	v3 =	vadd.f32 v23, v3;
	v1 =	vadd.f32 v25, v1  }
0x14f: {  	v9 =	vld [tilespmem:s15+$0xDA60];
	v2 =	vadd.f32 v26, v2;
	v0 =	vadd.f32 v28, v0  }
0x150: {  	v10 =	vld [tilespmem:s15+$0xDA70];
	v3 =	vadd.f32 v27, v3;
	v1 =	vadd.f32 v29, v1  }
0x151: {  	v11 =	vld [tilespmem:s15+$0xDA80];
	v2 =	vadd.f32 v30, v2;
	v0 =	vadd.f32 v32, v0  }
0x152: {  	v12 =	vld [tilespmem:s15+$0xDA90];
	v3 =	vadd.f32 v31, v3;
	v1 =	vadd.f32 v33, v1  }
0x153: {  	v13 =	vld [tilespmem:s15+$0xDAA0];
	v2 =	vadd.f32 v34, v2;
	v0 =	vadd.f32 v36, v0  }
0x154: {  	v3 =	vadd.f32 v35, v3;
	v33 =	vld [tilespmem:s15+$0xDB20];
	v1 =	vadd.f32 v37, v1  }
0x155: {  	v34 =	vld [tilespmem:s15+$0xDB30];
	v2 =	vadd.f32 v38, v2;
	v0 =	vadd.f32 v40, v0  }
0x156: {  	v35 =	vld [tilespmem:s15+$0xDB40];
	v3 =	vadd.f32 v39, v3;
	v1 =	vadd.f32 v41, v1  }
0x157: {  	v36 =	vld [tilespmem:s15+$0xDB50];
	v2 =	vadd.f32 v42, v2;
	v0 =	vadd.f32 v44, v0  }
0x158: {  	v37 =	vld [tilespmem:s15+$0xDB60];
	v3 =	vadd.f32 v43, v3;
	v1 =	vadd.f32 v45, v1  }
0x159: {  	v38 =	vld [tilespmem:s15+$0xDB70];
	v2 =	vadd.f32 v46, v2;
	v0 =	vadd.f32 v48, v0  }
0x15a: {  	v39 =	vld [tilespmem:s15+$0xDB80];
	v3 =	vadd.f32 v47, v3;
	v1 =	vadd.f32 v49, v1  }
0x15b: {  	v40 =	vld [tilespmem:s15+$0xDB90];
	v2 =	vadd.f32 v50, v2;
	v0 =	vadd.f32 v52, v0  }
0x15c: {  	v41 =	vld [tilespmem:s15+$0xDBA0];
	v3 =	vadd.f32 v51, v3;
	v1 =	vadd.f32 v53, v1  }
0x15d: {  	v42 =	vld [tilespmem:s15+$0xDBB0];
	v2 =	vadd.f32 v54, v2;
	v0 =	vadd.f32 v56, v0  }
0x15e: {  	v43 =	vld [tilespmem:s15+$0xDBC0];
	v3 =	vadd.f32 v55, v3;
	v1 =	vadd.f32 v4, v1  }
0x15f: {  	v44 =	vld [tilespmem:s15+$0xDBD0];
	v2 =	vadd.f32 v5, v2;
	v0 =	vadd.f32 v7, v0  }
0x160: {  	v45 =	vld [tilespmem:s15+$0xDBE0];
	v3 =	vadd.f32 v6, v3;
	v1 =	vadd.f32 v8, v1  }
0x161: {  	v46 =	vld [tilespmem:s15+$0xDBF0];
	v2 =	vadd.f32 v9, v2;
	v0 =	vadd.f32 v11, v0  }
0x162: {  	v47 =	vld [tilespmem:s15+$0xDC00];
	v3 =	vadd.f32 v10, v3;
	v1 =	vadd.f32 v12, v1  }
0x163: {  	v48 =	vld [tilespmem:s15+$0xDC10];
	v2 =	vadd.f32 v13, v2;
	v0 =	vadd.f32 v58, v0  }
0x164: {  	v49 =	vld [tilespmem:s15+$0xDC20];
	v3 =	vadd.f32 v57, v3;
	v1 =	vadd.f32 v59, v1  }
0x165: {  	v50 =	vld [tilespmem:s15+$0xDC30];
	v2 =	vadd.f32 v60, v2;
	v0 =	vadd.f32 v62, v0  }
0x166: {  	v51 =	vld [tilespmem:s15+$0xDC40];
	v3 =	vadd.f32 v61, v3;
	v1 =	vadd.f32 v63, v1  }
0x167: {  	v52 =	vld [tilespmem:s15+$0xDC50];
	v2 =	vadd.f32 v33, v2;
	v0 =	vadd.f32 v35, v0  }
0x168: {  	v53 =	vld [tilespmem:s15+$0xDC60];
	v3 =	vadd.f32 v34, v3;
	v1 =	vadd.f32 v36, v1  }
0x169: {  	v54 =	vld [tilespmem:s15+$0xDC70];
	v2 =	vadd.f32 v37, v2;
	v0 =	vadd.f32 v39, v0  }
0x16a: {  	v55 =	vld [tilespmem:s15+$0xDC80];
	v3 =	vadd.f32 v38, v3;
	v1 =	vadd.f32 v40, v1  }
0x16b: {  	v56 =	vld [tilespmem:s15+$0xDC90];
	v2 =	vadd.f32 v41, v2;
	v0 =	vadd.f32 v43, v0  }
0x16c: {  	v57 =	vld [tilespmem:s15+$0xDCA0];
	v3 =	vadd.f32 v42, v3;
	v1 =	vadd.f32 v44, v1  }
0x16d: {  	v58 =	vld [tilespmem:s15+$0xDCB0];
	v2 =	vadd.f32 v45, v2;
	v0 =	vadd.f32 v47, v0  }
0x16e: {  	v59 =	vld [tilespmem:s15+$0xDCC0];
	v3 =	vadd.f32 v46, v3;
	v1 =	vadd.f32 v48, v1  }
0x16f: {  	v60 =	vld [tilespmem:s15+$0xDCD0];
	v2 =	vadd.f32 v49, v2;
	v0 =	vadd.f32 v51, v0  }
0x170: {  	v61 =	vld [tilespmem:s15+$0xDCE0];
	v3 =	vadd.f32 v50, v3;
	v1 =	vadd.f32 v52, v1  }
0x171: {  	v62 =	vld [tilespmem:s15+$0xDCF0];
	v2 =	vadd.f32 v53, v2;
	v0 =	vadd.f32 v55, v0  }
0x172: {  	v3 =	vadd.f32 v54, v3;
	v1 =	vadd.f32 v56, v1  }
0x173: {  	v2 =	vadd.f32 v57, v2;
	v0 =	vadd.f32 v59, v0  }
0x174: {  	v3 =	vadd.f32 v58, v3;
	v1 =	vadd.f32 v60, v1  }
0x175: {  	v2 =	vadd.f32 v61, v2;
	[tilespmem:s14+$0xFFFFFFE0] =	vst v0  }
0x176: {  	v63 =	vadd.f32 v62, v3;
	[tilespmem:s14+$0xFFFFFFF0] =	vst v1  }
0x177: {  	[tilespmem:s14+$0x0] =	vst v2  }
0x178: {  	[tilespmem:s14+$0x10] =	vst v63  }
0x179: {  	p0 =	sne.s32 s12, $0x32600;
	v0 =	vld [tilespmem:s13+$0x0]  }
.Ltmp1:
0x17a: {  	_ = 	snop;
	(pc) =	sbr.rel @p0 .LBB2_5-.Ltmp1, $2  }
0x17b: {  	_ =	sdelay $0x2  }
0x17c: {  	s12 =	sadd.s32 $0x1A00, s12;
	s13 =	sadd.s32 $0x10, s13;
	[tilespmem:s14+$0x20] =	vst v0;
	s14 =	sadd.s32 $0x50, s14  }
0x17d: {  	s11 =	smul.u32 $0xA, s11;
	s1 =	sadd.s32 $0x1, s1  }
0x17e: {  	p0 =	sne.s32 s1, $0x18  }
.Ltmp2:
0x17f: {  	s11 =	sadd.s32 s2, s11;
	(pc) =	sbr.rel @p0 .LBB2_2-.Ltmp2, $4  }
0x180: {  	[hbm4b:s11+s3] =	stream.linear.scatter [tilespmem:s31], [sflag:$0x3], $0xA00, $0x38;
	[tilespmem:$0x1B280] =	vst v63  }
0x181: {  	_ =	swait.ge [sflag:s17], $0xA00  }
0x182: {  	[sflag:s17] =	ssyncset.done $0x0  }
0x183: {  	[sflag:s17] =	ssyncadd.s32 $0xFFFFF600  }
0x184: {  	s1 =	simm.s32 $0x0;
	s11 =	rddreg [dreg:$0x4]  }
0x185: {  	[tilespmem:s9], [sflag:$0x3] =	stream.linear.gather [hbm4b:s11+s1], $0x340, $0x38;
	[tilespmem:$0x1B280] =	vst v63  }
0x186: {  	_ =	swait.ge [sflag:s17], $0x340  }
0x187: {  	[sflag:s17] =	ssyncset.done $0x0  }
0x188: {  	s15 =	simm.s32 $0xD680;
	[sflag:s17] =	ssyncadd.s32 $0xFFFFFCC0  }
0x189: {  	[tilespmem:s15], [sflag:$0x2] =	stream.indirect.gather [hbm4b:s7+s18], $0x40, s9, s18, $0xb8;
	[tilespmem:$0x1B280] =	vst v63  }
0x18a: {  	s16 =	simm.s32 $0x3A8;
	s12 =	simm.s32 $0xF080  }
0x18b: {  	[tilespmem:s12], [sflag:$0x2] =	stream.indirect.gather [hbm4b:s7+s18], $0x40, s16, s18, $0xb8;
	[tilespmem:$0x1B280] =	vst v63  }
0x18c: {  	s13 =	simm.s32 $0x410;
	s14 =	simm.s32 $0x10A80  }
0x18d: {  	[tilespmem:s14], [sflag:$0x2] =	stream.indirect.gather [hbm4b:s7+s18], $0x40, s13, s18, $0xb8;
	[tilespmem:$0x1B280] =	vst v63  }
0x18e: {  	s15 =	simm.s32 $0x478  }
0x18f: {  	[tilespmem:s19], [sflag:$0x2] =	stream.indirect.gather [hbm4b:s7+s18], $0x40, s15, s18, $0xb8;
	[tilespmem:$0x1B280] =	vst v63  }
0x190: {  	_ = 	snop  }
0x191: {  	[tilespmem:s21], [sflag:$0x2] =	stream.indirect.gather [hbm4b:s7+s18], $0x40, s20, s18, $0xb8;
	[tilespmem:$0x1B280] =	vst v63  }
0x192: {  	_ = 	snop  }
0x193: {  	[tilespmem:s23], [sflag:$0x2] =	stream.indirect.gather [hbm4b:s7+s18], $0x40, s22, s18, $0xb8;
	[tilespmem:$0x1B280] =	vst v63  }
0x194: {  	_ = 	snop  }
0x195: {  	[tilespmem:s25], [sflag:$0x2] =	stream.indirect.gather [hbm4b:s7+s18], $0x40, s24, s18, $0xb8;
	[tilespmem:$0x1B280] =	vst v63  }
0x196: {  	_ = 	snop  }
0x197: {  	[tilespmem:s28], [sflag:$0x2] =	stream.indirect.gather [hbm4b:s7+s18], $0x40, s26, s18, $0xb8;
	[tilespmem:$0x1B280] =	vst v63  }
0x198: {  	_ =	swait.ge [sflag:s29], $0x1A00  }
0x199: {  	[sflag:s29] =	ssyncset.done $0x0  }
0x19a: {  	[sflag:s29] =	ssyncadd.s32 $0xFFFFE600  }
0x19b: {  	_ =	swait.ge [sflag:s29], $0x1A00  }
0x19c: {  	[sflag:s29] =	ssyncset.done $0x0  }
0x19d: {  	[sflag:s29] =	ssyncadd.s32 $0xFFFFE600  }
0x19e: {  	_ =	swait.ge [sflag:s29], $0x1A00  }
0x19f: {  	[sflag:s29] =	ssyncset.done $0x0  }
0x1a0: {  	[sflag:s29] =	ssyncadd.s32 $0xFFFFE600  }
0x1a1: {  	_ =	swait.ge [sflag:s29], $0x1A00  }
0x1a2: {  	[sflag:s29] =	ssyncset.done $0x0  }
0x1a3: {  	[sflag:s29] =	ssyncadd.s32 $0xFFFFE600  }
0x1a4: {  	_ =	swait.ge [sflag:s29], $0x1A00  }
0x1a5: {  	[sflag:s29] =	ssyncset.done $0x0  }
0x1a6: {  	[sflag:s29] =	ssyncadd.s32 $0xFFFFE600  }
0x1a7: {  	_ =	swait.ge [sflag:s29], $0x1A00  }
0x1a8: {  	[sflag:s29] =	ssyncset.done $0x0  }
0x1a9: {  	[sflag:s29] =	ssyncadd.s32 $0xFFFFE600  }
0x1aa: {  	_ =	swait.ge [sflag:s29], $0x1A00  }
0x1ab: {  	[sflag:s29] =	ssyncset.done $0x0  }
0x1ac: {  	[sflag:s29] =	ssyncadd.s32 $0xFFFFE600  }
0x1ad: {  	_ =	swait.ge [sflag:s29], $0x1A00  }
0x1ae: {  	[sflag:s29] =	ssyncset.done $0x0  }
0x1af: {  	s16 =	rddreg [dreg:$0x5];
	[sflag:s29] =	ssyncadd.s32 $0xFFFFE600  }
0x1b0: {  	[tilespmem:s30], [sflag:$0x3] =	stream.linear.gather [hbm4b:s16+s1], $0x200, $0x38;
	[tilespmem:$0x1B280] =	vst v63  }
0x1b1: {  	_ =	swait.ge [sflag:s17], $0x200  }
0x1b2: {  	[sflag:s17] =	ssyncset.done $0x0  }
0x1b3: {  	s11 =	simm.s32 $0x1A8A0;
	s12 =	simm.s32 $0x9C0;
	[sflag:s17] =	ssyncadd.s32 $0xFFFFFE00  }
.LBB2_8:
0x1b4: {  	v0 =	vld [tilespmem:s12+$0xFFFFFCC0]  }
0x1b5: {  	v1 =	vld [tilespmem:s12+$0xFFFFFCD0]  }
0x1b6: {  	v2 =	vld [tilespmem:s12+$0xFFFFFCE0]  }
0x1b7: {  	v3 =	vld [tilespmem:s12+$0xFFFFFCF0]  }
0x1b8: {  	v4 =	vld [tilespmem:s12+$0xFFFFFD00]  }
0x1b9: {  	v5 =	vld [tilespmem:s12+$0xFFFFFD10]  }
0x1ba: {  	v6 =	vld [tilespmem:s12+$0xFFFFFD20]  }
0x1bb: {  	v7 =	vld [tilespmem:s12+$0xFFFFFD30]  }
0x1bc: {  	v8 =	vld [tilespmem:s12+$0xFFFFFD40]  }
0x1bd: {  	v9 =	vld [tilespmem:s12+$0xFFFFFD50]  }
0x1be: {  	v10 =	vld [tilespmem:s12+$0xFFFFFD60]  }
0x1bf: {  	v11 =	vld [tilespmem:s12+$0xFFFFFD70]  }
0x1c0: {  	v12 =	vld [tilespmem:s12+$0xFFFFFD80]  }
0x1c1: {  	v13 =	vld [tilespmem:s12+$0xFFFFFD90]  }
0x1c2: {  	v14 =	vld [tilespmem:s12+$0xFFFFFDA0]  }
0x1c3: {  	v15 =	vld [tilespmem:s12+$0xFFFFFDB0]  }
0x1c4: {  	v16 =	vld [tilespmem:s12+$0xFFFFFDC0]  }
0x1c5: {  	v17 =	vld [tilespmem:s12+$0xFFFFFDD0]  }
0x1c6: {  	v18 =	vld [tilespmem:s12+$0xFFFFFDE0]  }
0x1c7: {  	v19 =	vld [tilespmem:s12+$0xFFFFFDF0]  }
0x1c8: {  	v20 =	vld [tilespmem:s12+$0xFFFFFE00]  }
0x1c9: {  	v21 =	vld [tilespmem:s12+$0xFFFFFE10]  }
0x1ca: {  	v22 =	vld [tilespmem:s12+$0xFFFFFE20]  }
0x1cb: {  	v23 =	vld [tilespmem:s12+$0xFFFFFE30]  }
0x1cc: {  	v24 =	vld [tilespmem:s12+$0xFFFFFE40]  }
0x1cd: {  	v25 =	vld [tilespmem:s12+$0xFFFFFE50]  }
0x1ce: {  	v26 =	vld [tilespmem:s12+$0xFFFFFE60]  }
0x1cf: {  	v27 =	vld [tilespmem:s12+$0xFFFFFE70]  }
0x1d0: {  	v28 =	vld [tilespmem:s12+$0xFFFFFE80]  }
0x1d1: {  	v29 =	vld [tilespmem:s12+$0xFFFFFE90]  }
0x1d2: {  	v30 =	vld [tilespmem:s12+$0xFFFFFEA0]  }
0x1d3: {  	v31 =	vld [tilespmem:s12+$0xFFFFFEB0]  }
0x1d4: {  	v32 =	vld [tilespmem:s12+$0xFFFFFEC0]  }
0x1d5: {  	v33 =	vld [tilespmem:s12+$0xFFFFFED0]  }
0x1d6: {  	v34 =	vld [tilespmem:s12+$0xFFFFFEE0]  }
0x1d7: {  	v35 =	vld [tilespmem:s12+$0xFFFFFEF0]  }
0x1d8: {  	v36 =	vld [tilespmem:s12+$0xFFFFFF00]  }
0x1d9: {  	v37 =	vld [tilespmem:s12+$0xFFFFFF10]  }
0x1da: {  	v38 =	vld [tilespmem:s12+$0xFFFFFF20]  }
0x1db: {  	v39 =	vld [tilespmem:s12+$0xFFFFFF30]  }
0x1dc: {  	v40 =	vld [tilespmem:s12+$0xFFFFFF40]  }
0x1dd: {  	v41 =	vld [tilespmem:s12+$0xFFFFFF50]  }
0x1de: {  	v42 =	vld [tilespmem:s12+$0xFFFFFF60]  }
0x1df: {  	v43 =	vld [tilespmem:s12+$0xFFFFFF70]  }
0x1e0: {  	v44 =	vld [tilespmem:s12+$0xFFFFFF80]  }
0x1e1: {  	v45 =	vld [tilespmem:s12+$0xFFFFFF90]  }
0x1e2: {  	v46 =	vld [tilespmem:s12+$0xFFFFFFA0]  }
0x1e3: {  	v47 =	vld [tilespmem:s12+$0xFFFFFFB0]  }
0x1e4: {  	v48 =	vld [tilespmem:s12+$0xFFFFFFC0]  }
0x1e5: {  	v49 =	vld [tilespmem:s12+$0xFFFFFFD0]  }
0x1e6: {  	v50 =	vld [tilespmem:s12+$0xFFFFFFE0]  }
0x1e7: {  	v51 =	vld [tilespmem:s12+$0xFFFFFFF0]  }
0x1e8: {  	v52 =	vld [tilespmem:s12+$0x0]  }
0x1e9: {  	v53 =	vld [tilespmem:s12+$0x10]  }
0x1ea: {  	v54 =	vld [tilespmem:s12+$0x20]  }
0x1eb: {  	v55 =	vld [tilespmem:s12+$0x30]  }
0x1ec: {  	v56 =	vld [tilespmem:s12+$0x40]  }
0x1ed: {  	v57 =	vld [tilespmem:s12+$0xF0];
	v0 =	vadd.f32 v4, v0  }
0x1ee: {  	v58 =	vld [tilespmem:s12+$0x100];
	v1 =	vadd.f32 v5, v1  }
0x1ef: {  	v59 =	vld [tilespmem:s12+$0x110];
	v2 =	vadd.f32 v6, v2;
	v0 =	vadd.f32 v8, v0  }
0x1f0: {  	v60 =	vld [tilespmem:s12+$0x120];
	v3 =	vadd.f32 v7, v3;
	v1 =	vadd.f32 v9, v1  }
0x1f1: {  	v61 =	vld [tilespmem:s12+$0x130];
	v2 =	vadd.f32 v10, v2;
	v0 =	vadd.f32 v12, v0  }
0x1f2: {  	v62 =	vld [tilespmem:s12+$0x140];
	v3 =	vadd.f32 v11, v3;
	v1 =	vadd.f32 v13, v1  }
0x1f3: {  	v63 =	vld [tilespmem:s12+$0x150];
	v2 =	vadd.f32 v14, v2;
	v0 =	vadd.f32 v16, v0  }
0x1f4: {  	v4 =	vld [tilespmem:s12+$0x50];
	v3 =	vadd.f32 v15, v3;
	v1 =	vadd.f32 v17, v1  }
0x1f5: {  	v5 =	vld [tilespmem:s12+$0x60];
	v2 =	vadd.f32 v18, v2;
	v0 =	vadd.f32 v20, v0  }
0x1f6: {  	v6 =	vld [tilespmem:s12+$0x70];
	v3 =	vadd.f32 v19, v3;
	v1 =	vadd.f32 v21, v1  }
0x1f7: {  	v7 =	vld [tilespmem:s12+$0x80];
	v2 =	vadd.f32 v22, v2;
	v0 =	vadd.f32 v24, v0  }
0x1f8: {  	v8 =	vld [tilespmem:s12+$0x90];
	v3 =	vadd.f32 v23, v3;
	v1 =	vadd.f32 v25, v1  }
0x1f9: {  	v9 =	vld [tilespmem:s12+$0xA0];
	v2 =	vadd.f32 v26, v2;
	v0 =	vadd.f32 v28, v0  }
0x1fa: {  	v10 =	vld [tilespmem:s12+$0xB0];
	v3 =	vadd.f32 v27, v3;
	v1 =	vadd.f32 v29, v1  }
0x1fb: {  	v11 =	vld [tilespmem:s12+$0xC0];
	v2 =	vadd.f32 v30, v2;
	v0 =	vadd.f32 v32, v0  }
0x1fc: {  	v12 =	vld [tilespmem:s12+$0xD0];
	v3 =	vadd.f32 v31, v3;
	v1 =	vadd.f32 v33, v1  }
0x1fd: {  	v13 =	vld [tilespmem:s12+$0xE0];
	v2 =	vadd.f32 v34, v2;
	v0 =	vadd.f32 v36, v0  }
0x1fe: {  	v3 =	vadd.f32 v35, v3;
	v33 =	vld [tilespmem:s12+$0x160];
	v1 =	vadd.f32 v37, v1  }
0x1ff: {  	v34 =	vld [tilespmem:s12+$0x170];
	v2 =	vadd.f32 v38, v2;
	v0 =	vadd.f32 v40, v0  }
0x200: {  	v35 =	vld [tilespmem:s12+$0x180];
	v3 =	vadd.f32 v39, v3;
	v1 =	vadd.f32 v41, v1  }
0x201: {  	v36 =	vld [tilespmem:s12+$0x190];
	v2 =	vadd.f32 v42, v2;
	v0 =	vadd.f32 v44, v0  }
0x202: {  	v37 =	vld [tilespmem:s12+$0x1A0];
	v3 =	vadd.f32 v43, v3;
	v1 =	vadd.f32 v45, v1  }
0x203: {  	v38 =	vld [tilespmem:s12+$0x1B0];
	v2 =	vadd.f32 v46, v2;
	v0 =	vadd.f32 v48, v0  }
0x204: {  	v39 =	vld [tilespmem:s12+$0x1C0];
	v3 =	vadd.f32 v47, v3;
	v1 =	vadd.f32 v49, v1  }
0x205: {  	v40 =	vld [tilespmem:s12+$0x1D0];
	v2 =	vadd.f32 v50, v2;
	v0 =	vadd.f32 v52, v0  }
0x206: {  	v41 =	vld [tilespmem:s12+$0x1E0];
	v3 =	vadd.f32 v51, v3;
	v1 =	vadd.f32 v53, v1  }
0x207: {  	v42 =	vld [tilespmem:s12+$0x1F0];
	v2 =	vadd.f32 v54, v2;
	v0 =	vadd.f32 v56, v0  }
0x208: {  	v43 =	vld [tilespmem:s12+$0x200];
	v3 =	vadd.f32 v55, v3;
	v1 =	vadd.f32 v4, v1  }
0x209: {  	v44 =	vld [tilespmem:s12+$0x210];
	v2 =	vadd.f32 v5, v2;
	v0 =	vadd.f32 v7, v0  }
0x20a: {  	v45 =	vld [tilespmem:s12+$0x220];
	v3 =	vadd.f32 v6, v3;
	v1 =	vadd.f32 v8, v1  }
0x20b: {  	v46 =	vld [tilespmem:s12+$0x230];
	v2 =	vadd.f32 v9, v2;
	v0 =	vadd.f32 v11, v0  }
0x20c: {  	v47 =	vld [tilespmem:s12+$0x240];
	v3 =	vadd.f32 v10, v3;
	v1 =	vadd.f32 v12, v1  }
0x20d: {  	v48 =	vld [tilespmem:s12+$0x250];
	v2 =	vadd.f32 v13, v2;
	v0 =	vadd.f32 v58, v0  }
0x20e: {  	v49 =	vld [tilespmem:s12+$0x260];
	v3 =	vadd.f32 v57, v3;
	v1 =	vadd.f32 v59, v1  }
0x20f: {  	v50 =	vld [tilespmem:s12+$0x270];
	v2 =	vadd.f32 v60, v2;
	v0 =	vadd.f32 v62, v0  }
0x210: {  	v51 =	vld [tilespmem:s12+$0x280];
	v3 =	vadd.f32 v61, v3;
	v1 =	vadd.f32 v63, v1  }
0x211: {  	v52 =	vld [tilespmem:s12+$0x290];
	v2 =	vadd.f32 v33, v2;
	v0 =	vadd.f32 v35, v0  }
0x212: {  	v53 =	vld [tilespmem:s12+$0x2A0];
	v3 =	vadd.f32 v34, v3;
	v1 =	vadd.f32 v36, v1  }
0x213: {  	v54 =	vld [tilespmem:s12+$0x2B0];
	v2 =	vadd.f32 v37, v2;
	v0 =	vadd.f32 v39, v0  }
0x214: {  	v55 =	vld [tilespmem:s12+$0x2C0];
	v3 =	vadd.f32 v38, v3;
	v1 =	vadd.f32 v40, v1  }
0x215: {  	v56 =	vld [tilespmem:s12+$0x2D0];
	v2 =	vadd.f32 v41, v2;
	v0 =	vadd.f32 v43, v0  }
0x216: {  	v57 =	vld [tilespmem:s12+$0x2E0];
	v3 =	vadd.f32 v42, v3;
	v1 =	vadd.f32 v44, v1  }
0x217: {  	v58 =	vld [tilespmem:s12+$0x2F0];
	v2 =	vadd.f32 v45, v2;
	v0 =	vadd.f32 v47, v0  }
0x218: {  	v59 =	vld [tilespmem:s12+$0x300];
	v3 =	vadd.f32 v46, v3;
	v1 =	vadd.f32 v48, v1  }
0x219: {  	v60 =	vld [tilespmem:s12+$0x310];
	v2 =	vadd.f32 v49, v2;
	v0 =	vadd.f32 v51, v0  }
0x21a: {  	v61 =	vld [tilespmem:s12+$0x320];
	v3 =	vadd.f32 v50, v3;
	v1 =	vadd.f32 v52, v1  }
0x21b: {  	v62 =	vld [tilespmem:s12+$0x330];
	v2 =	vadd.f32 v53, v2;
	v0 =	vadd.f32 v55, v0  }
0x21c: {  	v3 =	vadd.f32 v54, v3;
	v1 =	vadd.f32 v56, v1  }
0x21d: {  	v2 =	vadd.f32 v57, v2;
	v0 =	vadd.f32 v59, v0  }
0x21e: {  	v3 =	vadd.f32 v58, v3;
	v1 =	vadd.f32 v60, v1  }
0x21f: {  	v2 =	vadd.f32 v61, v2;
	[tilespmem:s11+$0xFFFFFFE0] =	vst v0  }
0x220: {  	v63 =	vadd.f32 v62, v3;
	[tilespmem:s11+$0xFFFFFFF0] =	vst v1  }
0x221: {  	[tilespmem:s11+$0x0] =	vst v2  }
0x222: {  	s13 =	sshra.s32 s1, $0x2;
	[tilespmem:s11+$0x10] =	vst v63  }
0x223: {  	p0 =	sne.s32 s1, $0x7C0;
	v0 =	vld [tilespmem:s13+$0x1A680]  }
.Ltmp3:
0x224: {  	_ = 	snop;
	(pc) =	sbr.rel @p0 .LBB2_8-.Ltmp3, $2  }
0x225: {  	_ =	sdelay $0x2  }
0x226: {  	s1 =	sadd.s32 $0x40, s1;
	s12 =	sadd.s32 $0x680, s12;
	[tilespmem:s11+$0x20] =	vst v0;
	s11 =	sadd.s32 $0x50, s11  }
0x227: {  	s1 =	simm.s32 $0x0;
	s11 =	rddreg [dreg:$0x6]  }
0x228: {  	[hbm4b:s11+s1] =	stream.linear.scatter [tilespmem:s31], [sflag:$0x3], $0xA00, $0x38;
	[tilespmem:$0x1B280] =	vst v63  }
0x229: {  	_ =	swait.ge [sflag:s17], $0xA00  }
0x22a: {  	[sflag:s17] =	ssyncset.done $0x0  }
0x22b: {  	[sflag:s17] =	ssyncadd.s32 $0xFFFFF600  }
0x22c: {  	_ =	swait.ge [sflag:s0], $0x1A00  }
0x22d: {  	[sflag:s0] =	ssyncset.done $0x0  }
0x22e: {  	[sflag:s0] =	ssyncadd.s32 $0xFFFFE600  }
0x22f: {  	_ =	swait.ge [sflag:s0], $0x1A00  }
0x230: {  	[sflag:s0] =	ssyncset.done $0x0  }
0x231: {  	[sflag:s0] =	ssyncadd.s32 $0xFFFFE600  }
0x232: {  	_ =	swait.ge [sflag:s0], $0x1A00  }
0x233: {  	[sflag:s0] =	ssyncset.done $0x0  }
0x234: {  	[sflag:s0] =	ssyncadd.s32 $0xFFFFE600  }
0x235: {  	_ =	swait.ge [sflag:s0], $0x1A00  }
0x236: {  	[sflag:s0] =	ssyncset.done $0x0  }
0x237: {  	[sflag:s0] =	ssyncadd.s32 $0xFFFFE600  }
0x238: {  	_ =	swait.ge [sflag:s0], $0x1A00  }
0x239: {  	[sflag:s0] =	ssyncset.done $0x0  }
0x23a: {  	[sflag:s0] =	ssyncadd.s32 $0xFFFFE600  }
0x23b: {  	_ =	swait.ge [sflag:s0], $0x1A00  }
0x23c: {  	[sflag:s0] =	ssyncset.done $0x0  }
0x23d: {  	[sflag:s0] =	ssyncadd.s32 $0xFFFFE600  }
0x23e: {  	_ =	swait.ge [sflag:s0], $0x1A00  }
0x23f: {  	[sflag:s0] =	ssyncset.done $0x0  }
0x240: {  	[sflag:s0] =	ssyncadd.s32 $0xFFFFE600  }
0x241: {  	_ =	swait.ge [sflag:s0], $0x1A00  }
0x242: {  	[sflag:s0] =	ssyncset.done $0x0  }
0x243: {  	s11 =	simm.s32 $0x1A680;
	s12 =	rddreg [dreg:$0x7];
	[sflag:s0] =	ssyncadd.s32 $0xFFFFE600  }
0x244: {  	[tilespmem:s11], [sflag:$0x3] =	stream.linear.gather [hbm4b:s12+s1], $0x200, $0x38;
	[tilespmem:$0x1B280] =	vst v63  }
0x245: {  	_ =	swait.ge [sflag:s17], $0x200  }
0x246: {  	[sflag:s17] =	ssyncset.done $0x0  }
0x247: {  	s12 =	simm.s32 $0x1A8A0;
	[sflag:s17] =	ssyncadd.s32 $0xFFFFFE00  }
.LBB2_10:
0x248: {  	s13 =	sshra.s32 s1, $0x2  }
0x249: {  	v0 =	vld [tilespmem:s13+$0xD680]  }
0x24a: {  	v1 =	vld [tilespmem:s13+$0xD690]  }
0x24b: {  	v2 =	vld [tilespmem:s13+$0xD6A0]  }
0x24c: {  	v3 =	vld [tilespmem:s13+$0xD6B0]  }
0x24d: {  	v4 =	vld [tilespmem:s13+$0xD6C0]  }
0x24e: {  	v5 =	vld [tilespmem:s13+$0xD6D0]  }
0x24f: {  	v6 =	vld [tilespmem:s13+$0xD6E0]  }
0x250: {  	v7 =	vld [tilespmem:s13+$0xD6F0]  }
0x251: {  	v8 =	vld [tilespmem:s13+$0xD700]  }
0x252: {  	v9 =	vld [tilespmem:s13+$0xD710]  }
0x253: {  	v10 =	vld [tilespmem:s13+$0xD720]  }
0x254: {  	v11 =	vld [tilespmem:s13+$0xD730]  }
0x255: {  	v12 =	vld [tilespmem:s13+$0xD740]  }
0x256: {  	v13 =	vld [tilespmem:s13+$0xD750]  }
0x257: {  	v14 =	vld [tilespmem:s13+$0xD760]  }
0x258: {  	v15 =	vld [tilespmem:s13+$0xD770]  }
0x259: {  	v16 =	vld [tilespmem:s13+$0xD780]  }
0x25a: {  	v17 =	vld [tilespmem:s13+$0xD790]  }
0x25b: {  	v18 =	vld [tilespmem:s13+$0xD7A0]  }
0x25c: {  	v19 =	vld [tilespmem:s13+$0xD7B0]  }
0x25d: {  	v20 =	vld [tilespmem:s13+$0xD7C0]  }
0x25e: {  	v21 =	vld [tilespmem:s13+$0xD7D0]  }
0x25f: {  	v22 =	vld [tilespmem:s13+$0xD7E0]  }
0x260: {  	v23 =	vld [tilespmem:s13+$0xD7F0]  }
0x261: {  	v24 =	vld [tilespmem:s13+$0xD800]  }
0x262: {  	v25 =	vld [tilespmem:s13+$0xD810]  }
0x263: {  	v26 =	vld [tilespmem:s13+$0xD820]  }
0x264: {  	v27 =	vld [tilespmem:s13+$0xD830]  }
0x265: {  	v28 =	vld [tilespmem:s13+$0xD840]  }
0x266: {  	v29 =	vld [tilespmem:s13+$0xD850]  }
0x267: {  	v30 =	vld [tilespmem:s13+$0xD860]  }
0x268: {  	v31 =	vld [tilespmem:s13+$0xD870]  }
0x269: {  	v32 =	vld [tilespmem:s13+$0xD880]  }
0x26a: {  	v33 =	vld [tilespmem:s13+$0xD890]  }
0x26b: {  	v34 =	vld [tilespmem:s13+$0xD8A0]  }
0x26c: {  	v35 =	vld [tilespmem:s13+$0xD8B0]  }
0x26d: {  	v36 =	vld [tilespmem:s13+$0xD8C0]  }
0x26e: {  	v37 =	vld [tilespmem:s13+$0xD8D0]  }
0x26f: {  	v38 =	vld [tilespmem:s13+$0xD8E0]  }
0x270: {  	v39 =	vld [tilespmem:s13+$0xD8F0]  }
0x271: {  	v40 =	vld [tilespmem:s13+$0xD900]  }
0x272: {  	v41 =	vld [tilespmem:s13+$0xD910]  }
0x273: {  	v42 =	vld [tilespmem:s13+$0xD920]  }
0x274: {  	v43 =	vld [tilespmem:s13+$0xD930]  }
0x275: {  	v44 =	vld [tilespmem:s13+$0xD940]  }
0x276: {  	v45 =	vld [tilespmem:s13+$0xD950]  }
0x277: {  	v46 =	vld [tilespmem:s13+$0xD960]  }
0x278: {  	v47 =	vld [tilespmem:s13+$0xD970]  }
0x279: {  	v48 =	vld [tilespmem:s13+$0xD980]  }
0x27a: {  	v49 =	vld [tilespmem:s13+$0xD990]  }
0x27b: {  	v50 =	vld [tilespmem:s13+$0xD9A0]  }
0x27c: {  	v51 =	vld [tilespmem:s13+$0xD9B0]  }
0x27d: {  	v52 =	vld [tilespmem:s13+$0xD9C0]  }
0x27e: {  	v53 =	vld [tilespmem:s13+$0xD9D0]  }
0x27f: {  	v54 =	vld [tilespmem:s13+$0xD9E0]  }
0x280: {  	v55 =	vld [tilespmem:s13+$0xD9F0]  }
0x281: {  	v56 =	vld [tilespmem:s13+$0xDA00]  }
0x282: {  	v57 =	vld [tilespmem:s13+$0xDAB0];
	v0 =	vadd.f32 v4, v0  }
0x283: {  	v58 =	vld [tilespmem:s13+$0xDAC0];
	v1 =	vadd.f32 v5, v1  }
0x284: {  	v59 =	vld [tilespmem:s13+$0xDAD0];
	v2 =	vadd.f32 v6, v2;
	v0 =	vadd.f32 v8, v0  }
0x285: {  	v60 =	vld [tilespmem:s13+$0xDAE0];
	v3 =	vadd.f32 v7, v3;
	v1 =	vadd.f32 v9, v1  }
0x286: {  	v61 =	vld [tilespmem:s13+$0xDAF0];
	v2 =	vadd.f32 v10, v2;
	v0 =	vadd.f32 v12, v0  }
0x287: {  	v62 =	vld [tilespmem:s13+$0xDB00];
	v3 =	vadd.f32 v11, v3;
	v1 =	vadd.f32 v13, v1  }
0x288: {  	v63 =	vld [tilespmem:s13+$0xDB10];
	v2 =	vadd.f32 v14, v2;
	v0 =	vadd.f32 v16, v0  }
0x289: {  	v4 =	vld [tilespmem:s13+$0xDA10];
	v3 =	vadd.f32 v15, v3;
	v1 =	vadd.f32 v17, v1  }
0x28a: {  	v5 =	vld [tilespmem:s13+$0xDA20];
	v2 =	vadd.f32 v18, v2;
	v0 =	vadd.f32 v20, v0  }
0x28b: {  	v6 =	vld [tilespmem:s13+$0xDA30];
	v3 =	vadd.f32 v19, v3;
	v1 =	vadd.f32 v21, v1  }
0x28c: {  	v7 =	vld [tilespmem:s13+$0xDA40];
	v2 =	vadd.f32 v22, v2;
	v0 =	vadd.f32 v24, v0  }
0x28d: {  	v8 =	vld [tilespmem:s13+$0xDA50];
	v3 =	vadd.f32 v23, v3;
	v1 =	vadd.f32 v25, v1  }
0x28e: {  	v9 =	vld [tilespmem:s13+$0xDA60];
	v2 =	vadd.f32 v26, v2;
	v0 =	vadd.f32 v28, v0  }
0x28f: {  	v10 =	vld [tilespmem:s13+$0xDA70];
	v3 =	vadd.f32 v27, v3;
	v1 =	vadd.f32 v29, v1  }
0x290: {  	v11 =	vld [tilespmem:s13+$0xDA80];
	v2 =	vadd.f32 v30, v2;
	v0 =	vadd.f32 v32, v0  }
0x291: {  	v12 =	vld [tilespmem:s13+$0xDA90];
	v3 =	vadd.f32 v31, v3;
	v1 =	vadd.f32 v33, v1  }
0x292: {  	v13 =	vld [tilespmem:s13+$0xDAA0];
	v2 =	vadd.f32 v34, v2;
	v0 =	vadd.f32 v36, v0  }
0x293: {  	v3 =	vadd.f32 v35, v3;
	v33 =	vld [tilespmem:s13+$0xDB20];
	v1 =	vadd.f32 v37, v1  }
0x294: {  	v34 =	vld [tilespmem:s13+$0xDB30];
	v2 =	vadd.f32 v38, v2;
	v0 =	vadd.f32 v40, v0  }
0x295: {  	v35 =	vld [tilespmem:s13+$0xDB40];
	v3 =	vadd.f32 v39, v3;
	v1 =	vadd.f32 v41, v1  }
0x296: {  	v36 =	vld [tilespmem:s13+$0xDB50];
	v2 =	vadd.f32 v42, v2;
	v0 =	vadd.f32 v44, v0  }
0x297: {  	v37 =	vld [tilespmem:s13+$0xDB60];
	v3 =	vadd.f32 v43, v3;
	v1 =	vadd.f32 v45, v1  }
0x298: {  	v38 =	vld [tilespmem:s13+$0xDB70];
	v2 =	vadd.f32 v46, v2;
	v0 =	vadd.f32 v48, v0  }
0x299: {  	v39 =	vld [tilespmem:s13+$0xDB80];
	v3 =	vadd.f32 v47, v3;
	v1 =	vadd.f32 v49, v1  }
0x29a: {  	v40 =	vld [tilespmem:s13+$0xDB90];
	v2 =	vadd.f32 v50, v2;
	v0 =	vadd.f32 v52, v0  }
0x29b: {  	v41 =	vld [tilespmem:s13+$0xDBA0];
	v3 =	vadd.f32 v51, v3;
	v1 =	vadd.f32 v53, v1  }
0x29c: {  	v42 =	vld [tilespmem:s13+$0xDBB0];
	v2 =	vadd.f32 v54, v2;
	v0 =	vadd.f32 v56, v0  }
0x29d: {  	v43 =	vld [tilespmem:s13+$0xDBC0];
	v3 =	vadd.f32 v55, v3;
	v1 =	vadd.f32 v4, v1  }
0x29e: {  	v44 =	vld [tilespmem:s13+$0xDBD0];
	v2 =	vadd.f32 v5, v2;
	v0 =	vadd.f32 v7, v0  }
0x29f: {  	v45 =	vld [tilespmem:s13+$0xDBE0];
	v3 =	vadd.f32 v6, v3;
	v1 =	vadd.f32 v8, v1  }
0x2a0: {  	v46 =	vld [tilespmem:s13+$0xDBF0];
	v2 =	vadd.f32 v9, v2;
	v0 =	vadd.f32 v11, v0  }
0x2a1: {  	v47 =	vld [tilespmem:s13+$0xDC00];
	v3 =	vadd.f32 v10, v3;
	v1 =	vadd.f32 v12, v1  }
0x2a2: {  	v48 =	vld [tilespmem:s13+$0xDC10];
	v2 =	vadd.f32 v13, v2;
	v0 =	vadd.f32 v58, v0  }
0x2a3: {  	v49 =	vld [tilespmem:s13+$0xDC20];
	v3 =	vadd.f32 v57, v3;
	v1 =	vadd.f32 v59, v1  }
0x2a4: {  	v50 =	vld [tilespmem:s13+$0xDC30];
	v2 =	vadd.f32 v60, v2;
	v0 =	vadd.f32 v62, v0  }
0x2a5: {  	v51 =	vld [tilespmem:s13+$0xDC40];
	v3 =	vadd.f32 v61, v3;
	v1 =	vadd.f32 v63, v1  }
0x2a6: {  	v52 =	vld [tilespmem:s13+$0xDC50];
	v2 =	vadd.f32 v33, v2;
	v0 =	vadd.f32 v35, v0  }
0x2a7: {  	v53 =	vld [tilespmem:s13+$0xDC60];
	v3 =	vadd.f32 v34, v3;
	v1 =	vadd.f32 v36, v1  }
0x2a8: {  	v54 =	vld [tilespmem:s13+$0xDC70];
	v2 =	vadd.f32 v37, v2;
	v0 =	vadd.f32 v39, v0  }
0x2a9: {  	v55 =	vld [tilespmem:s13+$0xDC80];
	v3 =	vadd.f32 v38, v3;
	v1 =	vadd.f32 v40, v1  }
0x2aa: {  	v56 =	vld [tilespmem:s13+$0xDC90];
	v2 =	vadd.f32 v41, v2;
	v0 =	vadd.f32 v43, v0  }
0x2ab: {  	v57 =	vld [tilespmem:s13+$0xDCA0];
	v3 =	vadd.f32 v42, v3;
	v1 =	vadd.f32 v44, v1  }
0x2ac: {  	v58 =	vld [tilespmem:s13+$0xDCB0];
	v2 =	vadd.f32 v45, v2;
	v0 =	vadd.f32 v47, v0  }
0x2ad: {  	v59 =	vld [tilespmem:s13+$0xDCC0];
	v3 =	vadd.f32 v46, v3;
	v1 =	vadd.f32 v48, v1  }
0x2ae: {  	v60 =	vld [tilespmem:s13+$0xDCD0];
	v2 =	vadd.f32 v49, v2;
	v0 =	vadd.f32 v51, v0  }
0x2af: {  	v61 =	vld [tilespmem:s13+$0xDCE0];
	v3 =	vadd.f32 v50, v3;
	v1 =	vadd.f32 v52, v1  }
0x2b0: {  	v62 =	vld [tilespmem:s13+$0xDCF0];
	v2 =	vadd.f32 v53, v2;
	v0 =	vadd.f32 v55, v0  }
0x2b1: {  	v3 =	vadd.f32 v54, v3;
	v1 =	vadd.f32 v56, v1  }
0x2b2: {  	v2 =	vadd.f32 v57, v2;
	v0 =	vadd.f32 v59, v0  }
0x2b3: {  	v3 =	vadd.f32 v58, v3;
	v1 =	vadd.f32 v60, v1  }
0x2b4: {  	v2 =	vadd.f32 v61, v2;
	[tilespmem:s12+$0xFFFFFFE0] =	vst v0  }
0x2b5: {  	v63 =	vadd.f32 v62, v3;
	[tilespmem:s12+$0xFFFFFFF0] =	vst v1  }
0x2b6: {  	[tilespmem:s12+$0x0] =	vst v2  }
0x2b7: {  	[tilespmem:s12+$0x10] =	vst v63  }
0x2b8: {  	p0 =	sne.s32 s1, $0x32600;
	v0 =	vld [tilespmem:s11+$0x0]  }
.Ltmp4:
0x2b9: {  	_ = 	snop;
	(pc) =	sbr.rel @p0 .LBB2_10-.Ltmp4, $2  }
0x2ba: {  	_ =	sdelay $0x2  }
0x2bb: {  	s1 =	sadd.s32 $0x1A00, s1;
	s11 =	sadd.s32 $0x10, s11;
	[tilespmem:s12+$0x20] =	vst v0;
	s12 =	sadd.s32 $0x50, s12  }
0x2bc: {  	s1 =	rddreg [dreg:$0x8]  }
0x2bd: {  	[hbm4b:s1+s3] =	stream.linear.scatter [tilespmem:s31], [sflag:$0x3], $0xA00, $0x38;
	[tilespmem:$0x1B280] =	vst v63  }
0x2be: {  	_ =	swait.ge [sflag:s17], $0xA00  }
0x2bf: {  	s11 =	rddreg [dreg:$0xa]  }
0x2c0: {  	s16 =	rddreg [dreg:$0x9];
	s11 =	sadd.s32 $0x1, s11  }
0x2c1: {  	p0 =	sne.s32 s11, s16  }
.Ltmp5:
0x2c2: {  	_ = 	snop;
	(pc) =	sbr.rel @p0 .LBB2_1-.Ltmp5, $3  }
0x2c3: {  	_ =	sdelay $0x1  }
0x2c4: {  	[sflag:s17] =	ssyncset.done $0x0  }
0x2c5: {  	[sflag:s17] =	ssyncadd.s32 $0xFFFFF600  }
0x2c6: {  	_ =	sfence.sel $0x180000  }
0x2c7: {  	[bflag:$0x0] =	sbarrier.arrive $0xFFFF  }
0x2c8: {  	_ =	strace $0x90000047  }
0x2c9: {  	s0 =	stileid.u32;
	[bflag:$0x2] =	sbarrier.arrive $0xFFFF  }
0x2ca: {  	p0 =	sne.s32 s0, $0x0;
	s0 =	rddreg [dreg:$0x2]  }
0x2cb: {  	s0 =	sadd.s32 @!p0 $0x100000, s0  }
0x2cc: {  	[sflag:s0] =	ssyncadd.tile.s32 @!p0 $0x1;
	_ =	shalt  }
.Lfunc_end2:
_tile_overlayer_lowered:
.L_overlay_start_2:
0x2cd: {  	(tag) =	ssettag $0x2  }
0x2ce: {  	s0 =	rddreg [dreg:$0x0];
	s2 =	stileid.u32  }
0x2cf: {  	s1 =	rddreg [dreg:$0x1];
	p0 =	sne.s32 s2, $0x0  }
0x2d0: {  	s3 =	rddreg [dreg:$0x2];
	[bflag:$0x3] =	sbarrier.arrive $0xFFFF;
	s2 =	simm.s32 @!p0 $0x1C03  }
0x2d1: {  	[timem:s3], [sflag:s2] =	dma.local @!p0 [hbm:s0], s1  }
0x2d2: {  	s0 =	simm.s32 @!p0 $0x3  }
0x2d3: {  	_ =	swait.ge @!p0 [sflag:s0], s1  }
0x2d4: {  	s1 =	ssub.s32 @!p0 $0x0, s1;
	[sflag:s0] =	ssyncset.done @!p0 $0x0  }
0x2d5: {  	[sflag:s0] =	ssyncadd.s32 @!p0 s1  }
0x2d6: {  	[bflag:$0x3] =	sbarrier.arrive $0xFFFF  }
0x2d7: {  	_ =	shalt  }

</sc_bundles>
